<compile_context>
chip_gen: v7x
topology: tpu7x:2x2x1
jax: 0.10.2.dev20260603
libtpu: 0.0.44.dev20260713+nightly
codegen_flags: <defaults>
</compile_context>

<pallas_src>
import functools

import jax
import jax.numpy as jnp
from jax import lax
from jax.experimental import pallas as pl
from jax.experimental.pallas import tpu as pltpu
from jax.experimental.pallas import tpu_sc as plsc

N_NODES = 10000
D_FEAT = 128
HIDDEN = 128
OUT = 16
N_HOPS = 7
NK = 8

NC = 2
NS = 16
CHUNK = 192
FH = D_FEAT // NC
L = 16

NPAD = 10240
RPT = NPAD // NS

ROW_BLK = 1024


def _sc_propagate(y_split, packed_idx, zeros_blk, n_chunks):
  mesh = plsc.VectorSubcoreMesh(
      core_axis_name="c", subcore_axis_name="s", num_cores=NC,
      num_subcores=NS)

  @functools.partial(
      pl.kernel,
      mesh=mesh,
      out_type=jax.ShapeDtypeStruct((N_HOPS, NC, NPAD, FH), jnp.float32),
      scratch_types=[
          pltpu.VMEM((n_chunks, CHUNK), jnp.int32),
          [pltpu.VMEM((CHUNK,), jnp.int32)] * 4,
          [pltpu.VMEM((CHUNK, FH), jnp.float32)] * 2,
          pltpu.VMEM_SHARED((NPAD, FH), jnp.float32),
          pltpu.VMEM_SHARED((NPAD, FH), jnp.float32),
          [pltpu.SemaphoreType.DMA] * 2,
          pltpu.SemaphoreType.DMA,
          pltpu.SemaphoreType.DMA,
      ],
      compiler_params=pltpu.CompilerParams(use_tc_tiling_on_sc=False),
  )
  def hops_kernel(y_hbm, pidx_hbm, zeros_hbm, z_hbm,
                  pidxv, stg, bufs, buf_a, buf_b, semg, semw, semz):
    c = lax.axis_index("c")
    s = lax.axis_index("s")
    rows = pl.ds(s * RPT, RPT)

    pltpu.sync_copy(pidx_hbm.at[s], pidxv)
    pltpu.sync_copy(y_hbm.at[c].at[rows], buf_a.at[rows])
    pltpu.sync_copy(zeros_hbm, buf_b.at[rows])
    plsc.subcore_barrier()

    def unpack(j, bank):
      srcs = stg[2 * bank]
      dsts = stg[2 * bank + 1]
      for i in range(CHUNK // L):
        sl = pl.ds(L * i, L)
        v = pidxv[j, sl]
        srcs[sl] = lax.bitwise_and(v, 16383)
        dsts[sl] = lax.shift_right_logical(v, 14)

    for t in range(N_HOPS):
      ping, pong = (buf_a, buf_b) if t % 2 == 0 else (buf_b, buf_a)

      def chunk_pair(jj, _, ping=ping, pong=pong):
        j0 = jj * 2
        j1 = j0 + 1
        unpack(j0, 0)
        cp0 = pltpu.async_copy(ping.at[stg[0]], bufs[0], semg[0])
        unpack(j1, 1)
        cp1 = pltpu.async_copy(ping.at[stg[2]], bufs[1], semg[1])
        cp0.wait()
        sp0 = pltpu.async_copy(bufs[0], pong.at[stg[1]], semz, add=True)
        cp1.wait()
        pltpu.sync_copy(bufs[1], pong.at[stg[3]], add=True)
        sp0.wait()
        return 0

      lax.fori_loop(0, n_chunks // 2, chunk_pair, 0)
      plsc.subcore_barrier()

      if t >= 1:
        pltpu.make_async_copy(
            ping.at[rows], z_hbm.at[t - 1, c].at[rows], semw).wait()
      if t < N_HOPS - 1:
        pltpu.sync_copy(zeros_hbm, ping.at[rows])
        pltpu.async_copy(pong.at[rows], z_hbm.at[t, c].at[rows], semw)
        plsc.subcore_barrier()
      else:
        pltpu.sync_copy(pong.at[rows], z_hbm.at[t, c].at[rows])

  return hops_kernel(y_split, packed_idx, zeros_blk)


def _prologue_kernel(x_ref, w1_ref, y_ref):
  y = jnp.dot(x_ref[...], w1_ref[...], preferred_element_type=jnp.float32)
  y_ref[0] = y[:, :FH]
  y_ref[1] = y[:, FH:]


def _epilogue_kernel(y_ref, z_ref, coef_ref, b1_ref, w2_ref, b2_ref, o_ref):
  y = jnp.concatenate([y_ref[0], y_ref[1]], axis=-1)
  b1 = b1_ref[...]
  w2 = w2_ref[...]
  b2 = b2_ref[...]
  outs = []
  for k in range(NK):
    ck = coef_ref[k]
    if k == 0:
      a = ck * y + b1
    else:
      zk = jnp.concatenate([z_ref[k - 1, 0], z_ref[k - 1, 1]], axis=-1)
      a = ck * zk + (0.3 * ck) * y + b1
    m = jnp.maximum(a, 0.0)
    outs.append(jnp.dot(m, w2, preferred_element_type=jnp.float32) + b2)
  o_ref[...] = jnp.concatenate(outs, axis=-1)


@jax.jit
def kernel(x, edge_index, basis_coef, W1, b1, W2, b2):
  n_edges = edge_index.shape[1]
  n_chunks = -(-n_edges // (NS * CHUNK))
  n_chunks = -(-n_chunks // 2) * 2
  e_pad = NS * n_chunks * CHUNK

  src = edge_index[0]
  dst = edge_index[1]
  pad = jnp.full((e_pad - n_edges,), N_NODES, dtype=jnp.int32)
  srcp = jnp.concatenate([src, pad])
  dstp = jnp.concatenate([dst, pad])
  packed_idx = (srcp + dstp * 16384).reshape(NS, n_chunks, CHUNK)

  xp = jnp.zeros((NPAD, D_FEAT), jnp.float32).at[:N_NODES].set(x)
  zeros_blk = jnp.zeros((RPT, FH), jnp.float32)

  n_blocks = NPAD // ROW_BLK
  y_split = pl.pallas_call(
      _prologue_kernel,
      grid=(n_blocks,),
      in_specs=[
          pl.BlockSpec((ROW_BLK, D_FEAT), lambda i: (i, 0)),
          pl.BlockSpec((D_FEAT, HIDDEN), lambda i: (0, 0)),
      ],
      out_specs=pl.BlockSpec((NC, ROW_BLK, FH), lambda i: (0, i, 0)),
      out_shape=jax.ShapeDtypeStruct((NC, NPAD, FH), jnp.float32),
  )(xp, W1)

  z = _sc_propagate(y_split, packed_idx, zeros_blk, n_chunks)

  out = pl.pallas_call(
      _epilogue_kernel,
      grid=(n_blocks,),
      in_specs=[
          pl.BlockSpec((NC, ROW_BLK, FH), lambda i: (0, i, 0)),
          pl.BlockSpec((N_HOPS, NC, ROW_BLK, FH), lambda i: (0, 0, i, 0)),
          pl.BlockSpec(memory_space=pltpu.SMEM),
          pl.BlockSpec((1, HIDDEN), lambda i: (0, 0)),
          pl.BlockSpec((HIDDEN, OUT), lambda i: (0, 0)),
          pl.BlockSpec((1, OUT), lambda i: (0, 0)),
      ],
      out_specs=pl.BlockSpec((ROW_BLK, NK * OUT), lambda i: (i, 0)),
      out_shape=jax.ShapeDtypeStruct((NPAD, NK * OUT), jnp.float32),
  )(y_split, z, basis_coef, b1.reshape(1, HIDDEN), W2,
    b2.reshape(1, OUT))

  return out[:N_NODES]

# --- scband reference (transcript-rebuilt; emitter-appended) ---
"""Pipeline reference for scband-decoupled-gnn-81922206204427 (READ-ONLY COPY).

The authoritative reference and input builder live on the scoring server;
editing this copy changes nothing except your own understanding.
"""

import jax, jax.numpy as jnp
import numpy as np

CONV_BASIS = jnp.array([
    [0.0,0.0,0.0,0.0,0.0,0.0,0.0,0.0,1.0],
    [0.0,0.0,0.0,0.0,0.0,0.0,0.0,1.0,0.3],
    [0.0,0.0,0.0,0.0,0.0,0.0,1.0,0.0,0.3],
    [0.0,0.0,0.0,0.0,0.0,1.0,0.0,0.0,0.3],
    [0.0,0.0,0.0,0.0,1.0,0.0,0.0,0.0,0.3],
    [0.0,0.0,0.0,1.0,0.0,0.0,0.0,0.0,0.3],
    [0.0,0.0,1.0,0.0,0.0,0.0,0.0,0.0,0.3],
    [0.0,1.0,0.0,0.0,0.0,0.0,0.0,0.0,0.3],
], dtype=jnp.float32)  # [K=8, D=9]
MAX_DEGREE = CONV_BASIS.shape[1] - 1  # 8 hops
N_NODES = 10000
N_EDGES = 320000
D_FEAT = 128
HIDDEN = 128
OUT = 16


def setup_inputs(seed: int = 0) -> dict:
    key = jax.random.key(seed)
    ks = jax.random.split(key, 8)
    x = jax.random.normal(ks[0], (N_NODES, D_FEAT), dtype=jnp.float32)
    edge_index = jax.random.randint(ks[1], (2, N_EDGES), 0, N_NODES, dtype=jnp.int32)
    basis_coef = 0.1 * jax.random.normal(ks[2], (CONV_BASIS.shape[0],), dtype=jnp.float32)
    W1 = jax.random.normal(ks[3], (D_FEAT, HIDDEN), dtype=jnp.float32) * (1.0 / np.sqrt(D_FEAT))
    b1 = jnp.zeros((HIDDEN,), dtype=jnp.float32)
    W2 = jax.random.normal(ks[4], (HIDDEN, OUT), dtype=jnp.float32) * (1.0 / np.sqrt(HIDDEN))
    b2 = jnp.zeros((OUT,), dtype=jnp.float32)
    return {"x": x, "edge_index": edge_index, "basis_coef": basis_coef,
            "W1": W1, "b1": b1, "W2": W2, "b2": b2}


def reference(x, edge_index, basis_coef, W1, b1, W2, b2):
    # SingleConv with sum aggregation: out[dst] += x[src]
    src = edge_index[0]
    dst = edge_index[1]
    h_list = [x]
    cur = x
    for _ in range(MAX_DEGREE):
        cur = jnp.zeros_like(cur).at[dst].add(cur[src])
        h_list.append(cur)
    h = jnp.flip(jnp.stack(h_list, axis=0), axis=0)  # [D, N, F], highest power first
    hp = jnp.transpose(h, (1, 0, 2))                 # [N, D, F]
    # conv_basis.repeat(N,1,1) @ h.permute(1,0,2) -> [N, K, F]
    basis = jnp.einsum('kd,ndf->nkf', CONV_BASIS, hp)
    basis = jnp.transpose(basis, (1, 0, 2))          # [K, N, F]
    basis = basis_coef[:, None, None] * basis
    # pyg MLP, num_layers=2, no batch_norm, dropout inactive at inference
    mid = jax.nn.relu(basis @ W1 + b1)
    out = mid @ W2 + b2                              # [K, N, OUT]
    return jnp.concatenate([out[k] for k in range(out.shape[0])], axis=-1)  # [N, K*OUT]

if __name__ == "__main__":
    import jax
    _d = setup_inputs()
    print(jax.jit(kernel)(*tuple(_d.values())))

</pallas_src>

<mosaic_0001>
#map = affine_map<(d0, d1) -> (0, 0, 0)>
#map1 = affine_map<(d0, d1) -> (0, 0)>
#map2 = affine_map<(d0, d1) -> (0, 0, 0, 0)>
module attributes {stable_mosaic.version = 14 : i64} {
  func.func @hops_kernel(%arg0: i32, %arg1: i32, %arg2: memref<2x10240x64xf32, #tpu.memory_space<hbm>>, %arg3: memref<16x106x192xi32, #tpu.memory_space<hbm>>, %arg4: memref<640x64xf32, #tpu.memory_space<hbm>>, %arg5: memref<7x2x10240x64xf32, #tpu.memory_space<hbm>>, %arg6: memref<106x192xi32, #tpu.memory_space<vmem>>, %arg7: memref<192xi32, #tpu.memory_space<vmem>>, %arg8: memref<192xi32, #tpu.memory_space<vmem>>, %arg9: memref<192xi32, #tpu.memory_space<vmem>>, %arg10: memref<192xi32, #tpu.memory_space<vmem>>, %arg11: memref<192x64xf32, #tpu.memory_space<vmem>>, %arg12: memref<192x64xf32, #tpu.memory_space<vmem>>, %arg13: memref<10240x64xf32, #tpu.memory_space<vmem_shared>>, %arg14: memref<10240x64xf32, #tpu.memory_space<vmem_shared>>, %arg15: memref<!tpu.dma_semaphore, #tpu.memory_space<semaphore_mem>>, %arg16: memref<!tpu.dma_semaphore, #tpu.memory_space<semaphore_mem>>, %arg17: memref<!tpu.dma_semaphore, #tpu.memory_space<semaphore_mem>>, %arg18: memref<!tpu.dma_semaphore, #tpu.memory_space<semaphore_mem>>) attributes {dimension_semantics = [#tpu.dimension_semantics<core_parallel>, #tpu.dimension_semantics<subcore_parallel>], iteration_bounds = array<i64: 2, 16>, scalar_prefetch = 0 : i64, scratch_operands = 13 : i64, tpu.core_type = #tpu.core_type<sc_vector_subcore>, window_params = [{transform_indices = #map}, {transform_indices = #map}, {transform_indices = #map1}, {transform_indices = #map2}]} {
    %mul3A = arith.constant 640 : i32
    %mul3A_0 = arith.muli %arg1, %mul3A : i32
    "tpu.region"() ({
      %run_scoped3A_168 = tpu.sem_alloc : memref<!tpu.dma_semaphore, #tpu.memory_space<semaphore_mem>>
      %dma_start3A_169 = arith.constant 0 : i32
      %dma_start3A_170 = arith.constant 0 : i32
      %dma_start3A_171 = tpu.memref_slice %arg3[%arg1, %dma_start3A_169, %dma_start3A_170] : memref<16x106x192xi32, #tpu.memory_space<hbm>> -> memref<1x106x192xi32, #tpu.memory_space<hbm>>
      %dma_start3A_172 = tpu.memref_squeeze %dma_start3A_171 : memref<1x106x192xi32, #tpu.memory_space<hbm>> -> memref<106x192xi32, #tpu.memory_space<hbm>>
      %dma_start3A_173 = arith.constant 0 : i32
      %dma_start3A_174 = arith.constant 0 : i32
      %dma_start3A_175 = tpu.memref_slice %arg3[%arg1, %dma_start3A_173, %dma_start3A_174] : memref<16x106x192xi32, #tpu.memory_space<hbm>> -> memref<1x106x192xi32, #tpu.memory_space<hbm>>
      %dma_start3A_176 = tpu.memref_squeeze %dma_start3A_175 : memref<1x106x192xi32, #tpu.memory_space<hbm>> -> memref<106x192xi32, #tpu.memory_space<hbm>>
      tpu.enqueue_dma source(%dma_start3A_176 : memref<106x192xi32, #tpu.memory_space<hbm>>) target(%arg6 : memref<106x192xi32, #tpu.memory_space<vmem>>) target_semaphore(%run_scoped3A_168 : memref<!tpu.dma_semaphore, #tpu.memory_space<semaphore_mem>>)
      %dma_wait3A_177 = arith.constant 0 : i32
      %dma_wait3A_178 = arith.constant 0 : i32
      %dma_wait3A_179 = tpu.memref_slice %arg3[%arg1, %dma_wait3A_177, %dma_wait3A_178] : memref<16x106x192xi32, #tpu.memory_space<hbm>> -> memref<1x106x192xi32, #tpu.memory_space<hbm>>
      %dma_wait3A_180 = tpu.memref_squeeze %dma_wait3A_179 : memref<1x106x192xi32, #tpu.memory_space<hbm>> -> memref<106x192xi32, #tpu.memory_space<hbm>>
      %dma_wait3A_181 = arith.constant 0 : i32
      %dma_wait3A_182 = arith.constant 0 : i32
      %dma_wait3A_183 = tpu.memref_slice %arg3[%arg1, %dma_wait3A_181, %dma_wait3A_182] : memref<16x106x192xi32, #tpu.memory_space<hbm>> -> memref<1x106x192xi32, #tpu.memory_space<hbm>>
      %dma_wait3A_184 = tpu.memref_squeeze %dma_wait3A_183 : memref<1x106x192xi32, #tpu.memory_space<hbm>> -> memref<106x192xi32, #tpu.memory_space<hbm>>
      tpu.wait_dma2 semaphore(%run_scoped3A_168 : memref<!tpu.dma_semaphore, #tpu.memory_space<semaphore_mem>>) src(%dma_wait3A_184 : memref<106x192xi32, #tpu.memory_space<hbm>>) dst(%arg6 : memref<106x192xi32, #tpu.memory_space<vmem>>)
      tpu.yield
    }) : () -> ()
    "tpu.region"() ({
      %run_scoped3A_168 = tpu.sem_alloc : memref<!tpu.dma_semaphore, #tpu.memory_space<semaphore_mem>>
      %dma_start3A_169 = arith.constant 0 : i32
      %dma_start3A_170 = tpu.memref_slice %arg13[%mul3A_0, %dma_start3A_169] : memref<10240x64xf32, #tpu.memory_space<vmem_shared>> -> memref<640x64xf32, #tpu.memory_space<vmem_shared>>
      %dma_start3A_171 = arith.constant 0 : i32
      %dma_start3A_172 = arith.constant 0 : i32
      %dma_start3A_173 = tpu.memref_slice %arg2[%arg0, %dma_start3A_171, %dma_start3A_172] : memref<2x10240x64xf32, #tpu.memory_space<hbm>> -> memref<1x10240x64xf32, #tpu.memory_space<hbm>>
      %dma_start3A_174 = tpu.memref_squeeze %dma_start3A_173 : memref<1x10240x64xf32, #tpu.memory_space<hbm>> -> memref<10240x64xf32, #tpu.memory_space<hbm>>
      %dma_start3A_175 = arith.constant 0 : i32
      %dma_start3A_176 = tpu.memref_slice %dma_start3A_174[%mul3A_0, %dma_start3A_175] : memref<10240x64xf32, #tpu.memory_space<hbm>> -> memref<640x64xf32, #tpu.memory_space<hbm>>
      tpu.enqueue_dma source(%dma_start3A_176 : memref<640x64xf32, #tpu.memory_space<hbm>>) target(%dma_start3A_170 : memref<640x64xf32, #tpu.memory_space<vmem_shared>>) target_semaphore(%run_scoped3A_168 : memref<!tpu.dma_semaphore, #tpu.memory_space<semaphore_mem>>)
      %dma_wait3A_177 = arith.constant 0 : i32
      %dma_wait3A_178 = tpu.memref_slice %arg13[%mul3A_0, %dma_wait3A_177] : memref<10240x64xf32, #tpu.memory_space<vmem_shared>> -> memref<640x64xf32, #tpu.memory_space<vmem_shared>>
      %dma_wait3A_179 = arith.constant 0 : i32
      %dma_wait3A_180 = arith.constant 0 : i32
      %dma_wait3A_181 = tpu.memref_slice %arg2[%arg0, %dma_wait3A_179, %dma_wait3A_180] : memref<2x10240x64xf32, #tpu.memory_space<hbm>> -> memref<1x10240x64xf32, #tpu.memory_space<hbm>>
      %dma_wait3A_182 = tpu.memref_squeeze %dma_wait3A_181 : memref<1x10240x64xf32, #tpu.memory_space<hbm>> -> memref<10240x64xf32, #tpu.memory_space<hbm>>
      %dma_wait3A_183 = arith.constant 0 : i32
      %dma_wait3A_184 = tpu.memref_slice %dma_wait3A_182[%mul3A_0, %dma_wait3A_183] : memref<10240x64xf32, #tpu.memory_space<hbm>> -> memref<640x64xf32, #tpu.memory_space<hbm>>
      tpu.wait_dma2 semaphore(%run_scoped3A_168 : memref<!tpu.dma_semaphore, #tpu.memory_space<semaphore_mem>>) src(%dma_wait3A_184 : memref<640x64xf32, #tpu.memory_space<hbm>>) dst(%dma_wait3A_178 : memref<640x64xf32, #tpu.memory_space<vmem_shared>>)
      tpu.yield
    }) : () -> ()
    "tpu.region"() ({
      %run_scoped3A_168 = tpu.sem_alloc : memref<!tpu.dma_semaphore, #tpu.memory_space<semaphore_mem>>
      %dma_start3A_169 = arith.constant 0 : i32
      %dma_start3A_170 = tpu.memref_slice %arg14[%mul3A_0, %dma_start3A_169] : memref<10240x64xf32, #tpu.memory_space<vmem_shared>> -> memref<640x64xf32, #tpu.memory_space<vmem_shared>>
      tpu.enqueue_dma source(%arg4 : memref<640x64xf32, #tpu.memory_space<hbm>>) target(%dma_start3A_170 : memref<640x64xf32, #tpu.memory_space<vmem_shared>>) target_semaphore(%run_scoped3A_168 : memref<!tpu.dma_semaphore, #tpu.memory_space<semaphore_mem>>)
      %dma_wait3A_171 = arith.constant 0 : i32
      %dma_wait3A_172 = tpu.memref_slice %arg14[%mul3A_0, %dma_wait3A_171] : memref<10240x64xf32, #tpu.memory_space<vmem_shared>> -> memref<640x64xf32, #tpu.memory_space<vmem_shared>>
      tpu.wait_dma2 semaphore(%run_scoped3A_168 : memref<!tpu.dma_semaphore, #tpu.memory_space<semaphore_mem>>) src(%arg4 : memref<640x64xf32, #tpu.memory_space<hbm>>) dst(%dma_wait3A_172 : memref<640x64xf32, #tpu.memory_space<vmem_shared>>)
      tpu.yield
    }) : () -> ()
    %barrier3A = arith.constant 0 : index
    tpu.barrier barrier_id(%barrier3A)
    %scan3A = arith.constant 0 : i32
    %scan3A_1 = arith.constant 0 : i32
    %scan3A_2 = arith.constant 53 : i32
    %scan3A_3 = arith.addi %scan3A_1, %scan3A_2 : i32
    %scan3A_4 = arith.constant 1 : i32
    %scan3A_5 = scf.for %scan3A_168 = %scan3A_1 to %scan3A_3 step %scan3A_4 iter_args(%scan3A_169 = %scan3A) -> (i32)  : i32 {
      %mul3A_170 = arith.constant 2 : i32
      %mul3A_171 = arith.muli %scan3A_168, %mul3A_170 : i32
      %add3A = arith.constant 1 : i32
      %add3A_172 = arith.addi %mul3A_171, %add3A : i32
      %get3A = arith.index_cast %mul3A_171 : i32 to index
      %get3A_173 = arith.constant 0 : index
      %get3A_174 = tpu.vector_load %arg6[%get3A, %get3A_173] {strides = array<i32>} : memref<106x192xi32, #tpu.memory_space<vmem>>, vector<1x16xi32>,
      %get3A_175 = vector.shape_cast %get3A_174 : vector<1x16xi32> to vector<16xi32>
      %and3A = arith.constant 16383 : i32
      %and3A_176 = vector.broadcast %and3A : i32 to vector<16xi32>
      %and3A_177 = arith.andi %get3A_175, %and3A_176 : vector<16xi32>
      %swap3A = arith.constant 0 : index
      %swap3A_178 = tpu.vector_load %arg7[%swap3A] {strides = array<i32>} : memref<192xi32, #tpu.memory_space<vmem>>, vector<16xi32>,
      %swap3A_179 = vector.shape_cast %swap3A_178 : vector<16xi32> to vector<16xi32>
      %swap3A_180 = vector.shape_cast %and3A_177 : vector<16xi32> to vector<16xi32>
      tpu.vector_store %arg7[%swap3A], %swap3A_180 {strides = array<i32>} : memref<192xi32, #tpu.memory_space<vmem>>, vector<16xi32>,
      %shift_right_logical3A = arith.constant 14 : i32
      %shift_right_logical3A_181 = vector.broadcast %shift_right_logical3A : i32 to vector<16xi32>
      %shift_right_logical3A_182 = arith.shrui %get3A_175, %shift_right_logical3A_181 : vector<16xi32>
      %swap3A_183 = arith.constant 0 : index
      %swap3A_184 = tpu.vector_load %arg8[%swap3A_183] {strides = array<i32>} : memref<192xi32, #tpu.memory_space<vmem>>, vector<16xi32>,
      %swap3A_185 = vector.shape_cast %swap3A_184 : vector<16xi32> to vector<16xi32>
      %swap3A_186 = vector.shape_cast %shift_right_logical3A_182 : vector<16xi32> to vector<16xi32>
      tpu.vector_store %arg8[%swap3A_183], %swap3A_186 {strides = array<i32>} : memref<192xi32, #tpu.memory_space<vmem>>, vector<16xi32>,
      %get3A_187 = arith.index_cast %mul3A_171 : i32 to index
      %get3A_188 = arith.constant 16 : index
      %get3A_189 = tpu.vector_load %arg6[%get3A_187, %get3A_188] {strides = array<i32>} : memref<106x192xi32, #tpu.memory_space<vmem>>, vector<1x16xi32>,
      %get3A_190 = vector.shape_cast %get3A_189 : vector<1x16xi32> to vector<16xi32>
      %and3A_191 = arith.constant 16383 : i32
      %and3A_192 = vector.broadcast %and3A_191 : i32 to vector<16xi32>
      %and3A_193 = arith.andi %get3A_190, %and3A_192 : vector<16xi32>
      %swap3A_194 = arith.constant 16 : index
      %swap3A_195 = tpu.vector_load %arg7[%swap3A_194] {strides = array<i32>} : memref<192xi32, #tpu.memory_space<vmem>>, vector<16xi32>,
      %swap3A_196 = vector.shape_cast %swap3A_195 : vector<16xi32> to vector<16xi32>
      %swap3A_197 = vector.shape_cast %and3A_193 : vector<16xi32> to vector<16xi32>
      tpu.vector_store %arg7[%swap3A_194], %swap3A_197 {strides = array<i32>} : memref<192xi32, #tpu.memory_space<vmem>>, vector<16xi32>,
      %shift_right_logical3A_198 = arith.constant 14 : i32
      %shift_right_logical3A_199 = vector.broadcast %shift_right_logical3A_198 : i32 to vector<16xi32>
      %shift_right_logical3A_200 = arith.shrui %get3A_190, %shift_right_logical3A_199 : vector<16xi32>
      %swap3A_201 = arith.constant 16 : index
      %swap3A_202 = tpu.vector_load %arg8[%swap3A_201] {strides = array<i32>} : memref<192xi32, #tpu.memory_space<vmem>>, vector<16xi32>,
      %swap3A_203 = vector.shape_cast %swap3A_202 : vector<16xi32> to vector<16xi32>
      %swap3A_204 = vector.shape_cast %shift_right_logical3A_200 : vector<16xi32> to vector<16xi32>
      tpu.vector_store %arg8[%swap3A_201], %swap3A_204 {strides = array<i32>} : memref<192xi32, #tpu.memory_space<vmem>>, vector<16xi32>,
      %get3A_205 = arith.index_cast %mul3A_171 : i32 to index
      %get3A_206 = arith.constant 32 : index
      %get3A_207 = tpu.vector_load %arg6[%get3A_205, %get3A_206] {strides = array<i32>} : memref<106x192xi32, #tpu.memory_space<vmem>>, vector<1x16xi32>,
      %get3A_208 = vector.shape_cast %get3A_207 : vector<1x16xi32> to vector<16xi32>
      %and3A_209 = arith.constant 16383 : i32
      %and3A_210 = vector.broadcast %and3A_209 : i32 to vector<16xi32>
      %and3A_211 = arith.andi %get3A_208, %and3A_210 : vector<16xi32>
      %swap3A_212 = arith.constant 32 : index
      %swap3A_213 = tpu.vector_load %arg7[%swap3A_212] {strides = array<i32>} : memref<192xi32, #tpu.memory_space<vmem>>, vector<16xi32>,
      %swap3A_214 = vector.shape_cast %swap3A_213 : vector<16xi32> to vector<16xi32>
      %swap3A_215 = vector.shape_cast %and3A_211 : vector<16xi32> to vector<16xi32>
      tpu.vector_store %arg7[%swap3A_212], %swap3A_215 {strides = array<i32>} : memref<192xi32, #tpu.memory_space<vmem>>, vector<16xi32>,
      %shift_right_logical3A_216 = arith.constant 14 : i32
      %shift_right_logical3A_217 = vector.broadcast %shift_right_logical3A_216 : i32 to vector<16xi32>
      %shift_right_logical3A_218 = arith.shrui %get3A_208, %shift_right_logical3A_217 : vector<16xi32>
      %swap3A_219 = arith.constant 32 : index
      %swap3A_220 = tpu.vector_load %arg8[%swap3A_219] {strides = array<i32>} : memref<192xi32, #tpu.memory_space<vmem>>, vector<16xi32>,
      %swap3A_221 = vector.shape_cast %swap3A_220 : vector<16xi32> to vector<16xi32>
      %swap3A_222 = vector.shape_cast %shift_right_logical3A_218 : vector<16xi32> to vector<16xi32>
      tpu.vector_store %arg8[%swap3A_219], %swap3A_222 {strides = array<i32>} : memref<192xi32, #tpu.memory_space<vmem>>, vector<16xi32>,
      %get3A_223 = arith.index_cast %mul3A_171 : i32 to index
      %get3A_224 = arith.constant 48 : index
      %get3A_225 = tpu.vector_load %arg6[%get3A_223, %get3A_224] {strides = array<i32>} : memref<106x192xi32, #tpu.memory_space<vmem>>, vector<1x16xi32>,
      %get3A_226 = vector.shape_cast %get3A_225 : vector<1x16xi32> to vector<16xi32>
      %and3A_227 = arith.constant 16383 : i32
      %and3A_228 = vector.broadcast %and3A_227 : i32 to vector<16xi32>
      %and3A_229 = arith.andi %get3A_226, %and3A_228 : vector<16xi32>
      %swap3A_230 = arith.constant 48 : index
      %swap3A_231 = tpu.vector_load %arg7[%swap3A_230] {strides = array<i32>} : memref<192xi32, #tpu.memory_space<vmem>>, vector<16xi32>,
      %swap3A_232 = vector.shape_cast %swap3A_231 : vector<16xi32> to vector<16xi32>
      %swap3A_233 = vector.shape_cast %and3A_229 : vector<16xi32> to vector<16xi32>
      tpu.vector_store %arg7[%swap3A_230], %swap3A_233 {strides = array<i32>} : memref<192xi32, #tpu.memory_space<vmem>>, vector<16xi32>,
      %shift_right_logical3A_234 = arith.constant 14 : i32
      %shift_right_logical3A_235 = vector.broadcast %shift_right_logical3A_234 : i32 to vector<16xi32>
      %shift_right_logical3A_236 = arith.shrui %get3A_226, %shift_right_logical3A_235 : vector<16xi32>
      %swap3A_237 = arith.constant 48 : index
      %swap3A_238 = tpu.vector_load %arg8[%swap3A_237] {strides = array<i32>} : memref<192xi32, #tpu.memory_space<vmem>>, vector<16xi32>,
      %swap3A_239 = vector.shape_cast %swap3A_238 : vector<16xi32> to vector<16xi32>
      %swap3A_240 = vector.shape_cast %shift_right_logical3A_236 : vector<16xi32> to vector<16xi32>
      tpu.vector_store %arg8[%swap3A_237], %swap3A_240 {strides = array<i32>} : memref<192xi32, #tpu.memory_space<vmem>>, vector<16xi32>,
      %get3A_241 = arith.index_cast %mul3A_171 : i32 to index
      %get3A_242 = arith.constant 64 : index
      %get3A_243 = tpu.vector_load %arg6[%get3A_241, %get3A_242] {strides = array<i32>} : memref<106x192xi32, #tpu.memory_space<vmem>>, vector<1x16xi32>,
      %get3A_244 = vector.shape_cast %get3A_243 : vector<1x16xi32> to vector<16xi32>
      %and3A_245 = arith.constant 16383 : i32
      %and3A_246 = vector.broadcast %and3A_245 : i32 to vector<16xi32>
      %and3A_247 = arith.andi %get3A_244, %and3A_246 : vector<16xi32>
      %swap3A_248 = arith.constant 64 : index
      %swap3A_249 = tpu.vector_load %arg7[%swap3A_248] {strides = array<i32>} : memref<192xi32, #tpu.memory_space<vmem>>, vector<16xi32>,
      %swap3A_250 = vector.shape_cast %swap3A_249 : vector<16xi32> to vector<16xi32>
      %swap3A_251 = vector.shape_cast %and3A_247 : vector<16xi32> to vector<16xi32>
      tpu.vector_store %arg7[%swap3A_248], %swap3A_251 {strides = array<i32>} : memref<192xi32, #tpu.memory_space<vmem>>, vector<16xi32>,
      %shift_right_logical3A_252 = arith.constant 14 : i32
      %shift_right_logical3A_253 = vector.broadcast %shift_right_logical3A_252 : i32 to vector<16xi32>
      %shift_right_logical3A_254 = arith.shrui %get3A_244, %shift_right_logical3A_253 : vector<16xi32>
      %swap3A_255 = arith.constant 64 : index
      %swap3A_256 = tpu.vector_load %arg8[%swap3A_255] {strides = array<i32>} : memref<192xi32, #tpu.memory_space<vmem>>, vector<16xi32>,
      %swap3A_257 = vector.shape_cast %swap3A_256 : vector<16xi32> to vector<16xi32>
      %swap3A_258 = vector.shape_cast %shift_right_logical3A_254 : vector<16xi32> to vector<16xi32>
      tpu.vector_store %arg8[%swap3A_255], %swap3A_258 {strides = array<i32>} : memref<192xi32, #tpu.memory_space<vmem>>, vector<16xi32>,
      %get3A_259 = arith.index_cast %mul3A_171 : i32 to index
      %get3A_260 = arith.constant 80 : index
      %get3A_261 = tpu.vector_load %arg6[%get3A_259, %get3A_260] {strides = array<i32>} : memref<106x192xi32, #tpu.memory_space<vmem>>, vector<1x16xi32>,
      %get3A_262 = vector.shape_cast %get3A_261 : vector<1x16xi32> to vector<16xi32>
      %and3A_263 = arith.constant 16383 : i32
      %and3A_264 = vector.broadcast %and3A_263 : i32 to vector<16xi32>
      %and3A_265 = arith.andi %get3A_262, %and3A_264 : vector<16xi32>
      %swap3A_266 = arith.constant 80 : index
      %swap3A_267 = tpu.vector_load %arg7[%swap3A_266] {strides = array<i32>} : memref<192xi32, #tpu.memory_space<vmem>>, vector<16xi32>,
      %swap3A_268 = vector.shape_cast %swap3A_267 : vector<16xi32> to vector<16xi32>
      %swap3A_269 = vector.shape_cast %and3A_265 : vector<16xi32> to vector<16xi32>
      tpu.vector_store %arg7[%swap3A_266], %swap3A_269 {strides = array<i32>} : memref<192xi32, #tpu.memory_space<vmem>>, vector<16xi32>,
      %shift_right_logical3A_270 = arith.constant 14 : i32
      %shift_right_logical3A_271 = vector.broadcast %shift_right_logical3A_270 : i32 to vector<16xi32>
      %shift_right_logical3A_272 = arith.shrui %get3A_262, %shift_right_logical3A_271 : vector<16xi32>
      %swap3A_273 = arith.constant 80 : index
      %swap3A_274 = tpu.vector_load %arg8[%swap3A_273] {strides = array<i32>} : memref<192xi32, #tpu.memory_space<vmem>>, vector<16xi32>,
      %swap3A_275 = vector.shape_cast %swap3A_274 : vector<16xi32> to vector<16xi32>
      %swap3A_276 = vector.shape_cast %shift_right_logical3A_272 : vector<16xi32> to vector<16xi32>
      tpu.vector_store %arg8[%swap3A_273], %swap3A_276 {strides = array<i32>} : memref<192xi32, #tpu.memory_space<vmem>>, vector<16xi32>,
      %get3A_277 = arith.index_cast %mul3A_171 : i32 to index
      %get3A_278 = arith.constant 96 : index
      %get3A_279 = tpu.vector_load %arg6[%get3A_277, %get3A_278] {strides = array<i32>} : memref<106x192xi32, #tpu.memory_space<vmem>>, vector<1x16xi32>,
      %get3A_280 = vector.shape_cast %get3A_279 : vector<1x16xi32> to vector<16xi32>
      %and3A_281 = arith.constant 16383 : i32
      %and3A_282 = vector.broadcast %and3A_281 : i32 to vector<16xi32>
      %and3A_283 = arith.andi %get3A_280, %and3A_282 : vector<16xi32>
      %swap3A_284 = arith.constant 96 : index
      %swap3A_285 = tpu.vector_load %arg7[%swap3A_284] {strides = array<i32>} : memref<192xi32, #tpu.memory_space<vmem>>, vector<16xi32>,
      %swap3A_286 = vector.shape_cast %swap3A_285 : vector<16xi32> to vector<16xi32>
      %swap3A_287 = vector.shape_cast %and3A_283 : vector<16xi32> to vector<16xi32>
      tpu.vector_store %arg7[%swap3A_284], %swap3A_287 {strides = array<i32>} : memref<192xi32, #tpu.memory_space<vmem>>, vector<16xi32>,
      %shift_right_logical3A_288 = arith.constant 14 : i32
      %shift_right_logical3A_289 = vector.broadcast %shift_right_logical3A_288 : i32 to vector<16xi32>
      %shift_right_logical3A_290 = arith.shrui %get3A_280, %shift_right_logical3A_289 : vector<16xi32>
      %swap3A_291 = arith.constant 96 : index
      %swap3A_292 = tpu.vector_load %arg8[%swap3A_291] {strides = array<i32>} : memref<192xi32, #tpu.memory_space<vmem>>, vector<16xi32>,
      %swap3A_293 = vector.shape_cast %swap3A_292 : vector<16xi32> to vector<16xi32>
      %swap3A_294 = vector.shape_cast %shift_right_logical3A_290 : vector<16xi32> to vector<16xi32>
      tpu.vector_store %arg8[%swap3A_291], %swap3A_294 {strides = array<i32>} : memref<192xi32, #tpu.memory_space<vmem>>, vector<16xi32>,
      %get3A_295 = arith.index_cast %mul3A_171 : i32 to index
      %get3A_296 = arith.constant 112 : index
      %get3A_297 = tpu.vector_load %arg6[%get3A_295, %get3A_296] {strides = array<i32>} : memref<106x192xi32, #tpu.memory_space<vmem>>, vector<1x16xi32>,
      %get3A_298 = vector.shape_cast %get3A_297 : vector<1x16xi32> to vector<16xi32>
      %and3A_299 = arith.constant 16383 : i32
      %and3A_300 = vector.broadcast %and3A_299 : i32 to vector<16xi32>
      %and3A_301 = arith.andi %get3A_298, %and3A_300 : vector<16xi32>
      %swap3A_302 = arith.constant 112 : index
      %swap3A_303 = tpu.vector_load %arg7[%swap3A_302] {strides = array<i32>} : memref<192xi32, #tpu.memory_space<vmem>>, vector<16xi32>,
      %swap3A_304 = vector.shape_cast %swap3A_303 : vector<16xi32> to vector<16xi32>
      %swap3A_305 = vector.shape_cast %and3A_301 : vector<16xi32> to vector<16xi32>
      tpu.vector_store %arg7[%swap3A_302], %swap3A_305 {strides = array<i32>} : memref<192xi32, #tpu.memory_space<vmem>>, vector<16xi32>,
      %shift_right_logical3A_306 = arith.constant 14 : i32
      %shift_right_logical3A_307 = vector.broadcast %shift_right_logical3A_306 : i32 to vector<16xi32>
      %shift_right_logical3A_308 = arith.shrui %get3A_298, %shift_right_logical3A_307 : vector<16xi32>
      %swap3A_309 = arith.constant 112 : index
      %swap3A_310 = tpu.vector_load %arg8[%swap3A_309] {strides = array<i32>} : memref<192xi32, #tpu.memory_space<vmem>>, vector<16xi32>,
      %swap3A_311 = vector.shape_cast %swap3A_310 : vector<16xi32> to vector<16xi32>
      %swap3A_312 = vector.shape_cast %shift_right_logical3A_308 : vector<16xi32> to vector<16xi32>
      tpu.vector_store %arg8[%swap3A_309], %swap3A_312 {strides = array<i32>} : memref<192xi32, #tpu.memory_space<vmem>>, vector<16xi32>,
      %get3A_313 = arith.index_cast %mul3A_171 : i32 to index
      %get3A_314 = arith.constant 128 : index
      %get3A_315 = tpu.vector_load %arg6[%get3A_313, %get3A_314] {strides = array<i32>} : memref<106x192xi32, #tpu.memory_space<vmem>>, vector<1x16xi32>,
      %get3A_316 = vector.shape_cast %get3A_315 : vector<1x16xi32> to vector<16xi32>
      %and3A_317 = arith.constant 16383 : i32
      %and3A_318 = vector.broadcast %and3A_317 : i32 to vector<16xi32>
      %and3A_319 = arith.andi %get3A_316, %and3A_318 : vector<16xi32>
      %swap3A_320 = arith.constant 128 : index
      %swap3A_321 = tpu.vector_load %arg7[%swap3A_320] {strides = array<i32>} : memref<192xi32, #tpu.memory_space<vmem>>, vector<16xi32>,
      %swap3A_322 = vector.shape_cast %swap3A_321 : vector<16xi32> to vector<16xi32>
      %swap3A_323 = vector.shape_cast %and3A_319 : vector<16xi32> to vector<16xi32>
      tpu.vector_store %arg7[%swap3A_320], %swap3A_323 {strides = array<i32>} : memref<192xi32, #tpu.memory_space<vmem>>, vector<16xi32>,
      %shift_right_logical3A_324 = arith.constant 14 : i32
      %shift_right_logical3A_325 = vector.broadcast %shift_right_logical3A_324 : i32 to vector<16xi32>
      %shift_right_logical3A_326 = arith.shrui %get3A_316, %shift_right_logical3A_325 : vector<16xi32>
      %swap3A_327 = arith.constant 128 : index
      %swap3A_328 = tpu.vector_load %arg8[%swap3A_327] {strides = array<i32>} : memref<192xi32, #tpu.memory_space<vmem>>, vector<16xi32>,
      %swap3A_329 = vector.shape_cast %swap3A_328 : vector<16xi32> to vector<16xi32>
      %swap3A_330 = vector.shape_cast %shift_right_logical3A_326 : vector<16xi32> to vector<16xi32>
      tpu.vector_store %arg8[%swap3A_327], %swap3A_330 {strides = array<i32>} : memref<192xi32, #tpu.memory_space<vmem>>, vector<16xi32>,
      %get3A_331 = arith.index_cast %mul3A_171 : i32 to index
      %get3A_332 = arith.constant 144 : index
      %get3A_333 = tpu.vector_load %arg6[%get3A_331, %get3A_332] {strides = array<i32>} : memref<106x192xi32, #tpu.memory_space<vmem>>, vector<1x16xi32>,
      %get3A_334 = vector.shape_cast %get3A_333 : vector<1x16xi32> to vector<16xi32>
      %and3A_335 = arith.constant 16383 : i32
      %and3A_336 = vector.broadcast %and3A_335 : i32 to vector<16xi32>
      %and3A_337 = arith.andi %get3A_334, %and3A_336 : vector<16xi32>
      %swap3A_338 = arith.constant 144 : index
      %swap3A_339 = tpu.vector_load %arg7[%swap3A_338] {strides = array<i32>} : memref<192xi32, #tpu.memory_space<vmem>>, vector<16xi32>,
      %swap3A_340 = vector.shape_cast %swap3A_339 : vector<16xi32> to vector<16xi32>
      %swap3A_341 = vector.shape_cast %and3A_337 : vector<16xi32> to vector<16xi32>
      tpu.vector_store %arg7[%swap3A_338], %swap3A_341 {strides = array<i32>} : memref<192xi32, #tpu.memory_space<vmem>>, vector<16xi32>,
      %shift_right_logical3A_342 = arith.constant 14 : i32
      %shift_right_logical3A_343 = vector.broadcast %shift_right_logical3A_342 : i32 to vector<16xi32>
      %shift_right_logical3A_344 = arith.shrui %get3A_334, %shift_right_logical3A_343 : vector<16xi32>
      %swap3A_345 = arith.constant 144 : index
      %swap3A_346 = tpu.vector_load %arg8[%swap3A_345] {strides = array<i32>} : memref<192xi32, #tpu.memory_space<vmem>>, vector<16xi32>,
      %swap3A_347 = vector.shape_cast %swap3A_346 : vector<16xi32> to vector<16xi32>
      %swap3A_348 = vector.shape_cast %shift_right_logical3A_344 : vector<16xi32> to vector<16xi32>
      tpu.vector_store %arg8[%swap3A_345], %swap3A_348 {strides = array<i32>} : memref<192xi32, #tpu.memory_space<vmem>>, vector<16xi32>,
      %get3A_349 = arith.index_cast %mul3A_171 : i32 to index
      %get3A_350 = arith.constant 160 : index
      %get3A_351 = tpu.vector_load %arg6[%get3A_349, %get3A_350] {strides = array<i32>} : memref<106x192xi32, #tpu.memory_space<vmem>>, vector<1x16xi32>,
      %get3A_352 = vector.shape_cast %get3A_351 : vector<1x16xi32> to vector<16xi32>
      %and3A_353 = arith.constant 16383 : i32
      %and3A_354 = vector.broadcast %and3A_353 : i32 to vector<16xi32>
      %and3A_355 = arith.andi %get3A_352, %and3A_354 : vector<16xi32>
      %swap3A_356 = arith.constant 160 : index
      %swap3A_357 = tpu.vector_load %arg7[%swap3A_356] {strides = array<i32>} : memref<192xi32, #tpu.memory_space<vmem>>, vector<16xi32>,
      %swap3A_358 = vector.shape_cast %swap3A_357 : vector<16xi32> to vector<16xi32>
      %swap3A_359 = vector.shape_cast %and3A_355 : vector<16xi32> to vector<16xi32>
      tpu.vector_store %arg7[%swap3A_356], %swap3A_359 {strides = array<i32>} : memref<192xi32, #tpu.memory_space<vmem>>, vector<16xi32>,
      %shift_right_logical3A_360 = arith.constant 14 : i32
      %shift_right_logical3A_361 = vector.broadcast %shift_right_logical3A_360 : i32 to vector<16xi32>
      %shift_right_logical3A_362 = arith.shrui %get3A_352, %shift_right_logical3A_361 : vector<16xi32>
      %swap3A_363 = arith.constant 160 : index
      %swap3A_364 = tpu.vector_load %arg8[%swap3A_363] {strides = array<i32>} : memref<192xi32, #tpu.memory_space<vmem>>, vector<16xi32>,
      %swap3A_365 = vector.shape_cast %swap3A_364 : vector<16xi32> to vector<16xi32>
      %swap3A_366 = vector.shape_cast %shift_right_logical3A_362 : vector<16xi32> to vector<16xi32>
      tpu.vector_store %arg8[%swap3A_363], %swap3A_366 {strides = array<i32>} : memref<192xi32, #tpu.memory_space<vmem>>, vector<16xi32>,
      %get3A_367 = arith.index_cast %mul3A_171 : i32 to index
      %get3A_368 = arith.constant 176 : index
      %get3A_369 = tpu.vector_load %arg6[%get3A_367, %get3A_368] {strides = array<i32>} : memref<106x192xi32, #tpu.memory_space<vmem>>, vector<1x16xi32>,
      %get3A_370 = vector.shape_cast %get3A_369 : vector<1x16xi32> to vector<16xi32>
      %and3A_371 = arith.constant 16383 : i32
      %and3A_372 = vector.broadcast %and3A_371 : i32 to vector<16xi32>
      %and3A_373 = arith.andi %get3A_370, %and3A_372 : vector<16xi32>
      %swap3A_374 = arith.constant 176 : index
      %swap3A_375 = tpu.vector_load %arg7[%swap3A_374] {strides = array<i32>} : memref<192xi32, #tpu.memory_space<vmem>>, vector<16xi32>,
      %swap3A_376 = vector.shape_cast %swap3A_375 : vector<16xi32> to vector<16xi32>
      %swap3A_377 = vector.shape_cast %and3A_373 : vector<16xi32> to vector<16xi32>
      tpu.vector_store %arg7[%swap3A_374], %swap3A_377 {strides = array<i32>} : memref<192xi32, #tpu.memory_space<vmem>>, vector<16xi32>,
      %shift_right_logical3A_378 = arith.constant 14 : i32
      %shift_right_logical3A_379 = vector.broadcast %shift_right_logical3A_378 : i32 to vector<16xi32>
      %shift_right_logical3A_380 = arith.shrui %get3A_370, %shift_right_logical3A_379 : vector<16xi32>
      %swap3A_381 = arith.constant 176 : index
      %swap3A_382 = tpu.vector_load %arg8[%swap3A_381] {strides = array<i32>} : memref<192xi32, #tpu.memory_space<vmem>>, vector<16xi32>,
      %swap3A_383 = vector.shape_cast %swap3A_382 : vector<16xi32> to vector<16xi32>
      %swap3A_384 = vector.shape_cast %shift_right_logical3A_380 : vector<16xi32> to vector<16xi32>
      tpu.vector_store %arg8[%swap3A_381], %swap3A_384 {strides = array<i32>} : memref<192xi32, #tpu.memory_space<vmem>>, vector<16xi32>,
      %dma_start3A_385 = arith.constant 0 : i32
      %dma_start3A_386 = arith.constant 0 : i32
      %dma_start3A_387 = tpu.memref_slice %arg13[%dma_start3A_385, %dma_start3A_386] : memref<10240x64xf32, #tpu.memory_space<vmem_shared>> -> memref<10240x64xf32, #tpu.memory_space<vmem_shared>>
      tpu.enqueue_indirect_dma source(%dma_start3A_387 : memref<10240x64xf32, #tpu.memory_space<vmem_shared>>) target(%arg11 : memref<192x64xf32, #tpu.memory_space<vmem>>) offsets(%arg7 : memref<192xi32, #tpu.memory_space<vmem>>) semaphore(%arg15 : memref<!tpu.dma_semaphore, #tpu.memory_space<semaphore_mem>>)
      %get3A_388 = arith.index_cast %add3A_172 : i32 to index
      %get3A_389 = arith.constant 0 : index
      %get3A_390 = tpu.vector_load %arg6[%get3A_388, %get3A_389] {strides = array<i32>} : memref<106x192xi32, #tpu.memory_space<vmem>>, vector<1x16xi32>,
      %get3A_391 = vector.shape_cast %get3A_390 : vector<1x16xi32> to vector<16xi32>
      %and3A_392 = arith.constant 16383 : i32
      %and3A_393 = vector.broadcast %and3A_392 : i32 to vector<16xi32>
      %and3A_394 = arith.andi %get3A_391, %and3A_393 : vector<16xi32>
      %swap3A_395 = arith.constant 0 : index
      %swap3A_396 = tpu.vector_load %arg9[%swap3A_395] {strides = array<i32>} : memref<192xi32, #tpu.memory_space<vmem>>, vector<16xi32>,
      %swap3A_397 = vector.shape_cast %swap3A_396 : vector<16xi32> to vector<16xi32>
      %swap3A_398 = vector.shape_cast %and3A_394 : vector<16xi32> to vector<16xi32>
      tpu.vector_store %arg9[%swap3A_395], %swap3A_398 {strides = array<i32>} : memref<192xi32, #tpu.memory_space<vmem>>, vector<16xi32>,
      %shift_right_logical3A_399 = arith.constant 14 : i32
      %shift_right_logical3A_400 = vector.broadcast %shift_right_logical3A_399 : i32 to vector<16xi32>
      %shift_right_logical3A_401 = arith.shrui %get3A_391, %shift_right_logical3A_400 : vector<16xi32>
      %swap3A_402 = arith.constant 0 : index
      %swap3A_403 = tpu.vector_load %arg10[%swap3A_402] {strides = array<i32>} : memref<192xi32, #tpu.memory_space<vmem>>, vector<16xi32>,
      %swap3A_404 = vector.shape_cast %swap3A_403 : vector<16xi32> to vector<16xi32>
      %swap3A_405 = vector.shape_cast %shift_right_logical3A_401 : vector<16xi32> to vector<16xi32>
      tpu.vector_store %arg10[%swap3A_402], %swap3A_405 {strides = array<i32>} : memref<192xi32, #tpu.memory_space<vmem>>, vector<16xi32>,
      %get3A_406 = arith.index_cast %add3A_172 : i32 to index
      %get3A_407 = arith.constant 16 : index
      %get3A_408 = tpu.vector_load %arg6[%get3A_406, %get3A_407] {strides = array<i32>} : memref<106x192xi32, #tpu.memory_space<vmem>>, vector<1x16xi32>,
      %get3A_409 = vector.shape_cast %get3A_408 : vector<1x16xi32> to vector<16xi32>
      %and3A_410 = arith.constant 16383 : i32
      %and3A_411 = vector.broadcast %and3A_410 : i32 to vector<16xi32>
      %and3A_412 = arith.andi %get3A_409, %and3A_411 : vector<16xi32>
      %swap3A_413 = arith.constant 16 : index
      %swap3A_414 = tpu.vector_load %arg9[%swap3A_413] {strides = array<i32>} : memref<192xi32, #tpu.memory_space<vmem>>, vector<16xi32>,
      %swap3A_415 = vector.shape_cast %swap3A_414 : vector<16xi32> to vector<16xi32>
      %swap3A_416 = vector.shape_cast %and3A_412 : vector<16xi32> to vector<16xi32>
      tpu.vector_store %arg9[%swap3A_413], %swap3A_416 {strides = array<i32>} : memref<192xi32, #tpu.memory_space<vmem>>, vector<16xi32>,
      %shift_right_logical3A_417 = arith.constant 14 : i32
      %shift_right_logical3A_418 = vector.broadcast %shift_right_logical3A_417 : i32 to vector<16xi32>
      %shift_right_logical3A_419 = arith.shrui %get3A_409, %shift_right_logical3A_418 : vector<16xi32>
      %swap3A_420 = arith.constant 16 : index
      %swap3A_421 = tpu.vector_load %arg10[%swap3A_420] {strides = array<i32>} : memref<192xi32, #tpu.memory_space<vmem>>, vector<16xi32>,
      %swap3A_422 = vector.shape_cast %swap3A_421 : vector<16xi32> to vector<16xi32>
      %swap3A_423 = vector.shape_cast %shift_right_logical3A_419 : vector<16xi32> to vector<16xi32>
      tpu.vector_store %arg10[%swap3A_420], %swap3A_423 {strides = array<i32>} : memref<192xi32, #tpu.memory_space<vmem>>, vector<16xi32>,
      %get3A_424 = arith.index_cast %add3A_172 : i32 to index
      %get3A_425 = arith.constant 32 : index
      %get3A_426 = tpu.vector_load %arg6[%get3A_424, %get3A_425] {strides = array<i32>} : memref<106x192xi32, #tpu.memory_space<vmem>>, vector<1x16xi32>,
      %get3A_427 = vector.shape_cast %get3A_426 : vector<1x16xi32> to vector<16xi32>
      %and3A_428 = arith.constant 16383 : i32
      %and3A_429 = vector.broadcast %and3A_428 : i32 to vector<16xi32>
      %and3A_430 = arith.andi %get3A_427, %and3A_429 : vector<16xi32>
      %swap3A_431 = arith.constant 32 : index
      %swap3A_432 = tpu.vector_load %arg9[%swap3A_431] {strides = array<i32>} : memref<192xi32, #tpu.memory_space<vmem>>, vector<16xi32>,
      %swap3A_433 = vector.shape_cast %swap3A_432 : vector<16xi32> to vector<16xi32>
      %swap3A_434 = vector.shape_cast %and3A_430 : vector<16xi32> to vector<16xi32>
      tpu.vector_store %arg9[%swap3A_431], %swap3A_434 {strides = array<i32>} : memref<192xi32, #tpu.memory_space<vmem>>, vector<16xi32>,
      %shift_right_logical3A_435 = arith.constant 14 : i32
      %shift_right_logical3A_436 = vector.broadcast %shift_right_logical3A_435 : i32 to vector<16xi32>
      %shift_right_logical3A_437 = arith.shrui %get3A_427, %shift_right_logical3A_436 : vector<16xi32>
      %swap3A_438 = arith.constant 32 : index
      %swap3A_439 = tpu.vector_load %arg10[%swap3A_438] {strides = array<i32>} : memref<192xi32, #tpu.memory_space<vmem>>, vector<16xi32>,
      %swap3A_440 = vector.shape_cast %swap3A_439 : vector<16xi32> to vector<16xi32>
      %swap3A_441 = vector.shape_cast %shift_right_logical3A_437 : vector<16xi32> to vector<16xi32>
      tpu.vector_store %arg10[%swap3A_438], %swap3A_441 {strides = array<i32>} : memref<192xi32, #tpu.memory_space<vmem>>, vector<16xi32>,
      %get3A_442 = arith.index_cast %add3A_172 : i32 to index
      %get3A_443 = arith.constant 48 : index
      %get3A_444 = tpu.vector_load %arg6[%get3A_442, %get3A_443] {strides = array<i32>} : memref<106x192xi32, #tpu.memory_space<vmem>>, vector<1x16xi32>,
      %get3A_445 = vector.shape_cast %get3A_444 : vector<1x16xi32> to vector<16xi32>
      %and3A_446 = arith.constant 16383 : i32
      %and3A_447 = vector.broadcast %and3A_446 : i32 to vector<16xi32>
      %and3A_448 = arith.andi %get3A_445, %and3A_447 : vector<16xi32>
      %swap3A_449 = arith.constant 48 : index
      %swap3A_450 = tpu.vector_load %arg9[%swap3A_449] {strides = array<i32>} : memref<192xi32, #tpu.memory_space<vmem>>, vector<16xi32>,
      %swap3A_451 = vector.shape_cast %swap3A_450 : vector<16xi32> to vector<16xi32>
      %swap3A_452 = vector.shape_cast %and3A_448 : vector<16xi32> to vector<16xi32>
      tpu.vector_store %arg9[%swap3A_449], %swap3A_452 {strides = array<i32>} : memref<192xi32, #tpu.memory_space<vmem>>, vector<16xi32>,
      %shift_right_logical3A_453 = arith.constant 14 : i32
      %shift_right_logical3A_454 = vector.broadcast %shift_right_logical3A_453 : i32 to vector<16xi32>
      %shift_right_logical3A_455 = arith.shrui %get3A_445, %shift_right_logical3A_454 : vector<16xi32>
      %swap3A_456 = arith.constant 48 : index
      %swap3A_457 = tpu.vector_load %arg10[%swap3A_456] {strides = array<i32>} : memref<192xi32, #tpu.memory_space<vmem>>, vector<16xi32>,
      %swap3A_458 = vector.shape_cast %swap3A_457 : vector<16xi32> to vector<16xi32>
      %swap3A_459 = vector.shape_cast %shift_right_logical3A_455 : vector<16xi32> to vector<16xi32>
      tpu.vector_store %arg10[%swap3A_456], %swap3A_459 {strides = array<i32>} : memref<192xi32, #tpu.memory_space<vmem>>, vector<16xi32>,
      %get3A_460 = arith.index_cast %add3A_172 : i32 to index
      %get3A_461 = arith.constant 64 : index
      %get3A_462 = tpu.vector_load %arg6[%get3A_460, %get3A_461] {strides = array<i32>} : memref<106x192xi32, #tpu.memory_space<vmem>>, vector<1x16xi32>,
      %get3A_463 = vector.shape_cast %get3A_462 : vector<1x16xi32> to vector<16xi32>
      %and3A_464 = arith.constant 16383 : i32
      %and3A_465 = vector.broadcast %and3A_464 : i32 to vector<16xi32>
      %and3A_466 = arith.andi %get3A_463, %and3A_465 : vector<16xi32>
      %swap3A_467 = arith.constant 64 : index
      %swap3A_468 = tpu.vector_load %arg9[%swap3A_467] {strides = array<i32>} : memref<192xi32, #tpu.memory_space<vmem>>, vector<16xi32>,
      %swap3A_469 = vector.shape_cast %swap3A_468 : vector<16xi32> to vector<16xi32>
      %swap3A_470 = vector.shape_cast %and3A_466 : vector<16xi32> to vector<16xi32>
      tpu.vector_store %arg9[%swap3A_467], %swap3A_470 {strides = array<i32>} : memref<192xi32, #tpu.memory_space<vmem>>, vector<16xi32>,
      %shift_right_logical3A_471 = arith.constant 14 : i32
      %shift_right_logical3A_472 = vector.broadcast %shift_right_logical3A_471 : i32 to vector<16xi32>
      %shift_right_logical3A_473 = arith.shrui %get3A_463, %shift_right_logical3A_472 : vector<16xi32>
      %swap3A_474 = arith.constant 64 : index
      %swap3A_475 = tpu.vector_load %arg10[%swap3A_474] {strides = array<i32>} : memref<192xi32, #tpu.memory_space<vmem>>, vector<16xi32>,
      %swap3A_476 = vector.shape_cast %swap3A_475 : vector<16xi32> to vector<16xi32>
      %swap3A_477 = vector.shape_cast %shift_right_logical3A_473 : vector<16xi32> to vector<16xi32>
      tpu.vector_store %arg10[%swap3A_474], %swap3A_477 {strides = array<i32>} : memref<192xi32, #tpu.memory_space<vmem>>, vector<16xi32>,
      %get3A_478 = arith.index_cast %add3A_172 : i32 to index
      %get3A_479 = arith.constant 80 : index
      %get3A_480 = tpu.vector_load %arg6[%get3A_478, %get3A_479] {strides = array<i32>} : memref<106x192xi32, #tpu.memory_space<vmem>>, vector<1x16xi32>,
      %get3A_481 = vector.shape_cast %get3A_480 : vector<1x16xi32> to vector<16xi32>
      %and3A_482 = arith.constant 16383 : i32
      %and3A_483 = vector.broadcast %and3A_482 : i32 to vector<16xi32>
      %and3A_484 = arith.andi %get3A_481, %and3A_483 : vector<16xi32>
      %swap3A_485 = arith.constant 80 : index
      %swap3A_486 = tpu.vector_load %arg9[%swap3A_485] {strides = array<i32>} : memref<192xi32, #tpu.memory_space<vmem>>, vector<16xi32>,
      %swap3A_487 = vector.shape_cast %swap3A_486 : vector<16xi32> to vector<16xi32>
      %swap3A_488 = vector.shape_cast %and3A_484 : vector<16xi32> to vector<16xi32>
      tpu.vector_store %arg9[%swap3A_485], %swap3A_488 {strides = array<i32>} : memref<192xi32, #tpu.memory_space<vmem>>, vector<16xi32>,
      %shift_right_logical3A_489 = arith.constant 14 : i32
      %shift_right_logical3A_490 = vector.broadcast %shift_right_logical3A_489 : i32 to vector<16xi32>
      %shift_right_logical3A_491 = arith.shrui %get3A_481, %shift_right_logical3A_490 : vector<16xi32>
      %swap3A_492 = arith.constant 80 : index
      %swap3A_493 = tpu.vector_load %arg10[%swap3A_492] {strides = array<i32>} : memref<192xi32, #tpu.memory_space<vmem>>, vector<16xi32>,
      %swap3A_494 = vector.shape_cast %swap3A_493 : vector<16xi32> to vector<16xi32>
      %swap3A_495 = vector.shape_cast %shift_right_logical3A_491 : vector<16xi32> to vector<16xi32>
      tpu.vector_store %arg10[%swap3A_492], %swap3A_495 {strides = array<i32>} : memref<192xi32, #tpu.memory_space<vmem>>, vector<16xi32>,
      %get3A_496 = arith.index_cast %add3A_172 : i32 to index
      %get3A_497 = arith.constant 96 : index
      %get3A_498 = tpu.vector_load %arg6[%get3A_496, %get3A_497] {strides = array<i32>} : memref<106x192xi32, #tpu.memory_space<vmem>>, vector<1x16xi32>,
      %get3A_499 = vector.shape_cast %get3A_498 : vector<1x16xi32> to vector<16xi32>
      %and3A_500 = arith.constant 16383 : i32
      %and3A_501 = vector.broadcast %and3A_500 : i32 to vector<16xi32>
      %and3A_502 = arith.andi %get3A_499, %and3A_501 : vector<16xi32>
      %swap3A_503 = arith.constant 96 : index
      %swap3A_504 = tpu.vector_load %arg9[%swap3A_503] {strides = array<i32>} : memref<192xi32, #tpu.memory_space<vmem>>, vector<16xi32>,
      %swap3A_505 = vector.shape_cast %swap3A_504 : vector<16xi32> to vector<16xi32>
      %swap3A_506 = vector.shape_cast %and3A_502 : vector<16xi32> to vector<16xi32>
      tpu.vector_store %arg9[%swap3A_503], %swap3A_506 {strides = array<i32>} : memref<192xi32, #tpu.memory_space<vmem>>, vector<16xi32>,
      %shift_right_logical3A_507 = arith.constant 14 : i32
      %shift_right_logical3A_508 = vector.broadcast %shift_right_logical3A_507 : i32 to vector<16xi32>
      %shift_right_logical3A_509 = arith.shrui %get3A_499, %shift_right_logical3A_508 : vector<16xi32>
      %swap3A_510 = arith.constant 96 : index
      %swap3A_511 = tpu.vector_load %arg10[%swap3A_510] {strides = array<i32>} : memref<192xi32, #tpu.memory_space<vmem>>, vector<16xi32>,
      %swap3A_512 = vector.shape_cast %swap3A_511 : vector<16xi32> to vector<16xi32>
      %swap3A_513 = vector.shape_cast %shift_right_logical3A_509 : vector<16xi32> to vector<16xi32>
      tpu.vector_store %arg10[%swap3A_510], %swap3A_513 {strides = array<i32>} : memref<192xi32, #tpu.memory_space<vmem>>, vector<16xi32>,
      %get3A_514 = arith.index_cast %add3A_172 : i32 to index
      %get3A_515 = arith.constant 112 : index
      %get3A_516 = tpu.vector_load %arg6[%get3A_514, %get3A_515] {strides = array<i32>} : memref<106x192xi32, #tpu.memory_space<vmem>>, vector<1x16xi32>,
      %get3A_517 = vector.shape_cast %get3A_516 : vector<1x16xi32> to vector<16xi32>
      %and3A_518 = arith.constant 16383 : i32
      %and3A_519 = vector.broadcast %and3A_518 : i32 to vector<16xi32>
      %and3A_520 = arith.andi %get3A_517, %and3A_519 : vector<16xi32>
      %swap3A_521 = arith.constant 112 : index
      %swap3A_522 = tpu.vector_load %arg9[%swap3A_521] {strides = array<i32>} : memref<192xi32, #tpu.memory_space<vmem>>, vector<16xi32>,
      %swap3A_523 = vector.shape_cast %swap3A_522 : vector<16xi32> to vector<16xi32>
      %swap3A_524 = vector.shape_cast %and3A_520 : vector<16xi32> to vector<16xi32>
      tpu.vector_store %arg9[%swap3A_521], %swap3A_524 {strides = array<i32>} : memref<192xi32, #tpu.memory_space<vmem>>, vector<16xi32>,
      %shift_right_logical3A_525 = arith.constant 14 : i32
      %shift_right_logical3A_526 = vector.broadcast %shift_right_logical3A_525 : i32 to vector<16xi32>
      %shift_right_logical3A_527 = arith.shrui %get3A_517, %shift_right_logical3A_526 : vector<16xi32>
      %swap3A_528 = arith.constant 112 : index
      %swap3A_529 = tpu.vector_load %arg10[%swap3A_528] {strides = array<i32>} : memref<192xi32, #tpu.memory_space<vmem>>, vector<16xi32>,
      %swap3A_530 = vector.shape_cast %swap3A_529 : vector<16xi32> to vector<16xi32>
      %swap3A_531 = vector.shape_cast %shift_right_logical3A_527 : vector<16xi32> to vector<16xi32>
      tpu.vector_store %arg10[%swap3A_528], %swap3A_531 {strides = array<i32>} : memref<192xi32, #tpu.memory_space<vmem>>, vector<16xi32>,
      %get3A_532 = arith.index_cast %add3A_172 : i32 to index
      %get3A_533 = arith.constant 128 : index
      %get3A_534 = tpu.vector_load %arg6[%get3A_532, %get3A_533] {strides = array<i32>} : memref<106x192xi32, #tpu.memory_space<vmem>>, vector<1x16xi32>,
      %get3A_535 = vector.shape_cast %get3A_534 : vector<1x16xi32> to vector<16xi32>
      %and3A_536 = arith.constant 16383 : i32
      %and3A_537 = vector.broadcast %and3A_536 : i32 to vector<16xi32>
      %and3A_538 = arith.andi %get3A_535, %and3A_537 : vector<16xi32>
      %swap3A_539 = arith.constant 128 : index
      %swap3A_540 = tpu.vector_load %arg9[%swap3A_539] {strides = array<i32>} : memref<192xi32, #tpu.memory_space<vmem>>, vector<16xi32>,
      %swap3A_541 = vector.shape_cast %swap3A_540 : vector<16xi32> to vector<16xi32>
      %swap3A_542 = vector.shape_cast %and3A_538 : vector<16xi32> to vector<16xi32>
      tpu.vector_store %arg9[%swap3A_539], %swap3A_542 {strides = array<i32>} : memref<192xi32, #tpu.memory_space<vmem>>, vector<16xi32>,
      %shift_right_logical3A_543 = arith.constant 14 : i32
      %shift_right_logical3A_544 = vector.broadcast %shift_right_logical3A_543 : i32 to vector<16xi32>
      %shift_right_logical3A_545 = arith.shrui %get3A_535, %shift_right_logical3A_544 : vector<16xi32>
      %swap3A_546 = arith.constant 128 : index
      %swap3A_547 = tpu.vector_load %arg10[%swap3A_546] {strides = array<i32>} : memref<192xi32, #tpu.memory_space<vmem>>, vector<16xi32>,
      %swap3A_548 = vector.shape_cast %swap3A_547 : vector<16xi32> to vector<16xi32>
      %swap3A_549 = vector.shape_cast %shift_right_logical3A_545 : vector<16xi32> to vector<16xi32>
      tpu.vector_store %arg10[%swap3A_546], %swap3A_549 {strides = array<i32>} : memref<192xi32, #tpu.memory_space<vmem>>, vector<16xi32>,
      %get3A_550 = arith.index_cast %add3A_172 : i32 to index
      %get3A_551 = arith.constant 144 : index
      %get3A_552 = tpu.vector_load %arg6[%get3A_550, %get3A_551] {strides = array<i32>} : memref<106x192xi32, #tpu.memory_space<vmem>>, vector<1x16xi32>,
      %get3A_553 = vector.shape_cast %get3A_552 : vector<1x16xi32> to vector<16xi32>
      %and3A_554 = arith.constant 16383 : i32
      %and3A_555 = vector.broadcast %and3A_554 : i32 to vector<16xi32>
      %and3A_556 = arith.andi %get3A_553, %and3A_555 : vector<16xi32>
      %swap3A_557 = arith.constant 144 : index
      %swap3A_558 = tpu.vector_load %arg9[%swap3A_557] {strides = array<i32>} : memref<192xi32, #tpu.memory_space<vmem>>, vector<16xi32>,
      %swap3A_559 = vector.shape_cast %swap3A_558 : vector<16xi32> to vector<16xi32>
      %swap3A_560 = vector.shape_cast %and3A_556 : vector<16xi32> to vector<16xi32>
      tpu.vector_store %arg9[%swap3A_557], %swap3A_560 {strides = array<i32>} : memref<192xi32, #tpu.memory_space<vmem>>, vector<16xi32>,
      %shift_right_logical3A_561 = arith.constant 14 : i32
      %shift_right_logical3A_562 = vector.broadcast %shift_right_logical3A_561 : i32 to vector<16xi32>
      %shift_right_logical3A_563 = arith.shrui %get3A_553, %shift_right_logical3A_562 : vector<16xi32>
      %swap3A_564 = arith.constant 144 : index
      %swap3A_565 = tpu.vector_load %arg10[%swap3A_564] {strides = array<i32>} : memref<192xi32, #tpu.memory_space<vmem>>, vector<16xi32>,
      %swap3A_566 = vector.shape_cast %swap3A_565 : vector<16xi32> to vector<16xi32>
      %swap3A_567 = vector.shape_cast %shift_right_logical3A_563 : vector<16xi32> to vector<16xi32>
      tpu.vector_store %arg10[%swap3A_564], %swap3A_567 {strides = array<i32>} : memref<192xi32, #tpu.memory_space<vmem>>, vector<16xi32>,
      %get3A_568 = arith.index_cast %add3A_172 : i32 to index
      %get3A_569 = arith.constant 160 : index
      %get3A_570 = tpu.vector_load %arg6[%get3A_568, %get3A_569] {strides = array<i32>} : memref<106x192xi32, #tpu.memory_space<vmem>>, vector<1x16xi32>,
      %get3A_571 = vector.shape_cast %get3A_570 : vector<1x16xi32> to vector<16xi32>
      %and3A_572 = arith.constant 16383 : i32
      %and3A_573 = vector.broadcast %and3A_572 : i32 to vector<16xi32>
      %and3A_574 = arith.andi %get3A_571, %and3A_573 : vector<16xi32>
      %swap3A_575 = arith.constant 160 : index
      %swap3A_576 = tpu.vector_load %arg9[%swap3A_575] {strides = array<i32>} : memref<192xi32, #tpu.memory_space<vmem>>, vector<16xi32>,
      %swap3A_577 = vector.shape_cast %swap3A_576 : vector<16xi32> to vector<16xi32>
      %swap3A_578 = vector.shape_cast %and3A_574 : vector<16xi32> to vector<16xi32>
      tpu.vector_store %arg9[%swap3A_575], %swap3A_578 {strides = array<i32>} : memref<192xi32, #tpu.memory_space<vmem>>, vector<16xi32>,
      %shift_right_logical3A_579 = arith.constant 14 : i32
      %shift_right_logical3A_580 = vector.broadcast %shift_right_logical3A_579 : i32 to vector<16xi32>
      %shift_right_logical3A_581 = arith.shrui %get3A_571, %shift_right_logical3A_580 : vector<16xi32>
      %swap3A_582 = arith.constant 160 : index
      %swap3A_583 = tpu.vector_load %arg10[%swap3A_582] {strides = array<i32>} : memref<192xi32, #tpu.memory_space<vmem>>, vector<16xi32>,
      %swap3A_584 = vector.shape_cast %swap3A_583 : vector<16xi32> to vector<16xi32>
      %swap3A_585 = vector.shape_cast %shift_right_logical3A_581 : vector<16xi32> to vector<16xi32>
      tpu.vector_store %arg10[%swap3A_582], %swap3A_585 {strides = array<i32>} : memref<192xi32, #tpu.memory_space<vmem>>, vector<16xi32>,
      %get3A_586 = arith.index_cast %add3A_172 : i32 to index
      %get3A_587 = arith.constant 176 : index
      %get3A_588 = tpu.vector_load %arg6[%get3A_586, %get3A_587] {strides = array<i32>} : memref<106x192xi32, #tpu.memory_space<vmem>>, vector<1x16xi32>,
      %get3A_589 = vector.shape_cast %get3A_588 : vector<1x16xi32> to vector<16xi32>
      %and3A_590 = arith.constant 16383 : i32
      %and3A_591 = vector.broadcast %and3A_590 : i32 to vector<16xi32>
      %and3A_592 = arith.andi %get3A_589, %and3A_591 : vector<16xi32>
      %swap3A_593 = arith.constant 176 : index
      %swap3A_594 = tpu.vector_load %arg9[%swap3A_593] {strides = array<i32>} : memref<192xi32, #tpu.memory_space<vmem>>, vector<16xi32>,
      %swap3A_595 = vector.shape_cast %swap3A_594 : vector<16xi32> to vector<16xi32>
      %swap3A_596 = vector.shape_cast %and3A_592 : vector<16xi32> to vector<16xi32>
      tpu.vector_store %arg9[%swap3A_593], %swap3A_596 {strides = array<i32>} : memref<192xi32, #tpu.memory_space<vmem>>, vector<16xi32>,
      %shift_right_logical3A_597 = arith.constant 14 : i32
      %shift_right_logical3A_598 = vector.broadcast %shift_right_logical3A_597 : i32 to vector<16xi32>
      %shift_right_logical3A_599 = arith.shrui %get3A_589, %shift_right_logical3A_598 : vector<16xi32>
      %swap3A_600 = arith.constant 176 : index
      %swap3A_601 = tpu.vector_load %arg10[%swap3A_600] {strides = array<i32>} : memref<192xi32, #tpu.memory_space<vmem>>, vector<16xi32>,
      %swap3A_602 = vector.shape_cast %swap3A_601 : vector<16xi32> to vector<16xi32>
      %swap3A_603 = vector.shape_cast %shift_right_logical3A_599 : vector<16xi32> to vector<16xi32>
      tpu.vector_store %arg10[%swap3A_600], %swap3A_603 {strides = array<i32>} : memref<192xi32, #tpu.memory_space<vmem>>, vector<16xi32>,
      %dma_start3A_604 = arith.constant 0 : i32
      %dma_start3A_605 = arith.constant 0 : i32
      %dma_start3A_606 = tpu.memref_slice %arg13[%dma_start3A_604, %dma_start3A_605] : memref<10240x64xf32, #tpu.memory_space<vmem_shared>> -> memref<10240x64xf32, #tpu.memory_space<vmem_shared>>
      tpu.enqueue_indirect_dma source(%dma_start3A_606 : memref<10240x64xf32, #tpu.memory_space<vmem_shared>>) target(%arg12 : memref<192x64xf32, #tpu.memory_space<vmem>>) offsets(%arg9 : memref<192xi32, #tpu.memory_space<vmem>>) semaphore(%arg16 : memref<!tpu.dma_semaphore, #tpu.memory_space<semaphore_mem>>)
      %dma_wait3A_607 = arith.constant 0 : i32
      %dma_wait3A_608 = arith.constant 0 : i32
      %dma_wait3A_609 = tpu.memref_slice %arg13[%dma_wait3A_607, %dma_wait3A_608] : memref<10240x64xf32, #tpu.memory_space<vmem_shared>> -> memref<10240x64xf32, #tpu.memory_space<vmem_shared>>
      tpu.wait_indirect_dma semaphore(%arg15 : memref<!tpu.dma_semaphore, #tpu.memory_space<semaphore_mem>>) src(%dma_wait3A_609 : memref<10240x64xf32, #tpu.memory_space<vmem_shared>>) dst(%arg11 : memref<192x64xf32, #tpu.memory_space<vmem>>)
      %dma_start3A_610 = arith.constant 0 : i32
      %dma_start3A_611 = arith.constant 0 : i32
      %dma_start3A_612 = tpu.memref_slice %arg14[%dma_start3A_610, %dma_start3A_611] : memref<10240x64xf32, #tpu.memory_space<vmem_shared>> -> memref<10240x64xf32, #tpu.memory_space<vmem_shared>>
      tpu.enqueue_indirect_dma source(%arg11 : memref<192x64xf32, #tpu.memory_space<vmem>>) target(%dma_start3A_612 : memref<10240x64xf32, #tpu.memory_space<vmem_shared>>) offsets(%arg8 : memref<192xi32, #tpu.memory_space<vmem>>) semaphore(%arg18 : memref<!tpu.dma_semaphore, #tpu.memory_space<semaphore_mem>>) {add = true}
      %dma_wait3A_613 = arith.constant 0 : i32
      %dma_wait3A_614 = arith.constant 0 : i32
      %dma_wait3A_615 = tpu.memref_slice %arg13[%dma_wait3A_613, %dma_wait3A_614] : memref<10240x64xf32, #tpu.memory_space<vmem_shared>> -> memref<10240x64xf32, #tpu.memory_space<vmem_shared>>
      tpu.wait_indirect_dma semaphore(%arg16 : memref<!tpu.dma_semaphore, #tpu.memory_space<semaphore_mem>>) src(%dma_wait3A_615 : memref<10240x64xf32, #tpu.memory_space<vmem_shared>>) dst(%arg12 : memref<192x64xf32, #tpu.memory_space<vmem>>)
      "tpu.region"() ({
        %run_scoped3A_620 = tpu.sem_alloc : memref<!tpu.dma_semaphore, #tpu.memory_space<semaphore_mem>>
        %dma_start3A_621 = arith.constant 0 : i32
        %dma_start3A_622 = arith.constant 0 : i32
        %dma_start3A_623 = tpu.memref_slice %arg14[%dma_start3A_621, %dma_start3A_622] : memref<10240x64xf32, #tpu.memory_space<vmem_shared>> -> memref<10240x64xf32, #tpu.memory_space<vmem_shared>>
        tpu.enqueue_indirect_dma source(%arg12 : memref<192x64xf32, #tpu.memory_space<vmem>>) target(%dma_start3A_623 : memref<10240x64xf32, #tpu.memory_space<vmem_shared>>) offsets(%arg10 : memref<192xi32, #tpu.memory_space<vmem>>) semaphore(%run_scoped3A_620 : memref<!tpu.dma_semaphore, #tpu.memory_space<semaphore_mem>>) {add = true}
        %dma_wait3A_624 = arith.constant 0 : i32
        %dma_wait3A_625 = arith.constant 0 : i32
        %dma_wait3A_626 = tpu.memref_slice %arg14[%dma_wait3A_624, %dma_wait3A_625] : memref<10240x64xf32, #tpu.memory_space<vmem_shared>> -> memref<10240x64xf32, #tpu.memory_space<vmem_shared>>
        tpu.wait_indirect_dma semaphore(%run_scoped3A_620 : memref<!tpu.dma_semaphore, #tpu.memory_space<semaphore_mem>>) src(%arg12 : memref<192x64xf32, #tpu.memory_space<vmem>>) dst(%dma_wait3A_626 : memref<10240x64xf32, #tpu.memory_space<vmem_shared>>)
        tpu.yield
      }) : () -> ()
      %dma_wait3A_616 = arith.constant 0 : i32
      %dma_wait3A_617 = arith.constant 0 : i32
      %dma_wait3A_618 = tpu.memref_slice %arg14[%dma_wait3A_616, %dma_wait3A_617] : memref<10240x64xf32, #tpu.memory_space<vmem_shared>> -> memref<10240x64xf32, #tpu.memory_space<vmem_shared>>
      tpu.wait_indirect_dma semaphore(%arg18 : memref<!tpu.dma_semaphore, #tpu.memory_space<semaphore_mem>>) src(%arg11 : memref<192x64xf32, #tpu.memory_space<vmem>>) dst(%dma_wait3A_618 : memref<10240x64xf32, #tpu.memory_space<vmem_shared>>)
      %scan3A_619 = arith.constant 0 : i32
      scf.yield %scan3A_619 : i32
    }
    %scan3A_6 = arith.constant 53 : i32
    %barrier3A_7 = arith.constant 0 : index
    tpu.barrier barrier_id(%barrier3A_7)
    "tpu.region"() ({
      %run_scoped3A_168 = tpu.sem_alloc : memref<!tpu.dma_semaphore, #tpu.memory_space<semaphore_mem>>
      %dma_start3A_169 = arith.constant 0 : i32
      %dma_start3A_170 = tpu.memref_slice %arg13[%mul3A_0, %dma_start3A_169] : memref<10240x64xf32, #tpu.memory_space<vmem_shared>> -> memref<640x64xf32, #tpu.memory_space<vmem_shared>>
      tpu.enqueue_dma source(%arg4 : memref<640x64xf32, #tpu.memory_space<hbm>>) target(%dma_start3A_170 : memref<640x64xf32, #tpu.memory_space<vmem_shared>>) target_semaphore(%run_scoped3A_168 : memref<!tpu.dma_semaphore, #tpu.memory_space<semaphore_mem>>)
      %dma_wait3A_171 = arith.constant 0 : i32
      %dma_wait3A_172 = tpu.memref_slice %arg13[%mul3A_0, %dma_wait3A_171] : memref<10240x64xf32, #tpu.memory_space<vmem_shared>> -> memref<640x64xf32, #tpu.memory_space<vmem_shared>>
      tpu.wait_dma2 semaphore(%run_scoped3A_168 : memref<!tpu.dma_semaphore, #tpu.memory_space<semaphore_mem>>) src(%arg4 : memref<640x64xf32, #tpu.memory_space<hbm>>) dst(%dma_wait3A_172 : memref<640x64xf32, #tpu.memory_space<vmem_shared>>)
      tpu.yield
    }) : () -> ()
    %dma_start3A = arith.constant 0 : i32
    %dma_start3A_8 = arith.constant 0 : i32
    %dma_start3A_9 = arith.constant 0 : i32
    %dma_start3A_10 = tpu.memref_slice %arg5[%dma_start3A, %arg0, %dma_start3A_8, %dma_start3A_9] : memref<7x2x10240x64xf32, #tpu.memory_space<hbm>> -> memref<1x1x10240x64xf32, #tpu.memory_space<hbm>>
    %dma_start3A_11 = tpu.memref_squeeze %dma_start3A_10 : memref<1x1x10240x64xf32, #tpu.memory_space<hbm>> -> memref<10240x64xf32, #tpu.memory_space<hbm>>
    %dma_start3A_12 = arith.constant 0 : i32
    %dma_start3A_13 = tpu.memref_slice %dma_start3A_11[%mul3A_0, %dma_start3A_12] : memref<10240x64xf32, #tpu.memory_space<hbm>> -> memref<640x64xf32, #tpu.memory_space<hbm>>
    %dma_start3A_14 = arith.constant 0 : i32
    %dma_start3A_15 = tpu.memref_slice %arg14[%mul3A_0, %dma_start3A_14] : memref<10240x64xf32, #tpu.memory_space<vmem_shared>> -> memref<640x64xf32, #tpu.memory_space<vmem_shared>>
    tpu.enqueue_dma source(%dma_start3A_15 : memref<640x64xf32, #tpu.memory_space<vmem_shared>>) target(%dma_start3A_13 : memref<640x64xf32, #tpu.memory_space<hbm>>) target_semaphore(%arg17 : memref<!tpu.dma_semaphore, #tpu.memory_space<semaphore_mem>>)
    %barrier3A_16 = arith.constant 0 : index
    tpu.barrier barrier_id(%barrier3A_16)
    %scan3A_17 = arith.constant 0 : i32
    %scan3A_18 = arith.constant 0 : i32
    %scan3A_19 = arith.constant 53 : i32
    %scan3A_20 = arith.addi %scan3A_18, %scan3A_19 : i32
    %scan3A_21 = arith.constant 1 : i32
    %scan3A_22 = scf.for %scan3A_168 = %scan3A_18 to %scan3A_20 step %scan3A_21 iter_args(%scan3A_169 = %scan3A_17) -> (i32)  : i32 {
      %mul3A_170 = arith.constant 2 : i32
      %mul3A_171 = arith.muli %scan3A_168, %mul3A_170 : i32
      %add3A = arith.constant 1 : i32
      %add3A_172 = arith.addi %mul3A_171, %add3A : i32
      %get3A = arith.index_cast %mul3A_171 : i32 to index
      %get3A_173 = arith.constant 0 : index
      %get3A_174 = tpu.vector_load %arg6[%get3A, %get3A_173] {strides = array<i32>} : memref<106x192xi32, #tpu.memory_space<vmem>>, vector<1x16xi32>,
      %get3A_175 = vector.shape_cast %get3A_174 : vector<1x16xi32> to vector<16xi32>
      %and3A = arith.constant 16383 : i32
      %and3A_176 = vector.broadcast %and3A : i32 to vector<16xi32>
      %and3A_177 = arith.andi %get3A_175, %and3A_176 : vector<16xi32>
      %swap3A = arith.constant 0 : index
      %swap3A_178 = tpu.vector_load %arg7[%swap3A] {strides = array<i32>} : memref<192xi32, #tpu.memory_space<vmem>>, vector<16xi32>,
      %swap3A_179 = vector.shape_cast %swap3A_178 : vector<16xi32> to vector<16xi32>
      %swap3A_180 = vector.shape_cast %and3A_177 : vector<16xi32> to vector<16xi32>
      tpu.vector_store %arg7[%swap3A], %swap3A_180 {strides = array<i32>} : memref<192xi32, #tpu.memory_space<vmem>>, vector<16xi32>,
      %shift_right_logical3A = arith.constant 14 : i32
      %shift_right_logical3A_181 = vector.broadcast %shift_right_logical3A : i32 to vector<16xi32>
      %shift_right_logical3A_182 = arith.shrui %get3A_175, %shift_right_logical3A_181 : vector<16xi32>
      %swap3A_183 = arith.constant 0 : index
      %swap3A_184 = tpu.vector_load %arg8[%swap3A_183] {strides = array<i32>} : memref<192xi32, #tpu.memory_space<vmem>>, vector<16xi32>,
      %swap3A_185 = vector.shape_cast %swap3A_184 : vector<16xi32> to vector<16xi32>
      %swap3A_186 = vector.shape_cast %shift_right_logical3A_182 : vector<16xi32> to vector<16xi32>
      tpu.vector_store %arg8[%swap3A_183], %swap3A_186 {strides = array<i32>} : memref<192xi32, #tpu.memory_space<vmem>>, vector<16xi32>,
      %get3A_187 = arith.index_cast %mul3A_171 : i32 to index
      %get3A_188 = arith.constant 16 : index
      %get3A_189 = tpu.vector_load %arg6[%get3A_187, %get3A_188] {strides = array<i32>} : memref<106x192xi32, #tpu.memory_space<vmem>>, vector<1x16xi32>,
      %get3A_190 = vector.shape_cast %get3A_189 : vector<1x16xi32> to vector<16xi32>
      %and3A_191 = arith.constant 16383 : i32
      %and3A_192 = vector.broadcast %and3A_191 : i32 to vector<16xi32>
      %and3A_193 = arith.andi %get3A_190, %and3A_192 : vector<16xi32>
      %swap3A_194 = arith.constant 16 : index
      %swap3A_195 = tpu.vector_load %arg7[%swap3A_194] {strides = array<i32>} : memref<192xi32, #tpu.memory_space<vmem>>, vector<16xi32>,
      %swap3A_196 = vector.shape_cast %swap3A_195 : vector<16xi32> to vector<16xi32>
      %swap3A_197 = vector.shape_cast %and3A_193 : vector<16xi32> to vector<16xi32>
      tpu.vector_store %arg7[%swap3A_194], %swap3A_197 {strides = array<i32>} : memref<192xi32, #tpu.memory_space<vmem>>, vector<16xi32>,
      %shift_right_logical3A_198 = arith.constant 14 : i32
      %shift_right_logical3A_199 = vector.broadcast %shift_right_logical3A_198 : i32 to vector<16xi32>
      %shift_right_logical3A_200 = arith.shrui %get3A_190, %shift_right_logical3A_199 : vector<16xi32>
      %swap3A_201 = arith.constant 16 : index
      %swap3A_202 = tpu.vector_load %arg8[%swap3A_201] {strides = array<i32>} : memref<192xi32, #tpu.memory_space<vmem>>, vector<16xi32>,
      %swap3A_203 = vector.shape_cast %swap3A_202 : vector<16xi32> to vector<16xi32>
      %swap3A_204 = vector.shape_cast %shift_right_logical3A_200 : vector<16xi32> to vector<16xi32>
      tpu.vector_store %arg8[%swap3A_201], %swap3A_204 {strides = array<i32>} : memref<192xi32, #tpu.memory_space<vmem>>, vector<16xi32>,
      %get3A_205 = arith.index_cast %mul3A_171 : i32 to index
      %get3A_206 = arith.constant 32 : index
      %get3A_207 = tpu.vector_load %arg6[%get3A_205, %get3A_206] {strides = array<i32>} : memref<106x192xi32, #tpu.memory_space<vmem>>, vector<1x16xi32>,
      %get3A_208 = vector.shape_cast %get3A_207 : vector<1x16xi32> to vector<16xi32>
      %and3A_209 = arith.constant 16383 : i32
      %and3A_210 = vector.broadcast %and3A_209 : i32 to vector<16xi32>
      %and3A_211 = arith.andi %get3A_208, %and3A_210 : vector<16xi32>
      %swap3A_212 = arith.constant 32 : index
      %swap3A_213 = tpu.vector_load %arg7[%swap3A_212] {strides = array<i32>} : memref<192xi32, #tpu.memory_space<vmem>>, vector<16xi32>,
      %swap3A_214 = vector.shape_cast %swap3A_213 : vector<16xi32> to vector<16xi32>
      %swap3A_215 = vector.shape_cast %and3A_211 : vector<16xi32> to vector<16xi32>
      tpu.vector_store %arg7[%swap3A_212], %swap3A_215 {strides = array<i32>} : memref<192xi32, #tpu.memory_space<vmem>>, vector<16xi32>,
      %shift_right_logical3A_216 = arith.constant 14 : i32
      %shift_right_logical3A_217 = vector.broadcast %shift_right_logical3A_216 : i32 to vector<16xi32>
      %shift_right_logical3A_218 = arith.shrui %get3A_208, %shift_right_logical3A_217 : vector<16xi32>
      %swap3A_219 = arith.constant 32 : index
      %swap3A_220 = tpu.vector_load %arg8[%swap3A_219] {strides = array<i32>} : memref<192xi32, #tpu.memory_space<vmem>>, vector<16xi32>,
      %swap3A_221 = vector.shape_cast %swap3A_220 : vector<16xi32> to vector<16xi32>
      %swap3A_222 = vector.shape_cast %shift_right_logical3A_218 : vector<16xi32> to vector<16xi32>
      tpu.vector_store %arg8[%swap3A_219], %swap3A_222 {strides = array<i32>} : memref<192xi32, #tpu.memory_space<vmem>>, vector<16xi32>,
      %get3A_223 = arith.index_cast %mul3A_171 : i32 to index
      %get3A_224 = arith.constant 48 : index
      %get3A_225 = tpu.vector_load %arg6[%get3A_223, %get3A_224] {strides = array<i32>} : memref<106x192xi32, #tpu.memory_space<vmem>>, vector<1x16xi32>,
      %get3A_226 = vector.shape_cast %get3A_225 : vector<1x16xi32> to vector<16xi32>
      %and3A_227 = arith.constant 16383 : i32
      %and3A_228 = vector.broadcast %and3A_227 : i32 to vector<16xi32>
      %and3A_229 = arith.andi %get3A_226, %and3A_228 : vector<16xi32>
      %swap3A_230 = arith.constant 48 : index
      %swap3A_231 = tpu.vector_load %arg7[%swap3A_230] {strides = array<i32>} : memref<192xi32, #tpu.memory_space<vmem>>, vector<16xi32>,
      %swap3A_232 = vector.shape_cast %swap3A_231 : vector<16xi32> to vector<16xi32>
      %swap3A_233 = vector.shape_cast %and3A_229 : vector<16xi32> to vector<16xi32>
      tpu.vector_store %arg7[%swap3A_230], %swap3A_233 {strides = array<i32>} : memref<192xi32, #tpu.memory_space<vmem>>, vector<16xi32>,
      %shift_right_logical3A_234 = arith.constant 14 : i32
      %shift_right_logical3A_235 = vector.broadcast %shift_right_logical3A_234 : i32 to vector<16xi32>
      %shift_right_logical3A_236 = arith.shrui %get3A_226, %shift_right_logical3A_235 : vector<16xi32>
      %swap3A_237 = arith.constant 48 : index
      %swap3A_238 = tpu.vector_load %arg8[%swap3A_237] {strides = array<i32>} : memref<192xi32, #tpu.memory_space<vmem>>, vector<16xi32>,
      %swap3A_239 = vector.shape_cast %swap3A_238 : vector<16xi32> to vector<16xi32>
      %swap3A_240 = vector.shape_cast %shift_right_logical3A_236 : vector<16xi32> to vector<16xi32>
      tpu.vector_store %arg8[%swap3A_237], %swap3A_240 {strides = array<i32>} : memref<192xi32, #tpu.memory_space<vmem>>, vector<16xi32>,
      %get3A_241 = arith.index_cast %mul3A_171 : i32 to index
      %get3A_242 = arith.constant 64 : index
      %get3A_243 = tpu.vector_load %arg6[%get3A_241, %get3A_242] {strides = array<i32>} : memref<106x192xi32, #tpu.memory_space<vmem>>, vector<1x16xi32>,
      %get3A_244 = vector.shape_cast %get3A_243 : vector<1x16xi32> to vector<16xi32>
      %and3A_245 = arith.constant 16383 : i32
      %and3A_246 = vector.broadcast %and3A_245 : i32 to vector<16xi32>
      %and3A_247 = arith.andi %get3A_244, %and3A_246 : vector<16xi32>
      %swap3A_248 = arith.constant 64 : index
      %swap3A_249 = tpu.vector_load %arg7[%swap3A_248] {strides = array<i32>} : memref<192xi32, #tpu.memory_space<vmem>>, vector<16xi32>,
      %swap3A_250 = vector.shape_cast %swap3A_249 : vector<16xi32> to vector<16xi32>
      %swap3A_251 = vector.shape_cast %and3A_247 : vector<16xi32> to vector<16xi32>
      tpu.vector_store %arg7[%swap3A_248], %swap3A_251 {strides = array<i32>} : memref<192xi32, #tpu.memory_space<vmem>>, vector<16xi32>,
      %shift_right_logical3A_252 = arith.constant 14 : i32
      %shift_right_logical3A_253 = vector.broadcast %shift_right_logical3A_252 : i32 to vector<16xi32>
      %shift_right_logical3A_254 = arith.shrui %get3A_244, %shift_right_logical3A_253 : vector<16xi32>
      %swap3A_255 = arith.constant 64 : index
      %swap3A_256 = tpu.vector_load %arg8[%swap3A_255] {strides = array<i32>} : memref<192xi32, #tpu.memory_space<vmem>>, vector<16xi32>,
      %swap3A_257 = vector.shape_cast %swap3A_256 : vector<16xi32> to vector<16xi32>
      %swap3A_258 = vector.shape_cast %shift_right_logical3A_254 : vector<16xi32> to vector<16xi32>
      tpu.vector_store %arg8[%swap3A_255], %swap3A_258 {strides = array<i32>} : memref<192xi32, #tpu.memory_space<vmem>>, vector<16xi32>,
      %get3A_259 = arith.index_cast %mul3A_171 : i32 to index
      %get3A_260 = arith.constant 80 : index
      %get3A_261 = tpu.vector_load %arg6[%get3A_259, %get3A_260] {strides = array<i32>} : memref<106x192xi32, #tpu.memory_space<vmem>>, vector<1x16xi32>,
      %get3A_262 = vector.shape_cast %get3A_261 : vector<1x16xi32> to vector<16xi32>
      %and3A_263 = arith.constant 16383 : i32
      %and3A_264 = vector.broadcast %and3A_263 : i32 to vector<16xi32>
      %and3A_265 = arith.andi %get3A_262, %and3A_264 : vector<16xi32>
      %swap3A_266 = arith.constant 80 : index
      %swap3A_267 = tpu.vector_load %arg7[%swap3A_266] {strides = array<i32>} : memref<192xi32, #tpu.memory_space<vmem>>, vector<16xi32>,
      %swap3A_268 = vector.shape_cast %swap3A_267 : vector<16xi32> to vector<16xi32>
      %swap3A_269 = vector.shape_cast %and3A_265 : vector<16xi32> to vector<16xi32>
      tpu.vector_store %arg7[%swap3A_266], %swap3A_269 {strides = array<i32>} : memref<192xi32, #tpu.memory_space<vmem>>, vector<16xi32>,
      %shift_right_logical3A_270 = arith.constant 14 : i32
      %shift_right_logical3A_271 = vector.broadcast %shift_right_logical3A_270 : i32 to vector<16xi32>
      %shift_right_logical3A_272 = arith.shrui %get3A_262, %shift_right_logical3A_271 : vector<16xi32>
      %swap3A_273 = arith.constant 80 : index
      %swap3A_274 = tpu.vector_load %arg8[%swap3A_273] {strides = array<i32>} : memref<192xi32, #tpu.memory_space<vmem>>, vector<16xi32>,
      %swap3A_275 = vector.shape_cast %swap3A_274 : vector<16xi32> to vector<16xi32>
      %swap3A_276 = vector.shape_cast %shift_right_logical3A_272 : vector<16xi32> to vector<16xi32>
      tpu.vector_store %arg8[%swap3A_273], %swap3A_276 {strides = array<i32>} : memref<192xi32, #tpu.memory_space<vmem>>, vector<16xi32>,
      %get3A_277 = arith.index_cast %mul3A_171 : i32 to index
      %get3A_278 = arith.constant 96 : index
      %get3A_279 = tpu.vector_load %arg6[%get3A_277, %get3A_278] {strides = array<i32>} : memref<106x192xi32, #tpu.memory_space<vmem>>, vector<1x16xi32>,
      %get3A_280 = vector.shape_cast %get3A_279 : vector<1x16xi32> to vector<16xi32>
      %and3A_281 = arith.constant 16383 : i32
      %and3A_282 = vector.broadcast %and3A_281 : i32 to vector<16xi32>
      %and3A_283 = arith.andi %get3A_280, %and3A_282 : vector<16xi32>
      %swap3A_284 = arith.constant 96 : index
      %swap3A_285 = tpu.vector_load %arg7[%swap3A_284] {strides = array<i32>} : memref<192xi32, #tpu.memory_space<vmem>>, vector<16xi32>,
      %swap3A_286 = vector.shape_cast %swap3A_285 : vector<16xi32> to vector<16xi32>
      %swap3A_287 = vector.shape_cast %and3A_283 : vector<16xi32> to vector<16xi32>
      tpu.vector_store %arg7[%swap3A_284], %swap3A_287 {strides = array<i32>} : memref<192xi32, #tpu.memory_space<vmem>>, vector<16xi32>,
      %shift_right_logical3A_288 = arith.constant 14 : i32
      %shift_right_logical3A_289 = vector.broadcast %shift_right_logical3A_288 : i32 to vector<16xi32>
      %shift_right_logical3A_290 = arith.shrui %get3A_280, %shift_right_logical3A_289 : vector<16xi32>
      %swap3A_291 = arith.constant 96 : index
      %swap3A_292 = tpu.vector_load %arg8[%swap3A_291] {strides = array<i32>} : memref<192xi32, #tpu.memory_space<vmem>>, vector<16xi32>,
      %swap3A_293 = vector.shape_cast %swap3A_292 : vector<16xi32> to vector<16xi32>
      %swap3A_294 = vector.shape_cast %shift_right_logical3A_290 : vector<16xi32> to vector<16xi32>
      tpu.vector_store %arg8[%swap3A_291], %swap3A_294 {strides = array<i32>} : memref<192xi32, #tpu.memory_space<vmem>>, vector<16xi32>,
      %get3A_295 = arith.index_cast %mul3A_171 : i32 to index
      %get3A_296 = arith.constant 112 : index
      %get3A_297 = tpu.vector_load %arg6[%get3A_295, %get3A_296] {strides = array<i32>} : memref<106x192xi32, #tpu.memory_space<vmem>>, vector<1x16xi32>,
      %get3A_298 = vector.shape_cast %get3A_297 : vector<1x16xi32> to vector<16xi32>
      %and3A_299 = arith.constant 16383 : i32
      %and3A_300 = vector.broadcast %and3A_299 : i32 to vector<16xi32>
      %and3A_301 = arith.andi %get3A_298, %and3A_300 : vector<16xi32>
      %swap3A_302 = arith.constant 112 : index
      %swap3A_303 = tpu.vector_load %arg7[%swap3A_302] {strides = array<i32>} : memref<192xi32, #tpu.memory_space<vmem>>, vector<16xi32>,
      %swap3A_304 = vector.shape_cast %swap3A_303 : vector<16xi32> to vector<16xi32>
      %swap3A_305 = vector.shape_cast %and3A_301 : vector<16xi32> to vector<16xi32>
      tpu.vector_store %arg7[%swap3A_302], %swap3A_305 {strides = array<i32>} : memref<192xi32, #tpu.memory_space<vmem>>, vector<16xi32>,
      %shift_right_logical3A_306 = arith.constant 14 : i32
      %shift_right_logical3A_307 = vector.broadcast %shift_right_logical3A_306 : i32 to vector<16xi32>
      %shift_right_logical3A_308 = arith.shrui %get3A_298, %shift_right_logical3A_307 : vector<16xi32>
      %swap3A_309 = arith.constant 112 : index
      %swap3A_310 = tpu.vector_load %arg8[%swap3A_309] {strides = array<i32>} : memref<192xi32, #tpu.memory_space<vmem>>, vector<16xi32>,
      %swap3A_311 = vector.shape_cast %swap3A_310 : vector<16xi32> to vector<16xi32>
      %swap3A_312 = vector.shape_cast %shift_right_logical3A_308 : vector<16xi32> to vector<16xi32>
      tpu.vector_store %arg8[%swap3A_309], %swap3A_312 {strides = array<i32>} : memref<192xi32, #tpu.memory_space<vmem>>, vector<16xi32>,
      %get3A_313 = arith.index_cast %mul3A_171 : i32 to index
      %get3A_314 = arith.constant 128 : index
      %get3A_315 = tpu.vector_load %arg6[%get3A_313, %get3A_314] {strides = array<i32>} : memref<106x192xi32, #tpu.memory_space<vmem>>, vector<1x16xi32>,
      %get3A_316 = vector.shape_cast %get3A_315 : vector<1x16xi32> to vector<16xi32>
      %and3A_317 = arith.constant 16383 : i32
      %and3A_318 = vector.broadcast %and3A_317 : i32 to vector<16xi32>
      %and3A_319 = arith.andi %get3A_316, %and3A_318 : vector<16xi32>
      %swap3A_320 = arith.constant 128 : index
      %swap3A_321 = tpu.vector_load %arg7[%swap3A_320] {strides = array<i32>} : memref<192xi32, #tpu.memory_space<vmem>>, vector<16xi32>,
      %swap3A_322 = vector.shape_cast %swap3A_321 : vector<16xi32> to vector<16xi32>
      %swap3A_323 = vector.shape_cast %and3A_319 : vector<16xi32> to vector<16xi32>
      tpu.vector_store %arg7[%swap3A_320], %swap3A_323 {strides = array<i32>} : memref<192xi32, #tpu.memory_space<vmem>>, vector<16xi32>,
      %shift_right_logical3A_324 = arith.constant 14 : i32
      %shift_right_logical3A_325 = vector.broadcast %shift_right_logical3A_324 : i32 to vector<16xi32>
      %shift_right_logical3A_326 = arith.shrui %get3A_316, %shift_right_logical3A_325 : vector<16xi32>
      %swap3A_327 = arith.constant 128 : index
      %swap3A_328 = tpu.vector_load %arg8[%swap3A_327] {strides = array<i32>} : memref<192xi32, #tpu.memory_space<vmem>>, vector<16xi32>,
      %swap3A_329 = vector.shape_cast %swap3A_328 : vector<16xi32> to vector<16xi32>
      %swap3A_330 = vector.shape_cast %shift_right_logical3A_326 : vector<16xi32> to vector<16xi32>
      tpu.vector_store %arg8[%swap3A_327], %swap3A_330 {strides = array<i32>} : memref<192xi32, #tpu.memory_space<vmem>>, vector<16xi32>,
      %get3A_331 = arith.index_cast %mul3A_171 : i32 to index
      %get3A_332 = arith.constant 144 : index
      %get3A_333 = tpu.vector_load %arg6[%get3A_331, %get3A_332] {strides = array<i32>} : memref<106x192xi32, #tpu.memory_space<vmem>>, vector<1x16xi32>,
      %get3A_334 = vector.shape_cast %get3A_333 : vector<1x16xi32> to vector<16xi32>
      %and3A_335 = arith.constant 16383 : i32
      %and3A_336 = vector.broadcast %and3A_335 : i32 to vector<16xi32>
      %and3A_337 = arith.andi %get3A_334, %and3A_336 : vector<16xi32>
      %swap3A_338 = arith.constant 144 : index
      %swap3A_339 = tpu.vector_load %arg7[%swap3A_338] {strides = array<i32>} : memref<192xi32, #tpu.memory_space<vmem>>, vector<16xi32>,
      %swap3A_340 = vector.shape_cast %swap3A_339 : vector<16xi32> to vector<16xi32>
      %swap3A_341 = vector.shape_cast %and3A_337 : vector<16xi32> to vector<16xi32>
      tpu.vector_store %arg7[%swap3A_338], %swap3A_341 {strides = array<i32>} : memref<192xi32, #tpu.memory_space<vmem>>, vector<16xi32>,
      %shift_right_logical3A_342 = arith.constant 14 : i32
      %shift_right_logical3A_343 = vector.broadcast %shift_right_logical3A_342 : i32 to vector<16xi32>
      %shift_right_logical3A_344 = arith.shrui %get3A_334, %shift_right_logical3A_343 : vector<16xi32>
      %swap3A_345 = arith.constant 144 : index
      %swap3A_346 = tpu.vector_load %arg8[%swap3A_345] {strides = array<i32>} : memref<192xi32, #tpu.memory_space<vmem>>, vector<16xi32>,
      %swap3A_347 = vector.shape_cast %swap3A_346 : vector<16xi32> to vector<16xi32>
      %swap3A_348 = vector.shape_cast %shift_right_logical3A_344 : vector<16xi32> to vector<16xi32>
      tpu.vector_store %arg8[%swap3A_345], %swap3A_348 {strides = array<i32>} : memref<192xi32, #tpu.memory_space<vmem>>, vector<16xi32>,
      %get3A_349 = arith.index_cast %mul3A_171 : i32 to index
      %get3A_350 = arith.constant 160 : index
      %get3A_351 = tpu.vector_load %arg6[%get3A_349, %get3A_350] {strides = array<i32>} : memref<106x192xi32, #tpu.memory_space<vmem>>, vector<1x16xi32>,
      %get3A_352 = vector.shape_cast %get3A_351 : vector<1x16xi32> to vector<16xi32>
      %and3A_353 = arith.constant 16383 : i32
      %and3A_354 = vector.broadcast %and3A_353 : i32 to vector<16xi32>
      %and3A_355 = arith.andi %get3A_352, %and3A_354 : vector<16xi32>
      %swap3A_356 = arith.constant 160 : index
      %swap3A_357 = tpu.vector_load %arg7[%swap3A_356] {strides = array<i32>} : memref<192xi32, #tpu.memory_space<vmem>>, vector<16xi32>,
      %swap3A_358 = vector.shape_cast %swap3A_357 : vector<16xi32> to vector<16xi32>
      %swap3A_359 = vector.shape_cast %and3A_355 : vector<16xi32> to vector<16xi32>
      tpu.vector_store %arg7[%swap3A_356], %swap3A_359 {strides = array<i32>} : memref<192xi32, #tpu.memory_space<vmem>>, vector<16xi32>,
      %shift_right_logical3A_360 = arith.constant 14 : i32
      %shift_right_logical3A_361 = vector.broadcast %shift_right_logical3A_360 : i32 to vector<16xi32>
      %shift_right_logical3A_362 = arith.shrui %get3A_352, %shift_right_logical3A_361 : vector<16xi32>
      %swap3A_363 = arith.constant 160 : index
      %swap3A_364 = tpu.vector_load %arg8[%swap3A_363] {strides = array<i32>} : memref<192xi32, #tpu.memory_space<vmem>>, vector<16xi32>,
      %swap3A_365 = vector.shape_cast %swap3A_364 : vector<16xi32> to vector<16xi32>
      %swap3A_366 = vector.shape_cast %shift_right_logical3A_362 : vector<16xi32> to vector<16xi32>
      tpu.vector_store %arg8[%swap3A_363], %swap3A_366 {strides = array<i32>} : memref<192xi32, #tpu.memory_space<vmem>>, vector<16xi32>,
      %get3A_367 = arith.index_cast %mul3A_171 : i32 to index
      %get3A_368 = arith.constant 176 : index
      %get3A_369 = tpu.vector_load %arg6[%get3A_367, %get3A_368] {strides = array<i32>} : memref<106x192xi32, #tpu.memory_space<vmem>>, vector<1x16xi32>,
      %get3A_370 = vector.shape_cast %get3A_369 : vector<1x16xi32> to vector<16xi32>
      %and3A_371 = arith.constant 16383 : i32
      %and3A_372 = vector.broadcast %and3A_371 : i32 to vector<16xi32>
      %and3A_373 = arith.andi %get3A_370, %and3A_372 : vector<16xi32>
      %swap3A_374 = arith.constant 176 : index
      %swap3A_375 = tpu.vector_load %arg7[%swap3A_374] {strides = array<i32>} : memref<192xi32, #tpu.memory_space<vmem>>, vector<16xi32>,
      %swap3A_376 = vector.shape_cast %swap3A_375 : vector<16xi32> to vector<16xi32>
      %swap3A_377 = vector.shape_cast %and3A_373 : vector<16xi32> to vector<16xi32>
      tpu.vector_store %arg7[%swap3A_374], %swap3A_377 {strides = array<i32>} : memref<192xi32, #tpu.memory_space<vmem>>, vector<16xi32>,
      %shift_right_logical3A_378 = arith.constant 14 : i32
      %shift_right_logical3A_379 = vector.broadcast %shift_right_logical3A_378 : i32 to vector<16xi32>
      %shift_right_logical3A_380 = arith.shrui %get3A_370, %shift_right_logical3A_379 : vector<16xi32>
      %swap3A_381 = arith.constant 176 : index
      %swap3A_382 = tpu.vector_load %arg8[%swap3A_381] {strides = array<i32>} : memref<192xi32, #tpu.memory_space<vmem>>, vector<16xi32>,
      %swap3A_383 = vector.shape_cast %swap3A_382 : vector<16xi32> to vector<16xi32>
      %swap3A_384 = vector.shape_cast %shift_right_logical3A_380 : vector<16xi32> to vector<16xi32>
      tpu.vector_store %arg8[%swap3A_381], %swap3A_384 {strides = array<i32>} : memref<192xi32, #tpu.memory_space<vmem>>, vector<16xi32>,
      %dma_start3A_385 = arith.constant 0 : i32
      %dma_start3A_386 = arith.constant 0 : i32
      %dma_start3A_387 = tpu.memref_slice %arg14[%dma_start3A_385, %dma_start3A_386] : memref<10240x64xf32, #tpu.memory_space<vmem_shared>> -> memref<10240x64xf32, #tpu.memory_space<vmem_shared>>
      tpu.enqueue_indirect_dma source(%dma_start3A_387 : memref<10240x64xf32, #tpu.memory_space<vmem_shared>>) target(%arg11 : memref<192x64xf32, #tpu.memory_space<vmem>>) offsets(%arg7 : memref<192xi32, #tpu.memory_space<vmem>>) semaphore(%arg15 : memref<!tpu.dma_semaphore, #tpu.memory_space<semaphore_mem>>)
      %get3A_388 = arith.index_cast %add3A_172 : i32 to index
      %get3A_389 = arith.constant 0 : index
      %get3A_390 = tpu.vector_load %arg6[%get3A_388, %get3A_389] {strides = array<i32>} : memref<106x192xi32, #tpu.memory_space<vmem>>, vector<1x16xi32>,
      %get3A_391 = vector.shape_cast %get3A_390 : vector<1x16xi32> to vector<16xi32>
      %and3A_392 = arith.constant 16383 : i32
      %and3A_393 = vector.broadcast %and3A_392 : i32 to vector<16xi32>
      %and3A_394 = arith.andi %get3A_391, %and3A_393 : vector<16xi32>
      %swap3A_395 = arith.constant 0 : index
      %swap3A_396 = tpu.vector_load %arg9[%swap3A_395] {strides = array<i32>} : memref<192xi32, #tpu.memory_space<vmem>>, vector<16xi32>,
      %swap3A_397 = vector.shape_cast %swap3A_396 : vector<16xi32> to vector<16xi32>
      %swap3A_398 = vector.shape_cast %and3A_394 : vector<16xi32> to vector<16xi32>
      tpu.vector_store %arg9[%swap3A_395], %swap3A_398 {strides = array<i32>} : memref<192xi32, #tpu.memory_space<vmem>>, vector<16xi32>,
      %shift_right_logical3A_399 = arith.constant 14 : i32
      %shift_right_logical3A_400 = vector.broadcast %shift_right_logical3A_399 : i32 to vector<16xi32>
      %shift_right_logical3A_401 = arith.shrui %get3A_391, %shift_right_logical3A_400 : vector<16xi32>
      %swap3A_402 = arith.constant 0 : index
      %swap3A_403 = tpu.vector_load %arg10[%swap3A_402] {strides = array<i32>} : memref<192xi32, #tpu.memory_space<vmem>>, vector<16xi32>,
      %swap3A_404 = vector.shape_cast %swap3A_403 : vector<16xi32> to vector<16xi32>
      %swap3A_405 = vector.shape_cast %shift_right_logical3A_401 : vector<16xi32> to vector<16xi32>
      tpu.vector_store %arg10[%swap3A_402], %swap3A_405 {strides = array<i32>} : memref<192xi32, #tpu.memory_space<vmem>>, vector<16xi32>,
      %get3A_406 = arith.index_cast %add3A_172 : i32 to index
      %get3A_407 = arith.constant 16 : index
      %get3A_408 = tpu.vector_load %arg6[%get3A_406, %get3A_407] {strides = array<i32>} : memref<106x192xi32, #tpu.memory_space<vmem>>, vector<1x16xi32>,
      %get3A_409 = vector.shape_cast %get3A_408 : vector<1x16xi32> to vector<16xi32>
      %and3A_410 = arith.constant 16383 : i32
      %and3A_411 = vector.broadcast %and3A_410 : i32 to vector<16xi32>
      %and3A_412 = arith.andi %get3A_409, %and3A_411 : vector<16xi32>
      %swap3A_413 = arith.constant 16 : index
      %swap3A_414 = tpu.vector_load %arg9[%swap3A_413] {strides = array<i32>} : memref<192xi32, #tpu.memory_space<vmem>>, vector<16xi32>,
      %swap3A_415 = vector.shape_cast %swap3A_414 : vector<16xi32> to vector<16xi32>
      %swap3A_416 = vector.shape_cast %and3A_412 : vector<16xi32> to vector<16xi32>
      tpu.vector_store %arg9[%swap3A_413], %swap3A_416 {strides = array<i32>} : memref<192xi32, #tpu.memory_space<vmem>>, vector<16xi32>,
      %shift_right_logical3A_417 = arith.constant 14 : i32
      %shift_right_logical3A_418 = vector.broadcast %shift_right_logical3A_417 : i32 to vector<16xi32>
      %shift_right_logical3A_419 = arith.shrui %get3A_409, %shift_right_logical3A_418 : vector<16xi32>
      %swap3A_420 = arith.constant 16 : index
      %swap3A_421 = tpu.vector_load %arg10[%swap3A_420] {strides = array<i32>} : memref<192xi32, #tpu.memory_space<vmem>>, vector<16xi32>,
      %swap3A_422 = vector.shape_cast %swap3A_421 : vector<16xi32> to vector<16xi32>
      %swap3A_423 = vector.shape_cast %shift_right_logical3A_419 : vector<16xi32> to vector<16xi32>
      tpu.vector_store %arg10[%swap3A_420], %swap3A_423 {strides = array<i32>} : memref<192xi32, #tpu.memory_space<vmem>>, vector<16xi32>,
      %get3A_424 = arith.index_cast %add3A_172 : i32 to index
      %get3A_425 = arith.constant 32 : index
      %get3A_426 = tpu.vector_load %arg6[%get3A_424, %get3A_425] {strides = array<i32>} : memref<106x192xi32, #tpu.memory_space<vmem>>, vector<1x16xi32>,
      %get3A_427 = vector.shape_cast %get3A_426 : vector<1x16xi32> to vector<16xi32>
      %and3A_428 = arith.constant 16383 : i32
      %and3A_429 = vector.broadcast %and3A_428 : i32 to vector<16xi32>
      %and3A_430 = arith.andi %get3A_427, %and3A_429 : vector<16xi32>
      %swap3A_431 = arith.constant 32 : index
      %swap3A_432 = tpu.vector_load %arg9[%swap3A_431] {strides = array<i32>} : memref<192xi32, #tpu.memory_space<vmem>>, vector<16xi32>,
      %swap3A_433 = vector.shape_cast %swap3A_432 : vector<16xi32> to vector<16xi32>
      %swap3A_434 = vector.shape_cast %and3A_430 : vector<16xi32> to vector<16xi32>
      tpu.vector_store %arg9[%swap3A_431], %swap3A_434 {strides = array<i32>} : memref<192xi32, #tpu.memory_space<vmem>>, vector<16xi32>,
      %shift_right_logical3A_435 = arith.constant 14 : i32
      %shift_right_logical3A_436 = vector.broadcast %shift_right_logical3A_435 : i32 to vector<16xi32>
      %shift_right_logical3A_437 = arith.shrui %get3A_427, %shift_right_logical3A_436 : vector<16xi32>
      %swap3A_438 = arith.constant 32 : index
      %swap3A_439 = tpu.vector_load %arg10[%swap3A_438] {strides = array<i32>} : memref<192xi32, #tpu.memory_space<vmem>>, vector<16xi32>,
      %swap3A_440 = vector.shape_cast %swap3A_439 : vector<16xi32> to vector<16xi32>
      %swap3A_441 = vector.shape_cast %shift_right_logical3A_437 : vector<16xi32> to vector<16xi32>
      tpu.vector_store %arg10[%swap3A_438], %swap3A_441 {strides = array<i32>} : memref<192xi32, #tpu.memory_space<vmem>>, vector<16xi32>,
      %get3A_442 = arith.index_cast %add3A_172 : i32 to index
      %get3A_443 = arith.constant 48 : index
      %get3A_444 = tpu.vector_load %arg6[%get3A_442, %get3A_443] {strides = array<i32>} : memref<106x192xi32, #tpu.memory_space<vmem>>, vector<1x16xi32>,
      %get3A_445 = vector.shape_cast %get3A_444 : vector<1x16xi32> to vector<16xi32>
      %and3A_446 = arith.constant 16383 : i32
      %and3A_447 = vector.broadcast %and3A_446 : i32 to vector<16xi32>
      %and3A_448 = arith.andi %get3A_445, %and3A_447 : vector<16xi32>
      %swap3A_449 = arith.constant 48 : index
      %swap3A_450 = tpu.vector_load %arg9[%swap3A_449] {strides = array<i32>} : memref<192xi32, #tpu.memory_space<vmem>>, vector<16xi32>,
      %swap3A_451 = vector.shape_cast %swap3A_450 : vector<16xi32> to vector<16xi32>
      %swap3A_452 = vector.shape_cast %and3A_448 : vector<16xi32> to vector<16xi32>
      tpu.vector_store %arg9[%swap3A_449], %swap3A_452 {strides = array<i32>} : memref<192xi32, #tpu.memory_space<vmem>>, vector<16xi32>,
      %shift_right_logical3A_453 = arith.constant 14 : i32
      %shift_right_logical3A_454 = vector.broadcast %shift_right_logical3A_453 : i32 to vector<16xi32>
      %shift_right_logical3A_455 = arith.shrui %get3A_445, %shift_right_logical3A_454 : vector<16xi32>
      %swap3A_456 = arith.constant 48 : index
      %swap3A_457 = tpu.vector_load %arg10[%swap3A_456] {strides = array<i32>} : memref<192xi32, #tpu.memory_space<vmem>>, vector<16xi32>,
      %swap3A_458 = vector.shape_cast %swap3A_457 : vector<16xi32> to vector<16xi32>
      %swap3A_459 = vector.shape_cast %shift_right_logical3A_455 : vector<16xi32> to vector<16xi32>
      tpu.vector_store %arg10[%swap3A_456], %swap3A_459 {strides = array<i32>} : memref<192xi32, #tpu.memory_space<vmem>>, vector<16xi32>,
      %get3A_460 = arith.index_cast %add3A_172 : i32 to index
      %get3A_461 = arith.constant 64 : index
      %get3A_462 = tpu.vector_load %arg6[%get3A_460, %get3A_461] {strides = array<i32>} : memref<106x192xi32, #tpu.memory_space<vmem>>, vector<1x16xi32>,
      %get3A_463 = vector.shape_cast %get3A_462 : vector<1x16xi32> to vector<16xi32>
      %and3A_464 = arith.constant 16383 : i32
      %and3A_465 = vector.broadcast %and3A_464 : i32 to vector<16xi32>
      %and3A_466 = arith.andi %get3A_463, %and3A_465 : vector<16xi32>
      %swap3A_467 = arith.constant 64 : index
      %swap3A_468 = tpu.vector_load %arg9[%swap3A_467] {strides = array<i32>} : memref<192xi32, #tpu.memory_space<vmem>>, vector<16xi32>,
      %swap3A_469 = vector.shape_cast %swap3A_468 : vector<16xi32> to vector<16xi32>
      %swap3A_470 = vector.shape_cast %and3A_466 : vector<16xi32> to vector<16xi32>
      tpu.vector_store %arg9[%swap3A_467], %swap3A_470 {strides = array<i32>} : memref<192xi32, #tpu.memory_space<vmem>>, vector<16xi32>,
      %shift_right_logical3A_471 = arith.constant 14 : i32
      %shift_right_logical3A_472 = vector.broadcast %shift_right_logical3A_471 : i32 to vector<16xi32>
      %shift_right_logical3A_473 = arith.shrui %get3A_463, %shift_right_logical3A_472 : vector<16xi32>
      %swap3A_474 = arith.constant 64 : index
      %swap3A_475 = tpu.vector_load %arg10[%swap3A_474] {strides = array<i32>} : memref<192xi32, #tpu.memory_space<vmem>>, vector<16xi32>,
      %swap3A_476 = vector.shape_cast %swap3A_475 : vector<16xi32> to vector<16xi32>
      %swap3A_477 = vector.shape_cast %shift_right_logical3A_473 : vector<16xi32> to vector<16xi32>
      tpu.vector_store %arg10[%swap3A_474], %swap3A_477 {strides = array<i32>} : memref<192xi32, #tpu.memory_space<vmem>>, vector<16xi32>,
      %get3A_478 = arith.index_cast %add3A_172 : i32 to index
      %get3A_479 = arith.constant 80 : index
      %get3A_480 = tpu.vector_load %arg6[%get3A_478, %get3A_479] {strides = array<i32>} : memref<106x192xi32, #tpu.memory_space<vmem>>, vector<1x16xi32>,
      %get3A_481 = vector.shape_cast %get3A_480 : vector<1x16xi32> to vector<16xi32>
      %and3A_482 = arith.constant 16383 : i32
      %and3A_483 = vector.broadcast %and3A_482 : i32 to vector<16xi32>
      %and3A_484 = arith.andi %get3A_481, %and3A_483 : vector<16xi32>
      %swap3A_485 = arith.constant 80 : index
      %swap3A_486 = tpu.vector_load %arg9[%swap3A_485] {strides = array<i32>} : memref<192xi32, #tpu.memory_space<vmem>>, vector<16xi32>,
      %swap3A_487 = vector.shape_cast %swap3A_486 : vector<16xi32> to vector<16xi32>
      %swap3A_488 = vector.shape_cast %and3A_484 : vector<16xi32> to vector<16xi32>
      tpu.vector_store %arg9[%swap3A_485], %swap3A_488 {strides = array<i32>} : memref<192xi32, #tpu.memory_space<vmem>>, vector<16xi32>,
      %shift_right_logical3A_489 = arith.constant 14 : i32
      %shift_right_logical3A_490 = vector.broadcast %shift_right_logical3A_489 : i32 to vector<16xi32>
      %shift_right_logical3A_491 = arith.shrui %get3A_481, %shift_right_logical3A_490 : vector<16xi32>
      %swap3A_492 = arith.constant 80 : index
      %swap3A_493 = tpu.vector_load %arg10[%swap3A_492] {strides = array<i32>} : memref<192xi32, #tpu.memory_space<vmem>>, vector<16xi32>,
      %swap3A_494 = vector.shape_cast %swap3A_493 : vector<16xi32> to vector<16xi32>
      %swap3A_495 = vector.shape_cast %shift_right_logical3A_491 : vector<16xi32> to vector<16xi32>
      tpu.vector_store %arg10[%swap3A_492], %swap3A_495 {strides = array<i32>} : memref<192xi32, #tpu.memory_space<vmem>>, vector<16xi32>,
      %get3A_496 = arith.index_cast %add3A_172 : i32 to index
      %get3A_497 = arith.constant 96 : index
      %get3A_498 = tpu.vector_load %arg6[%get3A_496, %get3A_497] {strides = array<i32>} : memref<106x192xi32, #tpu.memory_space<vmem>>, vector<1x16xi32>,
      %get3A_499 = vector.shape_cast %get3A_498 : vector<1x16xi32> to vector<16xi32>
      %and3A_500 = arith.constant 16383 : i32
      %and3A_501 = vector.broadcast %and3A_500 : i32 to vector<16xi32>
      %and3A_502 = arith.andi %get3A_499, %and3A_501 : vector<16xi32>
      %swap3A_503 = arith.constant 96 : index
      %swap3A_504 = tpu.vector_load %arg9[%swap3A_503] {strides = array<i32>} : memref<192xi32, #tpu.memory_space<vmem>>, vector<16xi32>,
      %swap3A_505 = vector.shape_cast %swap3A_504 : vector<16xi32> to vector<16xi32>
      %swap3A_506 = vector.shape_cast %and3A_502 : vector<16xi32> to vector<16xi32>
      tpu.vector_store %arg9[%swap3A_503], %swap3A_506 {strides = array<i32>} : memref<192xi32, #tpu.memory_space<vmem>>, vector<16xi32>,
      %shift_right_logical3A_507 = arith.constant 14 : i32
      %shift_right_logical3A_508 = vector.broadcast %shift_right_logical3A_507 : i32 to vector<16xi32>
      %shift_right_logical3A_509 = arith.shrui %get3A_499, %shift_right_logical3A_508 : vector<16xi32>
      %swap3A_510 = arith.constant 96 : index
      %swap3A_511 = tpu.vector_load %arg10[%swap3A_510] {strides = array<i32>} : memref<192xi32, #tpu.memory_space<vmem>>, vector<16xi32>,
      %swap3A_512 = vector.shape_cast %swap3A_511 : vector<16xi32> to vector<16xi32>
      %swap3A_513 = vector.shape_cast %shift_right_logical3A_509 : vector<16xi32> to vector<16xi32>
      tpu.vector_store %arg10[%swap3A_510], %swap3A_513 {strides = array<i32>} : memref<192xi32, #tpu.memory_space<vmem>>, vector<16xi32>,
      %get3A_514 = arith.index_cast %add3A_172 : i32 to index
      %get3A_515 = arith.constant 112 : index
      %get3A_516 = tpu.vector_load %arg6[%get3A_514, %get3A_515] {strides = array<i32>} : memref<106x192xi32, #tpu.memory_space<vmem>>, vector<1x16xi32>,
      %get3A_517 = vector.shape_cast %get3A_516 : vector<1x16xi32> to vector<16xi32>
      %and3A_518 = arith.constant 16383 : i32
      %and3A_519 = vector.broadcast %and3A_518 : i32 to vector<16xi32>
      %and3A_520 = arith.andi %get3A_517, %and3A_519 : vector<16xi32>
      %swap3A_521 = arith.constant 112 : index
      %swap3A_522 = tpu.vector_load %arg9[%swap3A_521] {strides = array<i32>} : memref<192xi32, #tpu.memory_space<vmem>>, vector<16xi32>,
      %swap3A_523 = vector.shape_cast %swap3A_522 : vector<16xi32> to vector<16xi32>
      %swap3A_524 = vector.shape_cast %and3A_520 : vector<16xi32> to vector<16xi32>
      tpu.vector_store %arg9[%swap3A_521], %swap3A_524 {strides = array<i32>} : memref<192xi32, #tpu.memory_space<vmem>>, vector<16xi32>,
      %shift_right_logical3A_525 = arith.constant 14 : i32
      %shift_right_logical3A_526 = vector.broadcast %shift_right_logical3A_525 : i32 to vector<16xi32>
      %shift_right_logical3A_527 = arith.shrui %get3A_517, %shift_right_logical3A_526 : vector<16xi32>
      %swap3A_528 = arith.constant 112 : index
      %swap3A_529 = tpu.vector_load %arg10[%swap3A_528] {strides = array<i32>} : memref<192xi32, #tpu.memory_space<vmem>>, vector<16xi32>,
      %swap3A_530 = vector.shape_cast %swap3A_529 : vector<16xi32> to vector<16xi32>
      %swap3A_531 = vector.shape_cast %shift_right_logical3A_527 : vector<16xi32> to vector<16xi32>
      tpu.vector_store %arg10[%swap3A_528], %swap3A_531 {strides = array<i32>} : memref<192xi32, #tpu.memory_space<vmem>>, vector<16xi32>,
      %get3A_532 = arith.index_cast %add3A_172 : i32 to index
      %get3A_533 = arith.constant 128 : index
      %get3A_534 = tpu.vector_load %arg6[%get3A_532, %get3A_533] {strides = array<i32>} : memref<106x192xi32, #tpu.memory_space<vmem>>, vector<1x16xi32>,
      %get3A_535 = vector.shape_cast %get3A_534 : vector<1x16xi32> to vector<16xi32>
      %and3A_536 = arith.constant 16383 : i32
      %and3A_537 = vector.broadcast %and3A_536 : i32 to vector<16xi32>
      %and3A_538 = arith.andi %get3A_535, %and3A_537 : vector<16xi32>
      %swap3A_539 = arith.constant 128 : index
      %swap3A_540 = tpu.vector_load %arg9[%swap3A_539] {strides = array<i32>} : memref<192xi32, #tpu.memory_space<vmem>>, vector<16xi32>,
      %swap3A_541 = vector.shape_cast %swap3A_540 : vector<16xi32> to vector<16xi32>
      %swap3A_542 = vector.shape_cast %and3A_538 : vector<16xi32> to vector<16xi32>
      tpu.vector_store %arg9[%swap3A_539], %swap3A_542 {strides = array<i32>} : memref<192xi32, #tpu.memory_space<vmem>>, vector<16xi32>,
      %shift_right_logical3A_543 = arith.constant 14 : i32
      %shift_right_logical3A_544 = vector.broadcast %shift_right_logical3A_543 : i32 to vector<16xi32>
      %shift_right_logical3A_545 = arith.shrui %get3A_535, %shift_right_logical3A_544 : vector<16xi32>
      %swap3A_546 = arith.constant 128 : index
      %swap3A_547 = tpu.vector_load %arg10[%swap3A_546] {strides = array<i32>} : memref<192xi32, #tpu.memory_space<vmem>>, vector<16xi32>,
      %swap3A_548 = vector.shape_cast %swap3A_547 : vector<16xi32> to vector<16xi32>
      %swap3A_549 = vector.shape_cast %shift_right_logical3A_545 : vector<16xi32> to vector<16xi32>
      tpu.vector_store %arg10[%swap3A_546], %swap3A_549 {strides = array<i32>} : memref<192xi32, #tpu.memory_space<vmem>>, vector<16xi32>,
      %get3A_550 = arith.index_cast %add3A_172 : i32 to index
      %get3A_551 = arith.constant 144 : index
      %get3A_552 = tpu.vector_load %arg6[%get3A_550, %get3A_551] {strides = array<i32>} : memref<106x192xi32, #tpu.memory_space<vmem>>, vector<1x16xi32>,
      %get3A_553 = vector.shape_cast %get3A_552 : vector<1x16xi32> to vector<16xi32>
      %and3A_554 = arith.constant 16383 : i32
      %and3A_555 = vector.broadcast %and3A_554 : i32 to vector<16xi32>
      %and3A_556 = arith.andi %get3A_553, %and3A_555 : vector<16xi32>
      %swap3A_557 = arith.constant 144 : index
      %swap3A_558 = tpu.vector_load %arg9[%swap3A_557] {strides = array<i32>} : memref<192xi32, #tpu.memory_space<vmem>>, vector<16xi32>,
      %swap3A_559 = vector.shape_cast %swap3A_558 : vector<16xi32> to vector<16xi32>
      %swap3A_560 = vector.shape_cast %and3A_556 : vector<16xi32> to vector<16xi32>
      tpu.vector_store %arg9[%swap3A_557], %swap3A_560 {strides = array<i32>} : memref<192xi32, #tpu.memory_space<vmem>>, vector<16xi32>,
      %shift_right_logical3A_561 = arith.constant 14 : i32
      %shift_right_logical3A_562 = vector.broadcast %shift_right_logical3A_561 : i32 to vector<16xi32>
      %shift_right_logical3A_563 = arith.shrui %get3A_553, %shift_right_logical3A_562 : vector<16xi32>
      %swap3A_564 = arith.constant 144 : index
      %swap3A_565 = tpu.vector_load %arg10[%swap3A_564] {strides = array<i32>} : memref<192xi32, #tpu.memory_space<vmem>>, vector<16xi32>,
      %swap3A_566 = vector.shape_cast %swap3A_565 : vector<16xi32> to vector<16xi32>
      %swap3A_567 = vector.shape_cast %shift_right_logical3A_563 : vector<16xi32> to vector<16xi32>
      tpu.vector_store %arg10[%swap3A_564], %swap3A_567 {strides = array<i32>} : memref<192xi32, #tpu.memory_space<vmem>>, vector<16xi32>,
      %get3A_568 = arith.index_cast %add3A_172 : i32 to index
      %get3A_569 = arith.constant 160 : index
      %get3A_570 = tpu.vector_load %arg6[%get3A_568, %get3A_569] {strides = array<i32>} : memref<106x192xi32, #tpu.memory_space<vmem>>, vector<1x16xi32>,
      %get3A_571 = vector.shape_cast %get3A_570 : vector<1x16xi32> to vector<16xi32>
      %and3A_572 = arith.constant 16383 : i32
      %and3A_573 = vector.broadcast %and3A_572 : i32 to vector<16xi32>
      %and3A_574 = arith.andi %get3A_571, %and3A_573 : vector<16xi32>
      %swap3A_575 = arith.constant 160 : index
      %swap3A_576 = tpu.vector_load %arg9[%swap3A_575] {strides = array<i32>} : memref<192xi32, #tpu.memory_space<vmem>>, vector<16xi32>,
      %swap3A_577 = vector.shape_cast %swap3A_576 : vector<16xi32> to vector<16xi32>
      %swap3A_578 = vector.shape_cast %and3A_574 : vector<16xi32> to vector<16xi32>
      tpu.vector_store %arg9[%swap3A_575], %swap3A_578 {strides = array<i32>} : memref<192xi32, #tpu.memory_space<vmem>>, vector<16xi32>,
      %shift_right_logical3A_579 = arith.constant 14 : i32
      %shift_right_logical3A_580 = vector.broadcast %shift_right_logical3A_579 : i32 to vector<16xi32>
      %shift_right_logical3A_581 = arith.shrui %get3A_571, %shift_right_logical3A_580 : vector<16xi32>
      %swap3A_582 = arith.constant 160 : index
      %swap3A_583 = tpu.vector_load %arg10[%swap3A_582] {strides = array<i32>} : memref<192xi32, #tpu.memory_space<vmem>>, vector<16xi32>,
      %swap3A_584 = vector.shape_cast %swap3A_583 : vector<16xi32> to vector<16xi32>
      %swap3A_585 = vector.shape_cast %shift_right_logical3A_581 : vector<16xi32> to vector<16xi32>
      tpu.vector_store %arg10[%swap3A_582], %swap3A_585 {strides = array<i32>} : memref<192xi32, #tpu.memory_space<vmem>>, vector<16xi32>,
      %get3A_586 = arith.index_cast %add3A_172 : i32 to index
      %get3A_587 = arith.constant 176 : index
      %get3A_588 = tpu.vector_load %arg6[%get3A_586, %get3A_587] {strides = array<i32>} : memref<106x192xi32, #tpu.memory_space<vmem>>, vector<1x16xi32>,
      %get3A_589 = vector.shape_cast %get3A_588 : vector<1x16xi32> to vector<16xi32>
      %and3A_590 = arith.constant 16383 : i32
      %and3A_591 = vector.broadcast %and3A_590 : i32 to vector<16xi32>
      %and3A_592 = arith.andi %get3A_589, %and3A_591 : vector<16xi32>
      %swap3A_593 = arith.constant 176 : index
      %swap3A_594 = tpu.vector_load %arg9[%swap3A_593] {strides = array<i32>} : memref<192xi32, #tpu.memory_space<vmem>>, vector<16xi32>,
      %swap3A_595 = vector.shape_cast %swap3A_594 : vector<16xi32> to vector<16xi32>
      %swap3A_596 = vector.shape_cast %and3A_592 : vector<16xi32> to vector<16xi32>
      tpu.vector_store %arg9[%swap3A_593], %swap3A_596 {strides = array<i32>} : memref<192xi32, #tpu.memory_space<vmem>>, vector<16xi32>,
      %shift_right_logical3A_597 = arith.constant 14 : i32
      %shift_right_logical3A_598 = vector.broadcast %shift_right_logical3A_597 : i32 to vector<16xi32>
      %shift_right_logical3A_599 = arith.shrui %get3A_589, %shift_right_logical3A_598 : vector<16xi32>
      %swap3A_600 = arith.constant 176 : index
      %swap3A_601 = tpu.vector_load %arg10[%swap3A_600] {strides = array<i32>} : memref<192xi32, #tpu.memory_space<vmem>>, vector<16xi32>,
      %swap3A_602 = vector.shape_cast %swap3A_601 : vector<16xi32> to vector<16xi32>
      %swap3A_603 = vector.shape_cast %shift_right_logical3A_599 : vector<16xi32> to vector<16xi32>
      tpu.vector_store %arg10[%swap3A_600], %swap3A_603 {strides = array<i32>} : memref<192xi32, #tpu.memory_space<vmem>>, vector<16xi32>,
      %dma_start3A_604 = arith.constant 0 : i32
      %dma_start3A_605 = arith.constant 0 : i32
      %dma_start3A_606 = tpu.memref_slice %arg14[%dma_start3A_604, %dma_start3A_605] : memref<10240x64xf32, #tpu.memory_space<vmem_shared>> -> memref<10240x64xf32, #tpu.memory_space<vmem_shared>>
      tpu.enqueue_indirect_dma source(%dma_start3A_606 : memref<10240x64xf32, #tpu.memory_space<vmem_shared>>) target(%arg12 : memref<192x64xf32, #tpu.memory_space<vmem>>) offsets(%arg9 : memref<192xi32, #tpu.memory_space<vmem>>) semaphore(%arg16 : memref<!tpu.dma_semaphore, #tpu.memory_space<semaphore_mem>>)
      %dma_wait3A_607 = arith.constant 0 : i32
      %dma_wait3A_608 = arith.constant 0 : i32
      %dma_wait3A_609 = tpu.memref_slice %arg14[%dma_wait3A_607, %dma_wait3A_608] : memref<10240x64xf32, #tpu.memory_space<vmem_shared>> -> memref<10240x64xf32, #tpu.memory_space<vmem_shared>>
      tpu.wait_indirect_dma semaphore(%arg15 : memref<!tpu.dma_semaphore, #tpu.memory_space<semaphore_mem>>) src(%dma_wait3A_609 : memref<10240x64xf32, #tpu.memory_space<vmem_shared>>) dst(%arg11 : memref<192x64xf32, #tpu.memory_space<vmem>>)
      %dma_start3A_610 = arith.constant 0 : i32
      %dma_start3A_611 = arith.constant 0 : i32
      %dma_start3A_612 = tpu.memref_slice %arg13[%dma_start3A_610, %dma_start3A_611] : memref<10240x64xf32, #tpu.memory_space<vmem_shared>> -> memref<10240x64xf32, #tpu.memory_space<vmem_shared>>
      tpu.enqueue_indirect_dma source(%arg11 : memref<192x64xf32, #tpu.memory_space<vmem>>) target(%dma_start3A_612 : memref<10240x64xf32, #tpu.memory_space<vmem_shared>>) offsets(%arg8 : memref<192xi32, #tpu.memory_space<vmem>>) semaphore(%arg18 : memref<!tpu.dma_semaphore, #tpu.memory_space<semaphore_mem>>) {add = true}
      %dma_wait3A_613 = arith.constant 0 : i32
      %dma_wait3A_614 = arith.constant 0 : i32
      %dma_wait3A_615 = tpu.memref_slice %arg14[%dma_wait3A_613, %dma_wait3A_614] : memref<10240x64xf32, #tpu.memory_space<vmem_shared>> -> memref<10240x64xf32, #tpu.memory_space<vmem_shared>>
      tpu.wait_indirect_dma semaphore(%arg16 : memref<!tpu.dma_semaphore, #tpu.memory_space<semaphore_mem>>) src(%dma_wait3A_615 : memref<10240x64xf32, #tpu.memory_space<vmem_shared>>) dst(%arg12 : memref<192x64xf32, #tpu.memory_space<vmem>>)
      "tpu.region"() ({
        %run_scoped3A_620 = tpu.sem_alloc : memref<!tpu.dma_semaphore, #tpu.memory_space<semaphore_mem>>
        %dma_start3A_621 = arith.constant 0 : i32
        %dma_start3A_622 = arith.constant 0 : i32
        %dma_start3A_623 = tpu.memref_slice %arg13[%dma_start3A_621, %dma_start3A_622] : memref<10240x64xf32, #tpu.memory_space<vmem_shared>> -> memref<10240x64xf32, #tpu.memory_space<vmem_shared>>
        tpu.enqueue_indirect_dma source(%arg12 : memref<192x64xf32, #tpu.memory_space<vmem>>) target(%dma_start3A_623 : memref<10240x64xf32, #tpu.memory_space<vmem_shared>>) offsets(%arg10 : memref<192xi32, #tpu.memory_space<vmem>>) semaphore(%run_scoped3A_620 : memref<!tpu.dma_semaphore, #tpu.memory_space<semaphore_mem>>) {add = true}
        %dma_wait3A_624 = arith.constant 0 : i32
        %dma_wait3A_625 = arith.constant 0 : i32
        %dma_wait3A_626 = tpu.memref_slice %arg13[%dma_wait3A_624, %dma_wait3A_625] : memref<10240x64xf32, #tpu.memory_space<vmem_shared>> -> memref<10240x64xf32, #tpu.memory_space<vmem_shared>>
        tpu.wait_indirect_dma semaphore(%run_scoped3A_620 : memref<!tpu.dma_semaphore, #tpu.memory_space<semaphore_mem>>) src(%arg12 : memref<192x64xf32, #tpu.memory_space<vmem>>) dst(%dma_wait3A_626 : memref<10240x64xf32, #tpu.memory_space<vmem_shared>>)
        tpu.yield
      }) : () -> ()
      %dma_wait3A_616 = arith.constant 0 : i32
      %dma_wait3A_617 = arith.constant 0 : i32
      %dma_wait3A_618 = tpu.memref_slice %arg13[%dma_wait3A_616, %dma_wait3A_617] : memref<10240x64xf32, #tpu.memory_space<vmem_shared>> -> memref<10240x64xf32, #tpu.memory_space<vmem_shared>>
      tpu.wait_indirect_dma semaphore(%arg18 : memref<!tpu.dma_semaphore, #tpu.memory_space<semaphore_mem>>) src(%arg11 : memref<192x64xf32, #tpu.memory_space<vmem>>) dst(%dma_wait3A_618 : memref<10240x64xf32, #tpu.memory_space<vmem_shared>>)
      %scan3A_619 = arith.constant 0 : i32
      scf.yield %scan3A_619 : i32
    }
    %scan3A_23 = arith.constant 53 : i32
    %barrier3A_24 = arith.constant 0 : index
    tpu.barrier barrier_id(%barrier3A_24)
    %dma_wait3A = arith.constant 0 : i32
    %dma_wait3A_25 = arith.constant 0 : i32
    %dma_wait3A_26 = arith.constant 0 : i32
    %dma_wait3A_27 = tpu.memref_slice %arg5[%dma_wait3A, %arg0, %dma_wait3A_25, %dma_wait3A_26] : memref<7x2x10240x64xf32, #tpu.memory_space<hbm>> -> memref<1x1x10240x64xf32, #tpu.memory_space<hbm>>
    %dma_wait3A_28 = tpu.memref_squeeze %dma_wait3A_27 : memref<1x1x10240x64xf32, #tpu.memory_space<hbm>> -> memref<10240x64xf32, #tpu.memory_space<hbm>>
    %dma_wait3A_29 = arith.constant 0 : i32
    %dma_wait3A_30 = tpu.memref_slice %dma_wait3A_28[%mul3A_0, %dma_wait3A_29] : memref<10240x64xf32, #tpu.memory_space<hbm>> -> memref<640x64xf32, #tpu.memory_space<hbm>>
    %dma_wait3A_31 = arith.constant 0 : i32
    %dma_wait3A_32 = tpu.memref_slice %arg14[%mul3A_0, %dma_wait3A_31] : memref<10240x64xf32, #tpu.memory_space<vmem_shared>> -> memref<640x64xf32, #tpu.memory_space<vmem_shared>>
    tpu.wait_dma2 semaphore(%arg17 : memref<!tpu.dma_semaphore, #tpu.memory_space<semaphore_mem>>) src(%dma_wait3A_32 : memref<640x64xf32, #tpu.memory_space<vmem_shared>>) dst(%dma_wait3A_30 : memref<640x64xf32, #tpu.memory_space<hbm>>)
    "tpu.region"() ({
      %run_scoped3A_168 = tpu.sem_alloc : memref<!tpu.dma_semaphore, #tpu.memory_space<semaphore_mem>>
      %dma_start3A_169 = arith.constant 0 : i32
      %dma_start3A_170 = tpu.memref_slice %arg14[%mul3A_0, %dma_start3A_169] : memref<10240x64xf32, #tpu.memory_space<vmem_shared>> -> memref<640x64xf32, #tpu.memory_space<vmem_shared>>
      tpu.enqueue_dma source(%arg4 : memref<640x64xf32, #tpu.memory_space<hbm>>) target(%dma_start3A_170 : memref<640x64xf32, #tpu.memory_space<vmem_shared>>) target_semaphore(%run_scoped3A_168 : memref<!tpu.dma_semaphore, #tpu.memory_space<semaphore_mem>>)
      %dma_wait3A_171 = arith.constant 0 : i32
      %dma_wait3A_172 = tpu.memref_slice %arg14[%mul3A_0, %dma_wait3A_171] : memref<10240x64xf32, #tpu.memory_space<vmem_shared>> -> memref<640x64xf32, #tpu.memory_space<vmem_shared>>
      tpu.wait_dma2 semaphore(%run_scoped3A_168 : memref<!tpu.dma_semaphore, #tpu.memory_space<semaphore_mem>>) src(%arg4 : memref<640x64xf32, #tpu.memory_space<hbm>>) dst(%dma_wait3A_172 : memref<640x64xf32, #tpu.memory_space<vmem_shared>>)
      tpu.yield
    }) : () -> ()
    %dma_start3A_33 = arith.constant 1 : i32
    %dma_start3A_34 = arith.constant 0 : i32
    %dma_start3A_35 = arith.constant 0 : i32
    %dma_start3A_36 = tpu.memref_slice %arg5[%dma_start3A_33, %arg0, %dma_start3A_34, %dma_start3A_35] : memref<7x2x10240x64xf32, #tpu.memory_space<hbm>> -> memref<1x1x10240x64xf32, #tpu.memory_space<hbm>>
    %dma_start3A_37 = tpu.memref_squeeze %dma_start3A_36 : memref<1x1x10240x64xf32, #tpu.memory_space<hbm>> -> memref<10240x64xf32, #tpu.memory_space<hbm>>
    %dma_start3A_38 = arith.constant 0 : i32
    %dma_start3A_39 = tpu.memref_slice %dma_start3A_37[%mul3A_0, %dma_start3A_38] : memref<10240x64xf32, #tpu.memory_space<hbm>> -> memref<640x64xf32, #tpu.memory_space<hbm>>
    %dma_start3A_40 = arith.constant 0 : i32
    %dma_start3A_41 = tpu.memref_slice %arg13[%mul3A_0, %dma_start3A_40] : memref<10240x64xf32, #tpu.memory_space<vmem_shared>> -> memref<640x64xf32, #tpu.memory_space<vmem_shared>>
    tpu.enqueue_dma source(%dma_start3A_41 : memref<640x64xf32, #tpu.memory_space<vmem_shared>>) target(%dma_start3A_39 : memref<640x64xf32, #tpu.memory_space<hbm>>) target_semaphore(%arg17 : memref<!tpu.dma_semaphore, #tpu.memory_space<semaphore_mem>>)
    %barrier3A_42 = arith.constant 0 : index
    tpu.barrier barrier_id(%barrier3A_42)
    %scan3A_43 = arith.constant 0 : i32
    %scan3A_44 = arith.constant 0 : i32
    %scan3A_45 = arith.constant 53 : i32
    %scan3A_46 = arith.addi %scan3A_44, %scan3A_45 : i32
    %scan3A_47 = arith.constant 1 : i32
    %scan3A_48 = scf.for %scan3A_168 = %scan3A_44 to %scan3A_46 step %scan3A_47 iter_args(%scan3A_169 = %scan3A_43) -> (i32)  : i32 {
      %mul3A_170 = arith.constant 2 : i32
      %mul3A_171 = arith.muli %scan3A_168, %mul3A_170 : i32
      %add3A = arith.constant 1 : i32
      %add3A_172 = arith.addi %mul3A_171, %add3A : i32
      %get3A = arith.index_cast %mul3A_171 : i32 to index
      %get3A_173 = arith.constant 0 : index
      %get3A_174 = tpu.vector_load %arg6[%get3A, %get3A_173] {strides = array<i32>} : memref<106x192xi32, #tpu.memory_space<vmem>>, vector<1x16xi32>,
      %get3A_175 = vector.shape_cast %get3A_174 : vector<1x16xi32> to vector<16xi32>
      %and3A = arith.constant 16383 : i32
      %and3A_176 = vector.broadcast %and3A : i32 to vector<16xi32>
      %and3A_177 = arith.andi %get3A_175, %and3A_176 : vector<16xi32>
      %swap3A = arith.constant 0 : index
      %swap3A_178 = tpu.vector_load %arg7[%swap3A] {strides = array<i32>} : memref<192xi32, #tpu.memory_space<vmem>>, vector<16xi32>,
      %swap3A_179 = vector.shape_cast %swap3A_178 : vector<16xi32> to vector<16xi32>
      %swap3A_180 = vector.shape_cast %and3A_177 : vector<16xi32> to vector<16xi32>
      tpu.vector_store %arg7[%swap3A], %swap3A_180 {strides = array<i32>} : memref<192xi32, #tpu.memory_space<vmem>>, vector<16xi32>,
      %shift_right_logical3A = arith.constant 14 : i32
      %shift_right_logical3A_181 = vector.broadcast %shift_right_logical3A : i32 to vector<16xi32>
      %shift_right_logical3A_182 = arith.shrui %get3A_175, %shift_right_logical3A_181 : vector<16xi32>
      %swap3A_183 = arith.constant 0 : index
      %swap3A_184 = tpu.vector_load %arg8[%swap3A_183] {strides = array<i32>} : memref<192xi32, #tpu.memory_space<vmem>>, vector<16xi32>,
      %swap3A_185 = vector.shape_cast %swap3A_184 : vector<16xi32> to vector<16xi32>
      %swap3A_186 = vector.shape_cast %shift_right_logical3A_182 : vector<16xi32> to vector<16xi32>
      tpu.vector_store %arg8[%swap3A_183], %swap3A_186 {strides = array<i32>} : memref<192xi32, #tpu.memory_space<vmem>>, vector<16xi32>,
      %get3A_187 = arith.index_cast %mul3A_171 : i32 to index
      %get3A_188 = arith.constant 16 : index
      %get3A_189 = tpu.vector_load %arg6[%get3A_187, %get3A_188] {strides = array<i32>} : memref<106x192xi32, #tpu.memory_space<vmem>>, vector<1x16xi32>,
      %get3A_190 = vector.shape_cast %get3A_189 : vector<1x16xi32> to vector<16xi32>
      %and3A_191 = arith.constant 16383 : i32
      %and3A_192 = vector.broadcast %and3A_191 : i32 to vector<16xi32>
      %and3A_193 = arith.andi %get3A_190, %and3A_192 : vector<16xi32>
      %swap3A_194 = arith.constant 16 : index
      %swap3A_195 = tpu.vector_load %arg7[%swap3A_194] {strides = array<i32>} : memref<192xi32, #tpu.memory_space<vmem>>, vector<16xi32>,
      %swap3A_196 = vector.shape_cast %swap3A_195 : vector<16xi32> to vector<16xi32>
      %swap3A_197 = vector.shape_cast %and3A_193 : vector<16xi32> to vector<16xi32>
      tpu.vector_store %arg7[%swap3A_194], %swap3A_197 {strides = array<i32>} : memref<192xi32, #tpu.memory_space<vmem>>, vector<16xi32>,
      %shift_right_logical3A_198 = arith.constant 14 : i32
      %shift_right_logical3A_199 = vector.broadcast %shift_right_logical3A_198 : i32 to vector<16xi32>
      %shift_right_logical3A_200 = arith.shrui %get3A_190, %shift_right_logical3A_199 : vector<16xi32>
      %swap3A_201 = arith.constant 16 : index
      %swap3A_202 = tpu.vector_load %arg8[%swap3A_201] {strides = array<i32>} : memref<192xi32, #tpu.memory_space<vmem>>, vector<16xi32>,
      %swap3A_203 = vector.shape_cast %swap3A_202 : vector<16xi32> to vector<16xi32>
      %swap3A_204 = vector.shape_cast %shift_right_logical3A_200 : vector<16xi32> to vector<16xi32>
      tpu.vector_store %arg8[%swap3A_201], %swap3A_204 {strides = array<i32>} : memref<192xi32, #tpu.memory_space<vmem>>, vector<16xi32>,
      %get3A_205 = arith.index_cast %mul3A_171 : i32 to index
      %get3A_206 = arith.constant 32 : index
      %get3A_207 = tpu.vector_load %arg6[%get3A_205, %get3A_206] {strides = array<i32>} : memref<106x192xi32, #tpu.memory_space<vmem>>, vector<1x16xi32>,
      %get3A_208 = vector.shape_cast %get3A_207 : vector<1x16xi32> to vector<16xi32>
      %and3A_209 = arith.constant 16383 : i32
      %and3A_210 = vector.broadcast %and3A_209 : i32 to vector<16xi32>
      %and3A_211 = arith.andi %get3A_208, %and3A_210 : vector<16xi32>
      %swap3A_212 = arith.constant 32 : index
      %swap3A_213 = tpu.vector_load %arg7[%swap3A_212] {strides = array<i32>} : memref<192xi32, #tpu.memory_space<vmem>>, vector<16xi32>,
      %swap3A_214 = vector.shape_cast %swap3A_213 : vector<16xi32> to vector<16xi32>
      %swap3A_215 = vector.shape_cast %and3A_211 : vector<16xi32> to vector<16xi32>
      tpu.vector_store %arg7[%swap3A_212], %swap3A_215 {strides = array<i32>} : memref<192xi32, #tpu.memory_space<vmem>>, vector<16xi32>,
      %shift_right_logical3A_216 = arith.constant 14 : i32
      %shift_right_logical3A_217 = vector.broadcast %shift_right_logical3A_216 : i32 to vector<16xi32>
      %shift_right_logical3A_218 = arith.shrui %get3A_208, %shift_right_logical3A_217 : vector<16xi32>
      %swap3A_219 = arith.constant 32 : index
      %swap3A_220 = tpu.vector_load %arg8[%swap3A_219] {strides = array<i32>} : memref<192xi32, #tpu.memory_space<vmem>>, vector<16xi32>,
      %swap3A_221 = vector.shape_cast %swap3A_220 : vector<16xi32> to vector<16xi32>
      %swap3A_222 = vector.shape_cast %shift_right_logical3A_218 : vector<16xi32> to vector<16xi32>
      tpu.vector_store %arg8[%swap3A_219], %swap3A_222 {strides = array<i32>} : memref<192xi32, #tpu.memory_space<vmem>>, vector<16xi32>,
      %get3A_223 = arith.index_cast %mul3A_171 : i32 to index
      %get3A_224 = arith.constant 48 : index
      %get3A_225 = tpu.vector_load %arg6[%get3A_223, %get3A_224] {strides = array<i32>} : memref<106x192xi32, #tpu.memory_space<vmem>>, vector<1x16xi32>,
      %get3A_226 = vector.shape_cast %get3A_225 : vector<1x16xi32> to vector<16xi32>
      %and3A_227 = arith.constant 16383 : i32
      %and3A_228 = vector.broadcast %and3A_227 : i32 to vector<16xi32>
      %and3A_229 = arith.andi %get3A_226, %and3A_228 : vector<16xi32>
      %swap3A_230 = arith.constant 48 : index
      %swap3A_231 = tpu.vector_load %arg7[%swap3A_230] {strides = array<i32>} : memref<192xi32, #tpu.memory_space<vmem>>, vector<16xi32>,
      %swap3A_232 = vector.shape_cast %swap3A_231 : vector<16xi32> to vector<16xi32>
      %swap3A_233 = vector.shape_cast %and3A_229 : vector<16xi32> to vector<16xi32>
      tpu.vector_store %arg7[%swap3A_230], %swap3A_233 {strides = array<i32>} : memref<192xi32, #tpu.memory_space<vmem>>, vector<16xi32>,
      %shift_right_logical3A_234 = arith.constant 14 : i32
      %shift_right_logical3A_235 = vector.broadcast %shift_right_logical3A_234 : i32 to vector<16xi32>
      %shift_right_logical3A_236 = arith.shrui %get3A_226, %shift_right_logical3A_235 : vector<16xi32>
      %swap3A_237 = arith.constant 48 : index
      %swap3A_238 = tpu.vector_load %arg8[%swap3A_237] {strides = array<i32>} : memref<192xi32, #tpu.memory_space<vmem>>, vector<16xi32>,
      %swap3A_239 = vector.shape_cast %swap3A_238 : vector<16xi32> to vector<16xi32>
      %swap3A_240 = vector.shape_cast %shift_right_logical3A_236 : vector<16xi32> to vector<16xi32>
      tpu.vector_store %arg8[%swap3A_237], %swap3A_240 {strides = array<i32>} : memref<192xi32, #tpu.memory_space<vmem>>, vector<16xi32>,
      %get3A_241 = arith.index_cast %mul3A_171 : i32 to index
      %get3A_242 = arith.constant 64 : index
      %get3A_243 = tpu.vector_load %arg6[%get3A_241, %get3A_242] {strides = array<i32>} : memref<106x192xi32, #tpu.memory_space<vmem>>, vector<1x16xi32>,
      %get3A_244 = vector.shape_cast %get3A_243 : vector<1x16xi32> to vector<16xi32>
      %and3A_245 = arith.constant 16383 : i32
      %and3A_246 = vector.broadcast %and3A_245 : i32 to vector<16xi32>
      %and3A_247 = arith.andi %get3A_244, %and3A_246 : vector<16xi32>
      %swap3A_248 = arith.constant 64 : index
      %swap3A_249 = tpu.vector_load %arg7[%swap3A_248] {strides = array<i32>} : memref<192xi32, #tpu.memory_space<vmem>>, vector<16xi32>,
      %swap3A_250 = vector.shape_cast %swap3A_249 : vector<16xi32> to vector<16xi32>
      %swap3A_251 = vector.shape_cast %and3A_247 : vector<16xi32> to vector<16xi32>
      tpu.vector_store %arg7[%swap3A_248], %swap3A_251 {strides = array<i32>} : memref<192xi32, #tpu.memory_space<vmem>>, vector<16xi32>,
      %shift_right_logical3A_252 = arith.constant 14 : i32
      %shift_right_logical3A_253 = vector.broadcast %shift_right_logical3A_252 : i32 to vector<16xi32>
      %shift_right_logical3A_254 = arith.shrui %get3A_244, %shift_right_logical3A_253 : vector<16xi32>
      %swap3A_255 = arith.constant 64 : index
      %swap3A_256 = tpu.vector_load %arg8[%swap3A_255] {strides = array<i32>} : memref<192xi32, #tpu.memory_space<vmem>>, vector<16xi32>,
      %swap3A_257 = vector.shape_cast %swap3A_256 : vector<16xi32> to vector<16xi32>
      %swap3A_258 = vector.shape_cast %shift_right_logical3A_254 : vector<16xi32> to vector<16xi32>
      tpu.vector_store %arg8[%swap3A_255], %swap3A_258 {strides = array<i32>} : memref<192xi32, #tpu.memory_space<vmem>>, vector<16xi32>,
      %get3A_259 = arith.index_cast %mul3A_171 : i32 to index
      %get3A_260 = arith.constant 80 : index
      %get3A_261 = tpu.vector_load %arg6[%get3A_259, %get3A_260] {strides = array<i32>} : memref<106x192xi32, #tpu.memory_space<vmem>>, vector<1x16xi32>,
      %get3A_262 = vector.shape_cast %get3A_261 : vector<1x16xi32> to vector<16xi32>
      %and3A_263 = arith.constant 16383 : i32
      %and3A_264 = vector.broadcast %and3A_263 : i32 to vector<16xi32>
      %and3A_265 = arith.andi %get3A_262, %and3A_264 : vector<16xi32>
      %swap3A_266 = arith.constant 80 : index
      %swap3A_267 = tpu.vector_load %arg7[%swap3A_266] {strides = array<i32>} : memref<192xi32, #tpu.memory_space<vmem>>, vector<16xi32>,
      %swap3A_268 = vector.shape_cast %swap3A_267 : vector<16xi32> to vector<16xi32>
      %swap3A_269 = vector.shape_cast %and3A_265 : vector<16xi32> to vector<16xi32>
      tpu.vector_store %arg7[%swap3A_266], %swap3A_269 {strides = array<i32>} : memref<192xi32, #tpu.memory_space<vmem>>, vector<16xi32>,
      %shift_right_logical3A_270 = arith.constant 14 : i32
      %shift_right_logical3A_271 = vector.broadcast %shift_right_logical3A_270 : i32 to vector<16xi32>
      %shift_right_logical3A_272 = arith.shrui %get3A_262, %shift_right_logical3A_271 : vector<16xi32>
      %swap3A_273 = arith.constant 80 : index
      %swap3A_274 = tpu.vector_load %arg8[%swap3A_273] {strides = array<i32>} : memref<192xi32, #tpu.memory_space<vmem>>, vector<16xi32>,
      %swap3A_275 = vector.shape_cast %swap3A_274 : vector<16xi32> to vector<16xi32>
      %swap3A_276 = vector.shape_cast %shift_right_logical3A_272 : vector<16xi32> to vector<16xi32>
      tpu.vector_store %arg8[%swap3A_273], %swap3A_276 {strides = array<i32>} : memref<192xi32, #tpu.memory_space<vmem>>, vector<16xi32>,
      %get3A_277 = arith.index_cast %mul3A_171 : i32 to index
      %get3A_278 = arith.constant 96 : index
      %get3A_279 = tpu.vector_load %arg6[%get3A_277, %get3A_278] {strides = array<i32>} : memref<106x192xi32, #tpu.memory_space<vmem>>, vector<1x16xi32>,
      %get3A_280 = vector.shape_cast %get3A_279 : vector<1x16xi32> to vector<16xi32>
      %and3A_281 = arith.constant 16383 : i32
      %and3A_282 = vector.broadcast %and3A_281 : i32 to vector<16xi32>
      %and3A_283 = arith.andi %get3A_280, %and3A_282 : vector<16xi32>
      %swap3A_284 = arith.constant 96 : index
      %swap3A_285 = tpu.vector_load %arg7[%swap3A_284] {strides = array<i32>} : memref<192xi32, #tpu.memory_space<vmem>>, vector<16xi32>,
      %swap3A_286 = vector.shape_cast %swap3A_285 : vector<16xi32> to vector<16xi32>
      %swap3A_287 = vector.shape_cast %and3A_283 : vector<16xi32> to vector<16xi32>
      tpu.vector_store %arg7[%swap3A_284], %swap3A_287 {strides = array<i32>} : memref<192xi32, #tpu.memory_space<vmem>>, vector<16xi32>,
      %shift_right_logical3A_288 = arith.constant 14 : i32
      %shift_right_logical3A_289 = vector.broadcast %shift_right_logical3A_288 : i32 to vector<16xi32>
      %shift_right_logical3A_290 = arith.shrui %get3A_280, %shift_right_logical3A_289 : vector<16xi32>
      %swap3A_291 = arith.constant 96 : index
      %swap3A_292 = tpu.vector_load %arg8[%swap3A_291] {strides = array<i32>} : memref<192xi32, #tpu.memory_space<vmem>>, vector<16xi32>,
      %swap3A_293 = vector.shape_cast %swap3A_292 : vector<16xi32> to vector<16xi32>
      %swap3A_294 = vector.shape_cast %shift_right_logical3A_290 : vector<16xi32> to vector<16xi32>
      tpu.vector_store %arg8[%swap3A_291], %swap3A_294 {strides = array<i32>} : memref<192xi32, #tpu.memory_space<vmem>>, vector<16xi32>,
      %get3A_295 = arith.index_cast %mul3A_171 : i32 to index
      %get3A_296 = arith.constant 112 : index
      %get3A_297 = tpu.vector_load %arg6[%get3A_295, %get3A_296] {strides = array<i32>} : memref<106x192xi32, #tpu.memory_space<vmem>>, vector<1x16xi32>,
      %get3A_298 = vector.shape_cast %get3A_297 : vector<1x16xi32> to vector<16xi32>
      %and3A_299 = arith.constant 16383 : i32
      %and3A_300 = vector.broadcast %and3A_299 : i32 to vector<16xi32>
      %and3A_301 = arith.andi %get3A_298, %and3A_300 : vector<16xi32>
      %swap3A_302 = arith.constant 112 : index
      %swap3A_303 = tpu.vector_load %arg7[%swap3A_302] {strides = array<i32>} : memref<192xi32, #tpu.memory_space<vmem>>, vector<16xi32>,
      %swap3A_304 = vector.shape_cast %swap3A_303 : vector<16xi32> to vector<16xi32>
      %swap3A_305 = vector.shape_cast %and3A_301 : vector<16xi32> to vector<16xi32>
      tpu.vector_store %arg7[%swap3A_302], %swap3A_305 {strides = array<i32>} : memref<192xi32, #tpu.memory_space<vmem>>, vector<16xi32>,
      %shift_right_logical3A_306 = arith.constant 14 : i32
      %shift_right_logical3A_307 = vector.broadcast %shift_right_logical3A_306 : i32 to vector<16xi32>
      %shift_right_logical3A_308 = arith.shrui %get3A_298, %shift_right_logical3A_307 : vector<16xi32>
      %swap3A_309 = arith.constant 112 : index
      %swap3A_310 = tpu.vector_load %arg8[%swap3A_309] {strides = array<i32>} : memref<192xi32, #tpu.memory_space<vmem>>, vector<16xi32>,
      %swap3A_311 = vector.shape_cast %swap3A_310 : vector<16xi32> to vector<16xi32>
      %swap3A_312 = vector.shape_cast %shift_right_logical3A_308 : vector<16xi32> to vector<16xi32>
      tpu.vector_store %arg8[%swap3A_309], %swap3A_312 {strides = array<i32>} : memref<192xi32, #tpu.memory_space<vmem>>, vector<16xi32>,
      %get3A_313 = arith.index_cast %mul3A_171 : i32 to index
      %get3A_314 = arith.constant 128 : index
      %get3A_315 = tpu.vector_load %arg6[%get3A_313, %get3A_314] {strides = array<i32>} : memref<106x192xi32, #tpu.memory_space<vmem>>, vector<1x16xi32>,
      %get3A_316 = vector.shape_cast %get3A_315 : vector<1x16xi32> to vector<16xi32>
      %and3A_317 = arith.constant 16383 : i32
      %and3A_318 = vector.broadcast %and3A_317 : i32 to vector<16xi32>
      %and3A_319 = arith.andi %get3A_316, %and3A_318 : vector<16xi32>
      %swap3A_320 = arith.constant 128 : index
      %swap3A_321 = tpu.vector_load %arg7[%swap3A_320] {strides = array<i32>} : memref<192xi32, #tpu.memory_space<vmem>>, vector<16xi32>,
      %swap3A_322 = vector.shape_cast %swap3A_321 : vector<16xi32> to vector<16xi32>
      %swap3A_323 = vector.shape_cast %and3A_319 : vector<16xi32> to vector<16xi32>
      tpu.vector_store %arg7[%swap3A_320], %swap3A_323 {strides = array<i32>} : memref<192xi32, #tpu.memory_space<vmem>>, vector<16xi32>,
      %shift_right_logical3A_324 = arith.constant 14 : i32
      %shift_right_logical3A_325 = vector.broadcast %shift_right_logical3A_324 : i32 to vector<16xi32>
      %shift_right_logical3A_326 = arith.shrui %get3A_316, %shift_right_logical3A_325 : vector<16xi32>
      %swap3A_327 = arith.constant 128 : index
      %swap3A_328 = tpu.vector_load %arg8[%swap3A_327] {strides = array<i32>} : memref<192xi32, #tpu.memory_space<vmem>>, vector<16xi32>,
      %swap3A_329 = vector.shape_cast %swap3A_328 : vector<16xi32> to vector<16xi32>
      %swap3A_330 = vector.shape_cast %shift_right_logical3A_326 : vector<16xi32> to vector<16xi32>
      tpu.vector_store %arg8[%swap3A_327], %swap3A_330 {strides = array<i32>} : memref<192xi32, #tpu.memory_space<vmem>>, vector<16xi32>,
      %get3A_331 = arith.index_cast %mul3A_171 : i32 to index
      %get3A_332 = arith.constant 144 : index
      %get3A_333 = tpu.vector_load %arg6[%get3A_331, %get3A_332] {strides = array<i32>} : memref<106x192xi32, #tpu.memory_space<vmem>>, vector<1x16xi32>,
      %get3A_334 = vector.shape_cast %get3A_333 : vector<1x16xi32> to vector<16xi32>
      %and3A_335 = arith.constant 16383 : i32
      %and3A_336 = vector.broadcast %and3A_335 : i32 to vector<16xi32>
      %and3A_337 = arith.andi %get3A_334, %and3A_336 : vector<16xi32>
      %swap3A_338 = arith.constant 144 : index
      %swap3A_339 = tpu.vector_load %arg7[%swap3A_338] {strides = array<i32>} : memref<192xi32, #tpu.memory_space<vmem>>, vector<16xi32>,
      %swap3A_340 = vector.shape_cast %swap3A_339 : vector<16xi32> to vector<16xi32>
      %swap3A_341 = vector.shape_cast %and3A_337 : vector<16xi32> to vector<16xi32>
      tpu.vector_store %arg7[%swap3A_338], %swap3A_341 {strides = array<i32>} : memref<192xi32, #tpu.memory_space<vmem>>, vector<16xi32>,
      %shift_right_logical3A_342 = arith.constant 14 : i32
      %shift_right_logical3A_343 = vector.broadcast %shift_right_logical3A_342 : i32 to vector<16xi32>
      %shift_right_logical3A_344 = arith.shrui %get3A_334, %shift_right_logical3A_343 : vector<16xi32>
      %swap3A_345 = arith.constant 144 : index
      %swap3A_346 = tpu.vector_load %arg8[%swap3A_345] {strides = array<i32>} : memref<192xi32, #tpu.memory_space<vmem>>, vector<16xi32>,
      %swap3A_347 = vector.shape_cast %swap3A_346 : vector<16xi32> to vector<16xi32>
      %swap3A_348 = vector.shape_cast %shift_right_logical3A_344 : vector<16xi32> to vector<16xi32>
      tpu.vector_store %arg8[%swap3A_345], %swap3A_348 {strides = array<i32>} : memref<192xi32, #tpu.memory_space<vmem>>, vector<16xi32>,
      %get3A_349 = arith.index_cast %mul3A_171 : i32 to index
      %get3A_350 = arith.constant 160 : index
      %get3A_351 = tpu.vector_load %arg6[%get3A_349, %get3A_350] {strides = array<i32>} : memref<106x192xi32, #tpu.memory_space<vmem>>, vector<1x16xi32>,
      %get3A_352 = vector.shape_cast %get3A_351 : vector<1x16xi32> to vector<16xi32>
      %and3A_353 = arith.constant 16383 : i32
      %and3A_354 = vector.broadcast %and3A_353 : i32 to vector<16xi32>
      %and3A_355 = arith.andi %get3A_352, %and3A_354 : vector<16xi32>
      %swap3A_356 = arith.constant 160 : index
      %swap3A_357 = tpu.vector_load %arg7[%swap3A_356] {strides = array<i32>} : memref<192xi32, #tpu.memory_space<vmem>>, vector<16xi32>,
      %swap3A_358 = vector.shape_cast %swap3A_357 : vector<16xi32> to vector<16xi32>
      %swap3A_359 = vector.shape_cast %and3A_355 : vector<16xi32> to vector<16xi32>
      tpu.vector_store %arg7[%swap3A_356], %swap3A_359 {strides = array<i32>} : memref<192xi32, #tpu.memory_space<vmem>>, vector<16xi32>,
      %shift_right_logical3A_360 = arith.constant 14 : i32
      %shift_right_logical3A_361 = vector.broadcast %shift_right_logical3A_360 : i32 to vector<16xi32>
      %shift_right_logical3A_362 = arith.shrui %get3A_352, %shift_right_logical3A_361 : vector<16xi32>
      %swap3A_363 = arith.constant 160 : index
      %swap3A_364 = tpu.vector_load %arg8[%swap3A_363] {strides = array<i32>} : memref<192xi32, #tpu.memory_space<vmem>>, vector<16xi32>,
      %swap3A_365 = vector.shape_cast %swap3A_364 : vector<16xi32> to vector<16xi32>
      %swap3A_366 = vector.shape_cast %shift_right_logical3A_362 : vector<16xi32> to vector<16xi32>
      tpu.vector_store %arg8[%swap3A_363], %swap3A_366 {strides = array<i32>} : memref<192xi32, #tpu.memory_space<vmem>>, vector<16xi32>,
      %get3A_367 = arith.index_cast %mul3A_171 : i32 to index
      %get3A_368 = arith.constant 176 : index
      %get3A_369 = tpu.vector_load %arg6[%get3A_367, %get3A_368] {strides = array<i32>} : memref<106x192xi32, #tpu.memory_space<vmem>>, vector<1x16xi32>,
      %get3A_370 = vector.shape_cast %get3A_369 : vector<1x16xi32> to vector<16xi32>
      %and3A_371 = arith.constant 16383 : i32
      %and3A_372 = vector.broadcast %and3A_371 : i32 to vector<16xi32>
      %and3A_373 = arith.andi %get3A_370, %and3A_372 : vector<16xi32>
      %swap3A_374 = arith.constant 176 : index
      %swap3A_375 = tpu.vector_load %arg7[%swap3A_374] {strides = array<i32>} : memref<192xi32, #tpu.memory_space<vmem>>, vector<16xi32>,
      %swap3A_376 = vector.shape_cast %swap3A_375 : vector<16xi32> to vector<16xi32>
      %swap3A_377 = vector.shape_cast %and3A_373 : vector<16xi32> to vector<16xi32>
      tpu.vector_store %arg7[%swap3A_374], %swap3A_377 {strides = array<i32>} : memref<192xi32, #tpu.memory_space<vmem>>, vector<16xi32>,
      %shift_right_logical3A_378 = arith.constant 14 : i32
      %shift_right_logical3A_379 = vector.broadcast %shift_right_logical3A_378 : i32 to vector<16xi32>
      %shift_right_logical3A_380 = arith.shrui %get3A_370, %shift_right_logical3A_379 : vector<16xi32>
      %swap3A_381 = arith.constant 176 : index
      %swap3A_382 = tpu.vector_load %arg8[%swap3A_381] {strides = array<i32>} : memref<192xi32, #tpu.memory_space<vmem>>, vector<16xi32>,
      %swap3A_383 = vector.shape_cast %swap3A_382 : vector<16xi32> to vector<16xi32>
      %swap3A_384 = vector.shape_cast %shift_right_logical3A_380 : vector<16xi32> to vector<16xi32>
      tpu.vector_store %arg8[%swap3A_381], %swap3A_384 {strides = array<i32>} : memref<192xi32, #tpu.memory_space<vmem>>, vector<16xi32>,
      %dma_start3A_385 = arith.constant 0 : i32
      %dma_start3A_386 = arith.constant 0 : i32
      %dma_start3A_387 = tpu.memref_slice %arg13[%dma_start3A_385, %dma_start3A_386] : memref<10240x64xf32, #tpu.memory_space<vmem_shared>> -> memref<10240x64xf32, #tpu.memory_space<vmem_shared>>
      tpu.enqueue_indirect_dma source(%dma_start3A_387 : memref<10240x64xf32, #tpu.memory_space<vmem_shared>>) target(%arg11 : memref<192x64xf32, #tpu.memory_space<vmem>>) offsets(%arg7 : memref<192xi32, #tpu.memory_space<vmem>>) semaphore(%arg15 : memref<!tpu.dma_semaphore, #tpu.memory_space<semaphore_mem>>)
      %get3A_388 = arith.index_cast %add3A_172 : i32 to index
      %get3A_389 = arith.constant 0 : index
      %get3A_390 = tpu.vector_load %arg6[%get3A_388, %get3A_389] {strides = array<i32>} : memref<106x192xi32, #tpu.memory_space<vmem>>, vector<1x16xi32>,
      %get3A_391 = vector.shape_cast %get3A_390 : vector<1x16xi32> to vector<16xi32>
      %and3A_392 = arith.constant 16383 : i32
      %and3A_393 = vector.broadcast %and3A_392 : i32 to vector<16xi32>
      %and3A_394 = arith.andi %get3A_391, %and3A_393 : vector<16xi32>
      %swap3A_395 = arith.constant 0 : index
      %swap3A_396 = tpu.vector_load %arg9[%swap3A_395] {strides = array<i32>} : memref<192xi32, #tpu.memory_space<vmem>>, vector<16xi32>,
      %swap3A_397 = vector.shape_cast %swap3A_396 : vector<16xi32> to vector<16xi32>
      %swap3A_398 = vector.shape_cast %and3A_394 : vector<16xi32> to vector<16xi32>
      tpu.vector_store %arg9[%swap3A_395], %swap3A_398 {strides = array<i32>} : memref<192xi32, #tpu.memory_space<vmem>>, vector<16xi32>,
      %shift_right_logical3A_399 = arith.constant 14 : i32
      %shift_right_logical3A_400 = vector.broadcast %shift_right_logical3A_399 : i32 to vector<16xi32>
      %shift_right_logical3A_401 = arith.shrui %get3A_391, %shift_right_logical3A_400 : vector<16xi32>
      %swap3A_402 = arith.constant 0 : index
      %swap3A_403 = tpu.vector_load %arg10[%swap3A_402] {strides = array<i32>} : memref<192xi32, #tpu.memory_space<vmem>>, vector<16xi32>,
      %swap3A_404 = vector.shape_cast %swap3A_403 : vector<16xi32> to vector<16xi32>
      %swap3A_405 = vector.shape_cast %shift_right_logical3A_401 : vector<16xi32> to vector<16xi32>
      tpu.vector_store %arg10[%swap3A_402], %swap3A_405 {strides = array<i32>} : memref<192xi32, #tpu.memory_space<vmem>>, vector<16xi32>,
      %get3A_406 = arith.index_cast %add3A_172 : i32 to index
      %get3A_407 = arith.constant 16 : index
      %get3A_408 = tpu.vector_load %arg6[%get3A_406, %get3A_407] {strides = array<i32>} : memref<106x192xi32, #tpu.memory_space<vmem>>, vector<1x16xi32>,
      %get3A_409 = vector.shape_cast %get3A_408 : vector<1x16xi32> to vector<16xi32>
      %and3A_410 = arith.constant 16383 : i32
      %and3A_411 = vector.broadcast %and3A_410 : i32 to vector<16xi32>
      %and3A_412 = arith.andi %get3A_409, %and3A_411 : vector<16xi32>
      %swap3A_413 = arith.constant 16 : index
      %swap3A_414 = tpu.vector_load %arg9[%swap3A_413] {strides = array<i32>} : memref<192xi32, #tpu.memory_space<vmem>>, vector<16xi32>,
      %swap3A_415 = vector.shape_cast %swap3A_414 : vector<16xi32> to vector<16xi32>
      %swap3A_416 = vector.shape_cast %and3A_412 : vector<16xi32> to vector<16xi32>
      tpu.vector_store %arg9[%swap3A_413], %swap3A_416 {strides = array<i32>} : memref<192xi32, #tpu.memory_space<vmem>>, vector<16xi32>,
      %shift_right_logical3A_417 = arith.constant 14 : i32
      %shift_right_logical3A_418 = vector.broadcast %shift_right_logical3A_417 : i32 to vector<16xi32>
      %shift_right_logical3A_419 = arith.shrui %get3A_409, %shift_right_logical3A_418 : vector<16xi32>
      %swap3A_420 = arith.constant 16 : index
      %swap3A_421 = tpu.vector_load %arg10[%swap3A_420] {strides = array<i32>} : memref<192xi32, #tpu.memory_space<vmem>>, vector<16xi32>,
      %swap3A_422 = vector.shape_cast %swap3A_421 : vector<16xi32> to vector<16xi32>
      %swap3A_423 = vector.shape_cast %shift_right_logical3A_419 : vector<16xi32> to vector<16xi32>
      tpu.vector_store %arg10[%swap3A_420], %swap3A_423 {strides = array<i32>} : memref<192xi32, #tpu.memory_space<vmem>>, vector<16xi32>,
      %get3A_424 = arith.index_cast %add3A_172 : i32 to index
      %get3A_425 = arith.constant 32 : index
      %get3A_426 = tpu.vector_load %arg6[%get3A_424, %get3A_425] {strides = array<i32>} : memref<106x192xi32, #tpu.memory_space<vmem>>, vector<1x16xi32>,
      %get3A_427 = vector.shape_cast %get3A_426 : vector<1x16xi32> to vector<16xi32>
      %and3A_428 = arith.constant 16383 : i32
      %and3A_429 = vector.broadcast %and3A_428 : i32 to vector<16xi32>
      %and3A_430 = arith.andi %get3A_427, %and3A_429 : vector<16xi32>
      %swap3A_431 = arith.constant 32 : index
      %swap3A_432 = tpu.vector_load %arg9[%swap3A_431] {strides = array<i32>} : memref<192xi32, #tpu.memory_space<vmem>>, vector<16xi32>,
      %swap3A_433 = vector.shape_cast %swap3A_432 : vector<16xi32> to vector<16xi32>
      %swap3A_434 = vector.shape_cast %and3A_430 : vector<16xi32> to vector<16xi32>
      tpu.vector_store %arg9[%swap3A_431], %swap3A_434 {strides = array<i32>} : memref<192xi32, #tpu.memory_space<vmem>>, vector<16xi32>,
      %shift_right_logical3A_435 = arith.constant 14 : i32
      %shift_right_logical3A_436 = vector.broadcast %shift_right_logical3A_435 : i32 to vector<16xi32>
      %shift_right_logical3A_437 = arith.shrui %get3A_427, %shift_right_logical3A_436 : vector<16xi32>
      %swap3A_438 = arith.constant 32 : index
      %swap3A_439 = tpu.vector_load %arg10[%swap3A_438] {strides = array<i32>} : memref<192xi32, #tpu.memory_space<vmem>>, vector<16xi32>,
      %swap3A_440 = vector.shape_cast %swap3A_439 : vector<16xi32> to vector<16xi32>
      %swap3A_441 = vector.shape_cast %shift_right_logical3A_437 : vector<16xi32> to vector<16xi32>
      tpu.vector_store %arg10[%swap3A_438], %swap3A_441 {strides = array<i32>} : memref<192xi32, #tpu.memory_space<vmem>>, vector<16xi32>,
      %get3A_442 = arith.index_cast %add3A_172 : i32 to index
      %get3A_443 = arith.constant 48 : index
      %get3A_444 = tpu.vector_load %arg6[%get3A_442, %get3A_443] {strides = array<i32>} : memref<106x192xi32, #tpu.memory_space<vmem>>, vector<1x16xi32>,
      %get3A_445 = vector.shape_cast %get3A_444 : vector<1x16xi32> to vector<16xi32>
      %and3A_446 = arith.constant 16383 : i32
      %and3A_447 = vector.broadcast %and3A_446 : i32 to vector<16xi32>
      %and3A_448 = arith.andi %get3A_445, %and3A_447 : vector<16xi32>
      %swap3A_449 = arith.constant 48 : index
      %swap3A_450 = tpu.vector_load %arg9[%swap3A_449] {strides = array<i32>} : memref<192xi32, #tpu.memory_space<vmem>>, vector<16xi32>,
      %swap3A_451 = vector.shape_cast %swap3A_450 : vector<16xi32> to vector<16xi32>
      %swap3A_452 = vector.shape_cast %and3A_448 : vector<16xi32> to vector<16xi32>
      tpu.vector_store %arg9[%swap3A_449], %swap3A_452 {strides = array<i32>} : memref<192xi32, #tpu.memory_space<vmem>>, vector<16xi32>,
      %shift_right_logical3A_453 = arith.constant 14 : i32
      %shift_right_logical3A_454 = vector.broadcast %shift_right_logical3A_453 : i32 to vector<16xi32>
      %shift_right_logical3A_455 = arith.shrui %get3A_445, %shift_right_logical3A_454 : vector<16xi32>
      %swap3A_456 = arith.constant 48 : index
      %swap3A_457 = tpu.vector_load %arg10[%swap3A_456] {strides = array<i32>} : memref<192xi32, #tpu.memory_space<vmem>>, vector<16xi32>,
      %swap3A_458 = vector.shape_cast %swap3A_457 : vector<16xi32> to vector<16xi32>
      %swap3A_459 = vector.shape_cast %shift_right_logical3A_455 : vector<16xi32> to vector<16xi32>
      tpu.vector_store %arg10[%swap3A_456], %swap3A_459 {strides = array<i32>} : memref<192xi32, #tpu.memory_space<vmem>>, vector<16xi32>,
      %get3A_460 = arith.index_cast %add3A_172 : i32 to index
      %get3A_461 = arith.constant 64 : index
      %get3A_462 = tpu.vector_load %arg6[%get3A_460, %get3A_461] {strides = array<i32>} : memref<106x192xi32, #tpu.memory_space<vmem>>, vector<1x16xi32>,
      %get3A_463 = vector.shape_cast %get3A_462 : vector<1x16xi32> to vector<16xi32>
      %and3A_464 = arith.constant 16383 : i32
      %and3A_465 = vector.broadcast %and3A_464 : i32 to vector<16xi32>
      %and3A_466 = arith.andi %get3A_463, %and3A_465 : vector<16xi32>
      %swap3A_467 = arith.constant 64 : index
      %swap3A_468 = tpu.vector_load %arg9[%swap3A_467] {strides = array<i32>} : memref<192xi32, #tpu.memory_space<vmem>>, vector<16xi32>,
      %swap3A_469 = vector.shape_cast %swap3A_468 : vector<16xi32> to vector<16xi32>
      %swap3A_470 = vector.shape_cast %and3A_466 : vector<16xi32> to vector<16xi32>
      tpu.vector_store %arg9[%swap3A_467], %swap3A_470 {strides = array<i32>} : memref<192xi32, #tpu.memory_space<vmem>>, vector<16xi32>,
      %shift_right_logical3A_471 = arith.constant 14 : i32
      %shift_right_logical3A_472 = vector.broadcast %shift_right_logical3A_471 : i32 to vector<16xi32>
      %shift_right_logical3A_473 = arith.shrui %get3A_463, %shift_right_logical3A_472 : vector<16xi32>
      %swap3A_474 = arith.constant 64 : index
      %swap3A_475 = tpu.vector_load %arg10[%swap3A_474] {strides = array<i32>} : memref<192xi32, #tpu.memory_space<vmem>>, vector<16xi32>,
      %swap3A_476 = vector.shape_cast %swap3A_475 : vector<16xi32> to vector<16xi32>
      %swap3A_477 = vector.shape_cast %shift_right_logical3A_473 : vector<16xi32> to vector<16xi32>
      tpu.vector_store %arg10[%swap3A_474], %swap3A_477 {strides = array<i32>} : memref<192xi32, #tpu.memory_space<vmem>>, vector<16xi32>,
      %get3A_478 = arith.index_cast %add3A_172 : i32 to index
      %get3A_479 = arith.constant 80 : index
      %get3A_480 = tpu.vector_load %arg6[%get3A_478, %get3A_479] {strides = array<i32>} : memref<106x192xi32, #tpu.memory_space<vmem>>, vector<1x16xi32>,
      %get3A_481 = vector.shape_cast %get3A_480 : vector<1x16xi32> to vector<16xi32>
      %and3A_482 = arith.constant 16383 : i32
      %and3A_483 = vector.broadcast %and3A_482 : i32 to vector<16xi32>
      %and3A_484 = arith.andi %get3A_481, %and3A_483 : vector<16xi32>
      %swap3A_485 = arith.constant 80 : index
      %swap3A_486 = tpu.vector_load %arg9[%swap3A_485] {strides = array<i32>} : memref<192xi32, #tpu.memory_space<vmem>>, vector<16xi32>,
      %swap3A_487 = vector.shape_cast %swap3A_486 : vector<16xi32> to vector<16xi32>
      %swap3A_488 = vector.shape_cast %and3A_484 : vector<16xi32> to vector<16xi32>
      tpu.vector_store %arg9[%swap3A_485], %swap3A_488 {strides = array<i32>} : memref<192xi32, #tpu.memory_space<vmem>>, vector<16xi32>,
      %shift_right_logical3A_489 = arith.constant 14 : i32
      %shift_right_logical3A_490 = vector.broadcast %shift_right_logical3A_489 : i32 to vector<16xi32>
      %shift_right_logical3A_491 = arith.shrui %get3A_481, %shift_right_logical3A_490 : vector<16xi32>
      %swap3A_492 = arith.constant 80 : index
      %swap3A_493 = tpu.vector_load %arg10[%swap3A_492] {strides = array<i32>} : memref<192xi32, #tpu.memory_space<vmem>>, vector<16xi32>,
      %swap3A_494 = vector.shape_cast %swap3A_493 : vector<16xi32> to vector<16xi32>
      %swap3A_495 = vector.shape_cast %shift_right_logical3A_491 : vector<16xi32> to vector<16xi32>
      tpu.vector_store %arg10[%swap3A_492], %swap3A_495 {strides = array<i32>} : memref<192xi32, #tpu.memory_space<vmem>>, vector<16xi32>,
      %get3A_496 = arith.index_cast %add3A_172 : i32 to index
      %get3A_497 = arith.constant 96 : index
      %get3A_498 = tpu.vector_load %arg6[%get3A_496, %get3A_497] {strides = array<i32>} : memref<106x192xi32, #tpu.memory_space<vmem>>, vector<1x16xi32>,
      %get3A_499 = vector.shape_cast %get3A_498 : vector<1x16xi32> to vector<16xi32>
      %and3A_500 = arith.constant 16383 : i32
      %and3A_501 = vector.broadcast %and3A_500 : i32 to vector<16xi32>
      %and3A_502 = arith.andi %get3A_499, %and3A_501 : vector<16xi32>
      %swap3A_503 = arith.constant 96 : index
      %swap3A_504 = tpu.vector_load %arg9[%swap3A_503] {strides = array<i32>} : memref<192xi32, #tpu.memory_space<vmem>>, vector<16xi32>,
      %swap3A_505 = vector.shape_cast %swap3A_504 : vector<16xi32> to vector<16xi32>
      %swap3A_506 = vector.shape_cast %and3A_502 : vector<16xi32> to vector<16xi32>
      tpu.vector_store %arg9[%swap3A_503], %swap3A_506 {strides = array<i32>} : memref<192xi32, #tpu.memory_space<vmem>>, vector<16xi32>,
      %shift_right_logical3A_507 = arith.constant 14 : i32
      %shift_right_logical3A_508 = vector.broadcast %shift_right_logical3A_507 : i32 to vector<16xi32>
      %shift_right_logical3A_509 = arith.shrui %get3A_499, %shift_right_logical3A_508 : vector<16xi32>
      %swap3A_510 = arith.constant 96 : index
      %swap3A_511 = tpu.vector_load %arg10[%swap3A_510] {strides = array<i32>} : memref<192xi32, #tpu.memory_space<vmem>>, vector<16xi32>,
      %swap3A_512 = vector.shape_cast %swap3A_511 : vector<16xi32> to vector<16xi32>
      %swap3A_513 = vector.shape_cast %shift_right_logical3A_509 : vector<16xi32> to vector<16xi32>
      tpu.vector_store %arg10[%swap3A_510], %swap3A_513 {strides = array<i32>} : memref<192xi32, #tpu.memory_space<vmem>>, vector<16xi32>,
      %get3A_514 = arith.index_cast %add3A_172 : i32 to index
      %get3A_515 = arith.constant 112 : index
      %get3A_516 = tpu.vector_load %arg6[%get3A_514, %get3A_515] {strides = array<i32>} : memref<106x192xi32, #tpu.memory_space<vmem>>, vector<1x16xi32>,
      %get3A_517 = vector.shape_cast %get3A_516 : vector<1x16xi32> to vector<16xi32>
      %and3A_518 = arith.constant 16383 : i32
      %and3A_519 = vector.broadcast %and3A_518 : i32 to vector<16xi32>
      %and3A_520 = arith.andi %get3A_517, %and3A_519 : vector<16xi32>
      %swap3A_521 = arith.constant 112 : index
      %swap3A_522 = tpu.vector_load %arg9[%swap3A_521] {strides = array<i32>} : memref<192xi32, #tpu.memory_space<vmem>>, vector<16xi32>,
      %swap3A_523 = vector.shape_cast %swap3A_522 : vector<16xi32> to vector<16xi32>
      %swap3A_524 = vector.shape_cast %and3A_520 : vector<16xi32> to vector<16xi32>
      tpu.vector_store %arg9[%swap3A_521], %swap3A_524 {strides = array<i32>} : memref<192xi32, #tpu.memory_space<vmem>>, vector<16xi32>,
      %shift_right_logical3A_525 = arith.constant 14 : i32
      %shift_right_logical3A_526 = vector.broadcast %shift_right_logical3A_525 : i32 to vector<16xi32>
      %shift_right_logical3A_527 = arith.shrui %get3A_517, %shift_right_logical3A_526 : vector<16xi32>
      %swap3A_528 = arith.constant 112 : index
      %swap3A_529 = tpu.vector_load %arg10[%swap3A_528] {strides = array<i32>} : memref<192xi32, #tpu.memory_space<vmem>>, vector<16xi32>,
      %swap3A_530 = vector.shape_cast %swap3A_529 : vector<16xi32> to vector<16xi32>
      %swap3A_531 = vector.shape_cast %shift_right_logical3A_527 : vector<16xi32> to vector<16xi32>
      tpu.vector_store %arg10[%swap3A_528], %swap3A_531 {strides = array<i32>} : memref<192xi32, #tpu.memory_space<vmem>>, vector<16xi32>,
      %get3A_532 = arith.index_cast %add3A_172 : i32 to index
      %get3A_533 = arith.constant 128 : index
      %get3A_534 = tpu.vector_load %arg6[%get3A_532, %get3A_533] {strides = array<i32>} : memref<106x192xi32, #tpu.memory_space<vmem>>, vector<1x16xi32>,
      %get3A_535 = vector.shape_cast %get3A_534 : vector<1x16xi32> to vector<16xi32>
      %and3A_536 = arith.constant 16383 : i32
      %and3A_537 = vector.broadcast %and3A_536 : i32 to vector<16xi32>
      %and3A_538 = arith.andi %get3A_535, %and3A_537 : vector<16xi32>
      %swap3A_539 = arith.constant 128 : index
      %swap3A_540 = tpu.vector_load %arg9[%swap3A_539] {strides = array<i32>} : memref<192xi32, #tpu.memory_space<vmem>>, vector<16xi32>,
      %swap3A_541 = vector.shape_cast %swap3A_540 : vector<16xi32> to vector<16xi32>
      %swap3A_542 = vector.shape_cast %and3A_538 : vector<16xi32> to vector<16xi32>
      tpu.vector_store %arg9[%swap3A_539], %swap3A_542 {strides = array<i32>} : memref<192xi32, #tpu.memory_space<vmem>>, vector<16xi32>,
      %shift_right_logical3A_543 = arith.constant 14 : i32
      %shift_right_logical3A_544 = vector.broadcast %shift_right_logical3A_543 : i32 to vector<16xi32>
      %shift_right_logical3A_545 = arith.shrui %get3A_535, %shift_right_logical3A_544 : vector<16xi32>
      %swap3A_546 = arith.constant 128 : index
      %swap3A_547 = tpu.vector_load %arg10[%swap3A_546] {strides = array<i32>} : memref<192xi32, #tpu.memory_space<vmem>>, vector<16xi32>,
      %swap3A_548 = vector.shape_cast %swap3A_547 : vector<16xi32> to vector<16xi32>
      %swap3A_549 = vector.shape_cast %shift_right_logical3A_545 : vector<16xi32> to vector<16xi32>
      tpu.vector_store %arg10[%swap3A_546], %swap3A_549 {strides = array<i32>} : memref<192xi32, #tpu.memory_space<vmem>>, vector<16xi32>,
      %get3A_550 = arith.index_cast %add3A_172 : i32 to index
      %get3A_551 = arith.constant 144 : index
      %get3A_552 = tpu.vector_load %arg6[%get3A_550, %get3A_551] {strides = array<i32>} : memref<106x192xi32, #tpu.memory_space<vmem>>, vector<1x16xi32>,
      %get3A_553 = vector.shape_cast %get3A_552 : vector<1x16xi32> to vector<16xi32>
      %and3A_554 = arith.constant 16383 : i32
      %and3A_555 = vector.broadcast %and3A_554 : i32 to vector<16xi32>
      %and3A_556 = arith.andi %get3A_553, %and3A_555 : vector<16xi32>
      %swap3A_557 = arith.constant 144 : index
      %swap3A_558 = tpu.vector_load %arg9[%swap3A_557] {strides = array<i32>} : memref<192xi32, #tpu.memory_space<vmem>>, vector<16xi32>,
      %swap3A_559 = vector.shape_cast %swap3A_558 : vector<16xi32> to vector<16xi32>
      %swap3A_560 = vector.shape_cast %and3A_556 : vector<16xi32> to vector<16xi32>
      tpu.vector_store %arg9[%swap3A_557], %swap3A_560 {strides = array<i32>} : memref<192xi32, #tpu.memory_space<vmem>>, vector<16xi32>,
      %shift_right_logical3A_561 = arith.constant 14 : i32
      %shift_right_logical3A_562 = vector.broadcast %shift_right_logical3A_561 : i32 to vector<16xi32>
      %shift_right_logical3A_563 = arith.shrui %get3A_553, %shift_right_logical3A_562 : vector<16xi32>
      %swap3A_564 = arith.constant 144 : index
      %swap3A_565 = tpu.vector_load %arg10[%swap3A_564] {strides = array<i32>} : memref<192xi32, #tpu.memory_space<vmem>>, vector<16xi32>,
      %swap3A_566 = vector.shape_cast %swap3A_565 : vector<16xi32> to vector<16xi32>
      %swap3A_567 = vector.shape_cast %shift_right_logical3A_563 : vector<16xi32> to vector<16xi32>
      tpu.vector_store %arg10[%swap3A_564], %swap3A_567 {strides = array<i32>} : memref<192xi32, #tpu.memory_space<vmem>>, vector<16xi32>,
      %get3A_568 = arith.index_cast %add3A_172 : i32 to index
      %get3A_569 = arith.constant 160 : index
      %get3A_570 = tpu.vector_load %arg6[%get3A_568, %get3A_569] {strides = array<i32>} : memref<106x192xi32, #tpu.memory_space<vmem>>, vector<1x16xi32>,
      %get3A_571 = vector.shape_cast %get3A_570 : vector<1x16xi32> to vector<16xi32>
      %and3A_572 = arith.constant 16383 : i32
      %and3A_573 = vector.broadcast %and3A_572 : i32 to vector<16xi32>
      %and3A_574 = arith.andi %get3A_571, %and3A_573 : vector<16xi32>
      %swap3A_575 = arith.constant 160 : index
      %swap3A_576 = tpu.vector_load %arg9[%swap3A_575] {strides = array<i32>} : memref<192xi32, #tpu.memory_space<vmem>>, vector<16xi32>,
      %swap3A_577 = vector.shape_cast %swap3A_576 : vector<16xi32> to vector<16xi32>
      %swap3A_578 = vector.shape_cast %and3A_574 : vector<16xi32> to vector<16xi32>
      tpu.vector_store %arg9[%swap3A_575], %swap3A_578 {strides = array<i32>} : memref<192xi32, #tpu.memory_space<vmem>>, vector<16xi32>,
      %shift_right_logical3A_579 = arith.constant 14 : i32
      %shift_right_logical3A_580 = vector.broadcast %shift_right_logical3A_579 : i32 to vector<16xi32>
      %shift_right_logical3A_581 = arith.shrui %get3A_571, %shift_right_logical3A_580 : vector<16xi32>
      %swap3A_582 = arith.constant 160 : index
      %swap3A_583 = tpu.vector_load %arg10[%swap3A_582] {strides = array<i32>} : memref<192xi32, #tpu.memory_space<vmem>>, vector<16xi32>,
      %swap3A_584 = vector.shape_cast %swap3A_583 : vector<16xi32> to vector<16xi32>
      %swap3A_585 = vector.shape_cast %shift_right_logical3A_581 : vector<16xi32> to vector<16xi32>
      tpu.vector_store %arg10[%swap3A_582], %swap3A_585 {strides = array<i32>} : memref<192xi32, #tpu.memory_space<vmem>>, vector<16xi32>,
      %get3A_586 = arith.index_cast %add3A_172 : i32 to index
      %get3A_587 = arith.constant 176 : index
      %get3A_588 = tpu.vector_load %arg6[%get3A_586, %get3A_587] {strides = array<i32>} : memref<106x192xi32, #tpu.memory_space<vmem>>, vector<1x16xi32>,
      %get3A_589 = vector.shape_cast %get3A_588 : vector<1x16xi32> to vector<16xi32>
      %and3A_590 = arith.constant 16383 : i32
      %and3A_591 = vector.broadcast %and3A_590 : i32 to vector<16xi32>
      %and3A_592 = arith.andi %get3A_589, %and3A_591 : vector<16xi32>
      %swap3A_593 = arith.constant 176 : index
      %swap3A_594 = tpu.vector_load %arg9[%swap3A_593] {strides = array<i32>} : memref<192xi32, #tpu.memory_space<vmem>>, vector<16xi32>,
      %swap3A_595 = vector.shape_cast %swap3A_594 : vector<16xi32> to vector<16xi32>
      %swap3A_596 = vector.shape_cast %and3A_592 : vector<16xi32> to vector<16xi32>
      tpu.vector_store %arg9[%swap3A_593], %swap3A_596 {strides = array<i32>} : memref<192xi32, #tpu.memory_space<vmem>>, vector<16xi32>,
      %shift_right_logical3A_597 = arith.constant 14 : i32
      %shift_right_logical3A_598 = vector.broadcast %shift_right_logical3A_597 : i32 to vector<16xi32>
      %shift_right_logical3A_599 = arith.shrui %get3A_589, %shift_right_logical3A_598 : vector<16xi32>
      %swap3A_600 = arith.constant 176 : index
      %swap3A_601 = tpu.vector_load %arg10[%swap3A_600] {strides = array<i32>} : memref<192xi32, #tpu.memory_space<vmem>>, vector<16xi32>,
      %swap3A_602 = vector.shape_cast %swap3A_601 : vector<16xi32> to vector<16xi32>
      %swap3A_603 = vector.shape_cast %shift_right_logical3A_599 : vector<16xi32> to vector<16xi32>
      tpu.vector_store %arg10[%swap3A_600], %swap3A_603 {strides = array<i32>} : memref<192xi32, #tpu.memory_space<vmem>>, vector<16xi32>,
      %dma_start3A_604 = arith.constant 0 : i32
      %dma_start3A_605 = arith.constant 0 : i32
      %dma_start3A_606 = tpu.memref_slice %arg13[%dma_start3A_604, %dma_start3A_605] : memref<10240x64xf32, #tpu.memory_space<vmem_shared>> -> memref<10240x64xf32, #tpu.memory_space<vmem_shared>>
      tpu.enqueue_indirect_dma source(%dma_start3A_606 : memref<10240x64xf32, #tpu.memory_space<vmem_shared>>) target(%arg12 : memref<192x64xf32, #tpu.memory_space<vmem>>) offsets(%arg9 : memref<192xi32, #tpu.memory_space<vmem>>) semaphore(%arg16 : memref<!tpu.dma_semaphore, #tpu.memory_space<semaphore_mem>>)
      %dma_wait3A_607 = arith.constant 0 : i32
      %dma_wait3A_608 = arith.constant 0 : i32
      %dma_wait3A_609 = tpu.memref_slice %arg13[%dma_wait3A_607, %dma_wait3A_608] : memref<10240x64xf32, #tpu.memory_space<vmem_shared>> -> memref<10240x64xf32, #tpu.memory_space<vmem_shared>>
      tpu.wait_indirect_dma semaphore(%arg15 : memref<!tpu.dma_semaphore, #tpu.memory_space<semaphore_mem>>) src(%dma_wait3A_609 : memref<10240x64xf32, #tpu.memory_space<vmem_shared>>) dst(%arg11 : memref<192x64xf32, #tpu.memory_space<vmem>>)
      %dma_start3A_610 = arith.constant 0 : i32
      %dma_start3A_611 = arith.constant 0 : i32
      %dma_start3A_612 = tpu.memref_slice %arg14[%dma_start3A_610, %dma_start3A_611] : memref<10240x64xf32, #tpu.memory_space<vmem_shared>> -> memref<10240x64xf32, #tpu.memory_space<vmem_shared>>
      tpu.enqueue_indirect_dma source(%arg11 : memref<192x64xf32, #tpu.memory_space<vmem>>) target(%dma_start3A_612 : memref<10240x64xf32, #tpu.memory_space<vmem_shared>>) offsets(%arg8 : memref<192xi32, #tpu.memory_space<vmem>>) semaphore(%arg18 : memref<!tpu.dma_semaphore, #tpu.memory_space<semaphore_mem>>) {add = true}
      %dma_wait3A_613 = arith.constant 0 : i32
      %dma_wait3A_614 = arith.constant 0 : i32
      %dma_wait3A_615 = tpu.memref_slice %arg13[%dma_wait3A_613, %dma_wait3A_614] : memref<10240x64xf32, #tpu.memory_space<vmem_shared>> -> memref<10240x64xf32, #tpu.memory_space<vmem_shared>>
      tpu.wait_indirect_dma semaphore(%arg16 : memref<!tpu.dma_semaphore, #tpu.memory_space<semaphore_mem>>) src(%dma_wait3A_615 : memref<10240x64xf32, #tpu.memory_space<vmem_shared>>) dst(%arg12 : memref<192x64xf32, #tpu.memory_space<vmem>>)
      "tpu.region"() ({
        %run_scoped3A_620 = tpu.sem_alloc : memref<!tpu.dma_semaphore, #tpu.memory_space<semaphore_mem>>
        %dma_start3A_621 = arith.constant 0 : i32
        %dma_start3A_622 = arith.constant 0 : i32
        %dma_start3A_623 = tpu.memref_slice %arg14[%dma_start3A_621, %dma_start3A_622] : memref<10240x64xf32, #tpu.memory_space<vmem_shared>> -> memref<10240x64xf32, #tpu.memory_space<vmem_shared>>
        tpu.enqueue_indirect_dma source(%arg12 : memref<192x64xf32, #tpu.memory_space<vmem>>) target(%dma_start3A_623 : memref<10240x64xf32, #tpu.memory_space<vmem_shared>>) offsets(%arg10 : memref<192xi32, #tpu.memory_space<vmem>>) semaphore(%run_scoped3A_620 : memref<!tpu.dma_semaphore, #tpu.memory_space<semaphore_mem>>) {add = true}
        %dma_wait3A_624 = arith.constant 0 : i32
        %dma_wait3A_625 = arith.constant 0 : i32
        %dma_wait3A_626 = tpu.memref_slice %arg14[%dma_wait3A_624, %dma_wait3A_625] : memref<10240x64xf32, #tpu.memory_space<vmem_shared>> -> memref<10240x64xf32, #tpu.memory_space<vmem_shared>>
        tpu.wait_indirect_dma semaphore(%run_scoped3A_620 : memref<!tpu.dma_semaphore, #tpu.memory_space<semaphore_mem>>) src(%arg12 : memref<192x64xf32, #tpu.memory_space<vmem>>) dst(%dma_wait3A_626 : memref<10240x64xf32, #tpu.memory_space<vmem_shared>>)
        tpu.yield
      }) : () -> ()
      %dma_wait3A_616 = arith.constant 0 : i32
      %dma_wait3A_617 = arith.constant 0 : i32
      %dma_wait3A_618 = tpu.memref_slice %arg14[%dma_wait3A_616, %dma_wait3A_617] : memref<10240x64xf32, #tpu.memory_space<vmem_shared>> -> memref<10240x64xf32, #tpu.memory_space<vmem_shared>>
      tpu.wait_indirect_dma semaphore(%arg18 : memref<!tpu.dma_semaphore, #tpu.memory_space<semaphore_mem>>) src(%arg11 : memref<192x64xf32, #tpu.memory_space<vmem>>) dst(%dma_wait3A_618 : memref<10240x64xf32, #tpu.memory_space<vmem_shared>>)
      %scan3A_619 = arith.constant 0 : i32
      scf.yield %scan3A_619 : i32
    }
    %scan3A_49 = arith.constant 53 : i32
    %barrier3A_50 = arith.constant 0 : index
    tpu.barrier barrier_id(%barrier3A_50)
    %dma_wait3A_51 = arith.constant 1 : i32
    %dma_wait3A_52 = arith.constant 0 : i32
    %dma_wait3A_53 = arith.constant 0 : i32
    %dma_wait3A_54 = tpu.memref_slice %arg5[%dma_wait3A_51, %arg0, %dma_wait3A_52, %dma_wait3A_53] : memref<7x2x10240x64xf32, #tpu.memory_space<hbm>> -> memref<1x1x10240x64xf32, #tpu.memory_space<hbm>>
    %dma_wait3A_55 = tpu.memref_squeeze %dma_wait3A_54 : memref<1x1x10240x64xf32, #tpu.memory_space<hbm>> -> memref<10240x64xf32, #tpu.memory_space<hbm>>
    %dma_wait3A_56 = arith.constant 0 : i32
    %dma_wait3A_57 = tpu.memref_slice %dma_wait3A_55[%mul3A_0, %dma_wait3A_56] : memref<10240x64xf32, #tpu.memory_space<hbm>> -> memref<640x64xf32, #tpu.memory_space<hbm>>
    %dma_wait3A_58 = arith.constant 0 : i32
    %dma_wait3A_59 = tpu.memref_slice %arg13[%mul3A_0, %dma_wait3A_58] : memref<10240x64xf32, #tpu.memory_space<vmem_shared>> -> memref<640x64xf32, #tpu.memory_space<vmem_shared>>
    tpu.wait_dma2 semaphore(%arg17 : memref<!tpu.dma_semaphore, #tpu.memory_space<semaphore_mem>>) src(%dma_wait3A_59 : memref<640x64xf32, #tpu.memory_space<vmem_shared>>) dst(%dma_wait3A_57 : memref<640x64xf32, #tpu.memory_space<hbm>>)
    "tpu.region"() ({
      %run_scoped3A_168 = tpu.sem_alloc : memref<!tpu.dma_semaphore, #tpu.memory_space<semaphore_mem>>
      %dma_start3A_169 = arith.constant 0 : i32
      %dma_start3A_170 = tpu.memref_slice %arg13[%mul3A_0, %dma_start3A_169] : memref<10240x64xf32, #tpu.memory_space<vmem_shared>> -> memref<640x64xf32, #tpu.memory_space<vmem_shared>>
      tpu.enqueue_dma source(%arg4 : memref<640x64xf32, #tpu.memory_space<hbm>>) target(%dma_start3A_170 : memref<640x64xf32, #tpu.memory_space<vmem_shared>>) target_semaphore(%run_scoped3A_168 : memref<!tpu.dma_semaphore, #tpu.memory_space<semaphore_mem>>)
      %dma_wait3A_171 = arith.constant 0 : i32
      %dma_wait3A_172 = tpu.memref_slice %arg13[%mul3A_0, %dma_wait3A_171] : memref<10240x64xf32, #tpu.memory_space<vmem_shared>> -> memref<640x64xf32, #tpu.memory_space<vmem_shared>>
      tpu.wait_dma2 semaphore(%run_scoped3A_168 : memref<!tpu.dma_semaphore, #tpu.memory_space<semaphore_mem>>) src(%arg4 : memref<640x64xf32, #tpu.memory_space<hbm>>) dst(%dma_wait3A_172 : memref<640x64xf32, #tpu.memory_space<vmem_shared>>)
      tpu.yield
    }) : () -> ()
    %dma_start3A_60 = arith.constant 2 : i32
    %dma_start3A_61 = arith.constant 0 : i32
    %dma_start3A_62 = arith.constant 0 : i32
    %dma_start3A_63 = tpu.memref_slice %arg5[%dma_start3A_60, %arg0, %dma_start3A_61, %dma_start3A_62] : memref<7x2x10240x64xf32, #tpu.memory_space<hbm>> -> memref<1x1x10240x64xf32, #tpu.memory_space<hbm>>
    %dma_start3A_64 = tpu.memref_squeeze %dma_start3A_63 : memref<1x1x10240x64xf32, #tpu.memory_space<hbm>> -> memref<10240x64xf32, #tpu.memory_space<hbm>>
    %dma_start3A_65 = arith.constant 0 : i32
    %dma_start3A_66 = tpu.memref_slice %dma_start3A_64[%mul3A_0, %dma_start3A_65] : memref<10240x64xf32, #tpu.memory_space<hbm>> -> memref<640x64xf32, #tpu.memory_space<hbm>>
    %dma_start3A_67 = arith.constant 0 : i32
    %dma_start3A_68 = tpu.memref_slice %arg14[%mul3A_0, %dma_start3A_67] : memref<10240x64xf32, #tpu.memory_space<vmem_shared>> -> memref<640x64xf32, #tpu.memory_space<vmem_shared>>
    tpu.enqueue_dma source(%dma_start3A_68 : memref<640x64xf32, #tpu.memory_space<vmem_shared>>) target(%dma_start3A_66 : memref<640x64xf32, #tpu.memory_space<hbm>>) target_semaphore(%arg17 : memref<!tpu.dma_semaphore, #tpu.memory_space<semaphore_mem>>)
    %barrier3A_69 = arith.constant 0 : index
    tpu.barrier barrier_id(%barrier3A_69)
    %scan3A_70 = arith.constant 0 : i32
    %scan3A_71 = arith.constant 0 : i32
    %scan3A_72 = arith.constant 53 : i32
    %scan3A_73 = arith.addi %scan3A_71, %scan3A_72 : i32
    %scan3A_74 = arith.constant 1 : i32
    %scan3A_75 = scf.for %scan3A_168 = %scan3A_71 to %scan3A_73 step %scan3A_74 iter_args(%scan3A_169 = %scan3A_70) -> (i32)  : i32 {
      %mul3A_170 = arith.constant 2 : i32
      %mul3A_171 = arith.muli %scan3A_168, %mul3A_170 : i32
      %add3A = arith.constant 1 : i32
      %add3A_172 = arith.addi %mul3A_171, %add3A : i32
      %get3A = arith.index_cast %mul3A_171 : i32 to index
      %get3A_173 = arith.constant 0 : index
      %get3A_174 = tpu.vector_load %arg6[%get3A, %get3A_173] {strides = array<i32>} : memref<106x192xi32, #tpu.memory_space<vmem>>, vector<1x16xi32>,
      %get3A_175 = vector.shape_cast %get3A_174 : vector<1x16xi32> to vector<16xi32>
      %and3A = arith.constant 16383 : i32
      %and3A_176 = vector.broadcast %and3A : i32 to vector<16xi32>
      %and3A_177 = arith.andi %get3A_175, %and3A_176 : vector<16xi32>
      %swap3A = arith.constant 0 : index
      %swap3A_178 = tpu.vector_load %arg7[%swap3A] {strides = array<i32>} : memref<192xi32, #tpu.memory_space<vmem>>, vector<16xi32>,
      %swap3A_179 = vector.shape_cast %swap3A_178 : vector<16xi32> to vector<16xi32>
      %swap3A_180 = vector.shape_cast %and3A_177 : vector<16xi32> to vector<16xi32>
      tpu.vector_store %arg7[%swap3A], %swap3A_180 {strides = array<i32>} : memref<192xi32, #tpu.memory_space<vmem>>, vector<16xi32>,
      %shift_right_logical3A = arith.constant 14 : i32
      %shift_right_logical3A_181 = vector.broadcast %shift_right_logical3A : i32 to vector<16xi32>
      %shift_right_logical3A_182 = arith.shrui %get3A_175, %shift_right_logical3A_181 : vector<16xi32>
      %swap3A_183 = arith.constant 0 : index
      %swap3A_184 = tpu.vector_load %arg8[%swap3A_183] {strides = array<i32>} : memref<192xi32, #tpu.memory_space<vmem>>, vector<16xi32>,
      %swap3A_185 = vector.shape_cast %swap3A_184 : vector<16xi32> to vector<16xi32>
      %swap3A_186 = vector.shape_cast %shift_right_logical3A_182 : vector<16xi32> to vector<16xi32>
      tpu.vector_store %arg8[%swap3A_183], %swap3A_186 {strides = array<i32>} : memref<192xi32, #tpu.memory_space<vmem>>, vector<16xi32>,
      %get3A_187 = arith.index_cast %mul3A_171 : i32 to index
      %get3A_188 = arith.constant 16 : index
      %get3A_189 = tpu.vector_load %arg6[%get3A_187, %get3A_188] {strides = array<i32>} : memref<106x192xi32, #tpu.memory_space<vmem>>, vector<1x16xi32>,
      %get3A_190 = vector.shape_cast %get3A_189 : vector<1x16xi32> to vector<16xi32>
      %and3A_191 = arith.constant 16383 : i32
      %and3A_192 = vector.broadcast %and3A_191 : i32 to vector<16xi32>
      %and3A_193 = arith.andi %get3A_190, %and3A_192 : vector<16xi32>
      %swap3A_194 = arith.constant 16 : index
      %swap3A_195 = tpu.vector_load %arg7[%swap3A_194] {strides = array<i32>} : memref<192xi32, #tpu.memory_space<vmem>>, vector<16xi32>,
      %swap3A_196 = vector.shape_cast %swap3A_195 : vector<16xi32> to vector<16xi32>
      %swap3A_197 = vector.shape_cast %and3A_193 : vector<16xi32> to vector<16xi32>
      tpu.vector_store %arg7[%swap3A_194], %swap3A_197 {strides = array<i32>} : memref<192xi32, #tpu.memory_space<vmem>>, vector<16xi32>,
      %shift_right_logical3A_198 = arith.constant 14 : i32
      %shift_right_logical3A_199 = vector.broadcast %shift_right_logical3A_198 : i32 to vector<16xi32>
      %shift_right_logical3A_200 = arith.shrui %get3A_190, %shift_right_logical3A_199 : vector<16xi32>
      %swap3A_201 = arith.constant 16 : index
      %swap3A_202 = tpu.vector_load %arg8[%swap3A_201] {strides = array<i32>} : memref<192xi32, #tpu.memory_space<vmem>>, vector<16xi32>,
      %swap3A_203 = vector.shape_cast %swap3A_202 : vector<16xi32> to vector<16xi32>
      %swap3A_204 = vector.shape_cast %shift_right_logical3A_200 : vector<16xi32> to vector<16xi32>
      tpu.vector_store %arg8[%swap3A_201], %swap3A_204 {strides = array<i32>} : memref<192xi32, #tpu.memory_space<vmem>>, vector<16xi32>,
      %get3A_205 = arith.index_cast %mul3A_171 : i32 to index
      %get3A_206 = arith.constant 32 : index
      %get3A_207 = tpu.vector_load %arg6[%get3A_205, %get3A_206] {strides = array<i32>} : memref<106x192xi32, #tpu.memory_space<vmem>>, vector<1x16xi32>,
      %get3A_208 = vector.shape_cast %get3A_207 : vector<1x16xi32> to vector<16xi32>
      %and3A_209 = arith.constant 16383 : i32
      %and3A_210 = vector.broadcast %and3A_209 : i32 to vector<16xi32>
      %and3A_211 = arith.andi %get3A_208, %and3A_210 : vector<16xi32>
      %swap3A_212 = arith.constant 32 : index
      %swap3A_213 = tpu.vector_load %arg7[%swap3A_212] {strides = array<i32>} : memref<192xi32, #tpu.memory_space<vmem>>, vector<16xi32>,
      %swap3A_214 = vector.shape_cast %swap3A_213 : vector<16xi32> to vector<16xi32>
      %swap3A_215 = vector.shape_cast %and3A_211 : vector<16xi32> to vector<16xi32>
      tpu.vector_store %arg7[%swap3A_212], %swap3A_215 {strides = array<i32>} : memref<192xi32, #tpu.memory_space<vmem>>, vector<16xi32>,
      %shift_right_logical3A_216 = arith.constant 14 : i32
      %shift_right_logical3A_217 = vector.broadcast %shift_right_logical3A_216 : i32 to vector<16xi32>
      %shift_right_logical3A_218 = arith.shrui %get3A_208, %shift_right_logical3A_217 : vector<16xi32>
      %swap3A_219 = arith.constant 32 : index
      %swap3A_220 = tpu.vector_load %arg8[%swap3A_219] {strides = array<i32>} : memref<192xi32, #tpu.memory_space<vmem>>, vector<16xi32>,
      %swap3A_221 = vector.shape_cast %swap3A_220 : vector<16xi32> to vector<16xi32>
      %swap3A_222 = vector.shape_cast %shift_right_logical3A_218 : vector<16xi32> to vector<16xi32>
      tpu.vector_store %arg8[%swap3A_219], %swap3A_222 {strides = array<i32>} : memref<192xi32, #tpu.memory_space<vmem>>, vector<16xi32>,
      %get3A_223 = arith.index_cast %mul3A_171 : i32 to index
      %get3A_224 = arith.constant 48 : index
      %get3A_225 = tpu.vector_load %arg6[%get3A_223, %get3A_224] {strides = array<i32>} : memref<106x192xi32, #tpu.memory_space<vmem>>, vector<1x16xi32>,
      %get3A_226 = vector.shape_cast %get3A_225 : vector<1x16xi32> to vector<16xi32>
      %and3A_227 = arith.constant 16383 : i32
      %and3A_228 = vector.broadcast %and3A_227 : i32 to vector<16xi32>
      %and3A_229 = arith.andi %get3A_226, %and3A_228 : vector<16xi32>
      %swap3A_230 = arith.constant 48 : index
      %swap3A_231 = tpu.vector_load %arg7[%swap3A_230] {strides = array<i32>} : memref<192xi32, #tpu.memory_space<vmem>>, vector<16xi32>,
      %swap3A_232 = vector.shape_cast %swap3A_231 : vector<16xi32> to vector<16xi32>
      %swap3A_233 = vector.shape_cast %and3A_229 : vector<16xi32> to vector<16xi32>
      tpu.vector_store %arg7[%swap3A_230], %swap3A_233 {strides = array<i32>} : memref<192xi32, #tpu.memory_space<vmem>>, vector<16xi32>,
      %shift_right_logical3A_234 = arith.constant 14 : i32
      %shift_right_logical3A_235 = vector.broadcast %shift_right_logical3A_234 : i32 to vector<16xi32>
      %shift_right_logical3A_236 = arith.shrui %get3A_226, %shift_right_logical3A_235 : vector<16xi32>
      %swap3A_237 = arith.constant 48 : index
      %swap3A_238 = tpu.vector_load %arg8[%swap3A_237] {strides = array<i32>} : memref<192xi32, #tpu.memory_space<vmem>>, vector<16xi32>,
      %swap3A_239 = vector.shape_cast %swap3A_238 : vector<16xi32> to vector<16xi32>
      %swap3A_240 = vector.shape_cast %shift_right_logical3A_236 : vector<16xi32> to vector<16xi32>
      tpu.vector_store %arg8[%swap3A_237], %swap3A_240 {strides = array<i32>} : memref<192xi32, #tpu.memory_space<vmem>>, vector<16xi32>,
      %get3A_241 = arith.index_cast %mul3A_171 : i32 to index
      %get3A_242 = arith.constant 64 : index
      %get3A_243 = tpu.vector_load %arg6[%get3A_241, %get3A_242] {strides = array<i32>} : memref<106x192xi32, #tpu.memory_space<vmem>>, vector<1x16xi32>,
      %get3A_244 = vector.shape_cast %get3A_243 : vector<1x16xi32> to vector<16xi32>
      %and3A_245 = arith.constant 16383 : i32
      %and3A_246 = vector.broadcast %and3A_245 : i32 to vector<16xi32>
      %and3A_247 = arith.andi %get3A_244, %and3A_246 : vector<16xi32>
      %swap3A_248 = arith.constant 64 : index
      %swap3A_249 = tpu.vector_load %arg7[%swap3A_248] {strides = array<i32>} : memref<192xi32, #tpu.memory_space<vmem>>, vector<16xi32>,
      %swap3A_250 = vector.shape_cast %swap3A_249 : vector<16xi32> to vector<16xi32>
      %swap3A_251 = vector.shape_cast %and3A_247 : vector<16xi32> to vector<16xi32>
      tpu.vector_store %arg7[%swap3A_248], %swap3A_251 {strides = array<i32>} : memref<192xi32, #tpu.memory_space<vmem>>, vector<16xi32>,
      %shift_right_logical3A_252 = arith.constant 14 : i32
      %shift_right_logical3A_253 = vector.broadcast %shift_right_logical3A_252 : i32 to vector<16xi32>
      %shift_right_logical3A_254 = arith.shrui %get3A_244, %shift_right_logical3A_253 : vector<16xi32>
      %swap3A_255 = arith.constant 64 : index
      %swap3A_256 = tpu.vector_load %arg8[%swap3A_255] {strides = array<i32>} : memref<192xi32, #tpu.memory_space<vmem>>, vector<16xi32>,
      %swap3A_257 = vector.shape_cast %swap3A_256 : vector<16xi32> to vector<16xi32>
      %swap3A_258 = vector.shape_cast %shift_right_logical3A_254 : vector<16xi32> to vector<16xi32>
      tpu.vector_store %arg8[%swap3A_255], %swap3A_258 {strides = array<i32>} : memref<192xi32, #tpu.memory_space<vmem>>, vector<16xi32>,
      %get3A_259 = arith.index_cast %mul3A_171 : i32 to index
      %get3A_260 = arith.constant 80 : index
      %get3A_261 = tpu.vector_load %arg6[%get3A_259, %get3A_260] {strides = array<i32>} : memref<106x192xi32, #tpu.memory_space<vmem>>, vector<1x16xi32>,
      %get3A_262 = vector.shape_cast %get3A_261 : vector<1x16xi32> to vector<16xi32>
      %and3A_263 = arith.constant 16383 : i32
      %and3A_264 = vector.broadcast %and3A_263 : i32 to vector<16xi32>
      %and3A_265 = arith.andi %get3A_262, %and3A_264 : vector<16xi32>
      %swap3A_266 = arith.constant 80 : index
      %swap3A_267 = tpu.vector_load %arg7[%swap3A_266] {strides = array<i32>} : memref<192xi32, #tpu.memory_space<vmem>>, vector<16xi32>,
      %swap3A_268 = vector.shape_cast %swap3A_267 : vector<16xi32> to vector<16xi32>
      %swap3A_269 = vector.shape_cast %and3A_265 : vector<16xi32> to vector<16xi32>
      tpu.vector_store %arg7[%swap3A_266], %swap3A_269 {strides = array<i32>} : memref<192xi32, #tpu.memory_space<vmem>>, vector<16xi32>,
      %shift_right_logical3A_270 = arith.constant 14 : i32
      %shift_right_logical3A_271 = vector.broadcast %shift_right_logical3A_270 : i32 to vector<16xi32>
      %shift_right_logical3A_272 = arith.shrui %get3A_262, %shift_right_logical3A_271 : vector<16xi32>
      %swap3A_273 = arith.constant 80 : index
      %swap3A_274 = tpu.vector_load %arg8[%swap3A_273] {strides = array<i32>} : memref<192xi32, #tpu.memory_space<vmem>>, vector<16xi32>,
      %swap3A_275 = vector.shape_cast %swap3A_274 : vector<16xi32> to vector<16xi32>
      %swap3A_276 = vector.shape_cast %shift_right_logical3A_272 : vector<16xi32> to vector<16xi32>
      tpu.vector_store %arg8[%swap3A_273], %swap3A_276 {strides = array<i32>} : memref<192xi32, #tpu.memory_space<vmem>>, vector<16xi32>,
      %get3A_277 = arith.index_cast %mul3A_171 : i32 to index
      %get3A_278 = arith.constant 96 : index
      %get3A_279 = tpu.vector_load %arg6[%get3A_277, %get3A_278] {strides = array<i32>} : memref<106x192xi32, #tpu.memory_space<vmem>>, vector<1x16xi32>,
      %get3A_280 = vector.shape_cast %get3A_279 : vector<1x16xi32> to vector<16xi32>
      %and3A_281 = arith.constant 16383 : i32
      %and3A_282 = vector.broadcast %and3A_281 : i32 to vector<16xi32>
      %and3A_283 = arith.andi %get3A_280, %and3A_282 : vector<16xi32>
      %swap3A_284 = arith.constant 96 : index
      %swap3A_285 = tpu.vector_load %arg7[%swap3A_284] {strides = array<i32>} : memref<192xi32, #tpu.memory_space<vmem>>, vector<16xi32>,
      %swap3A_286 = vector.shape_cast %swap3A_285 : vector<16xi32> to vector<16xi32>
      %swap3A_287 = vector.shape_cast %and3A_283 : vector<16xi32> to vector<16xi32>
      tpu.vector_store %arg7[%swap3A_284], %swap3A_287 {strides = array<i32>} : memref<192xi32, #tpu.memory_space<vmem>>, vector<16xi32>,
      %shift_right_logical3A_288 = arith.constant 14 : i32
      %shift_right_logical3A_289 = vector.broadcast %shift_right_logical3A_288 : i32 to vector<16xi32>
      %shift_right_logical3A_290 = arith.shrui %get3A_280, %shift_right_logical3A_289 : vector<16xi32>
      %swap3A_291 = arith.constant 96 : index
      %swap3A_292 = tpu.vector_load %arg8[%swap3A_291] {strides = array<i32>} : memref<192xi32, #tpu.memory_space<vmem>>, vector<16xi32>,
      %swap3A_293 = vector.shape_cast %swap3A_292 : vector<16xi32> to vector<16xi32>
      %swap3A_294 = vector.shape_cast %shift_right_logical3A_290 : vector<16xi32> to vector<16xi32>
      tpu.vector_store %arg8[%swap3A_291], %swap3A_294 {strides = array<i32>} : memref<192xi32, #tpu.memory_space<vmem>>, vector<16xi32>,
      %get3A_295 = arith.index_cast %mul3A_171 : i32 to index
      %get3A_296 = arith.constant 112 : index
      %get3A_297 = tpu.vector_load %arg6[%get3A_295, %get3A_296] {strides = array<i32>} : memref<106x192xi32, #tpu.memory_space<vmem>>, vector<1x16xi32>,
      %get3A_298 = vector.shape_cast %get3A_297 : vector<1x16xi32> to vector<16xi32>
      %and3A_299 = arith.constant 16383 : i32
      %and3A_300 = vector.broadcast %and3A_299 : i32 to vector<16xi32>
      %and3A_301 = arith.andi %get3A_298, %and3A_300 : vector<16xi32>
      %swap3A_302 = arith.constant 112 : index
      %swap3A_303 = tpu.vector_load %arg7[%swap3A_302] {strides = array<i32>} : memref<192xi32, #tpu.memory_space<vmem>>, vector<16xi32>,
      %swap3A_304 = vector.shape_cast %swap3A_303 : vector<16xi32> to vector<16xi32>
      %swap3A_305 = vector.shape_cast %and3A_301 : vector<16xi32> to vector<16xi32>
      tpu.vector_store %arg7[%swap3A_302], %swap3A_305 {strides = array<i32>} : memref<192xi32, #tpu.memory_space<vmem>>, vector<16xi32>,
      %shift_right_logical3A_306 = arith.constant 14 : i32
      %shift_right_logical3A_307 = vector.broadcast %shift_right_logical3A_306 : i32 to vector<16xi32>
      %shift_right_logical3A_308 = arith.shrui %get3A_298, %shift_right_logical3A_307 : vector<16xi32>
      %swap3A_309 = arith.constant 112 : index
      %swap3A_310 = tpu.vector_load %arg8[%swap3A_309] {strides = array<i32>} : memref<192xi32, #tpu.memory_space<vmem>>, vector<16xi32>,
      %swap3A_311 = vector.shape_cast %swap3A_310 : vector<16xi32> to vector<16xi32>
      %swap3A_312 = vector.shape_cast %shift_right_logical3A_308 : vector<16xi32> to vector<16xi32>
      tpu.vector_store %arg8[%swap3A_309], %swap3A_312 {strides = array<i32>} : memref<192xi32, #tpu.memory_space<vmem>>, vector<16xi32>,
      %get3A_313 = arith.index_cast %mul3A_171 : i32 to index
      %get3A_314 = arith.constant 128 : index
      %get3A_315 = tpu.vector_load %arg6[%get3A_313, %get3A_314] {strides = array<i32>} : memref<106x192xi32, #tpu.memory_space<vmem>>, vector<1x16xi32>,
      %get3A_316 = vector.shape_cast %get3A_315 : vector<1x16xi32> to vector<16xi32>
      %and3A_317 = arith.constant 16383 : i32
      %and3A_318 = vector.broadcast %and3A_317 : i32 to vector<16xi32>
      %and3A_319 = arith.andi %get3A_316, %and3A_318 : vector<16xi32>
      %swap3A_320 = arith.constant 128 : index
      %swap3A_321 = tpu.vector_load %arg7[%swap3A_320] {strides = array<i32>} : memref<192xi32, #tpu.memory_space<vmem>>, vector<16xi32>,
      %swap3A_322 = vector.shape_cast %swap3A_321 : vector<16xi32> to vector<16xi32>
      %swap3A_323 = vector.shape_cast %and3A_319 : vector<16xi32> to vector<16xi32>
      tpu.vector_store %arg7[%swap3A_320], %swap3A_323 {strides = array<i32>} : memref<192xi32, #tpu.memory_space<vmem>>, vector<16xi32>,
      %shift_right_logical3A_324 = arith.constant 14 : i32
      %shift_right_logical3A_325 = vector.broadcast %shift_right_logical3A_324 : i32 to vector<16xi32>
      %shift_right_logical3A_326 = arith.shrui %get3A_316, %shift_right_logical3A_325 : vector<16xi32>
      %swap3A_327 = arith.constant 128 : index
      %swap3A_328 = tpu.vector_load %arg8[%swap3A_327] {strides = array<i32>} : memref<192xi32, #tpu.memory_space<vmem>>, vector<16xi32>,
      %swap3A_329 = vector.shape_cast %swap3A_328 : vector<16xi32> to vector<16xi32>
      %swap3A_330 = vector.shape_cast %shift_right_logical3A_326 : vector<16xi32> to vector<16xi32>
      tpu.vector_store %arg8[%swap3A_327], %swap3A_330 {strides = array<i32>} : memref<192xi32, #tpu.memory_space<vmem>>, vector<16xi32>,
      %get3A_331 = arith.index_cast %mul3A_171 : i32 to index
      %get3A_332 = arith.constant 144 : index
      %get3A_333 = tpu.vector_load %arg6[%get3A_331, %get3A_332] {strides = array<i32>} : memref<106x192xi32, #tpu.memory_space<vmem>>, vector<1x16xi32>,
      %get3A_334 = vector.shape_cast %get3A_333 : vector<1x16xi32> to vector<16xi32>
      %and3A_335 = arith.constant 16383 : i32
      %and3A_336 = vector.broadcast %and3A_335 : i32 to vector<16xi32>
      %and3A_337 = arith.andi %get3A_334, %and3A_336 : vector<16xi32>
      %swap3A_338 = arith.constant 144 : index
      %swap3A_339 = tpu.vector_load %arg7[%swap3A_338] {strides = array<i32>} : memref<192xi32, #tpu.memory_space<vmem>>, vector<16xi32>,
      %swap3A_340 = vector.shape_cast %swap3A_339 : vector<16xi32> to vector<16xi32>
      %swap3A_341 = vector.shape_cast %and3A_337 : vector<16xi32> to vector<16xi32>
      tpu.vector_store %arg7[%swap3A_338], %swap3A_341 {strides = array<i32>} : memref<192xi32, #tpu.memory_space<vmem>>, vector<16xi32>,
      %shift_right_logical3A_342 = arith.constant 14 : i32
      %shift_right_logical3A_343 = vector.broadcast %shift_right_logical3A_342 : i32 to vector<16xi32>
      %shift_right_logical3A_344 = arith.shrui %get3A_334, %shift_right_logical3A_343 : vector<16xi32>
      %swap3A_345 = arith.constant 144 : index
      %swap3A_346 = tpu.vector_load %arg8[%swap3A_345] {strides = array<i32>} : memref<192xi32, #tpu.memory_space<vmem>>, vector<16xi32>,
      %swap3A_347 = vector.shape_cast %swap3A_346 : vector<16xi32> to vector<16xi32>
      %swap3A_348 = vector.shape_cast %shift_right_logical3A_344 : vector<16xi32> to vector<16xi32>
      tpu.vector_store %arg8[%swap3A_345], %swap3A_348 {strides = array<i32>} : memref<192xi32, #tpu.memory_space<vmem>>, vector<16xi32>,
      %get3A_349 = arith.index_cast %mul3A_171 : i32 to index
      %get3A_350 = arith.constant 160 : index
      %get3A_351 = tpu.vector_load %arg6[%get3A_349, %get3A_350] {strides = array<i32>} : memref<106x192xi32, #tpu.memory_space<vmem>>, vector<1x16xi32>,
      %get3A_352 = vector.shape_cast %get3A_351 : vector<1x16xi32> to vector<16xi32>
      %and3A_353 = arith.constant 16383 : i32
      %and3A_354 = vector.broadcast %and3A_353 : i32 to vector<16xi32>
      %and3A_355 = arith.andi %get3A_352, %and3A_354 : vector<16xi32>
      %swap3A_356 = arith.constant 160 : index
      %swap3A_357 = tpu.vector_load %arg7[%swap3A_356] {strides = array<i32>} : memref<192xi32, #tpu.memory_space<vmem>>, vector<16xi32>,
      %swap3A_358 = vector.shape_cast %swap3A_357 : vector<16xi32> to vector<16xi32>
      %swap3A_359 = vector.shape_cast %and3A_355 : vector<16xi32> to vector<16xi32>
      tpu.vector_store %arg7[%swap3A_356], %swap3A_359 {strides = array<i32>} : memref<192xi32, #tpu.memory_space<vmem>>, vector<16xi32>,
      %shift_right_logical3A_360 = arith.constant 14 : i32
      %shift_right_logical3A_361 = vector.broadcast %shift_right_logical3A_360 : i32 to vector<16xi32>
      %shift_right_logical3A_362 = arith.shrui %get3A_352, %shift_right_logical3A_361 : vector<16xi32>
      %swap3A_363 = arith.constant 160 : index
      %swap3A_364 = tpu.vector_load %arg8[%swap3A_363] {strides = array<i32>} : memref<192xi32, #tpu.memory_space<vmem>>, vector<16xi32>,
      %swap3A_365 = vector.shape_cast %swap3A_364 : vector<16xi32> to vector<16xi32>
      %swap3A_366 = vector.shape_cast %shift_right_logical3A_362 : vector<16xi32> to vector<16xi32>
      tpu.vector_store %arg8[%swap3A_363], %swap3A_366 {strides = array<i32>} : memref<192xi32, #tpu.memory_space<vmem>>, vector<16xi32>,
      %get3A_367 = arith.index_cast %mul3A_171 : i32 to index
      %get3A_368 = arith.constant 176 : index
      %get3A_369 = tpu.vector_load %arg6[%get3A_367, %get3A_368] {strides = array<i32>} : memref<106x192xi32, #tpu.memory_space<vmem>>, vector<1x16xi32>,
      %get3A_370 = vector.shape_cast %get3A_369 : vector<1x16xi32> to vector<16xi32>
      %and3A_371 = arith.constant 16383 : i32
      %and3A_372 = vector.broadcast %and3A_371 : i32 to vector<16xi32>
      %and3A_373 = arith.andi %get3A_370, %and3A_372 : vector<16xi32>
      %swap3A_374 = arith.constant 176 : index
      %swap3A_375 = tpu.vector_load %arg7[%swap3A_374] {strides = array<i32>} : memref<192xi32, #tpu.memory_space<vmem>>, vector<16xi32>,
      %swap3A_376 = vector.shape_cast %swap3A_375 : vector<16xi32> to vector<16xi32>
      %swap3A_377 = vector.shape_cast %and3A_373 : vector<16xi32> to vector<16xi32>
      tpu.vector_store %arg7[%swap3A_374], %swap3A_377 {strides = array<i32>} : memref<192xi32, #tpu.memory_space<vmem>>, vector<16xi32>,
      %shift_right_logical3A_378 = arith.constant 14 : i32
      %shift_right_logical3A_379 = vector.broadcast %shift_right_logical3A_378 : i32 to vector<16xi32>
      %shift_right_logical3A_380 = arith.shrui %get3A_370, %shift_right_logical3A_379 : vector<16xi32>
      %swap3A_381 = arith.constant 176 : index
      %swap3A_382 = tpu.vector_load %arg8[%swap3A_381] {strides = array<i32>} : memref<192xi32, #tpu.memory_space<vmem>>, vector<16xi32>,
      %swap3A_383 = vector.shape_cast %swap3A_382 : vector<16xi32> to vector<16xi32>
      %swap3A_384 = vector.shape_cast %shift_right_logical3A_380 : vector<16xi32> to vector<16xi32>
      tpu.vector_store %arg8[%swap3A_381], %swap3A_384 {strides = array<i32>} : memref<192xi32, #tpu.memory_space<vmem>>, vector<16xi32>,
      %dma_start3A_385 = arith.constant 0 : i32
      %dma_start3A_386 = arith.constant 0 : i32
      %dma_start3A_387 = tpu.memref_slice %arg14[%dma_start3A_385, %dma_start3A_386] : memref<10240x64xf32, #tpu.memory_space<vmem_shared>> -> memref<10240x64xf32, #tpu.memory_space<vmem_shared>>
      tpu.enqueue_indirect_dma source(%dma_start3A_387 : memref<10240x64xf32, #tpu.memory_space<vmem_shared>>) target(%arg11 : memref<192x64xf32, #tpu.memory_space<vmem>>) offsets(%arg7 : memref<192xi32, #tpu.memory_space<vmem>>) semaphore(%arg15 : memref<!tpu.dma_semaphore, #tpu.memory_space<semaphore_mem>>)
      %get3A_388 = arith.index_cast %add3A_172 : i32 to index
      %get3A_389 = arith.constant 0 : index
      %get3A_390 = tpu.vector_load %arg6[%get3A_388, %get3A_389] {strides = array<i32>} : memref<106x192xi32, #tpu.memory_space<vmem>>, vector<1x16xi32>,
      %get3A_391 = vector.shape_cast %get3A_390 : vector<1x16xi32> to vector<16xi32>
      %and3A_392 = arith.constant 16383 : i32
      %and3A_393 = vector.broadcast %and3A_392 : i32 to vector<16xi32>
      %and3A_394 = arith.andi %get3A_391, %and3A_393 : vector<16xi32>
      %swap3A_395 = arith.constant 0 : index
      %swap3A_396 = tpu.vector_load %arg9[%swap3A_395] {strides = array<i32>} : memref<192xi32, #tpu.memory_space<vmem>>, vector<16xi32>,
      %swap3A_397 = vector.shape_cast %swap3A_396 : vector<16xi32> to vector<16xi32>
      %swap3A_398 = vector.shape_cast %and3A_394 : vector<16xi32> to vector<16xi32>
      tpu.vector_store %arg9[%swap3A_395], %swap3A_398 {strides = array<i32>} : memref<192xi32, #tpu.memory_space<vmem>>, vector<16xi32>,
      %shift_right_logical3A_399 = arith.constant 14 : i32
      %shift_right_logical3A_400 = vector.broadcast %shift_right_logical3A_399 : i32 to vector<16xi32>
      %shift_right_logical3A_401 = arith.shrui %get3A_391, %shift_right_logical3A_400 : vector<16xi32>
      %swap3A_402 = arith.constant 0 : index
      %swap3A_403 = tpu.vector_load %arg10[%swap3A_402] {strides = array<i32>} : memref<192xi32, #tpu.memory_space<vmem>>, vector<16xi32>,
      %swap3A_404 = vector.shape_cast %swap3A_403 : vector<16xi32> to vector<16xi32>
      %swap3A_405 = vector.shape_cast %shift_right_logical3A_401 : vector<16xi32> to vector<16xi32>
      tpu.vector_store %arg10[%swap3A_402], %swap3A_405 {strides = array<i32>} : memref<192xi32, #tpu.memory_space<vmem>>, vector<16xi32>,
      %get3A_406 = arith.index_cast %add3A_172 : i32 to index
      %get3A_407 = arith.constant 16 : index
      %get3A_408 = tpu.vector_load %arg6[%get3A_406, %get3A_407] {strides = array<i32>} : memref<106x192xi32, #tpu.memory_space<vmem>>, vector<1x16xi32>,
      %get3A_409 = vector.shape_cast %get3A_408 : vector<1x16xi32> to vector<16xi32>
      %and3A_410 = arith.constant 16383 : i32
      %and3A_411 = vector.broadcast %and3A_410 : i32 to vector<16xi32>
      %and3A_412 = arith.andi %get3A_409, %and3A_411 : vector<16xi32>
      %swap3A_413 = arith.constant 16 : index
      %swap3A_414 = tpu.vector_load %arg9[%swap3A_413] {strides = array<i32>} : memref<192xi32, #tpu.memory_space<vmem>>, vector<16xi32>,
      %swap3A_415 = vector.shape_cast %swap3A_414 : vector<16xi32> to vector<16xi32>
      %swap3A_416 = vector.shape_cast %and3A_412 : vector<16xi32> to vector<16xi32>
      tpu.vector_store %arg9[%swap3A_413], %swap3A_416 {strides = array<i32>} : memref<192xi32, #tpu.memory_space<vmem>>, vector<16xi32>,
      %shift_right_logical3A_417 = arith.constant 14 : i32
      %shift_right_logical3A_418 = vector.broadcast %shift_right_logical3A_417 : i32 to vector<16xi32>
      %shift_right_logical3A_419 = arith.shrui %get3A_409, %shift_right_logical3A_418 : vector<16xi32>
      %swap3A_420 = arith.constant 16 : index
      %swap3A_421 = tpu.vector_load %arg10[%swap3A_420] {strides = array<i32>} : memref<192xi32, #tpu.memory_space<vmem>>, vector<16xi32>,
      %swap3A_422 = vector.shape_cast %swap3A_421 : vector<16xi32> to vector<16xi32>
      %swap3A_423 = vector.shape_cast %shift_right_logical3A_419 : vector<16xi32> to vector<16xi32>
      tpu.vector_store %arg10[%swap3A_420], %swap3A_423 {strides = array<i32>} : memref<192xi32, #tpu.memory_space<vmem>>, vector<16xi32>,
      %get3A_424 = arith.index_cast %add3A_172 : i32 to index
      %get3A_425 = arith.constant 32 : index
      %get3A_426 = tpu.vector_load %arg6[%get3A_424, %get3A_425] {strides = array<i32>} : memref<106x192xi32, #tpu.memory_space<vmem>>, vector<1x16xi32>,
      %get3A_427 = vector.shape_cast %get3A_426 : vector<1x16xi32> to vector<16xi32>
      %and3A_428 = arith.constant 16383 : i32
      %and3A_429 = vector.broadcast %and3A_428 : i32 to vector<16xi32>
      %and3A_430 = arith.andi %get3A_427, %and3A_429 : vector<16xi32>
      %swap3A_431 = arith.constant 32 : index
      %swap3A_432 = tpu.vector_load %arg9[%swap3A_431] {strides = array<i32>} : memref<192xi32, #tpu.memory_space<vmem>>, vector<16xi32>,
      %swap3A_433 = vector.shape_cast %swap3A_432 : vector<16xi32> to vector<16xi32>
      %swap3A_434 = vector.shape_cast %and3A_430 : vector<16xi32> to vector<16xi32>
      tpu.vector_store %arg9[%swap3A_431], %swap3A_434 {strides = array<i32>} : memref<192xi32, #tpu.memory_space<vmem>>, vector<16xi32>,
      %shift_right_logical3A_435 = arith.constant 14 : i32
      %shift_right_logical3A_436 = vector.broadcast %shift_right_logical3A_435 : i32 to vector<16xi32>
      %shift_right_logical3A_437 = arith.shrui %get3A_427, %shift_right_logical3A_436 : vector<16xi32>
      %swap3A_438 = arith.constant 32 : index
      %swap3A_439 = tpu.vector_load %arg10[%swap3A_438] {strides = array<i32>} : memref<192xi32, #tpu.memory_space<vmem>>, vector<16xi32>,
      %swap3A_440 = vector.shape_cast %swap3A_439 : vector<16xi32> to vector<16xi32>
      %swap3A_441 = vector.shape_cast %shift_right_logical3A_437 : vector<16xi32> to vector<16xi32>
      tpu.vector_store %arg10[%swap3A_438], %swap3A_441 {strides = array<i32>} : memref<192xi32, #tpu.memory_space<vmem>>, vector<16xi32>,
      %get3A_442 = arith.index_cast %add3A_172 : i32 to index
      %get3A_443 = arith.constant 48 : index
      %get3A_444 = tpu.vector_load %arg6[%get3A_442, %get3A_443] {strides = array<i32>} : memref<106x192xi32, #tpu.memory_space<vmem>>, vector<1x16xi32>,
      %get3A_445 = vector.shape_cast %get3A_444 : vector<1x16xi32> to vector<16xi32>
      %and3A_446 = arith.constant 16383 : i32
      %and3A_447 = vector.broadcast %and3A_446 : i32 to vector<16xi32>
      %and3A_448 = arith.andi %get3A_445, %and3A_447 : vector<16xi32>
      %swap3A_449 = arith.constant 48 : index
      %swap3A_450 = tpu.vector_load %arg9[%swap3A_449] {strides = array<i32>} : memref<192xi32, #tpu.memory_space<vmem>>, vector<16xi32>,
      %swap3A_451 = vector.shape_cast %swap3A_450 : vector<16xi32> to vector<16xi32>
      %swap3A_452 = vector.shape_cast %and3A_448 : vector<16xi32> to vector<16xi32>
      tpu.vector_store %arg9[%swap3A_449], %swap3A_452 {strides = array<i32>} : memref<192xi32, #tpu.memory_space<vmem>>, vector<16xi32>,
      %shift_right_logical3A_453 = arith.constant 14 : i32
      %shift_right_logical3A_454 = vector.broadcast %shift_right_logical3A_453 : i32 to vector<16xi32>
      %shift_right_logical3A_455 = arith.shrui %get3A_445, %shift_right_logical3A_454 : vector<16xi32>
      %swap3A_456 = arith.constant 48 : index
      %swap3A_457 = tpu.vector_load %arg10[%swap3A_456] {strides = array<i32>} : memref<192xi32, #tpu.memory_space<vmem>>, vector<16xi32>,
      %swap3A_458 = vector.shape_cast %swap3A_457 : vector<16xi32> to vector<16xi32>
      %swap3A_459 = vector.shape_cast %shift_right_logical3A_455 : vector<16xi32> to vector<16xi32>
      tpu.vector_store %arg10[%swap3A_456], %swap3A_459 {strides = array<i32>} : memref<192xi32, #tpu.memory_space<vmem>>, vector<16xi32>,
      %get3A_460 = arith.index_cast %add3A_172 : i32 to index
      %get3A_461 = arith.constant 64 : index
      %get3A_462 = tpu.vector_load %arg6[%get3A_460, %get3A_461] {strides = array<i32>} : memref<106x192xi32, #tpu.memory_space<vmem>>, vector<1x16xi32>,
      %get3A_463 = vector.shape_cast %get3A_462 : vector<1x16xi32> to vector<16xi32>
      %and3A_464 = arith.constant 16383 : i32
      %and3A_465 = vector.broadcast %and3A_464 : i32 to vector<16xi32>
      %and3A_466 = arith.andi %get3A_463, %and3A_465 : vector<16xi32>
      %swap3A_467 = arith.constant 64 : index
      %swap3A_468 = tpu.vector_load %arg9[%swap3A_467] {strides = array<i32>} : memref<192xi32, #tpu.memory_space<vmem>>, vector<16xi32>,
      %swap3A_469 = vector.shape_cast %swap3A_468 : vector<16xi32> to vector<16xi32>
      %swap3A_470 = vector.shape_cast %and3A_466 : vector<16xi32> to vector<16xi32>
      tpu.vector_store %arg9[%swap3A_467], %swap3A_470 {strides = array<i32>} : memref<192xi32, #tpu.memory_space<vmem>>, vector<16xi32>,
      %shift_right_logical3A_471 = arith.constant 14 : i32
      %shift_right_logical3A_472 = vector.broadcast %shift_right_logical3A_471 : i32 to vector<16xi32>
      %shift_right_logical3A_473 = arith.shrui %get3A_463, %shift_right_logical3A_472 : vector<16xi32>
      %swap3A_474 = arith.constant 64 : index
      %swap3A_475 = tpu.vector_load %arg10[%swap3A_474] {strides = array<i32>} : memref<192xi32, #tpu.memory_space<vmem>>, vector<16xi32>,
      %swap3A_476 = vector.shape_cast %swap3A_475 : vector<16xi32> to vector<16xi32>
      %swap3A_477 = vector.shape_cast %shift_right_logical3A_473 : vector<16xi32> to vector<16xi32>
      tpu.vector_store %arg10[%swap3A_474], %swap3A_477 {strides = array<i32>} : memref<192xi32, #tpu.memory_space<vmem>>, vector<16xi32>,
      %get3A_478 = arith.index_cast %add3A_172 : i32 to index
      %get3A_479 = arith.constant 80 : index
      %get3A_480 = tpu.vector_load %arg6[%get3A_478, %get3A_479] {strides = array<i32>} : memref<106x192xi32, #tpu.memory_space<vmem>>, vector<1x16xi32>,
      %get3A_481 = vector.shape_cast %get3A_480 : vector<1x16xi32> to vector<16xi32>
      %and3A_482 = arith.constant 16383 : i32
      %and3A_483 = vector.broadcast %and3A_482 : i32 to vector<16xi32>
      %and3A_484 = arith.andi %get3A_481, %and3A_483 : vector<16xi32>
      %swap3A_485 = arith.constant 80 : index
      %swap3A_486 = tpu.vector_load %arg9[%swap3A_485] {strides = array<i32>} : memref<192xi32, #tpu.memory_space<vmem>>, vector<16xi32>,
      %swap3A_487 = vector.shape_cast %swap3A_486 : vector<16xi32> to vector<16xi32>
      %swap3A_488 = vector.shape_cast %and3A_484 : vector<16xi32> to vector<16xi32>
      tpu.vector_store %arg9[%swap3A_485], %swap3A_488 {strides = array<i32>} : memref<192xi32, #tpu.memory_space<vmem>>, vector<16xi32>,
      %shift_right_logical3A_489 = arith.constant 14 : i32
      %shift_right_logical3A_490 = vector.broadcast %shift_right_logical3A_489 : i32 to vector<16xi32>
      %shift_right_logical3A_491 = arith.shrui %get3A_481, %shift_right_logical3A_490 : vector<16xi32>
      %swap3A_492 = arith.constant 80 : index
      %swap3A_493 = tpu.vector_load %arg10[%swap3A_492] {strides = array<i32>} : memref<192xi32, #tpu.memory_space<vmem>>, vector<16xi32>,
      %swap3A_494 = vector.shape_cast %swap3A_493 : vector<16xi32> to vector<16xi32>
      %swap3A_495 = vector.shape_cast %shift_right_logical3A_491 : vector<16xi32> to vector<16xi32>
      tpu.vector_store %arg10[%swap3A_492], %swap3A_495 {strides = array<i32>} : memref<192xi32, #tpu.memory_space<vmem>>, vector<16xi32>,
      %get3A_496 = arith.index_cast %add3A_172 : i32 to index
      %get3A_497 = arith.constant 96 : index
      %get3A_498 = tpu.vector_load %arg6[%get3A_496, %get3A_497] {strides = array<i32>} : memref<106x192xi32, #tpu.memory_space<vmem>>, vector<1x16xi32>,
      %get3A_499 = vector.shape_cast %get3A_498 : vector<1x16xi32> to vector<16xi32>
      %and3A_500 = arith.constant 16383 : i32
      %and3A_501 = vector.broadcast %and3A_500 : i32 to vector<16xi32>
      %and3A_502 = arith.andi %get3A_499, %and3A_501 : vector<16xi32>
      %swap3A_503 = arith.constant 96 : index
      %swap3A_504 = tpu.vector_load %arg9[%swap3A_503] {strides = array<i32>} : memref<192xi32, #tpu.memory_space<vmem>>, vector<16xi32>,
      %swap3A_505 = vector.shape_cast %swap3A_504 : vector<16xi32> to vector<16xi32>
      %swap3A_506 = vector.shape_cast %and3A_502 : vector<16xi32> to vector<16xi32>
      tpu.vector_store %arg9[%swap3A_503], %swap3A_506 {strides = array<i32>} : memref<192xi32, #tpu.memory_space<vmem>>, vector<16xi32>,
      %shift_right_logical3A_507 = arith.constant 14 : i32
      %shift_right_logical3A_508 = vector.broadcast %shift_right_logical3A_507 : i32 to vector<16xi32>
      %shift_right_logical3A_509 = arith.shrui %get3A_499, %shift_right_logical3A_508 : vector<16xi32>
      %swap3A_510 = arith.constant 96 : index
      %swap3A_511 = tpu.vector_load %arg10[%swap3A_510] {strides = array<i32>} : memref<192xi32, #tpu.memory_space<vmem>>, vector<16xi32>,
      %swap3A_512 = vector.shape_cast %swap3A_511 : vector<16xi32> to vector<16xi32>
      %swap3A_513 = vector.shape_cast %shift_right_logical3A_509 : vector<16xi32> to vector<16xi32>
      tpu.vector_store %arg10[%swap3A_510], %swap3A_513 {strides = array<i32>} : memref<192xi32, #tpu.memory_space<vmem>>, vector<16xi32>,
      %get3A_514 = arith.index_cast %add3A_172 : i32 to index
      %get3A_515 = arith.constant 112 : index
      %get3A_516 = tpu.vector_load %arg6[%get3A_514, %get3A_515] {strides = array<i32>} : memref<106x192xi32, #tpu.memory_space<vmem>>, vector<1x16xi32>,
      %get3A_517 = vector.shape_cast %get3A_516 : vector<1x16xi32> to vector<16xi32>
      %and3A_518 = arith.constant 16383 : i32
      %and3A_519 = vector.broadcast %and3A_518 : i32 to vector<16xi32>
      %and3A_520 = arith.andi %get3A_517, %and3A_519 : vector<16xi32>
      %swap3A_521 = arith.constant 112 : index
      %swap3A_522 = tpu.vector_load %arg9[%swap3A_521] {strides = array<i32>} : memref<192xi32, #tpu.memory_space<vmem>>, vector<16xi32>,
      %swap3A_523 = vector.shape_cast %swap3A_522 : vector<16xi32> to vector<16xi32>
      %swap3A_524 = vector.shape_cast %and3A_520 : vector<16xi32> to vector<16xi32>
      tpu.vector_store %arg9[%swap3A_521], %swap3A_524 {strides = array<i32>} : memref<192xi32, #tpu.memory_space<vmem>>, vector<16xi32>,
      %shift_right_logical3A_525 = arith.constant 14 : i32
      %shift_right_logical3A_526 = vector.broadcast %shift_right_logical3A_525 : i32 to vector<16xi32>
      %shift_right_logical3A_527 = arith.shrui %get3A_517, %shift_right_logical3A_526 : vector<16xi32>
      %swap3A_528 = arith.constant 112 : index
      %swap3A_529 = tpu.vector_load %arg10[%swap3A_528] {strides = array<i32>} : memref<192xi32, #tpu.memory_space<vmem>>, vector<16xi32>,
      %swap3A_530 = vector.shape_cast %swap3A_529 : vector<16xi32> to vector<16xi32>
      %swap3A_531 = vector.shape_cast %shift_right_logical3A_527 : vector<16xi32> to vector<16xi32>
      tpu.vector_store %arg10[%swap3A_528], %swap3A_531 {strides = array<i32>} : memref<192xi32, #tpu.memory_space<vmem>>, vector<16xi32>,
      %get3A_532 = arith.index_cast %add3A_172 : i32 to index
      %get3A_533 = arith.constant 128 : index
      %get3A_534 = tpu.vector_load %arg6[%get3A_532, %get3A_533] {strides = array<i32>} : memref<106x192xi32, #tpu.memory_space<vmem>>, vector<1x16xi32>,
      %get3A_535 = vector.shape_cast %get3A_534 : vector<1x16xi32> to vector<16xi32>
      %and3A_536 = arith.constant 16383 : i32
      %and3A_537 = vector.broadcast %and3A_536 : i32 to vector<16xi32>
      %and3A_538 = arith.andi %get3A_535, %and3A_537 : vector<16xi32>
      %swap3A_539 = arith.constant 128 : index
      %swap3A_540 = tpu.vector_load %arg9[%swap3A_539] {strides = array<i32>} : memref<192xi32, #tpu.memory_space<vmem>>, vector<16xi32>,
      %swap3A_541 = vector.shape_cast %swap3A_540 : vector<16xi32> to vector<16xi32>
      %swap3A_542 = vector.shape_cast %and3A_538 : vector<16xi32> to vector<16xi32>
      tpu.vector_store %arg9[%swap3A_539], %swap3A_542 {strides = array<i32>} : memref<192xi32, #tpu.memory_space<vmem>>, vector<16xi32>,
      %shift_right_logical3A_543 = arith.constant 14 : i32
      %shift_right_logical3A_544 = vector.broadcast %shift_right_logical3A_543 : i32 to vector<16xi32>
      %shift_right_logical3A_545 = arith.shrui %get3A_535, %shift_right_logical3A_544 : vector<16xi32>
      %swap3A_546 = arith.constant 128 : index
      %swap3A_547 = tpu.vector_load %arg10[%swap3A_546] {strides = array<i32>} : memref<192xi32, #tpu.memory_space<vmem>>, vector<16xi32>,
      %swap3A_548 = vector.shape_cast %swap3A_547 : vector<16xi32> to vector<16xi32>
      %swap3A_549 = vector.shape_cast %shift_right_logical3A_545 : vector<16xi32> to vector<16xi32>
      tpu.vector_store %arg10[%swap3A_546], %swap3A_549 {strides = array<i32>} : memref<192xi32, #tpu.memory_space<vmem>>, vector<16xi32>,
      %get3A_550 = arith.index_cast %add3A_172 : i32 to index
      %get3A_551 = arith.constant 144 : index
      %get3A_552 = tpu.vector_load %arg6[%get3A_550, %get3A_551] {strides = array<i32>} : memref<106x192xi32, #tpu.memory_space<vmem>>, vector<1x16xi32>,
      %get3A_553 = vector.shape_cast %get3A_552 : vector<1x16xi32> to vector<16xi32>
      %and3A_554 = arith.constant 16383 : i32
      %and3A_555 = vector.broadcast %and3A_554 : i32 to vector<16xi32>
      %and3A_556 = arith.andi %get3A_553, %and3A_555 : vector<16xi32>
      %swap3A_557 = arith.constant 144 : index
      %swap3A_558 = tpu.vector_load %arg9[%swap3A_557] {strides = array<i32>} : memref<192xi32, #tpu.memory_space<vmem>>, vector<16xi32>,
      %swap3A_559 = vector.shape_cast %swap3A_558 : vector<16xi32> to vector<16xi32>
      %swap3A_560 = vector.shape_cast %and3A_556 : vector<16xi32> to vector<16xi32>
      tpu.vector_store %arg9[%swap3A_557], %swap3A_560 {strides = array<i32>} : memref<192xi32, #tpu.memory_space<vmem>>, vector<16xi32>,
      %shift_right_logical3A_561 = arith.constant 14 : i32
      %shift_right_logical3A_562 = vector.broadcast %shift_right_logical3A_561 : i32 to vector<16xi32>
      %shift_right_logical3A_563 = arith.shrui %get3A_553, %shift_right_logical3A_562 : vector<16xi32>
      %swap3A_564 = arith.constant 144 : index
      %swap3A_565 = tpu.vector_load %arg10[%swap3A_564] {strides = array<i32>} : memref<192xi32, #tpu.memory_space<vmem>>, vector<16xi32>,
      %swap3A_566 = vector.shape_cast %swap3A_565 : vector<16xi32> to vector<16xi32>
      %swap3A_567 = vector.shape_cast %shift_right_logical3A_563 : vector<16xi32> to vector<16xi32>
      tpu.vector_store %arg10[%swap3A_564], %swap3A_567 {strides = array<i32>} : memref<192xi32, #tpu.memory_space<vmem>>, vector<16xi32>,
      %get3A_568 = arith.index_cast %add3A_172 : i32 to index
      %get3A_569 = arith.constant 160 : index
      %get3A_570 = tpu.vector_load %arg6[%get3A_568, %get3A_569] {strides = array<i32>} : memref<106x192xi32, #tpu.memory_space<vmem>>, vector<1x16xi32>,
      %get3A_571 = vector.shape_cast %get3A_570 : vector<1x16xi32> to vector<16xi32>
      %and3A_572 = arith.constant 16383 : i32
      %and3A_573 = vector.broadcast %and3A_572 : i32 to vector<16xi32>
      %and3A_574 = arith.andi %get3A_571, %and3A_573 : vector<16xi32>
      %swap3A_575 = arith.constant 160 : index
      %swap3A_576 = tpu.vector_load %arg9[%swap3A_575] {strides = array<i32>} : memref<192xi32, #tpu.memory_space<vmem>>, vector<16xi32>,
      %swap3A_577 = vector.shape_cast %swap3A_576 : vector<16xi32> to vector<16xi32>
      %swap3A_578 = vector.shape_cast %and3A_574 : vector<16xi32> to vector<16xi32>
      tpu.vector_store %arg9[%swap3A_575], %swap3A_578 {strides = array<i32>} : memref<192xi32, #tpu.memory_space<vmem>>, vector<16xi32>,
      %shift_right_logical3A_579 = arith.constant 14 : i32
      %shift_right_logical3A_580 = vector.broadcast %shift_right_logical3A_579 : i32 to vector<16xi32>
      %shift_right_logical3A_581 = arith.shrui %get3A_571, %shift_right_logical3A_580 : vector<16xi32>
      %swap3A_582 = arith.constant 160 : index
      %swap3A_583 = tpu.vector_load %arg10[%swap3A_582] {strides = array<i32>} : memref<192xi32, #tpu.memory_space<vmem>>, vector<16xi32>,
      %swap3A_584 = vector.shape_cast %swap3A_583 : vector<16xi32> to vector<16xi32>
      %swap3A_585 = vector.shape_cast %shift_right_logical3A_581 : vector<16xi32> to vector<16xi32>
      tpu.vector_store %arg10[%swap3A_582], %swap3A_585 {strides = array<i32>} : memref<192xi32, #tpu.memory_space<vmem>>, vector<16xi32>,
      %get3A_586 = arith.index_cast %add3A_172 : i32 to index
      %get3A_587 = arith.constant 176 : index
      %get3A_588 = tpu.vector_load %arg6[%get3A_586, %get3A_587] {strides = array<i32>} : memref<106x192xi32, #tpu.memory_space<vmem>>, vector<1x16xi32>,
      %get3A_589 = vector.shape_cast %get3A_588 : vector<1x16xi32> to vector<16xi32>
      %and3A_590 = arith.constant 16383 : i32
      %and3A_591 = vector.broadcast %and3A_590 : i32 to vector<16xi32>
      %and3A_592 = arith.andi %get3A_589, %and3A_591 : vector<16xi32>
      %swap3A_593 = arith.constant 176 : index
      %swap3A_594 = tpu.vector_load %arg9[%swap3A_593] {strides = array<i32>} : memref<192xi32, #tpu.memory_space<vmem>>, vector<16xi32>,
      %swap3A_595 = vector.shape_cast %swap3A_594 : vector<16xi32> to vector<16xi32>
      %swap3A_596 = vector.shape_cast %and3A_592 : vector<16xi32> to vector<16xi32>
      tpu.vector_store %arg9[%swap3A_593], %swap3A_596 {strides = array<i32>} : memref<192xi32, #tpu.memory_space<vmem>>, vector<16xi32>,
      %shift_right_logical3A_597 = arith.constant 14 : i32
      %shift_right_logical3A_598 = vector.broadcast %shift_right_logical3A_597 : i32 to vector<16xi32>
      %shift_right_logical3A_599 = arith.shrui %get3A_589, %shift_right_logical3A_598 : vector<16xi32>
      %swap3A_600 = arith.constant 176 : index
      %swap3A_601 = tpu.vector_load %arg10[%swap3A_600] {strides = array<i32>} : memref<192xi32, #tpu.memory_space<vmem>>, vector<16xi32>,
      %swap3A_602 = vector.shape_cast %swap3A_601 : vector<16xi32> to vector<16xi32>
      %swap3A_603 = vector.shape_cast %shift_right_logical3A_599 : vector<16xi32> to vector<16xi32>
      tpu.vector_store %arg10[%swap3A_600], %swap3A_603 {strides = array<i32>} : memref<192xi32, #tpu.memory_space<vmem>>, vector<16xi32>,
      %dma_start3A_604 = arith.constant 0 : i32
      %dma_start3A_605 = arith.constant 0 : i32
      %dma_start3A_606 = tpu.memref_slice %arg14[%dma_start3A_604, %dma_start3A_605] : memref<10240x64xf32, #tpu.memory_space<vmem_shared>> -> memref<10240x64xf32, #tpu.memory_space<vmem_shared>>
      tpu.enqueue_indirect_dma source(%dma_start3A_606 : memref<10240x64xf32, #tpu.memory_space<vmem_shared>>) target(%arg12 : memref<192x64xf32, #tpu.memory_space<vmem>>) offsets(%arg9 : memref<192xi32, #tpu.memory_space<vmem>>) semaphore(%arg16 : memref<!tpu.dma_semaphore, #tpu.memory_space<semaphore_mem>>)
      %dma_wait3A_607 = arith.constant 0 : i32
      %dma_wait3A_608 = arith.constant 0 : i32
      %dma_wait3A_609 = tpu.memref_slice %arg14[%dma_wait3A_607, %dma_wait3A_608] : memref<10240x64xf32, #tpu.memory_space<vmem_shared>> -> memref<10240x64xf32, #tpu.memory_space<vmem_shared>>
      tpu.wait_indirect_dma semaphore(%arg15 : memref<!tpu.dma_semaphore, #tpu.memory_space<semaphore_mem>>) src(%dma_wait3A_609 : memref<10240x64xf32, #tpu.memory_space<vmem_shared>>) dst(%arg11 : memref<192x64xf32, #tpu.memory_space<vmem>>)
      %dma_start3A_610 = arith.constant 0 : i32
      %dma_start3A_611 = arith.constant 0 : i32
      %dma_start3A_612 = tpu.memref_slice %arg13[%dma_start3A_610, %dma_start3A_611] : memref<10240x64xf32, #tpu.memory_space<vmem_shared>> -> memref<10240x64xf32, #tpu.memory_space<vmem_shared>>
      tpu.enqueue_indirect_dma source(%arg11 : memref<192x64xf32, #tpu.memory_space<vmem>>) target(%dma_start3A_612 : memref<10240x64xf32, #tpu.memory_space<vmem_shared>>) offsets(%arg8 : memref<192xi32, #tpu.memory_space<vmem>>) semaphore(%arg18 : memref<!tpu.dma_semaphore, #tpu.memory_space<semaphore_mem>>) {add = true}
      %dma_wait3A_613 = arith.constant 0 : i32
      %dma_wait3A_614 = arith.constant 0 : i32
      %dma_wait3A_615 = tpu.memref_slice %arg14[%dma_wait3A_613, %dma_wait3A_614] : memref<10240x64xf32, #tpu.memory_space<vmem_shared>> -> memref<10240x64xf32, #tpu.memory_space<vmem_shared>>
      tpu.wait_indirect_dma semaphore(%arg16 : memref<!tpu.dma_semaphore, #tpu.memory_space<semaphore_mem>>) src(%dma_wait3A_615 : memref<10240x64xf32, #tpu.memory_space<vmem_shared>>) dst(%arg12 : memref<192x64xf32, #tpu.memory_space<vmem>>)
      "tpu.region"() ({
        %run_scoped3A_620 = tpu.sem_alloc : memref<!tpu.dma_semaphore, #tpu.memory_space<semaphore_mem>>
        %dma_start3A_621 = arith.constant 0 : i32
        %dma_start3A_622 = arith.constant 0 : i32
        %dma_start3A_623 = tpu.memref_slice %arg13[%dma_start3A_621, %dma_start3A_622] : memref<10240x64xf32, #tpu.memory_space<vmem_shared>> -> memref<10240x64xf32, #tpu.memory_space<vmem_shared>>
        tpu.enqueue_indirect_dma source(%arg12 : memref<192x64xf32, #tpu.memory_space<vmem>>) target(%dma_start3A_623 : memref<10240x64xf32, #tpu.memory_space<vmem_shared>>) offsets(%arg10 : memref<192xi32, #tpu.memory_space<vmem>>) semaphore(%run_scoped3A_620 : memref<!tpu.dma_semaphore, #tpu.memory_space<semaphore_mem>>) {add = true}
        %dma_wait3A_624 = arith.constant 0 : i32
        %dma_wait3A_625 = arith.constant 0 : i32
        %dma_wait3A_626 = tpu.memref_slice %arg13[%dma_wait3A_624, %dma_wait3A_625] : memref<10240x64xf32, #tpu.memory_space<vmem_shared>> -> memref<10240x64xf32, #tpu.memory_space<vmem_shared>>
        tpu.wait_indirect_dma semaphore(%run_scoped3A_620 : memref<!tpu.dma_semaphore, #tpu.memory_space<semaphore_mem>>) src(%arg12 : memref<192x64xf32, #tpu.memory_space<vmem>>) dst(%dma_wait3A_626 : memref<10240x64xf32, #tpu.memory_space<vmem_shared>>)
        tpu.yield
      }) : () -> ()
      %dma_wait3A_616 = arith.constant 0 : i32
      %dma_wait3A_617 = arith.constant 0 : i32
      %dma_wait3A_618 = tpu.memref_slice %arg13[%dma_wait3A_616, %dma_wait3A_617] : memref<10240x64xf32, #tpu.memory_space<vmem_shared>> -> memref<10240x64xf32, #tpu.memory_space<vmem_shared>>
      tpu.wait_indirect_dma semaphore(%arg18 : memref<!tpu.dma_semaphore, #tpu.memory_space<semaphore_mem>>) src(%arg11 : memref<192x64xf32, #tpu.memory_space<vmem>>) dst(%dma_wait3A_618 : memref<10240x64xf32, #tpu.memory_space<vmem_shared>>)
      %scan3A_619 = arith.constant 0 : i32
      scf.yield %scan3A_619 : i32
    }
    %scan3A_76 = arith.constant 53 : i32
    %barrier3A_77 = arith.constant 0 : index
    tpu.barrier barrier_id(%barrier3A_77)
    %dma_wait3A_78 = arith.constant 2 : i32
    %dma_wait3A_79 = arith.constant 0 : i32
    %dma_wait3A_80 = arith.constant 0 : i32
    %dma_wait3A_81 = tpu.memref_slice %arg5[%dma_wait3A_78, %arg0, %dma_wait3A_79, %dma_wait3A_80] : memref<7x2x10240x64xf32, #tpu.memory_space<hbm>> -> memref<1x1x10240x64xf32, #tpu.memory_space<hbm>>
    %dma_wait3A_82 = tpu.memref_squeeze %dma_wait3A_81 : memref<1x1x10240x64xf32, #tpu.memory_space<hbm>> -> memref<10240x64xf32, #tpu.memory_space<hbm>>
    %dma_wait3A_83 = arith.constant 0 : i32
    %dma_wait3A_84 = tpu.memref_slice %dma_wait3A_82[%mul3A_0, %dma_wait3A_83] : memref<10240x64xf32, #tpu.memory_space<hbm>> -> memref<640x64xf32, #tpu.memory_space<hbm>>
    %dma_wait3A_85 = arith.constant 0 : i32
    %dma_wait3A_86 = tpu.memref_slice %arg14[%mul3A_0, %dma_wait3A_85] : memref<10240x64xf32, #tpu.memory_space<vmem_shared>> -> memref<640x64xf32, #tpu.memory_space<vmem_shared>>
    tpu.wait_dma2 semaphore(%arg17 : memref<!tpu.dma_semaphore, #tpu.memory_space<semaphore_mem>>) src(%dma_wait3A_86 : memref<640x64xf32, #tpu.memory_space<vmem_shared>>) dst(%dma_wait3A_84 : memref<640x64xf32, #tpu.memory_space<hbm>>)
    "tpu.region"() ({
      %run_scoped3A_168 = tpu.sem_alloc : memref<!tpu.dma_semaphore, #tpu.memory_space<semaphore_mem>>
      %dma_start3A_169 = arith.constant 0 : i32
      %dma_start3A_170 = tpu.memref_slice %arg14[%mul3A_0, %dma_start3A_169] : memref<10240x64xf32, #tpu.memory_space<vmem_shared>> -> memref<640x64xf32, #tpu.memory_space<vmem_shared>>
      tpu.enqueue_dma source(%arg4 : memref<640x64xf32, #tpu.memory_space<hbm>>) target(%dma_start3A_170 : memref<640x64xf32, #tpu.memory_space<vmem_shared>>) target_semaphore(%run_scoped3A_168 : memref<!tpu.dma_semaphore, #tpu.memory_space<semaphore_mem>>)
      %dma_wait3A_171 = arith.constant 0 : i32
      %dma_wait3A_172 = tpu.memref_slice %arg14[%mul3A_0, %dma_wait3A_171] : memref<10240x64xf32, #tpu.memory_space<vmem_shared>> -> memref<640x64xf32, #tpu.memory_space<vmem_shared>>
      tpu.wait_dma2 semaphore(%run_scoped3A_168 : memref<!tpu.dma_semaphore, #tpu.memory_space<semaphore_mem>>) src(%arg4 : memref<640x64xf32, #tpu.memory_space<hbm>>) dst(%dma_wait3A_172 : memref<640x64xf32, #tpu.memory_space<vmem_shared>>)
      tpu.yield
    }) : () -> ()
    %dma_start3A_87 = arith.constant 3 : i32
    %dma_start3A_88 = arith.constant 0 : i32
    %dma_start3A_89 = arith.constant 0 : i32
    %dma_start3A_90 = tpu.memref_slice %arg5[%dma_start3A_87, %arg0, %dma_start3A_88, %dma_start3A_89] : memref<7x2x10240x64xf32, #tpu.memory_space<hbm>> -> memref<1x1x10240x64xf32, #tpu.memory_space<hbm>>
    %dma_start3A_91 = tpu.memref_squeeze %dma_start3A_90 : memref<1x1x10240x64xf32, #tpu.memory_space<hbm>> -> memref<10240x64xf32, #tpu.memory_space<hbm>>
    %dma_start3A_92 = arith.constant 0 : i32
    %dma_start3A_93 = tpu.memref_slice %dma_start3A_91[%mul3A_0, %dma_start3A_92] : memref<10240x64xf32, #tpu.memory_space<hbm>> -> memref<640x64xf32, #tpu.memory_space<hbm>>
    %dma_start3A_94 = arith.constant 0 : i32
    %dma_start3A_95 = tpu.memref_slice %arg13[%mul3A_0, %dma_start3A_94] : memref<10240x64xf32, #tpu.memory_space<vmem_shared>> -> memref<640x64xf32, #tpu.memory_space<vmem_shared>>
    tpu.enqueue_dma source(%dma_start3A_95 : memref<640x64xf32, #tpu.memory_space<vmem_shared>>) target(%dma_start3A_93 : memref<640x64xf32, #tpu.memory_space<hbm>>) target_semaphore(%arg17 : memref<!tpu.dma_semaphore, #tpu.memory_space<semaphore_mem>>)
    %barrier3A_96 = arith.constant 0 : index
    tpu.barrier barrier_id(%barrier3A_96)
    %scan3A_97 = arith.constant 0 : i32
    %scan3A_98 = arith.constant 0 : i32
    %scan3A_99 = arith.constant 53 : i32
    %scan3A_100 = arith.addi %scan3A_98, %scan3A_99 : i32
    %scan3A_101 = arith.constant 1 : i32
    %scan3A_102 = scf.for %scan3A_168 = %scan3A_98 to %scan3A_100 step %scan3A_101 iter_args(%scan3A_169 = %scan3A_97) -> (i32)  : i32 {
      %mul3A_170 = arith.constant 2 : i32
      %mul3A_171 = arith.muli %scan3A_168, %mul3A_170 : i32
      %add3A = arith.constant 1 : i32
      %add3A_172 = arith.addi %mul3A_171, %add3A : i32
      %get3A = arith.index_cast %mul3A_171 : i32 to index
      %get3A_173 = arith.constant 0 : index
      %get3A_174 = tpu.vector_load %arg6[%get3A, %get3A_173] {strides = array<i32>} : memref<106x192xi32, #tpu.memory_space<vmem>>, vector<1x16xi32>,
      %get3A_175 = vector.shape_cast %get3A_174 : vector<1x16xi32> to vector<16xi32>
      %and3A = arith.constant 16383 : i32
      %and3A_176 = vector.broadcast %and3A : i32 to vector<16xi32>
      %and3A_177 = arith.andi %get3A_175, %and3A_176 : vector<16xi32>
      %swap3A = arith.constant 0 : index
      %swap3A_178 = tpu.vector_load %arg7[%swap3A] {strides = array<i32>} : memref<192xi32, #tpu.memory_space<vmem>>, vector<16xi32>,
      %swap3A_179 = vector.shape_cast %swap3A_178 : vector<16xi32> to vector<16xi32>
      %swap3A_180 = vector.shape_cast %and3A_177 : vector<16xi32> to vector<16xi32>
      tpu.vector_store %arg7[%swap3A], %swap3A_180 {strides = array<i32>} : memref<192xi32, #tpu.memory_space<vmem>>, vector<16xi32>,
      %shift_right_logical3A = arith.constant 14 : i32
      %shift_right_logical3A_181 = vector.broadcast %shift_right_logical3A : i32 to vector<16xi32>
      %shift_right_logical3A_182 = arith.shrui %get3A_175, %shift_right_logical3A_181 : vector<16xi32>
      %swap3A_183 = arith.constant 0 : index
      %swap3A_184 = tpu.vector_load %arg8[%swap3A_183] {strides = array<i32>} : memref<192xi32, #tpu.memory_space<vmem>>, vector<16xi32>,
      %swap3A_185 = vector.shape_cast %swap3A_184 : vector<16xi32> to vector<16xi32>
      %swap3A_186 = vector.shape_cast %shift_right_logical3A_182 : vector<16xi32> to vector<16xi32>
      tpu.vector_store %arg8[%swap3A_183], %swap3A_186 {strides = array<i32>} : memref<192xi32, #tpu.memory_space<vmem>>, vector<16xi32>,
      %get3A_187 = arith.index_cast %mul3A_171 : i32 to index
      %get3A_188 = arith.constant 16 : index
      %get3A_189 = tpu.vector_load %arg6[%get3A_187, %get3A_188] {strides = array<i32>} : memref<106x192xi32, #tpu.memory_space<vmem>>, vector<1x16xi32>,
      %get3A_190 = vector.shape_cast %get3A_189 : vector<1x16xi32> to vector<16xi32>
      %and3A_191 = arith.constant 16383 : i32
      %and3A_192 = vector.broadcast %and3A_191 : i32 to vector<16xi32>
      %and3A_193 = arith.andi %get3A_190, %and3A_192 : vector<16xi32>
      %swap3A_194 = arith.constant 16 : index
      %swap3A_195 = tpu.vector_load %arg7[%swap3A_194] {strides = array<i32>} : memref<192xi32, #tpu.memory_space<vmem>>, vector<16xi32>,
      %swap3A_196 = vector.shape_cast %swap3A_195 : vector<16xi32> to vector<16xi32>
      %swap3A_197 = vector.shape_cast %and3A_193 : vector<16xi32> to vector<16xi32>
      tpu.vector_store %arg7[%swap3A_194], %swap3A_197 {strides = array<i32>} : memref<192xi32, #tpu.memory_space<vmem>>, vector<16xi32>,
      %shift_right_logical3A_198 = arith.constant 14 : i32
      %shift_right_logical3A_199 = vector.broadcast %shift_right_logical3A_198 : i32 to vector<16xi32>
      %shift_right_logical3A_200 = arith.shrui %get3A_190, %shift_right_logical3A_199 : vector<16xi32>
      %swap3A_201 = arith.constant 16 : index
      %swap3A_202 = tpu.vector_load %arg8[%swap3A_201] {strides = array<i32>} : memref<192xi32, #tpu.memory_space<vmem>>, vector<16xi32>,
      %swap3A_203 = vector.shape_cast %swap3A_202 : vector<16xi32> to vector<16xi32>
      %swap3A_204 = vector.shape_cast %shift_right_logical3A_200 : vector<16xi32> to vector<16xi32>
      tpu.vector_store %arg8[%swap3A_201], %swap3A_204 {strides = array<i32>} : memref<192xi32, #tpu.memory_space<vmem>>, vector<16xi32>,
      %get3A_205 = arith.index_cast %mul3A_171 : i32 to index
      %get3A_206 = arith.constant 32 : index
      %get3A_207 = tpu.vector_load %arg6[%get3A_205, %get3A_206] {strides = array<i32>} : memref<106x192xi32, #tpu.memory_space<vmem>>, vector<1x16xi32>,
      %get3A_208 = vector.shape_cast %get3A_207 : vector<1x16xi32> to vector<16xi32>
      %and3A_209 = arith.constant 16383 : i32
      %and3A_210 = vector.broadcast %and3A_209 : i32 to vector<16xi32>
      %and3A_211 = arith.andi %get3A_208, %and3A_210 : vector<16xi32>
      %swap3A_212 = arith.constant 32 : index
      %swap3A_213 = tpu.vector_load %arg7[%swap3A_212] {strides = array<i32>} : memref<192xi32, #tpu.memory_space<vmem>>, vector<16xi32>,
      %swap3A_214 = vector.shape_cast %swap3A_213 : vector<16xi32> to vector<16xi32>
      %swap3A_215 = vector.shape_cast %and3A_211 : vector<16xi32> to vector<16xi32>
      tpu.vector_store %arg7[%swap3A_212], %swap3A_215 {strides = array<i32>} : memref<192xi32, #tpu.memory_space<vmem>>, vector<16xi32>,
      %shift_right_logical3A_216 = arith.constant 14 : i32
      %shift_right_logical3A_217 = vector.broadcast %shift_right_logical3A_216 : i32 to vector<16xi32>
      %shift_right_logical3A_218 = arith.shrui %get3A_208, %shift_right_logical3A_217 : vector<16xi32>
      %swap3A_219 = arith.constant 32 : index
      %swap3A_220 = tpu.vector_load %arg8[%swap3A_219] {strides = array<i32>} : memref<192xi32, #tpu.memory_space<vmem>>, vector<16xi32>,
      %swap3A_221 = vector.shape_cast %swap3A_220 : vector<16xi32> to vector<16xi32>
      %swap3A_222 = vector.shape_cast %shift_right_logical3A_218 : vector<16xi32> to vector<16xi32>
      tpu.vector_store %arg8[%swap3A_219], %swap3A_222 {strides = array<i32>} : memref<192xi32, #tpu.memory_space<vmem>>, vector<16xi32>,
      %get3A_223 = arith.index_cast %mul3A_171 : i32 to index
      %get3A_224 = arith.constant 48 : index
      %get3A_225 = tpu.vector_load %arg6[%get3A_223, %get3A_224] {strides = array<i32>} : memref<106x192xi32, #tpu.memory_space<vmem>>, vector<1x16xi32>,
      %get3A_226 = vector.shape_cast %get3A_225 : vector<1x16xi32> to vector<16xi32>
      %and3A_227 = arith.constant 16383 : i32
      %and3A_228 = vector.broadcast %and3A_227 : i32 to vector<16xi32>
      %and3A_229 = arith.andi %get3A_226, %and3A_228 : vector<16xi32>
      %swap3A_230 = arith.constant 48 : index
      %swap3A_231 = tpu.vector_load %arg7[%swap3A_230] {strides = array<i32>} : memref<192xi32, #tpu.memory_space<vmem>>, vector<16xi32>,
      %swap3A_232 = vector.shape_cast %swap3A_231 : vector<16xi32> to vector<16xi32>
      %swap3A_233 = vector.shape_cast %and3A_229 : vector<16xi32> to vector<16xi32>
      tpu.vector_store %arg7[%swap3A_230], %swap3A_233 {strides = array<i32>} : memref<192xi32, #tpu.memory_space<vmem>>, vector<16xi32>,
      %shift_right_logical3A_234 = arith.constant 14 : i32
      %shift_right_logical3A_235 = vector.broadcast %shift_right_logical3A_234 : i32 to vector<16xi32>
      %shift_right_logical3A_236 = arith.shrui %get3A_226, %shift_right_logical3A_235 : vector<16xi32>
      %swap3A_237 = arith.constant 48 : index
      %swap3A_238 = tpu.vector_load %arg8[%swap3A_237] {strides = array<i32>} : memref<192xi32, #tpu.memory_space<vmem>>, vector<16xi32>,
      %swap3A_239 = vector.shape_cast %swap3A_238 : vector<16xi32> to vector<16xi32>
      %swap3A_240 = vector.shape_cast %shift_right_logical3A_236 : vector<16xi32> to vector<16xi32>
      tpu.vector_store %arg8[%swap3A_237], %swap3A_240 {strides = array<i32>} : memref<192xi32, #tpu.memory_space<vmem>>, vector<16xi32>,
      %get3A_241 = arith.index_cast %mul3A_171 : i32 to index
      %get3A_242 = arith.constant 64 : index
      %get3A_243 = tpu.vector_load %arg6[%get3A_241, %get3A_242] {strides = array<i32>} : memref<106x192xi32, #tpu.memory_space<vmem>>, vector<1x16xi32>,
      %get3A_244 = vector.shape_cast %get3A_243 : vector<1x16xi32> to vector<16xi32>
      %and3A_245 = arith.constant 16383 : i32
      %and3A_246 = vector.broadcast %and3A_245 : i32 to vector<16xi32>
      %and3A_247 = arith.andi %get3A_244, %and3A_246 : vector<16xi32>
      %swap3A_248 = arith.constant 64 : index
      %swap3A_249 = tpu.vector_load %arg7[%swap3A_248] {strides = array<i32>} : memref<192xi32, #tpu.memory_space<vmem>>, vector<16xi32>,
      %swap3A_250 = vector.shape_cast %swap3A_249 : vector<16xi32> to vector<16xi32>
      %swap3A_251 = vector.shape_cast %and3A_247 : vector<16xi32> to vector<16xi32>
      tpu.vector_store %arg7[%swap3A_248], %swap3A_251 {strides = array<i32>} : memref<192xi32, #tpu.memory_space<vmem>>, vector<16xi32>,
      %shift_right_logical3A_252 = arith.constant 14 : i32
      %shift_right_logical3A_253 = vector.broadcast %shift_right_logical3A_252 : i32 to vector<16xi32>
      %shift_right_logical3A_254 = arith.shrui %get3A_244, %shift_right_logical3A_253 : vector<16xi32>
      %swap3A_255 = arith.constant 64 : index
      %swap3A_256 = tpu.vector_load %arg8[%swap3A_255] {strides = array<i32>} : memref<192xi32, #tpu.memory_space<vmem>>, vector<16xi32>,
      %swap3A_257 = vector.shape_cast %swap3A_256 : vector<16xi32> to vector<16xi32>
      %swap3A_258 = vector.shape_cast %shift_right_logical3A_254 : vector<16xi32> to vector<16xi32>
      tpu.vector_store %arg8[%swap3A_255], %swap3A_258 {strides = array<i32>} : memref<192xi32, #tpu.memory_space<vmem>>, vector<16xi32>,
      %get3A_259 = arith.index_cast %mul3A_171 : i32 to index
      %get3A_260 = arith.constant 80 : index
      %get3A_261 = tpu.vector_load %arg6[%get3A_259, %get3A_260] {strides = array<i32>} : memref<106x192xi32, #tpu.memory_space<vmem>>, vector<1x16xi32>,
      %get3A_262 = vector.shape_cast %get3A_261 : vector<1x16xi32> to vector<16xi32>
      %and3A_263 = arith.constant 16383 : i32
      %and3A_264 = vector.broadcast %and3A_263 : i32 to vector<16xi32>
      %and3A_265 = arith.andi %get3A_262, %and3A_264 : vector<16xi32>
      %swap3A_266 = arith.constant 80 : index
      %swap3A_267 = tpu.vector_load %arg7[%swap3A_266] {strides = array<i32>} : memref<192xi32, #tpu.memory_space<vmem>>, vector<16xi32>,
      %swap3A_268 = vector.shape_cast %swap3A_267 : vector<16xi32> to vector<16xi32>
      %swap3A_269 = vector.shape_cast %and3A_265 : vector<16xi32> to vector<16xi32>
      tpu.vector_store %arg7[%swap3A_266], %swap3A_269 {strides = array<i32>} : memref<192xi32, #tpu.memory_space<vmem>>, vector<16xi32>,
      %shift_right_logical3A_270 = arith.constant 14 : i32
      %shift_right_logical3A_271 = vector.broadcast %shift_right_logical3A_270 : i32 to vector<16xi32>
      %shift_right_logical3A_272 = arith.shrui %get3A_262, %shift_right_logical3A_271 : vector<16xi32>
      %swap3A_273 = arith.constant 80 : index
      %swap3A_274 = tpu.vector_load %arg8[%swap3A_273] {strides = array<i32>} : memref<192xi32, #tpu.memory_space<vmem>>, vector<16xi32>,
      %swap3A_275 = vector.shape_cast %swap3A_274 : vector<16xi32> to vector<16xi32>
      %swap3A_276 = vector.shape_cast %shift_right_logical3A_272 : vector<16xi32> to vector<16xi32>
      tpu.vector_store %arg8[%swap3A_273], %swap3A_276 {strides = array<i32>} : memref<192xi32, #tpu.memory_space<vmem>>, vector<16xi32>,
      %get3A_277 = arith.index_cast %mul3A_171 : i32 to index
      %get3A_278 = arith.constant 96 : index
      %get3A_279 = tpu.vector_load %arg6[%get3A_277, %get3A_278] {strides = array<i32>} : memref<106x192xi32, #tpu.memory_space<vmem>>, vector<1x16xi32>,
      %get3A_280 = vector.shape_cast %get3A_279 : vector<1x16xi32> to vector<16xi32>
      %and3A_281 = arith.constant 16383 : i32
      %and3A_282 = vector.broadcast %and3A_281 : i32 to vector<16xi32>
      %and3A_283 = arith.andi %get3A_280, %and3A_282 : vector<16xi32>
      %swap3A_284 = arith.constant 96 : index
      %swap3A_285 = tpu.vector_load %arg7[%swap3A_284] {strides = array<i32>} : memref<192xi32, #tpu.memory_space<vmem>>, vector<16xi32>,
      %swap3A_286 = vector.shape_cast %swap3A_285 : vector<16xi32> to vector<16xi32>
      %swap3A_287 = vector.shape_cast %and3A_283 : vector<16xi32> to vector<16xi32>
      tpu.vector_store %arg7[%swap3A_284], %swap3A_287 {strides = array<i32>} : memref<192xi32, #tpu.memory_space<vmem>>, vector<16xi32>,
      %shift_right_logical3A_288 = arith.constant 14 : i32
      %shift_right_logical3A_289 = vector.broadcast %shift_right_logical3A_288 : i32 to vector<16xi32>
      %shift_right_logical3A_290 = arith.shrui %get3A_280, %shift_right_logical3A_289 : vector<16xi32>
      %swap3A_291 = arith.constant 96 : index
      %swap3A_292 = tpu.vector_load %arg8[%swap3A_291] {strides = array<i32>} : memref<192xi32, #tpu.memory_space<vmem>>, vector<16xi32>,
      %swap3A_293 = vector.shape_cast %swap3A_292 : vector<16xi32> to vector<16xi32>
      %swap3A_294 = vector.shape_cast %shift_right_logical3A_290 : vector<16xi32> to vector<16xi32>
      tpu.vector_store %arg8[%swap3A_291], %swap3A_294 {strides = array<i32>} : memref<192xi32, #tpu.memory_space<vmem>>, vector<16xi32>,
      %get3A_295 = arith.index_cast %mul3A_171 : i32 to index
      %get3A_296 = arith.constant 112 : index
      %get3A_297 = tpu.vector_load %arg6[%get3A_295, %get3A_296] {strides = array<i32>} : memref<106x192xi32, #tpu.memory_space<vmem>>, vector<1x16xi32>,
      %get3A_298 = vector.shape_cast %get3A_297 : vector<1x16xi32> to vector<16xi32>
      %and3A_299 = arith.constant 16383 : i32
      %and3A_300 = vector.broadcast %and3A_299 : i32 to vector<16xi32>
      %and3A_301 = arith.andi %get3A_298, %and3A_300 : vector<16xi32>
      %swap3A_302 = arith.constant 112 : index
      %swap3A_303 = tpu.vector_load %arg7[%swap3A_302] {strides = array<i32>} : memref<192xi32, #tpu.memory_space<vmem>>, vector<16xi32>,
      %swap3A_304 = vector.shape_cast %swap3A_303 : vector<16xi32> to vector<16xi32>
      %swap3A_305 = vector.shape_cast %and3A_301 : vector<16xi32> to vector<16xi32>
      tpu.vector_store %arg7[%swap3A_302], %swap3A_305 {strides = array<i32>} : memref<192xi32, #tpu.memory_space<vmem>>, vector<16xi32>,
      %shift_right_logical3A_306 = arith.constant 14 : i32
      %shift_right_logical3A_307 = vector.broadcast %shift_right_logical3A_306 : i32 to vector<16xi32>
      %shift_right_logical3A_308 = arith.shrui %get3A_298, %shift_right_logical3A_307 : vector<16xi32>
      %swap3A_309 = arith.constant 112 : index
      %swap3A_310 = tpu.vector_load %arg8[%swap3A_309] {strides = array<i32>} : memref<192xi32, #tpu.memory_space<vmem>>, vector<16xi32>,
      %swap3A_311 = vector.shape_cast %swap3A_310 : vector<16xi32> to vector<16xi32>
      %swap3A_312 = vector.shape_cast %shift_right_logical3A_308 : vector<16xi32> to vector<16xi32>
      tpu.vector_store %arg8[%swap3A_309], %swap3A_312 {strides = array<i32>} : memref<192xi32, #tpu.memory_space<vmem>>, vector<16xi32>,
      %get3A_313 = arith.index_cast %mul3A_171 : i32 to index
      %get3A_314 = arith.constant 128 : index
      %get3A_315 = tpu.vector_load %arg6[%get3A_313, %get3A_314] {strides = array<i32>} : memref<106x192xi32, #tpu.memory_space<vmem>>, vector<1x16xi32>,
      %get3A_316 = vector.shape_cast %get3A_315 : vector<1x16xi32> to vector<16xi32>
      %and3A_317 = arith.constant 16383 : i32
      %and3A_318 = vector.broadcast %and3A_317 : i32 to vector<16xi32>
      %and3A_319 = arith.andi %get3A_316, %and3A_318 : vector<16xi32>
      %swap3A_320 = arith.constant 128 : index
      %swap3A_321 = tpu.vector_load %arg7[%swap3A_320] {strides = array<i32>} : memref<192xi32, #tpu.memory_space<vmem>>, vector<16xi32>,
      %swap3A_322 = vector.shape_cast %swap3A_321 : vector<16xi32> to vector<16xi32>
      %swap3A_323 = vector.shape_cast %and3A_319 : vector<16xi32> to vector<16xi32>
      tpu.vector_store %arg7[%swap3A_320], %swap3A_323 {strides = array<i32>} : memref<192xi32, #tpu.memory_space<vmem>>, vector<16xi32>,
      %shift_right_logical3A_324 = arith.constant 14 : i32
      %shift_right_logical3A_325 = vector.broadcast %shift_right_logical3A_324 : i32 to vector<16xi32>
      %shift_right_logical3A_326 = arith.shrui %get3A_316, %shift_right_logical3A_325 : vector<16xi32>
      %swap3A_327 = arith.constant 128 : index
      %swap3A_328 = tpu.vector_load %arg8[%swap3A_327] {strides = array<i32>} : memref<192xi32, #tpu.memory_space<vmem>>, vector<16xi32>,
      %swap3A_329 = vector.shape_cast %swap3A_328 : vector<16xi32> to vector<16xi32>
      %swap3A_330 = vector.shape_cast %shift_right_logical3A_326 : vector<16xi32> to vector<16xi32>
      tpu.vector_store %arg8[%swap3A_327], %swap3A_330 {strides = array<i32>} : memref<192xi32, #tpu.memory_space<vmem>>, vector<16xi32>,
      %get3A_331 = arith.index_cast %mul3A_171 : i32 to index
      %get3A_332 = arith.constant 144 : index
      %get3A_333 = tpu.vector_load %arg6[%get3A_331, %get3A_332] {strides = array<i32>} : memref<106x192xi32, #tpu.memory_space<vmem>>, vector<1x16xi32>,
      %get3A_334 = vector.shape_cast %get3A_333 : vector<1x16xi32> to vector<16xi32>
      %and3A_335 = arith.constant 16383 : i32
      %and3A_336 = vector.broadcast %and3A_335 : i32 to vector<16xi32>
      %and3A_337 = arith.andi %get3A_334, %and3A_336 : vector<16xi32>
      %swap3A_338 = arith.constant 144 : index
      %swap3A_339 = tpu.vector_load %arg7[%swap3A_338] {strides = array<i32>} : memref<192xi32, #tpu.memory_space<vmem>>, vector<16xi32>,
      %swap3A_340 = vector.shape_cast %swap3A_339 : vector<16xi32> to vector<16xi32>
      %swap3A_341 = vector.shape_cast %and3A_337 : vector<16xi32> to vector<16xi32>
      tpu.vector_store %arg7[%swap3A_338], %swap3A_341 {strides = array<i32>} : memref<192xi32, #tpu.memory_space<vmem>>, vector<16xi32>,
      %shift_right_logical3A_342 = arith.constant 14 : i32
      %shift_right_logical3A_343 = vector.broadcast %shift_right_logical3A_342 : i32 to vector<16xi32>
      %shift_right_logical3A_344 = arith.shrui %get3A_334, %shift_right_logical3A_343 : vector<16xi32>
      %swap3A_345 = arith.constant 144 : index
      %swap3A_346 = tpu.vector_load %arg8[%swap3A_345] {strides = array<i32>} : memref<192xi32, #tpu.memory_space<vmem>>, vector<16xi32>,
      %swap3A_347 = vector.shape_cast %swap3A_346 : vector<16xi32> to vector<16xi32>
      %swap3A_348 = vector.shape_cast %shift_right_logical3A_344 : vector<16xi32> to vector<16xi32>
      tpu.vector_store %arg8[%swap3A_345], %swap3A_348 {strides = array<i32>} : memref<192xi32, #tpu.memory_space<vmem>>, vector<16xi32>,
      %get3A_349 = arith.index_cast %mul3A_171 : i32 to index
      %get3A_350 = arith.constant 160 : index
      %get3A_351 = tpu.vector_load %arg6[%get3A_349, %get3A_350] {strides = array<i32>} : memref<106x192xi32, #tpu.memory_space<vmem>>, vector<1x16xi32>,
      %get3A_352 = vector.shape_cast %get3A_351 : vector<1x16xi32> to vector<16xi32>
      %and3A_353 = arith.constant 16383 : i32
      %and3A_354 = vector.broadcast %and3A_353 : i32 to vector<16xi32>
      %and3A_355 = arith.andi %get3A_352, %and3A_354 : vector<16xi32>
      %swap3A_356 = arith.constant 160 : index
      %swap3A_357 = tpu.vector_load %arg7[%swap3A_356] {strides = array<i32>} : memref<192xi32, #tpu.memory_space<vmem>>, vector<16xi32>,
      %swap3A_358 = vector.shape_cast %swap3A_357 : vector<16xi32> to vector<16xi32>
      %swap3A_359 = vector.shape_cast %and3A_355 : vector<16xi32> to vector<16xi32>
      tpu.vector_store %arg7[%swap3A_356], %swap3A_359 {strides = array<i32>} : memref<192xi32, #tpu.memory_space<vmem>>, vector<16xi32>,
      %shift_right_logical3A_360 = arith.constant 14 : i32
      %shift_right_logical3A_361 = vector.broadcast %shift_right_logical3A_360 : i32 to vector<16xi32>
      %shift_right_logical3A_362 = arith.shrui %get3A_352, %shift_right_logical3A_361 : vector<16xi32>
      %swap3A_363 = arith.constant 160 : index
      %swap3A_364 = tpu.vector_load %arg8[%swap3A_363] {strides = array<i32>} : memref<192xi32, #tpu.memory_space<vmem>>, vector<16xi32>,
      %swap3A_365 = vector.shape_cast %swap3A_364 : vector<16xi32> to vector<16xi32>
      %swap3A_366 = vector.shape_cast %shift_right_logical3A_362 : vector<16xi32> to vector<16xi32>
      tpu.vector_store %arg8[%swap3A_363], %swap3A_366 {strides = array<i32>} : memref<192xi32, #tpu.memory_space<vmem>>, vector<16xi32>,
      %get3A_367 = arith.index_cast %mul3A_171 : i32 to index
      %get3A_368 = arith.constant 176 : index
      %get3A_369 = tpu.vector_load %arg6[%get3A_367, %get3A_368] {strides = array<i32>} : memref<106x192xi32, #tpu.memory_space<vmem>>, vector<1x16xi32>,
      %get3A_370 = vector.shape_cast %get3A_369 : vector<1x16xi32> to vector<16xi32>
      %and3A_371 = arith.constant 16383 : i32
      %and3A_372 = vector.broadcast %and3A_371 : i32 to vector<16xi32>
      %and3A_373 = arith.andi %get3A_370, %and3A_372 : vector<16xi32>
      %swap3A_374 = arith.constant 176 : index
      %swap3A_375 = tpu.vector_load %arg7[%swap3A_374] {strides = array<i32>} : memref<192xi32, #tpu.memory_space<vmem>>, vector<16xi32>,
      %swap3A_376 = vector.shape_cast %swap3A_375 : vector<16xi32> to vector<16xi32>
      %swap3A_377 = vector.shape_cast %and3A_373 : vector<16xi32> to vector<16xi32>
      tpu.vector_store %arg7[%swap3A_374], %swap3A_377 {strides = array<i32>} : memref<192xi32, #tpu.memory_space<vmem>>, vector<16xi32>,
      %shift_right_logical3A_378 = arith.constant 14 : i32
      %shift_right_logical3A_379 = vector.broadcast %shift_right_logical3A_378 : i32 to vector<16xi32>
      %shift_right_logical3A_380 = arith.shrui %get3A_370, %shift_right_logical3A_379 : vector<16xi32>
      %swap3A_381 = arith.constant 176 : index
      %swap3A_382 = tpu.vector_load %arg8[%swap3A_381] {strides = array<i32>} : memref<192xi32, #tpu.memory_space<vmem>>, vector<16xi32>,
      %swap3A_383 = vector.shape_cast %swap3A_382 : vector<16xi32> to vector<16xi32>
      %swap3A_384 = vector.shape_cast %shift_right_logical3A_380 : vector<16xi32> to vector<16xi32>
      tpu.vector_store %arg8[%swap3A_381], %swap3A_384 {strides = array<i32>} : memref<192xi32, #tpu.memory_space<vmem>>, vector<16xi32>,
      %dma_start3A_385 = arith.constant 0 : i32
      %dma_start3A_386 = arith.constant 0 : i32
      %dma_start3A_387 = tpu.memref_slice %arg13[%dma_start3A_385, %dma_start3A_386] : memref<10240x64xf32, #tpu.memory_space<vmem_shared>> -> memref<10240x64xf32, #tpu.memory_space<vmem_shared>>
      tpu.enqueue_indirect_dma source(%dma_start3A_387 : memref<10240x64xf32, #tpu.memory_space<vmem_shared>>) target(%arg11 : memref<192x64xf32, #tpu.memory_space<vmem>>) offsets(%arg7 : memref<192xi32, #tpu.memory_space<vmem>>) semaphore(%arg15 : memref<!tpu.dma_semaphore, #tpu.memory_space<semaphore_mem>>)
      %get3A_388 = arith.index_cast %add3A_172 : i32 to index
      %get3A_389 = arith.constant 0 : index
      %get3A_390 = tpu.vector_load %arg6[%get3A_388, %get3A_389] {strides = array<i32>} : memref<106x192xi32, #tpu.memory_space<vmem>>, vector<1x16xi32>,
      %get3A_391 = vector.shape_cast %get3A_390 : vector<1x16xi32> to vector<16xi32>
      %and3A_392 = arith.constant 16383 : i32
      %and3A_393 = vector.broadcast %and3A_392 : i32 to vector<16xi32>
      %and3A_394 = arith.andi %get3A_391, %and3A_393 : vector<16xi32>
      %swap3A_395 = arith.constant 0 : index
      %swap3A_396 = tpu.vector_load %arg9[%swap3A_395] {strides = array<i32>} : memref<192xi32, #tpu.memory_space<vmem>>, vector<16xi32>,
      %swap3A_397 = vector.shape_cast %swap3A_396 : vector<16xi32> to vector<16xi32>
      %swap3A_398 = vector.shape_cast %and3A_394 : vector<16xi32> to vector<16xi32>
      tpu.vector_store %arg9[%swap3A_395], %swap3A_398 {strides = array<i32>} : memref<192xi32, #tpu.memory_space<vmem>>, vector<16xi32>,
      %shift_right_logical3A_399 = arith.constant 14 : i32
      %shift_right_logical3A_400 = vector.broadcast %shift_right_logical3A_399 : i32 to vector<16xi32>
      %shift_right_logical3A_401 = arith.shrui %get3A_391, %shift_right_logical3A_400 : vector<16xi32>
      %swap3A_402 = arith.constant 0 : index
      %swap3A_403 = tpu.vector_load %arg10[%swap3A_402] {strides = array<i32>} : memref<192xi32, #tpu.memory_space<vmem>>, vector<16xi32>,
      %swap3A_404 = vector.shape_cast %swap3A_403 : vector<16xi32> to vector<16xi32>
      %swap3A_405 = vector.shape_cast %shift_right_logical3A_401 : vector<16xi32> to vector<16xi32>
      tpu.vector_store %arg10[%swap3A_402], %swap3A_405 {strides = array<i32>} : memref<192xi32, #tpu.memory_space<vmem>>, vector<16xi32>,
      %get3A_406 = arith.index_cast %add3A_172 : i32 to index
      %get3A_407 = arith.constant 16 : index
      %get3A_408 = tpu.vector_load %arg6[%get3A_406, %get3A_407] {strides = array<i32>} : memref<106x192xi32, #tpu.memory_space<vmem>>, vector<1x16xi32>,
      %get3A_409 = vector.shape_cast %get3A_408 : vector<1x16xi32> to vector<16xi32>
      %and3A_410 = arith.constant 16383 : i32
      %and3A_411 = vector.broadcast %and3A_410 : i32 to vector<16xi32>
      %and3A_412 = arith.andi %get3A_409, %and3A_411 : vector<16xi32>
      %swap3A_413 = arith.constant 16 : index
      %swap3A_414 = tpu.vector_load %arg9[%swap3A_413] {strides = array<i32>} : memref<192xi32, #tpu.memory_space<vmem>>, vector<16xi32>,
      %swap3A_415 = vector.shape_cast %swap3A_414 : vector<16xi32> to vector<16xi32>
      %swap3A_416 = vector.shape_cast %and3A_412 : vector<16xi32> to vector<16xi32>
      tpu.vector_store %arg9[%swap3A_413], %swap3A_416 {strides = array<i32>} : memref<192xi32, #tpu.memory_space<vmem>>, vector<16xi32>,
      %shift_right_logical3A_417 = arith.constant 14 : i32
      %shift_right_logical3A_418 = vector.broadcast %shift_right_logical3A_417 : i32 to vector<16xi32>
      %shift_right_logical3A_419 = arith.shrui %get3A_409, %shift_right_logical3A_418 : vector<16xi32>
      %swap3A_420 = arith.constant 16 : index
      %swap3A_421 = tpu.vector_load %arg10[%swap3A_420] {strides = array<i32>} : memref<192xi32, #tpu.memory_space<vmem>>, vector<16xi32>,
      %swap3A_422 = vector.shape_cast %swap3A_421 : vector<16xi32> to vector<16xi32>
      %swap3A_423 = vector.shape_cast %shift_right_logical3A_419 : vector<16xi32> to vector<16xi32>
      tpu.vector_store %arg10[%swap3A_420], %swap3A_423 {strides = array<i32>} : memref<192xi32, #tpu.memory_space<vmem>>, vector<16xi32>,
      %get3A_424 = arith.index_cast %add3A_172 : i32 to index
      %get3A_425 = arith.constant 32 : index
      %get3A_426 = tpu.vector_load %arg6[%get3A_424, %get3A_425] {strides = array<i32>} : memref<106x192xi32, #tpu.memory_space<vmem>>, vector<1x16xi32>,
      %get3A_427 = vector.shape_cast %get3A_426 : vector<1x16xi32> to vector<16xi32>
      %and3A_428 = arith.constant 16383 : i32
      %and3A_429 = vector.broadcast %and3A_428 : i32 to vector<16xi32>
      %and3A_430 = arith.andi %get3A_427, %and3A_429 : vector<16xi32>
      %swap3A_431 = arith.constant 32 : index
      %swap3A_432 = tpu.vector_load %arg9[%swap3A_431] {strides = array<i32>} : memref<192xi32, #tpu.memory_space<vmem>>, vector<16xi32>,
      %swap3A_433 = vector.shape_cast %swap3A_432 : vector<16xi32> to vector<16xi32>
      %swap3A_434 = vector.shape_cast %and3A_430 : vector<16xi32> to vector<16xi32>
      tpu.vector_store %arg9[%swap3A_431], %swap3A_434 {strides = array<i32>} : memref<192xi32, #tpu.memory_space<vmem>>, vector<16xi32>,
      %shift_right_logical3A_435 = arith.constant 14 : i32
      %shift_right_logical3A_436 = vector.broadcast %shift_right_logical3A_435 : i32 to vector<16xi32>
      %shift_right_logical3A_437 = arith.shrui %get3A_427, %shift_right_logical3A_436 : vector<16xi32>
      %swap3A_438 = arith.constant 32 : index
      %swap3A_439 = tpu.vector_load %arg10[%swap3A_438] {strides = array<i32>} : memref<192xi32, #tpu.memory_space<vmem>>, vector<16xi32>,
      %swap3A_440 = vector.shape_cast %swap3A_439 : vector<16xi32> to vector<16xi32>
      %swap3A_441 = vector.shape_cast %shift_right_logical3A_437 : vector<16xi32> to vector<16xi32>
      tpu.vector_store %arg10[%swap3A_438], %swap3A_441 {strides = array<i32>} : memref<192xi32, #tpu.memory_space<vmem>>, vector<16xi32>,
      %get3A_442 = arith.index_cast %add3A_172 : i32 to index
      %get3A_443 = arith.constant 48 : index
      %get3A_444 = tpu.vector_load %arg6[%get3A_442, %get3A_443] {strides = array<i32>} : memref<106x192xi32, #tpu.memory_space<vmem>>, vector<1x16xi32>,
      %get3A_445 = vector.shape_cast %get3A_444 : vector<1x16xi32> to vector<16xi32>
      %and3A_446 = arith.constant 16383 : i32
      %and3A_447 = vector.broadcast %and3A_446 : i32 to vector<16xi32>
      %and3A_448 = arith.andi %get3A_445, %and3A_447 : vector<16xi32>
      %swap3A_449 = arith.constant 48 : index
      %swap3A_450 = tpu.vector_load %arg9[%swap3A_449] {strides = array<i32>} : memref<192xi32, #tpu.memory_space<vmem>>, vector<16xi32>,
      %swap3A_451 = vector.shape_cast %swap3A_450 : vector<16xi32> to vector<16xi32>
      %swap3A_452 = vector.shape_cast %and3A_448 : vector<16xi32> to vector<16xi32>
      tpu.vector_store %arg9[%swap3A_449], %swap3A_452 {strides = array<i32>} : memref<192xi32, #tpu.memory_space<vmem>>, vector<16xi32>,
      %shift_right_logical3A_453 = arith.constant 14 : i32
      %shift_right_logical3A_454 = vector.broadcast %shift_right_logical3A_453 : i32 to vector<16xi32>
      %shift_right_logical3A_455 = arith.shrui %get3A_445, %shift_right_logical3A_454 : vector<16xi32>
      %swap3A_456 = arith.constant 48 : index
      %swap3A_457 = tpu.vector_load %arg10[%swap3A_456] {strides = array<i32>} : memref<192xi32, #tpu.memory_space<vmem>>, vector<16xi32>,
      %swap3A_458 = vector.shape_cast %swap3A_457 : vector<16xi32> to vector<16xi32>
      %swap3A_459 = vector.shape_cast %shift_right_logical3A_455 : vector<16xi32> to vector<16xi32>
      tpu.vector_store %arg10[%swap3A_456], %swap3A_459 {strides = array<i32>} : memref<192xi32, #tpu.memory_space<vmem>>, vector<16xi32>,
      %get3A_460 = arith.index_cast %add3A_172 : i32 to index
      %get3A_461 = arith.constant 64 : index
      %get3A_462 = tpu.vector_load %arg6[%get3A_460, %get3A_461] {strides = array<i32>} : memref<106x192xi32, #tpu.memory_space<vmem>>, vector<1x16xi32>,
      %get3A_463 = vector.shape_cast %get3A_462 : vector<1x16xi32> to vector<16xi32>
      %and3A_464 = arith.constant 16383 : i32
      %and3A_465 = vector.broadcast %and3A_464 : i32 to vector<16xi32>
      %and3A_466 = arith.andi %get3A_463, %and3A_465 : vector<16xi32>
      %swap3A_467 = arith.constant 64 : index
      %swap3A_468 = tpu.vector_load %arg9[%swap3A_467] {strides = array<i32>} : memref<192xi32, #tpu.memory_space<vmem>>, vector<16xi32>,
      %swap3A_469 = vector.shape_cast %swap3A_468 : vector<16xi32> to vector<16xi32>
      %swap3A_470 = vector.shape_cast %and3A_466 : vector<16xi32> to vector<16xi32>
      tpu.vector_store %arg9[%swap3A_467], %swap3A_470 {strides = array<i32>} : memref<192xi32, #tpu.memory_space<vmem>>, vector<16xi32>,
      %shift_right_logical3A_471 = arith.constant 14 : i32
      %shift_right_logical3A_472 = vector.broadcast %shift_right_logical3A_471 : i32 to vector<16xi32>
      %shift_right_logical3A_473 = arith.shrui %get3A_463, %shift_right_logical3A_472 : vector<16xi32>
      %swap3A_474 = arith.constant 64 : index
      %swap3A_475 = tpu.vector_load %arg10[%swap3A_474] {strides = array<i32>} : memref<192xi32, #tpu.memory_space<vmem>>, vector<16xi32>,
      %swap3A_476 = vector.shape_cast %swap3A_475 : vector<16xi32> to vector<16xi32>
      %swap3A_477 = vector.shape_cast %shift_right_logical3A_473 : vector<16xi32> to vector<16xi32>
      tpu.vector_store %arg10[%swap3A_474], %swap3A_477 {strides = array<i32>} : memref<192xi32, #tpu.memory_space<vmem>>, vector<16xi32>,
      %get3A_478 = arith.index_cast %add3A_172 : i32 to index
      %get3A_479 = arith.constant 80 : index
      %get3A_480 = tpu.vector_load %arg6[%get3A_478, %get3A_479] {strides = array<i32>} : memref<106x192xi32, #tpu.memory_space<vmem>>, vector<1x16xi32>,
      %get3A_481 = vector.shape_cast %get3A_480 : vector<1x16xi32> to vector<16xi32>
      %and3A_482 = arith.constant 16383 : i32
      %and3A_483 = vector.broadcast %and3A_482 : i32 to vector<16xi32>
      %and3A_484 = arith.andi %get3A_481, %and3A_483 : vector<16xi32>
      %swap3A_485 = arith.constant 80 : index
      %swap3A_486 = tpu.vector_load %arg9[%swap3A_485] {strides = array<i32>} : memref<192xi32, #tpu.memory_space<vmem>>, vector<16xi32>,
      %swap3A_487 = vector.shape_cast %swap3A_486 : vector<16xi32> to vector<16xi32>
      %swap3A_488 = vector.shape_cast %and3A_484 : vector<16xi32> to vector<16xi32>
      tpu.vector_store %arg9[%swap3A_485], %swap3A_488 {strides = array<i32>} : memref<192xi32, #tpu.memory_space<vmem>>, vector<16xi32>,
      %shift_right_logical3A_489 = arith.constant 14 : i32
      %shift_right_logical3A_490 = vector.broadcast %shift_right_logical3A_489 : i32 to vector<16xi32>
      %shift_right_logical3A_491 = arith.shrui %get3A_481, %shift_right_logical3A_490 : vector<16xi32>
      %swap3A_492 = arith.constant 80 : index
      %swap3A_493 = tpu.vector_load %arg10[%swap3A_492] {strides = array<i32>} : memref<192xi32, #tpu.memory_space<vmem>>, vector<16xi32>,
      %swap3A_494 = vector.shape_cast %swap3A_493 : vector<16xi32> to vector<16xi32>
      %swap3A_495 = vector.shape_cast %shift_right_logical3A_491 : vector<16xi32> to vector<16xi32>
      tpu.vector_store %arg10[%swap3A_492], %swap3A_495 {strides = array<i32>} : memref<192xi32, #tpu.memory_space<vmem>>, vector<16xi32>,
      %get3A_496 = arith.index_cast %add3A_172 : i32 to index
      %get3A_497 = arith.constant 96 : index
      %get3A_498 = tpu.vector_load %arg6[%get3A_496, %get3A_497] {strides = array<i32>} : memref<106x192xi32, #tpu.memory_space<vmem>>, vector<1x16xi32>,
      %get3A_499 = vector.shape_cast %get3A_498 : vector<1x16xi32> to vector<16xi32>
      %and3A_500 = arith.constant 16383 : i32
      %and3A_501 = vector.broadcast %and3A_500 : i32 to vector<16xi32>
      %and3A_502 = arith.andi %get3A_499, %and3A_501 : vector<16xi32>
      %swap3A_503 = arith.constant 96 : index
      %swap3A_504 = tpu.vector_load %arg9[%swap3A_503] {strides = array<i32>} : memref<192xi32, #tpu.memory_space<vmem>>, vector<16xi32>,
      %swap3A_505 = vector.shape_cast %swap3A_504 : vector<16xi32> to vector<16xi32>
      %swap3A_506 = vector.shape_cast %and3A_502 : vector<16xi32> to vector<16xi32>
      tpu.vector_store %arg9[%swap3A_503], %swap3A_506 {strides = array<i32>} : memref<192xi32, #tpu.memory_space<vmem>>, vector<16xi32>,
      %shift_right_logical3A_507 = arith.constant 14 : i32
      %shift_right_logical3A_508 = vector.broadcast %shift_right_logical3A_507 : i32 to vector<16xi32>
      %shift_right_logical3A_509 = arith.shrui %get3A_499, %shift_right_logical3A_508 : vector<16xi32>
      %swap3A_510 = arith.constant 96 : index
      %swap3A_511 = tpu.vector_load %arg10[%swap3A_510] {strides = array<i32>} : memref<192xi32, #tpu.memory_space<vmem>>, vector<16xi32>,
      %swap3A_512 = vector.shape_cast %swap3A_511 : vector<16xi32> to vector<16xi32>
      %swap3A_513 = vector.shape_cast %shift_right_logical3A_509 : vector<16xi32> to vector<16xi32>
      tpu.vector_store %arg10[%swap3A_510], %swap3A_513 {strides = array<i32>} : memref<192xi32, #tpu.memory_space<vmem>>, vector<16xi32>,
      %get3A_514 = arith.index_cast %add3A_172 : i32 to index
      %get3A_515 = arith.constant 112 : index
      %get3A_516 = tpu.vector_load %arg6[%get3A_514, %get3A_515] {strides = array<i32>} : memref<106x192xi32, #tpu.memory_space<vmem>>, vector<1x16xi32>,
      %get3A_517 = vector.shape_cast %get3A_516 : vector<1x16xi32> to vector<16xi32>
      %and3A_518 = arith.constant 16383 : i32
      %and3A_519 = vector.broadcast %and3A_518 : i32 to vector<16xi32>
      %and3A_520 = arith.andi %get3A_517, %and3A_519 : vector<16xi32>
      %swap3A_521 = arith.constant 112 : index
      %swap3A_522 = tpu.vector_load %arg9[%swap3A_521] {strides = array<i32>} : memref<192xi32, #tpu.memory_space<vmem>>, vector<16xi32>,
      %swap3A_523 = vector.shape_cast %swap3A_522 : vector<16xi32> to vector<16xi32>
      %swap3A_524 = vector.shape_cast %and3A_520 : vector<16xi32> to vector<16xi32>
      tpu.vector_store %arg9[%swap3A_521], %swap3A_524 {strides = array<i32>} : memref<192xi32, #tpu.memory_space<vmem>>, vector<16xi32>,
      %shift_right_logical3A_525 = arith.constant 14 : i32
      %shift_right_logical3A_526 = vector.broadcast %shift_right_logical3A_525 : i32 to vector<16xi32>
      %shift_right_logical3A_527 = arith.shrui %get3A_517, %shift_right_logical3A_526 : vector<16xi32>
      %swap3A_528 = arith.constant 112 : index
      %swap3A_529 = tpu.vector_load %arg10[%swap3A_528] {strides = array<i32>} : memref<192xi32, #tpu.memory_space<vmem>>, vector<16xi32>,
      %swap3A_530 = vector.shape_cast %swap3A_529 : vector<16xi32> to vector<16xi32>
      %swap3A_531 = vector.shape_cast %shift_right_logical3A_527 : vector<16xi32> to vector<16xi32>
      tpu.vector_store %arg10[%swap3A_528], %swap3A_531 {strides = array<i32>} : memref<192xi32, #tpu.memory_space<vmem>>, vector<16xi32>,
      %get3A_532 = arith.index_cast %add3A_172 : i32 to index
      %get3A_533 = arith.constant 128 : index
      %get3A_534 = tpu.vector_load %arg6[%get3A_532, %get3A_533] {strides = array<i32>} : memref<106x192xi32, #tpu.memory_space<vmem>>, vector<1x16xi32>,
      %get3A_535 = vector.shape_cast %get3A_534 : vector<1x16xi32> to vector<16xi32>
      %and3A_536 = arith.constant 16383 : i32
      %and3A_537 = vector.broadcast %and3A_536 : i32 to vector<16xi32>
      %and3A_538 = arith.andi %get3A_535, %and3A_537 : vector<16xi32>
      %swap3A_539 = arith.constant 128 : index
      %swap3A_540 = tpu.vector_load %arg9[%swap3A_539] {strides = array<i32>} : memref<192xi32, #tpu.memory_space<vmem>>, vector<16xi32>,
      %swap3A_541 = vector.shape_cast %swap3A_540 : vector<16xi32> to vector<16xi32>
      %swap3A_542 = vector.shape_cast %and3A_538 : vector<16xi32> to vector<16xi32>
      tpu.vector_store %arg9[%swap3A_539], %swap3A_542 {strides = array<i32>} : memref<192xi32, #tpu.memory_space<vmem>>, vector<16xi32>,
      %shift_right_logical3A_543 = arith.constant 14 : i32
      %shift_right_logical3A_544 = vector.broadcast %shift_right_logical3A_543 : i32 to vector<16xi32>
      %shift_right_logical3A_545 = arith.shrui %get3A_535, %shift_right_logical3A_544 : vector<16xi32>
      %swap3A_546 = arith.constant 128 : index
      %swap3A_547 = tpu.vector_load %arg10[%swap3A_546] {strides = array<i32>} : memref<192xi32, #tpu.memory_space<vmem>>, vector<16xi32>,
      %swap3A_548 = vector.shape_cast %swap3A_547 : vector<16xi32> to vector<16xi32>
      %swap3A_549 = vector.shape_cast %shift_right_logical3A_545 : vector<16xi32> to vector<16xi32>
      tpu.vector_store %arg10[%swap3A_546], %swap3A_549 {strides = array<i32>} : memref<192xi32, #tpu.memory_space<vmem>>, vector<16xi32>,
      %get3A_550 = arith.index_cast %add3A_172 : i32 to index
      %get3A_551 = arith.constant 144 : index
      %get3A_552 = tpu.vector_load %arg6[%get3A_550, %get3A_551] {strides = array<i32>} : memref<106x192xi32, #tpu.memory_space<vmem>>, vector<1x16xi32>,
      %get3A_553 = vector.shape_cast %get3A_552 : vector<1x16xi32> to vector<16xi32>
      %and3A_554 = arith.constant 16383 : i32
      %and3A_555 = vector.broadcast %and3A_554 : i32 to vector<16xi32>
      %and3A_556 = arith.andi %get3A_553, %and3A_555 : vector<16xi32>
      %swap3A_557 = arith.constant 144 : index
      %swap3A_558 = tpu.vector_load %arg9[%swap3A_557] {strides = array<i32>} : memref<192xi32, #tpu.memory_space<vmem>>, vector<16xi32>,
      %swap3A_559 = vector.shape_cast %swap3A_558 : vector<16xi32> to vector<16xi32>
      %swap3A_560 = vector.shape_cast %and3A_556 : vector<16xi32> to vector<16xi32>
      tpu.vector_store %arg9[%swap3A_557], %swap3A_560 {strides = array<i32>} : memref<192xi32, #tpu.memory_space<vmem>>, vector<16xi32>,
      %shift_right_logical3A_561 = arith.constant 14 : i32
      %shift_right_logical3A_562 = vector.broadcast %shift_right_logical3A_561 : i32 to vector<16xi32>
      %shift_right_logical3A_563 = arith.shrui %get3A_553, %shift_right_logical3A_562 : vector<16xi32>
      %swap3A_564 = arith.constant 144 : index
      %swap3A_565 = tpu.vector_load %arg10[%swap3A_564] {strides = array<i32>} : memref<192xi32, #tpu.memory_space<vmem>>, vector<16xi32>,
      %swap3A_566 = vector.shape_cast %swap3A_565 : vector<16xi32> to vector<16xi32>
      %swap3A_567 = vector.shape_cast %shift_right_logical3A_563 : vector<16xi32> to vector<16xi32>
      tpu.vector_store %arg10[%swap3A_564], %swap3A_567 {strides = array<i32>} : memref<192xi32, #tpu.memory_space<vmem>>, vector<16xi32>,
      %get3A_568 = arith.index_cast %add3A_172 : i32 to index
      %get3A_569 = arith.constant 160 : index
      %get3A_570 = tpu.vector_load %arg6[%get3A_568, %get3A_569] {strides = array<i32>} : memref<106x192xi32, #tpu.memory_space<vmem>>, vector<1x16xi32>,
      %get3A_571 = vector.shape_cast %get3A_570 : vector<1x16xi32> to vector<16xi32>
      %and3A_572 = arith.constant 16383 : i32
      %and3A_573 = vector.broadcast %and3A_572 : i32 to vector<16xi32>
      %and3A_574 = arith.andi %get3A_571, %and3A_573 : vector<16xi32>
      %swap3A_575 = arith.constant 160 : index
      %swap3A_576 = tpu.vector_load %arg9[%swap3A_575] {strides = array<i32>} : memref<192xi32, #tpu.memory_space<vmem>>, vector<16xi32>,
      %swap3A_577 = vector.shape_cast %swap3A_576 : vector<16xi32> to vector<16xi32>
      %swap3A_578 = vector.shape_cast %and3A_574 : vector<16xi32> to vector<16xi32>
      tpu.vector_store %arg9[%swap3A_575], %swap3A_578 {strides = array<i32>} : memref<192xi32, #tpu.memory_space<vmem>>, vector<16xi32>,
      %shift_right_logical3A_579 = arith.constant 14 : i32
      %shift_right_logical3A_580 = vector.broadcast %shift_right_logical3A_579 : i32 to vector<16xi32>
      %shift_right_logical3A_581 = arith.shrui %get3A_571, %shift_right_logical3A_580 : vector<16xi32>
      %swap3A_582 = arith.constant 160 : index
      %swap3A_583 = tpu.vector_load %arg10[%swap3A_582] {strides = array<i32>} : memref<192xi32, #tpu.memory_space<vmem>>, vector<16xi32>,
      %swap3A_584 = vector.shape_cast %swap3A_583 : vector<16xi32> to vector<16xi32>
      %swap3A_585 = vector.shape_cast %shift_right_logical3A_581 : vector<16xi32> to vector<16xi32>
      tpu.vector_store %arg10[%swap3A_582], %swap3A_585 {strides = array<i32>} : memref<192xi32, #tpu.memory_space<vmem>>, vector<16xi32>,
      %get3A_586 = arith.index_cast %add3A_172 : i32 to index
      %get3A_587 = arith.constant 176 : index
      %get3A_588 = tpu.vector_load %arg6[%get3A_586, %get3A_587] {strides = array<i32>} : memref<106x192xi32, #tpu.memory_space<vmem>>, vector<1x16xi32>,
      %get3A_589 = vector.shape_cast %get3A_588 : vector<1x16xi32> to vector<16xi32>
      %and3A_590 = arith.constant 16383 : i32
      %and3A_591 = vector.broadcast %and3A_590 : i32 to vector<16xi32>
      %and3A_592 = arith.andi %get3A_589, %and3A_591 : vector<16xi32>
      %swap3A_593 = arith.constant 176 : index
      %swap3A_594 = tpu.vector_load %arg9[%swap3A_593] {strides = array<i32>} : memref<192xi32, #tpu.memory_space<vmem>>, vector<16xi32>,
      %swap3A_595 = vector.shape_cast %swap3A_594 : vector<16xi32> to vector<16xi32>
      %swap3A_596 = vector.shape_cast %and3A_592 : vector<16xi32> to vector<16xi32>
      tpu.vector_store %arg9[%swap3A_593], %swap3A_596 {strides = array<i32>} : memref<192xi32, #tpu.memory_space<vmem>>, vector<16xi32>,
      %shift_right_logical3A_597 = arith.constant 14 : i32
      %shift_right_logical3A_598 = vector.broadcast %shift_right_logical3A_597 : i32 to vector<16xi32>
      %shift_right_logical3A_599 = arith.shrui %get3A_589, %shift_right_logical3A_598 : vector<16xi32>
      %swap3A_600 = arith.constant 176 : index
      %swap3A_601 = tpu.vector_load %arg10[%swap3A_600] {strides = array<i32>} : memref<192xi32, #tpu.memory_space<vmem>>, vector<16xi32>,
      %swap3A_602 = vector.shape_cast %swap3A_601 : vector<16xi32> to vector<16xi32>
      %swap3A_603 = vector.shape_cast %shift_right_logical3A_599 : vector<16xi32> to vector<16xi32>
      tpu.vector_store %arg10[%swap3A_600], %swap3A_603 {strides = array<i32>} : memref<192xi32, #tpu.memory_space<vmem>>, vector<16xi32>,
      %dma_start3A_604 = arith.constant 0 : i32
      %dma_start3A_605 = arith.constant 0 : i32
      %dma_start3A_606 = tpu.memref_slice %arg13[%dma_start3A_604, %dma_start3A_605] : memref<10240x64xf32, #tpu.memory_space<vmem_shared>> -> memref<10240x64xf32, #tpu.memory_space<vmem_shared>>
      tpu.enqueue_indirect_dma source(%dma_start3A_606 : memref<10240x64xf32, #tpu.memory_space<vmem_shared>>) target(%arg12 : memref<192x64xf32, #tpu.memory_space<vmem>>) offsets(%arg9 : memref<192xi32, #tpu.memory_space<vmem>>) semaphore(%arg16 : memref<!tpu.dma_semaphore, #tpu.memory_space<semaphore_mem>>)
      %dma_wait3A_607 = arith.constant 0 : i32
      %dma_wait3A_608 = arith.constant 0 : i32
      %dma_wait3A_609 = tpu.memref_slice %arg13[%dma_wait3A_607, %dma_wait3A_608] : memref<10240x64xf32, #tpu.memory_space<vmem_shared>> -> memref<10240x64xf32, #tpu.memory_space<vmem_shared>>
      tpu.wait_indirect_dma semaphore(%arg15 : memref<!tpu.dma_semaphore, #tpu.memory_space<semaphore_mem>>) src(%dma_wait3A_609 : memref<10240x64xf32, #tpu.memory_space<vmem_shared>>) dst(%arg11 : memref<192x64xf32, #tpu.memory_space<vmem>>)
      %dma_start3A_610 = arith.constant 0 : i32
      %dma_start3A_611 = arith.constant 0 : i32
      %dma_start3A_612 = tpu.memref_slice %arg14[%dma_start3A_610, %dma_start3A_611] : memref<10240x64xf32, #tpu.memory_space<vmem_shared>> -> memref<10240x64xf32, #tpu.memory_space<vmem_shared>>
      tpu.enqueue_indirect_dma source(%arg11 : memref<192x64xf32, #tpu.memory_space<vmem>>) target(%dma_start3A_612 : memref<10240x64xf32, #tpu.memory_space<vmem_shared>>) offsets(%arg8 : memref<192xi32, #tpu.memory_space<vmem>>) semaphore(%arg18 : memref<!tpu.dma_semaphore, #tpu.memory_space<semaphore_mem>>) {add = true}
      %dma_wait3A_613 = arith.constant 0 : i32
      %dma_wait3A_614 = arith.constant 0 : i32
      %dma_wait3A_615 = tpu.memref_slice %arg13[%dma_wait3A_613, %dma_wait3A_614] : memref<10240x64xf32, #tpu.memory_space<vmem_shared>> -> memref<10240x64xf32, #tpu.memory_space<vmem_shared>>
      tpu.wait_indirect_dma semaphore(%arg16 : memref<!tpu.dma_semaphore, #tpu.memory_space<semaphore_mem>>) src(%dma_wait3A_615 : memref<10240x64xf32, #tpu.memory_space<vmem_shared>>) dst(%arg12 : memref<192x64xf32, #tpu.memory_space<vmem>>)
      "tpu.region"() ({
        %run_scoped3A_620 = tpu.sem_alloc : memref<!tpu.dma_semaphore, #tpu.memory_space<semaphore_mem>>
        %dma_start3A_621 = arith.constant 0 : i32
        %dma_start3A_622 = arith.constant 0 : i32
        %dma_start3A_623 = tpu.memref_slice %arg14[%dma_start3A_621, %dma_start3A_622] : memref<10240x64xf32, #tpu.memory_space<vmem_shared>> -> memref<10240x64xf32, #tpu.memory_space<vmem_shared>>
        tpu.enqueue_indirect_dma source(%arg12 : memref<192x64xf32, #tpu.memory_space<vmem>>) target(%dma_start3A_623 : memref<10240x64xf32, #tpu.memory_space<vmem_shared>>) offsets(%arg10 : memref<192xi32, #tpu.memory_space<vmem>>) semaphore(%run_scoped3A_620 : memref<!tpu.dma_semaphore, #tpu.memory_space<semaphore_mem>>) {add = true}
        %dma_wait3A_624 = arith.constant 0 : i32
        %dma_wait3A_625 = arith.constant 0 : i32
        %dma_wait3A_626 = tpu.memref_slice %arg14[%dma_wait3A_624, %dma_wait3A_625] : memref<10240x64xf32, #tpu.memory_space<vmem_shared>> -> memref<10240x64xf32, #tpu.memory_space<vmem_shared>>
        tpu.wait_indirect_dma semaphore(%run_scoped3A_620 : memref<!tpu.dma_semaphore, #tpu.memory_space<semaphore_mem>>) src(%arg12 : memref<192x64xf32, #tpu.memory_space<vmem>>) dst(%dma_wait3A_626 : memref<10240x64xf32, #tpu.memory_space<vmem_shared>>)
        tpu.yield
      }) : () -> ()
      %dma_wait3A_616 = arith.constant 0 : i32
      %dma_wait3A_617 = arith.constant 0 : i32
      %dma_wait3A_618 = tpu.memref_slice %arg14[%dma_wait3A_616, %dma_wait3A_617] : memref<10240x64xf32, #tpu.memory_space<vmem_shared>> -> memref<10240x64xf32, #tpu.memory_space<vmem_shared>>
      tpu.wait_indirect_dma semaphore(%arg18 : memref<!tpu.dma_semaphore, #tpu.memory_space<semaphore_mem>>) src(%arg11 : memref<192x64xf32, #tpu.memory_space<vmem>>) dst(%dma_wait3A_618 : memref<10240x64xf32, #tpu.memory_space<vmem_shared>>)
      %scan3A_619 = arith.constant 0 : i32
      scf.yield %scan3A_619 : i32
    }
    %scan3A_103 = arith.constant 53 : i32
    %barrier3A_104 = arith.constant 0 : index
    tpu.barrier barrier_id(%barrier3A_104)
    %dma_wait3A_105 = arith.constant 3 : i32
    %dma_wait3A_106 = arith.constant 0 : i32
    %dma_wait3A_107 = arith.constant 0 : i32
    %dma_wait3A_108 = tpu.memref_slice %arg5[%dma_wait3A_105, %arg0, %dma_wait3A_106, %dma_wait3A_107] : memref<7x2x10240x64xf32, #tpu.memory_space<hbm>> -> memref<1x1x10240x64xf32, #tpu.memory_space<hbm>>
    %dma_wait3A_109 = tpu.memref_squeeze %dma_wait3A_108 : memref<1x1x10240x64xf32, #tpu.memory_space<hbm>> -> memref<10240x64xf32, #tpu.memory_space<hbm>>
    %dma_wait3A_110 = arith.constant 0 : i32
    %dma_wait3A_111 = tpu.memref_slice %dma_wait3A_109[%mul3A_0, %dma_wait3A_110] : memref<10240x64xf32, #tpu.memory_space<hbm>> -> memref<640x64xf32, #tpu.memory_space<hbm>>
    %dma_wait3A_112 = arith.constant 0 : i32
    %dma_wait3A_113 = tpu.memref_slice %arg13[%mul3A_0, %dma_wait3A_112] : memref<10240x64xf32, #tpu.memory_space<vmem_shared>> -> memref<640x64xf32, #tpu.memory_space<vmem_shared>>
    tpu.wait_dma2 semaphore(%arg17 : memref<!tpu.dma_semaphore, #tpu.memory_space<semaphore_mem>>) src(%dma_wait3A_113 : memref<640x64xf32, #tpu.memory_space<vmem_shared>>) dst(%dma_wait3A_111 : memref<640x64xf32, #tpu.memory_space<hbm>>)
    "tpu.region"() ({
      %run_scoped3A_168 = tpu.sem_alloc : memref<!tpu.dma_semaphore, #tpu.memory_space<semaphore_mem>>
      %dma_start3A_169 = arith.constant 0 : i32
      %dma_start3A_170 = tpu.memref_slice %arg13[%mul3A_0, %dma_start3A_169] : memref<10240x64xf32, #tpu.memory_space<vmem_shared>> -> memref<640x64xf32, #tpu.memory_space<vmem_shared>>
      tpu.enqueue_dma source(%arg4 : memref<640x64xf32, #tpu.memory_space<hbm>>) target(%dma_start3A_170 : memref<640x64xf32, #tpu.memory_space<vmem_shared>>) target_semaphore(%run_scoped3A_168 : memref<!tpu.dma_semaphore, #tpu.memory_space<semaphore_mem>>)
      %dma_wait3A_171 = arith.constant 0 : i32
      %dma_wait3A_172 = tpu.memref_slice %arg13[%mul3A_0, %dma_wait3A_171] : memref<10240x64xf32, #tpu.memory_space<vmem_shared>> -> memref<640x64xf32, #tpu.memory_space<vmem_shared>>
      tpu.wait_dma2 semaphore(%run_scoped3A_168 : memref<!tpu.dma_semaphore, #tpu.memory_space<semaphore_mem>>) src(%arg4 : memref<640x64xf32, #tpu.memory_space<hbm>>) dst(%dma_wait3A_172 : memref<640x64xf32, #tpu.memory_space<vmem_shared>>)
      tpu.yield
    }) : () -> ()
    %dma_start3A_114 = arith.constant 4 : i32
    %dma_start3A_115 = arith.constant 0 : i32
    %dma_start3A_116 = arith.constant 0 : i32
    %dma_start3A_117 = tpu.memref_slice %arg5[%dma_start3A_114, %arg0, %dma_start3A_115, %dma_start3A_116] : memref<7x2x10240x64xf32, #tpu.memory_space<hbm>> -> memref<1x1x10240x64xf32, #tpu.memory_space<hbm>>
    %dma_start3A_118 = tpu.memref_squeeze %dma_start3A_117 : memref<1x1x10240x64xf32, #tpu.memory_space<hbm>> -> memref<10240x64xf32, #tpu.memory_space<hbm>>
    %dma_start3A_119 = arith.constant 0 : i32
    %dma_start3A_120 = tpu.memref_slice %dma_start3A_118[%mul3A_0, %dma_start3A_119] : memref<10240x64xf32, #tpu.memory_space<hbm>> -> memref<640x64xf32, #tpu.memory_space<hbm>>
    %dma_start3A_121 = arith.constant 0 : i32
    %dma_start3A_122 = tpu.memref_slice %arg14[%mul3A_0, %dma_start3A_121] : memref<10240x64xf32, #tpu.memory_space<vmem_shared>> -> memref<640x64xf32, #tpu.memory_space<vmem_shared>>
    tpu.enqueue_dma source(%dma_start3A_122 : memref<640x64xf32, #tpu.memory_space<vmem_shared>>) target(%dma_start3A_120 : memref<640x64xf32, #tpu.memory_space<hbm>>) target_semaphore(%arg17 : memref<!tpu.dma_semaphore, #tpu.memory_space<semaphore_mem>>)
    %barrier3A_123 = arith.constant 0 : index
    tpu.barrier barrier_id(%barrier3A_123)
    %scan3A_124 = arith.constant 0 : i32
    %scan3A_125 = arith.constant 0 : i32
    %scan3A_126 = arith.constant 53 : i32
    %scan3A_127 = arith.addi %scan3A_125, %scan3A_126 : i32
    %scan3A_128 = arith.constant 1 : i32
    %scan3A_129 = scf.for %scan3A_168 = %scan3A_125 to %scan3A_127 step %scan3A_128 iter_args(%scan3A_169 = %scan3A_124) -> (i32)  : i32 {
      %mul3A_170 = arith.constant 2 : i32
      %mul3A_171 = arith.muli %scan3A_168, %mul3A_170 : i32
      %add3A = arith.constant 1 : i32
      %add3A_172 = arith.addi %mul3A_171, %add3A : i32
      %get3A = arith.index_cast %mul3A_171 : i32 to index
      %get3A_173 = arith.constant 0 : index
      %get3A_174 = tpu.vector_load %arg6[%get3A, %get3A_173] {strides = array<i32>} : memref<106x192xi32, #tpu.memory_space<vmem>>, vector<1x16xi32>,
      %get3A_175 = vector.shape_cast %get3A_174 : vector<1x16xi32> to vector<16xi32>
      %and3A = arith.constant 16383 : i32
      %and3A_176 = vector.broadcast %and3A : i32 to vector<16xi32>
      %and3A_177 = arith.andi %get3A_175, %and3A_176 : vector<16xi32>
      %swap3A = arith.constant 0 : index
      %swap3A_178 = tpu.vector_load %arg7[%swap3A] {strides = array<i32>} : memref<192xi32, #tpu.memory_space<vmem>>, vector<16xi32>,
      %swap3A_179 = vector.shape_cast %swap3A_178 : vector<16xi32> to vector<16xi32>
      %swap3A_180 = vector.shape_cast %and3A_177 : vector<16xi32> to vector<16xi32>
      tpu.vector_store %arg7[%swap3A], %swap3A_180 {strides = array<i32>} : memref<192xi32, #tpu.memory_space<vmem>>, vector<16xi32>,
      %shift_right_logical3A = arith.constant 14 : i32
      %shift_right_logical3A_181 = vector.broadcast %shift_right_logical3A : i32 to vector<16xi32>
      %shift_right_logical3A_182 = arith.shrui %get3A_175, %shift_right_logical3A_181 : vector<16xi32>
      %swap3A_183 = arith.constant 0 : index
      %swap3A_184 = tpu.vector_load %arg8[%swap3A_183] {strides = array<i32>} : memref<192xi32, #tpu.memory_space<vmem>>, vector<16xi32>,
      %swap3A_185 = vector.shape_cast %swap3A_184 : vector<16xi32> to vector<16xi32>
      %swap3A_186 = vector.shape_cast %shift_right_logical3A_182 : vector<16xi32> to vector<16xi32>
      tpu.vector_store %arg8[%swap3A_183], %swap3A_186 {strides = array<i32>} : memref<192xi32, #tpu.memory_space<vmem>>, vector<16xi32>,
      %get3A_187 = arith.index_cast %mul3A_171 : i32 to index
      %get3A_188 = arith.constant 16 : index
      %get3A_189 = tpu.vector_load %arg6[%get3A_187, %get3A_188] {strides = array<i32>} : memref<106x192xi32, #tpu.memory_space<vmem>>, vector<1x16xi32>,
      %get3A_190 = vector.shape_cast %get3A_189 : vector<1x16xi32> to vector<16xi32>
      %and3A_191 = arith.constant 16383 : i32
      %and3A_192 = vector.broadcast %and3A_191 : i32 to vector<16xi32>
      %and3A_193 = arith.andi %get3A_190, %and3A_192 : vector<16xi32>
      %swap3A_194 = arith.constant 16 : index
      %swap3A_195 = tpu.vector_load %arg7[%swap3A_194] {strides = array<i32>} : memref<192xi32, #tpu.memory_space<vmem>>, vector<16xi32>,
      %swap3A_196 = vector.shape_cast %swap3A_195 : vector<16xi32> to vector<16xi32>
      %swap3A_197 = vector.shape_cast %and3A_193 : vector<16xi32> to vector<16xi32>
      tpu.vector_store %arg7[%swap3A_194], %swap3A_197 {strides = array<i32>} : memref<192xi32, #tpu.memory_space<vmem>>, vector<16xi32>,
      %shift_right_logical3A_198 = arith.constant 14 : i32
      %shift_right_logical3A_199 = vector.broadcast %shift_right_logical3A_198 : i32 to vector<16xi32>
      %shift_right_logical3A_200 = arith.shrui %get3A_190, %shift_right_logical3A_199 : vector<16xi32>
      %swap3A_201 = arith.constant 16 : index
      %swap3A_202 = tpu.vector_load %arg8[%swap3A_201] {strides = array<i32>} : memref<192xi32, #tpu.memory_space<vmem>>, vector<16xi32>,
      %swap3A_203 = vector.shape_cast %swap3A_202 : vector<16xi32> to vector<16xi32>
      %swap3A_204 = vector.shape_cast %shift_right_logical3A_200 : vector<16xi32> to vector<16xi32>
      tpu.vector_store %arg8[%swap3A_201], %swap3A_204 {strides = array<i32>} : memref<192xi32, #tpu.memory_space<vmem>>, vector<16xi32>,
      %get3A_205 = arith.index_cast %mul3A_171 : i32 to index
      %get3A_206 = arith.constant 32 : index
      %get3A_207 = tpu.vector_load %arg6[%get3A_205, %get3A_206] {strides = array<i32>} : memref<106x192xi32, #tpu.memory_space<vmem>>, vector<1x16xi32>,
      %get3A_208 = vector.shape_cast %get3A_207 : vector<1x16xi32> to vector<16xi32>
      %and3A_209 = arith.constant 16383 : i32
      %and3A_210 = vector.broadcast %and3A_209 : i32 to vector<16xi32>
      %and3A_211 = arith.andi %get3A_208, %and3A_210 : vector<16xi32>
      %swap3A_212 = arith.constant 32 : index
      %swap3A_213 = tpu.vector_load %arg7[%swap3A_212] {strides = array<i32>} : memref<192xi32, #tpu.memory_space<vmem>>, vector<16xi32>,
      %swap3A_214 = vector.shape_cast %swap3A_213 : vector<16xi32> to vector<16xi32>
      %swap3A_215 = vector.shape_cast %and3A_211 : vector<16xi32> to vector<16xi32>
      tpu.vector_store %arg7[%swap3A_212], %swap3A_215 {strides = array<i32>} : memref<192xi32, #tpu.memory_space<vmem>>, vector<16xi32>,
      %shift_right_logical3A_216 = arith.constant 14 : i32
      %shift_right_logical3A_217 = vector.broadcast %shift_right_logical3A_216 : i32 to vector<16xi32>
      %shift_right_logical3A_218 = arith.shrui %get3A_208, %shift_right_logical3A_217 : vector<16xi32>
      %swap3A_219 = arith.constant 32 : index
      %swap3A_220 = tpu.vector_load %arg8[%swap3A_219] {strides = array<i32>} : memref<192xi32, #tpu.memory_space<vmem>>, vector<16xi32>,
      %swap3A_221 = vector.shape_cast %swap3A_220 : vector<16xi32> to vector<16xi32>
      %swap3A_222 = vector.shape_cast %shift_right_logical3A_218 : vector<16xi32> to vector<16xi32>
      tpu.vector_store %arg8[%swap3A_219], %swap3A_222 {strides = array<i32>} : memref<192xi32, #tpu.memory_space<vmem>>, vector<16xi32>,
      %get3A_223 = arith.index_cast %mul3A_171 : i32 to index
      %get3A_224 = arith.constant 48 : index
      %get3A_225 = tpu.vector_load %arg6[%get3A_223, %get3A_224] {strides = array<i32>} : memref<106x192xi32, #tpu.memory_space<vmem>>, vector<1x16xi32>,
      %get3A_226 = vector.shape_cast %get3A_225 : vector<1x16xi32> to vector<16xi32>
      %and3A_227 = arith.constant 16383 : i32
      %and3A_228 = vector.broadcast %and3A_227 : i32 to vector<16xi32>
      %and3A_229 = arith.andi %get3A_226, %and3A_228 : vector<16xi32>
      %swap3A_230 = arith.constant 48 : index
      %swap3A_231 = tpu.vector_load %arg7[%swap3A_230] {strides = array<i32>} : memref<192xi32, #tpu.memory_space<vmem>>, vector<16xi32>,
      %swap3A_232 = vector.shape_cast %swap3A_231 : vector<16xi32> to vector<16xi32>
      %swap3A_233 = vector.shape_cast %and3A_229 : vector<16xi32> to vector<16xi32>
      tpu.vector_store %arg7[%swap3A_230], %swap3A_233 {strides = array<i32>} : memref<192xi32, #tpu.memory_space<vmem>>, vector<16xi32>,
      %shift_right_logical3A_234 = arith.constant 14 : i32
      %shift_right_logical3A_235 = vector.broadcast %shift_right_logical3A_234 : i32 to vector<16xi32>
      %shift_right_logical3A_236 = arith.shrui %get3A_226, %shift_right_logical3A_235 : vector<16xi32>
      %swap3A_237 = arith.constant 48 : index
      %swap3A_238 = tpu.vector_load %arg8[%swap3A_237] {strides = array<i32>} : memref<192xi32, #tpu.memory_space<vmem>>, vector<16xi32>,
      %swap3A_239 = vector.shape_cast %swap3A_238 : vector<16xi32> to vector<16xi32>
      %swap3A_240 = vector.shape_cast %shift_right_logical3A_236 : vector<16xi32> to vector<16xi32>
      tpu.vector_store %arg8[%swap3A_237], %swap3A_240 {strides = array<i32>} : memref<192xi32, #tpu.memory_space<vmem>>, vector<16xi32>,
      %get3A_241 = arith.index_cast %mul3A_171 : i32 to index
      %get3A_242 = arith.constant 64 : index
      %get3A_243 = tpu.vector_load %arg6[%get3A_241, %get3A_242] {strides = array<i32>} : memref<106x192xi32, #tpu.memory_space<vmem>>, vector<1x16xi32>,
      %get3A_244 = vector.shape_cast %get3A_243 : vector<1x16xi32> to vector<16xi32>
      %and3A_245 = arith.constant 16383 : i32
      %and3A_246 = vector.broadcast %and3A_245 : i32 to vector<16xi32>
      %and3A_247 = arith.andi %get3A_244, %and3A_246 : vector<16xi32>
      %swap3A_248 = arith.constant 64 : index
      %swap3A_249 = tpu.vector_load %arg7[%swap3A_248] {strides = array<i32>} : memref<192xi32, #tpu.memory_space<vmem>>, vector<16xi32>,
      %swap3A_250 = vector.shape_cast %swap3A_249 : vector<16xi32> to vector<16xi32>
      %swap3A_251 = vector.shape_cast %and3A_247 : vector<16xi32> to vector<16xi32>
      tpu.vector_store %arg7[%swap3A_248], %swap3A_251 {strides = array<i32>} : memref<192xi32, #tpu.memory_space<vmem>>, vector<16xi32>,
      %shift_right_logical3A_252 = arith.constant 14 : i32
      %shift_right_logical3A_253 = vector.broadcast %shift_right_logical3A_252 : i32 to vector<16xi32>
      %shift_right_logical3A_254 = arith.shrui %get3A_244, %shift_right_logical3A_253 : vector<16xi32>
      %swap3A_255 = arith.constant 64 : index
      %swap3A_256 = tpu.vector_load %arg8[%swap3A_255] {strides = array<i32>} : memref<192xi32, #tpu.memory_space<vmem>>, vector<16xi32>,
      %swap3A_257 = vector.shape_cast %swap3A_256 : vector<16xi32> to vector<16xi32>
      %swap3A_258 = vector.shape_cast %shift_right_logical3A_254 : vector<16xi32> to vector<16xi32>
      tpu.vector_store %arg8[%swap3A_255], %swap3A_258 {strides = array<i32>} : memref<192xi32, #tpu.memory_space<vmem>>, vector<16xi32>,
      %get3A_259 = arith.index_cast %mul3A_171 : i32 to index
      %get3A_260 = arith.constant 80 : index
      %get3A_261 = tpu.vector_load %arg6[%get3A_259, %get3A_260] {strides = array<i32>} : memref<106x192xi32, #tpu.memory_space<vmem>>, vector<1x16xi32>,
      %get3A_262 = vector.shape_cast %get3A_261 : vector<1x16xi32> to vector<16xi32>
      %and3A_263 = arith.constant 16383 : i32
      %and3A_264 = vector.broadcast %and3A_263 : i32 to vector<16xi32>
      %and3A_265 = arith.andi %get3A_262, %and3A_264 : vector<16xi32>
      %swap3A_266 = arith.constant 80 : index
      %swap3A_267 = tpu.vector_load %arg7[%swap3A_266] {strides = array<i32>} : memref<192xi32, #tpu.memory_space<vmem>>, vector<16xi32>,
      %swap3A_268 = vector.shape_cast %swap3A_267 : vector<16xi32> to vector<16xi32>
      %swap3A_269 = vector.shape_cast %and3A_265 : vector<16xi32> to vector<16xi32>
      tpu.vector_store %arg7[%swap3A_266], %swap3A_269 {strides = array<i32>} : memref<192xi32, #tpu.memory_space<vmem>>, vector<16xi32>,
      %shift_right_logical3A_270 = arith.constant 14 : i32
      %shift_right_logical3A_271 = vector.broadcast %shift_right_logical3A_270 : i32 to vector<16xi32>
      %shift_right_logical3A_272 = arith.shrui %get3A_262, %shift_right_logical3A_271 : vector<16xi32>
      %swap3A_273 = arith.constant 80 : index
      %swap3A_274 = tpu.vector_load %arg8[%swap3A_273] {strides = array<i32>} : memref<192xi32, #tpu.memory_space<vmem>>, vector<16xi32>,
      %swap3A_275 = vector.shape_cast %swap3A_274 : vector<16xi32> to vector<16xi32>
      %swap3A_276 = vector.shape_cast %shift_right_logical3A_272 : vector<16xi32> to vector<16xi32>
      tpu.vector_store %arg8[%swap3A_273], %swap3A_276 {strides = array<i32>} : memref<192xi32, #tpu.memory_space<vmem>>, vector<16xi32>,
      %get3A_277 = arith.index_cast %mul3A_171 : i32 to index
      %get3A_278 = arith.constant 96 : index
      %get3A_279 = tpu.vector_load %arg6[%get3A_277, %get3A_278] {strides = array<i32>} : memref<106x192xi32, #tpu.memory_space<vmem>>, vector<1x16xi32>,
      %get3A_280 = vector.shape_cast %get3A_279 : vector<1x16xi32> to vector<16xi32>
      %and3A_281 = arith.constant 16383 : i32
      %and3A_282 = vector.broadcast %and3A_281 : i32 to vector<16xi32>
      %and3A_283 = arith.andi %get3A_280, %and3A_282 : vector<16xi32>
      %swap3A_284 = arith.constant 96 : index
      %swap3A_285 = tpu.vector_load %arg7[%swap3A_284] {strides = array<i32>} : memref<192xi32, #tpu.memory_space<vmem>>, vector<16xi32>,
      %swap3A_286 = vector.shape_cast %swap3A_285 : vector<16xi32> to vector<16xi32>
      %swap3A_287 = vector.shape_cast %and3A_283 : vector<16xi32> to vector<16xi32>
      tpu.vector_store %arg7[%swap3A_284], %swap3A_287 {strides = array<i32>} : memref<192xi32, #tpu.memory_space<vmem>>, vector<16xi32>,
      %shift_right_logical3A_288 = arith.constant 14 : i32
      %shift_right_logical3A_289 = vector.broadcast %shift_right_logical3A_288 : i32 to vector<16xi32>
      %shift_right_logical3A_290 = arith.shrui %get3A_280, %shift_right_logical3A_289 : vector<16xi32>
      %swap3A_291 = arith.constant 96 : index
      %swap3A_292 = tpu.vector_load %arg8[%swap3A_291] {strides = array<i32>} : memref<192xi32, #tpu.memory_space<vmem>>, vector<16xi32>,
      %swap3A_293 = vector.shape_cast %swap3A_292 : vector<16xi32> to vector<16xi32>
      %swap3A_294 = vector.shape_cast %shift_right_logical3A_290 : vector<16xi32> to vector<16xi32>
      tpu.vector_store %arg8[%swap3A_291], %swap3A_294 {strides = array<i32>} : memref<192xi32, #tpu.memory_space<vmem>>, vector<16xi32>,
      %get3A_295 = arith.index_cast %mul3A_171 : i32 to index
      %get3A_296 = arith.constant 112 : index
      %get3A_297 = tpu.vector_load %arg6[%get3A_295, %get3A_296] {strides = array<i32>} : memref<106x192xi32, #tpu.memory_space<vmem>>, vector<1x16xi32>,
      %get3A_298 = vector.shape_cast %get3A_297 : vector<1x16xi32> to vector<16xi32>
      %and3A_299 = arith.constant 16383 : i32
      %and3A_300 = vector.broadcast %and3A_299 : i32 to vector<16xi32>
      %and3A_301 = arith.andi %get3A_298, %and3A_300 : vector<16xi32>
      %swap3A_302 = arith.constant 112 : index
      %swap3A_303 = tpu.vector_load %arg7[%swap3A_302] {strides = array<i32>} : memref<192xi32, #tpu.memory_space<vmem>>, vector<16xi32>,
      %swap3A_304 = vector.shape_cast %swap3A_303 : vector<16xi32> to vector<16xi32>
      %swap3A_305 = vector.shape_cast %and3A_301 : vector<16xi32> to vector<16xi32>
      tpu.vector_store %arg7[%swap3A_302], %swap3A_305 {strides = array<i32>} : memref<192xi32, #tpu.memory_space<vmem>>, vector<16xi32>,
      %shift_right_logical3A_306 = arith.constant 14 : i32
      %shift_right_logical3A_307 = vector.broadcast %shift_right_logical3A_306 : i32 to vector<16xi32>
      %shift_right_logical3A_308 = arith.shrui %get3A_298, %shift_right_logical3A_307 : vector<16xi32>
      %swap3A_309 = arith.constant 112 : index
      %swap3A_310 = tpu.vector_load %arg8[%swap3A_309] {strides = array<i32>} : memref<192xi32, #tpu.memory_space<vmem>>, vector<16xi32>,
      %swap3A_311 = vector.shape_cast %swap3A_310 : vector<16xi32> to vector<16xi32>
      %swap3A_312 = vector.shape_cast %shift_right_logical3A_308 : vector<16xi32> to vector<16xi32>
      tpu.vector_store %arg8[%swap3A_309], %swap3A_312 {strides = array<i32>} : memref<192xi32, #tpu.memory_space<vmem>>, vector<16xi32>,
      %get3A_313 = arith.index_cast %mul3A_171 : i32 to index
      %get3A_314 = arith.constant 128 : index
      %get3A_315 = tpu.vector_load %arg6[%get3A_313, %get3A_314] {strides = array<i32>} : memref<106x192xi32, #tpu.memory_space<vmem>>, vector<1x16xi32>,
      %get3A_316 = vector.shape_cast %get3A_315 : vector<1x16xi32> to vector<16xi32>
      %and3A_317 = arith.constant 16383 : i32
      %and3A_318 = vector.broadcast %and3A_317 : i32 to vector<16xi32>
      %and3A_319 = arith.andi %get3A_316, %and3A_318 : vector<16xi32>
      %swap3A_320 = arith.constant 128 : index
      %swap3A_321 = tpu.vector_load %arg7[%swap3A_320] {strides = array<i32>} : memref<192xi32, #tpu.memory_space<vmem>>, vector<16xi32>,
      %swap3A_322 = vector.shape_cast %swap3A_321 : vector<16xi32> to vector<16xi32>
      %swap3A_323 = vector.shape_cast %and3A_319 : vector<16xi32> to vector<16xi32>
      tpu.vector_store %arg7[%swap3A_320], %swap3A_323 {strides = array<i32>} : memref<192xi32, #tpu.memory_space<vmem>>, vector<16xi32>,
      %shift_right_logical3A_324 = arith.constant 14 : i32
      %shift_right_logical3A_325 = vector.broadcast %shift_right_logical3A_324 : i32 to vector<16xi32>
      %shift_right_logical3A_326 = arith.shrui %get3A_316, %shift_right_logical3A_325 : vector<16xi32>
      %swap3A_327 = arith.constant 128 : index
      %swap3A_328 = tpu.vector_load %arg8[%swap3A_327] {strides = array<i32>} : memref<192xi32, #tpu.memory_space<vmem>>, vector<16xi32>,
      %swap3A_329 = vector.shape_cast %swap3A_328 : vector<16xi32> to vector<16xi32>
      %swap3A_330 = vector.shape_cast %shift_right_logical3A_326 : vector<16xi32> to vector<16xi32>
      tpu.vector_store %arg8[%swap3A_327], %swap3A_330 {strides = array<i32>} : memref<192xi32, #tpu.memory_space<vmem>>, vector<16xi32>,
      %get3A_331 = arith.index_cast %mul3A_171 : i32 to index
      %get3A_332 = arith.constant 144 : index
      %get3A_333 = tpu.vector_load %arg6[%get3A_331, %get3A_332] {strides = array<i32>} : memref<106x192xi32, #tpu.memory_space<vmem>>, vector<1x16xi32>,
      %get3A_334 = vector.shape_cast %get3A_333 : vector<1x16xi32> to vector<16xi32>
      %and3A_335 = arith.constant 16383 : i32
      %and3A_336 = vector.broadcast %and3A_335 : i32 to vector<16xi32>
      %and3A_337 = arith.andi %get3A_334, %and3A_336 : vector<16xi32>
      %swap3A_338 = arith.constant 144 : index
      %swap3A_339 = tpu.vector_load %arg7[%swap3A_338] {strides = array<i32>} : memref<192xi32, #tpu.memory_space<vmem>>, vector<16xi32>,
      %swap3A_340 = vector.shape_cast %swap3A_339 : vector<16xi32> to vector<16xi32>
      %swap3A_341 = vector.shape_cast %and3A_337 : vector<16xi32> to vector<16xi32>
      tpu.vector_store %arg7[%swap3A_338], %swap3A_341 {strides = array<i32>} : memref<192xi32, #tpu.memory_space<vmem>>, vector<16xi32>,
      %shift_right_logical3A_342 = arith.constant 14 : i32
      %shift_right_logical3A_343 = vector.broadcast %shift_right_logical3A_342 : i32 to vector<16xi32>
      %shift_right_logical3A_344 = arith.shrui %get3A_334, %shift_right_logical3A_343 : vector<16xi32>
      %swap3A_345 = arith.constant 144 : index
      %swap3A_346 = tpu.vector_load %arg8[%swap3A_345] {strides = array<i32>} : memref<192xi32, #tpu.memory_space<vmem>>, vector<16xi32>,
      %swap3A_347 = vector.shape_cast %swap3A_346 : vector<16xi32> to vector<16xi32>
      %swap3A_348 = vector.shape_cast %shift_right_logical3A_344 : vector<16xi32> to vector<16xi32>
      tpu.vector_store %arg8[%swap3A_345], %swap3A_348 {strides = array<i32>} : memref<192xi32, #tpu.memory_space<vmem>>, vector<16xi32>,
      %get3A_349 = arith.index_cast %mul3A_171 : i32 to index
      %get3A_350 = arith.constant 160 : index
      %get3A_351 = tpu.vector_load %arg6[%get3A_349, %get3A_350] {strides = array<i32>} : memref<106x192xi32, #tpu.memory_space<vmem>>, vector<1x16xi32>,
      %get3A_352 = vector.shape_cast %get3A_351 : vector<1x16xi32> to vector<16xi32>
      %and3A_353 = arith.constant 16383 : i32
      %and3A_354 = vector.broadcast %and3A_353 : i32 to vector<16xi32>
      %and3A_355 = arith.andi %get3A_352, %and3A_354 : vector<16xi32>
      %swap3A_356 = arith.constant 160 : index
      %swap3A_357 = tpu.vector_load %arg7[%swap3A_356] {strides = array<i32>} : memref<192xi32, #tpu.memory_space<vmem>>, vector<16xi32>,
      %swap3A_358 = vector.shape_cast %swap3A_357 : vector<16xi32> to vector<16xi32>
      %swap3A_359 = vector.shape_cast %and3A_355 : vector<16xi32> to vector<16xi32>
      tpu.vector_store %arg7[%swap3A_356], %swap3A_359 {strides = array<i32>} : memref<192xi32, #tpu.memory_space<vmem>>, vector<16xi32>,
      %shift_right_logical3A_360 = arith.constant 14 : i32
      %shift_right_logical3A_361 = vector.broadcast %shift_right_logical3A_360 : i32 to vector<16xi32>
      %shift_right_logical3A_362 = arith.shrui %get3A_352, %shift_right_logical3A_361 : vector<16xi32>
      %swap3A_363 = arith.constant 160 : index
      %swap3A_364 = tpu.vector_load %arg8[%swap3A_363] {strides = array<i32>} : memref<192xi32, #tpu.memory_space<vmem>>, vector<16xi32>,
      %swap3A_365 = vector.shape_cast %swap3A_364 : vector<16xi32> to vector<16xi32>
      %swap3A_366 = vector.shape_cast %shift_right_logical3A_362 : vector<16xi32> to vector<16xi32>
      tpu.vector_store %arg8[%swap3A_363], %swap3A_366 {strides = array<i32>} : memref<192xi32, #tpu.memory_space<vmem>>, vector<16xi32>,
      %get3A_367 = arith.index_cast %mul3A_171 : i32 to index
      %get3A_368 = arith.constant 176 : index
      %get3A_369 = tpu.vector_load %arg6[%get3A_367, %get3A_368] {strides = array<i32>} : memref<106x192xi32, #tpu.memory_space<vmem>>, vector<1x16xi32>,
      %get3A_370 = vector.shape_cast %get3A_369 : vector<1x16xi32> to vector<16xi32>
      %and3A_371 = arith.constant 16383 : i32
      %and3A_372 = vector.broadcast %and3A_371 : i32 to vector<16xi32>
      %and3A_373 = arith.andi %get3A_370, %and3A_372 : vector<16xi32>
      %swap3A_374 = arith.constant 176 : index
      %swap3A_375 = tpu.vector_load %arg7[%swap3A_374] {strides = array<i32>} : memref<192xi32, #tpu.memory_space<vmem>>, vector<16xi32>,
      %swap3A_376 = vector.shape_cast %swap3A_375 : vector<16xi32> to vector<16xi32>
      %swap3A_377 = vector.shape_cast %and3A_373 : vector<16xi32> to vector<16xi32>
      tpu.vector_store %arg7[%swap3A_374], %swap3A_377 {strides = array<i32>} : memref<192xi32, #tpu.memory_space<vmem>>, vector<16xi32>,
      %shift_right_logical3A_378 = arith.constant 14 : i32
      %shift_right_logical3A_379 = vector.broadcast %shift_right_logical3A_378 : i32 to vector<16xi32>
      %shift_right_logical3A_380 = arith.shrui %get3A_370, %shift_right_logical3A_379 : vector<16xi32>
      %swap3A_381 = arith.constant 176 : index
      %swap3A_382 = tpu.vector_load %arg8[%swap3A_381] {strides = array<i32>} : memref<192xi32, #tpu.memory_space<vmem>>, vector<16xi32>,
      %swap3A_383 = vector.shape_cast %swap3A_382 : vector<16xi32> to vector<16xi32>
      %swap3A_384 = vector.shape_cast %shift_right_logical3A_380 : vector<16xi32> to vector<16xi32>
      tpu.vector_store %arg8[%swap3A_381], %swap3A_384 {strides = array<i32>} : memref<192xi32, #tpu.memory_space<vmem>>, vector<16xi32>,
      %dma_start3A_385 = arith.constant 0 : i32
      %dma_start3A_386 = arith.constant 0 : i32
      %dma_start3A_387 = tpu.memref_slice %arg14[%dma_start3A_385, %dma_start3A_386] : memref<10240x64xf32, #tpu.memory_space<vmem_shared>> -> memref<10240x64xf32, #tpu.memory_space<vmem_shared>>
      tpu.enqueue_indirect_dma source(%dma_start3A_387 : memref<10240x64xf32, #tpu.memory_space<vmem_shared>>) target(%arg11 : memref<192x64xf32, #tpu.memory_space<vmem>>) offsets(%arg7 : memref<192xi32, #tpu.memory_space<vmem>>) semaphore(%arg15 : memref<!tpu.dma_semaphore, #tpu.memory_space<semaphore_mem>>)
      %get3A_388 = arith.index_cast %add3A_172 : i32 to index
      %get3A_389 = arith.constant 0 : index
      %get3A_390 = tpu.vector_load %arg6[%get3A_388, %get3A_389] {strides = array<i32>} : memref<106x192xi32, #tpu.memory_space<vmem>>, vector<1x16xi32>,
      %get3A_391 = vector.shape_cast %get3A_390 : vector<1x16xi32> to vector<16xi32>
      %and3A_392 = arith.constant 16383 : i32
      %and3A_393 = vector.broadcast %and3A_392 : i32 to vector<16xi32>
      %and3A_394 = arith.andi %get3A_391, %and3A_393 : vector<16xi32>
      %swap3A_395 = arith.constant 0 : index
      %swap3A_396 = tpu.vector_load %arg9[%swap3A_395] {strides = array<i32>} : memref<192xi32, #tpu.memory_space<vmem>>, vector<16xi32>,
      %swap3A_397 = vector.shape_cast %swap3A_396 : vector<16xi32> to vector<16xi32>
      %swap3A_398 = vector.shape_cast %and3A_394 : vector<16xi32> to vector<16xi32>
      tpu.vector_store %arg9[%swap3A_395], %swap3A_398 {strides = array<i32>} : memref<192xi32, #tpu.memory_space<vmem>>, vector<16xi32>,
      %shift_right_logical3A_399 = arith.constant 14 : i32
      %shift_right_logical3A_400 = vector.broadcast %shift_right_logical3A_399 : i32 to vector<16xi32>
      %shift_right_logical3A_401 = arith.shrui %get3A_391, %shift_right_logical3A_400 : vector<16xi32>
      %swap3A_402 = arith.constant 0 : index
      %swap3A_403 = tpu.vector_load %arg10[%swap3A_402] {strides = array<i32>} : memref<192xi32, #tpu.memory_space<vmem>>, vector<16xi32>,
      %swap3A_404 = vector.shape_cast %swap3A_403 : vector<16xi32> to vector<16xi32>
      %swap3A_405 = vector.shape_cast %shift_right_logical3A_401 : vector<16xi32> to vector<16xi32>
      tpu.vector_store %arg10[%swap3A_402], %swap3A_405 {strides = array<i32>} : memref<192xi32, #tpu.memory_space<vmem>>, vector<16xi32>,
      %get3A_406 = arith.index_cast %add3A_172 : i32 to index
      %get3A_407 = arith.constant 16 : index
      %get3A_408 = tpu.vector_load %arg6[%get3A_406, %get3A_407] {strides = array<i32>} : memref<106x192xi32, #tpu.memory_space<vmem>>, vector<1x16xi32>,
      %get3A_409 = vector.shape_cast %get3A_408 : vector<1x16xi32> to vector<16xi32>
      %and3A_410 = arith.constant 16383 : i32
      %and3A_411 = vector.broadcast %and3A_410 : i32 to vector<16xi32>
      %and3A_412 = arith.andi %get3A_409, %and3A_411 : vector<16xi32>
      %swap3A_413 = arith.constant 16 : index
      %swap3A_414 = tpu.vector_load %arg9[%swap3A_413] {strides = array<i32>} : memref<192xi32, #tpu.memory_space<vmem>>, vector<16xi32>,
      %swap3A_415 = vector.shape_cast %swap3A_414 : vector<16xi32> to vector<16xi32>
      %swap3A_416 = vector.shape_cast %and3A_412 : vector<16xi32> to vector<16xi32>
      tpu.vector_store %arg9[%swap3A_413], %swap3A_416 {strides = array<i32>} : memref<192xi32, #tpu.memory_space<vmem>>, vector<16xi32>,
      %shift_right_logical3A_417 = arith.constant 14 : i32
      %shift_right_logical3A_418 = vector.broadcast %shift_right_logical3A_417 : i32 to vector<16xi32>
      %shift_right_logical3A_419 = arith.shrui %get3A_409, %shift_right_logical3A_418 : vector<16xi32>
      %swap3A_420 = arith.constant 16 : index
      %swap3A_421 = tpu.vector_load %arg10[%swap3A_420] {strides = array<i32>} : memref<192xi32, #tpu.memory_space<vmem>>, vector<16xi32>,
      %swap3A_422 = vector.shape_cast %swap3A_421 : vector<16xi32> to vector<16xi32>
      %swap3A_423 = vector.shape_cast %shift_right_logical3A_419 : vector<16xi32> to vector<16xi32>
      tpu.vector_store %arg10[%swap3A_420], %swap3A_423 {strides = array<i32>} : memref<192xi32, #tpu.memory_space<vmem>>, vector<16xi32>,
      %get3A_424 = arith.index_cast %add3A_172 : i32 to index
      %get3A_425 = arith.constant 32 : index
      %get3A_426 = tpu.vector_load %arg6[%get3A_424, %get3A_425] {strides = array<i32>} : memref<106x192xi32, #tpu.memory_space<vmem>>, vector<1x16xi32>,
      %get3A_427 = vector.shape_cast %get3A_426 : vector<1x16xi32> to vector<16xi32>
      %and3A_428 = arith.constant 16383 : i32
      %and3A_429 = vector.broadcast %and3A_428 : i32 to vector<16xi32>
      %and3A_430 = arith.andi %get3A_427, %and3A_429 : vector<16xi32>
      %swap3A_431 = arith.constant 32 : index
      %swap3A_432 = tpu.vector_load %arg9[%swap3A_431] {strides = array<i32>} : memref<192xi32, #tpu.memory_space<vmem>>, vector<16xi32>,
      %swap3A_433 = vector.shape_cast %swap3A_432 : vector<16xi32> to vector<16xi32>
      %swap3A_434 = vector.shape_cast %and3A_430 : vector<16xi32> to vector<16xi32>
      tpu.vector_store %arg9[%swap3A_431], %swap3A_434 {strides = array<i32>} : memref<192xi32, #tpu.memory_space<vmem>>, vector<16xi32>,
      %shift_right_logical3A_435 = arith.constant 14 : i32
      %shift_right_logical3A_436 = vector.broadcast %shift_right_logical3A_435 : i32 to vector<16xi32>
      %shift_right_logical3A_437 = arith.shrui %get3A_427, %shift_right_logical3A_436 : vector<16xi32>
      %swap3A_438 = arith.constant 32 : index
      %swap3A_439 = tpu.vector_load %arg10[%swap3A_438] {strides = array<i32>} : memref<192xi32, #tpu.memory_space<vmem>>, vector<16xi32>,
      %swap3A_440 = vector.shape_cast %swap3A_439 : vector<16xi32> to vector<16xi32>
      %swap3A_441 = vector.shape_cast %shift_right_logical3A_437 : vector<16xi32> to vector<16xi32>
      tpu.vector_store %arg10[%swap3A_438], %swap3A_441 {strides = array<i32>} : memref<192xi32, #tpu.memory_space<vmem>>, vector<16xi32>,
      %get3A_442 = arith.index_cast %add3A_172 : i32 to index
      %get3A_443 = arith.constant 48 : index
      %get3A_444 = tpu.vector_load %arg6[%get3A_442, %get3A_443] {strides = array<i32>} : memref<106x192xi32, #tpu.memory_space<vmem>>, vector<1x16xi32>,
      %get3A_445 = vector.shape_cast %get3A_444 : vector<1x16xi32> to vector<16xi32>
      %and3A_446 = arith.constant 16383 : i32
      %and3A_447 = vector.broadcast %and3A_446 : i32 to vector<16xi32>
      %and3A_448 = arith.andi %get3A_445, %and3A_447 : vector<16xi32>
      %swap3A_449 = arith.constant 48 : index
      %swap3A_450 = tpu.vector_load %arg9[%swap3A_449] {strides = array<i32>} : memref<192xi32, #tpu.memory_space<vmem>>, vector<16xi32>,
      %swap3A_451 = vector.shape_cast %swap3A_450 : vector<16xi32> to vector<16xi32>
      %swap3A_452 = vector.shape_cast %and3A_448 : vector<16xi32> to vector<16xi32>
      tpu.vector_store %arg9[%swap3A_449], %swap3A_452 {strides = array<i32>} : memref<192xi32, #tpu.memory_space<vmem>>, vector<16xi32>,
      %shift_right_logical3A_453 = arith.constant 14 : i32
      %shift_right_logical3A_454 = vector.broadcast %shift_right_logical3A_453 : i32 to vector<16xi32>
      %shift_right_logical3A_455 = arith.shrui %get3A_445, %shift_right_logical3A_454 : vector<16xi32>
      %swap3A_456 = arith.constant 48 : index
      %swap3A_457 = tpu.vector_load %arg10[%swap3A_456] {strides = array<i32>} : memref<192xi32, #tpu.memory_space<vmem>>, vector<16xi32>,
      %swap3A_458 = vector.shape_cast %swap3A_457 : vector<16xi32> to vector<16xi32>
      %swap3A_459 = vector.shape_cast %shift_right_logical3A_455 : vector<16xi32> to vector<16xi32>
      tpu.vector_store %arg10[%swap3A_456], %swap3A_459 {strides = array<i32>} : memref<192xi32, #tpu.memory_space<vmem>>, vector<16xi32>,
      %get3A_460 = arith.index_cast %add3A_172 : i32 to index
      %get3A_461 = arith.constant 64 : index
      %get3A_462 = tpu.vector_load %arg6[%get3A_460, %get3A_461] {strides = array<i32>} : memref<106x192xi32, #tpu.memory_space<vmem>>, vector<1x16xi32>,
      %get3A_463 = vector.shape_cast %get3A_462 : vector<1x16xi32> to vector<16xi32>
      %and3A_464 = arith.constant 16383 : i32
      %and3A_465 = vector.broadcast %and3A_464 : i32 to vector<16xi32>
      %and3A_466 = arith.andi %get3A_463, %and3A_465 : vector<16xi32>
      %swap3A_467 = arith.constant 64 : index
      %swap3A_468 = tpu.vector_load %arg9[%swap3A_467] {strides = array<i32>} : memref<192xi32, #tpu.memory_space<vmem>>, vector<16xi32>,
      %swap3A_469 = vector.shape_cast %swap3A_468 : vector<16xi32> to vector<16xi32>
      %swap3A_470 = vector.shape_cast %and3A_466 : vector<16xi32> to vector<16xi32>
      tpu.vector_store %arg9[%swap3A_467], %swap3A_470 {strides = array<i32>} : memref<192xi32, #tpu.memory_space<vmem>>, vector<16xi32>,
      %shift_right_logical3A_471 = arith.constant 14 : i32
      %shift_right_logical3A_472 = vector.broadcast %shift_right_logical3A_471 : i32 to vector<16xi32>
      %shift_right_logical3A_473 = arith.shrui %get3A_463, %shift_right_logical3A_472 : vector<16xi32>
      %swap3A_474 = arith.constant 64 : index
      %swap3A_475 = tpu.vector_load %arg10[%swap3A_474] {strides = array<i32>} : memref<192xi32, #tpu.memory_space<vmem>>, vector<16xi32>,
      %swap3A_476 = vector.shape_cast %swap3A_475 : vector<16xi32> to vector<16xi32>
      %swap3A_477 = vector.shape_cast %shift_right_logical3A_473 : vector<16xi32> to vector<16xi32>
      tpu.vector_store %arg10[%swap3A_474], %swap3A_477 {strides = array<i32>} : memref<192xi32, #tpu.memory_space<vmem>>, vector<16xi32>,
      %get3A_478 = arith.index_cast %add3A_172 : i32 to index
      %get3A_479 = arith.constant 80 : index
      %get3A_480 = tpu.vector_load %arg6[%get3A_478, %get3A_479] {strides = array<i32>} : memref<106x192xi32, #tpu.memory_space<vmem>>, vector<1x16xi32>,
      %get3A_481 = vector.shape_cast %get3A_480 : vector<1x16xi32> to vector<16xi32>
      %and3A_482 = arith.constant 16383 : i32
      %and3A_483 = vector.broadcast %and3A_482 : i32 to vector<16xi32>
      %and3A_484 = arith.andi %get3A_481, %and3A_483 : vector<16xi32>
      %swap3A_485 = arith.constant 80 : index
      %swap3A_486 = tpu.vector_load %arg9[%swap3A_485] {strides = array<i32>} : memref<192xi32, #tpu.memory_space<vmem>>, vector<16xi32>,
      %swap3A_487 = vector.shape_cast %swap3A_486 : vector<16xi32> to vector<16xi32>
      %swap3A_488 = vector.shape_cast %and3A_484 : vector<16xi32> to vector<16xi32>
      tpu.vector_store %arg9[%swap3A_485], %swap3A_488 {strides = array<i32>} : memref<192xi32, #tpu.memory_space<vmem>>, vector<16xi32>,
      %shift_right_logical3A_489 = arith.constant 14 : i32
      %shift_right_logical3A_490 = vector.broadcast %shift_right_logical3A_489 : i32 to vector<16xi32>
      %shift_right_logical3A_491 = arith.shrui %get3A_481, %shift_right_logical3A_490 : vector<16xi32>
      %swap3A_492 = arith.constant 80 : index
      %swap3A_493 = tpu.vector_load %arg10[%swap3A_492] {strides = array<i32>} : memref<192xi32, #tpu.memory_space<vmem>>, vector<16xi32>,
      %swap3A_494 = vector.shape_cast %swap3A_493 : vector<16xi32> to vector<16xi32>
      %swap3A_495 = vector.shape_cast %shift_right_logical3A_491 : vector<16xi32> to vector<16xi32>
      tpu.vector_store %arg10[%swap3A_492], %swap3A_495 {strides = array<i32>} : memref<192xi32, #tpu.memory_space<vmem>>, vector<16xi32>,
      %get3A_496 = arith.index_cast %add3A_172 : i32 to index
      %get3A_497 = arith.constant 96 : index
      %get3A_498 = tpu.vector_load %arg6[%get3A_496, %get3A_497] {strides = array<i32>} : memref<106x192xi32, #tpu.memory_space<vmem>>, vector<1x16xi32>,
      %get3A_499 = vector.shape_cast %get3A_498 : vector<1x16xi32> to vector<16xi32>
      %and3A_500 = arith.constant 16383 : i32
      %and3A_501 = vector.broadcast %and3A_500 : i32 to vector<16xi32>
      %and3A_502 = arith.andi %get3A_499, %and3A_501 : vector<16xi32>
      %swap3A_503 = arith.constant 96 : index
      %swap3A_504 = tpu.vector_load %arg9[%swap3A_503] {strides = array<i32>} : memref<192xi32, #tpu.memory_space<vmem>>, vector<16xi32>,
      %swap3A_505 = vector.shape_cast %swap3A_504 : vector<16xi32> to vector<16xi32>
      %swap3A_506 = vector.shape_cast %and3A_502 : vector<16xi32> to vector<16xi32>
      tpu.vector_store %arg9[%swap3A_503], %swap3A_506 {strides = array<i32>} : memref<192xi32, #tpu.memory_space<vmem>>, vector<16xi32>,
      %shift_right_logical3A_507 = arith.constant 14 : i32
      %shift_right_logical3A_508 = vector.broadcast %shift_right_logical3A_507 : i32 to vector<16xi32>
      %shift_right_logical3A_509 = arith.shrui %get3A_499, %shift_right_logical3A_508 : vector<16xi32>
      %swap3A_510 = arith.constant 96 : index
      %swap3A_511 = tpu.vector_load %arg10[%swap3A_510] {strides = array<i32>} : memref<192xi32, #tpu.memory_space<vmem>>, vector<16xi32>,
      %swap3A_512 = vector.shape_cast %swap3A_511 : vector<16xi32> to vector<16xi32>
      %swap3A_513 = vector.shape_cast %shift_right_logical3A_509 : vector<16xi32> to vector<16xi32>
      tpu.vector_store %arg10[%swap3A_510], %swap3A_513 {strides = array<i32>} : memref<192xi32, #tpu.memory_space<vmem>>, vector<16xi32>,
      %get3A_514 = arith.index_cast %add3A_172 : i32 to index
      %get3A_515 = arith.constant 112 : index
      %get3A_516 = tpu.vector_load %arg6[%get3A_514, %get3A_515] {strides = array<i32>} : memref<106x192xi32, #tpu.memory_space<vmem>>, vector<1x16xi32>,
      %get3A_517 = vector.shape_cast %get3A_516 : vector<1x16xi32> to vector<16xi32>
      %and3A_518 = arith.constant 16383 : i32
      %and3A_519 = vector.broadcast %and3A_518 : i32 to vector<16xi32>
      %and3A_520 = arith.andi %get3A_517, %and3A_519 : vector<16xi32>
      %swap3A_521 = arith.constant 112 : index
      %swap3A_522 = tpu.vector_load %arg9[%swap3A_521] {strides = array<i32>} : memref<192xi32, #tpu.memory_space<vmem>>, vector<16xi32>,
      %swap3A_523 = vector.shape_cast %swap3A_522 : vector<16xi32> to vector<16xi32>
      %swap3A_524 = vector.shape_cast %and3A_520 : vector<16xi32> to vector<16xi32>
      tpu.vector_store %arg9[%swap3A_521], %swap3A_524 {strides = array<i32>} : memref<192xi32, #tpu.memory_space<vmem>>, vector<16xi32>,
      %shift_right_logical3A_525 = arith.constant 14 : i32
      %shift_right_logical3A_526 = vector.broadcast %shift_right_logical3A_525 : i32 to vector<16xi32>
      %shift_right_logical3A_527 = arith.shrui %get3A_517, %shift_right_logical3A_526 : vector<16xi32>
      %swap3A_528 = arith.constant 112 : index
      %swap3A_529 = tpu.vector_load %arg10[%swap3A_528] {strides = array<i32>} : memref<192xi32, #tpu.memory_space<vmem>>, vector<16xi32>,
      %swap3A_530 = vector.shape_cast %swap3A_529 : vector<16xi32> to vector<16xi32>
      %swap3A_531 = vector.shape_cast %shift_right_logical3A_527 : vector<16xi32> to vector<16xi32>
      tpu.vector_store %arg10[%swap3A_528], %swap3A_531 {strides = array<i32>} : memref<192xi32, #tpu.memory_space<vmem>>, vector<16xi32>,
      %get3A_532 = arith.index_cast %add3A_172 : i32 to index
      %get3A_533 = arith.constant 128 : index
      %get3A_534 = tpu.vector_load %arg6[%get3A_532, %get3A_533] {strides = array<i32>} : memref<106x192xi32, #tpu.memory_space<vmem>>, vector<1x16xi32>,
      %get3A_535 = vector.shape_cast %get3A_534 : vector<1x16xi32> to vector<16xi32>
      %and3A_536 = arith.constant 16383 : i32
      %and3A_537 = vector.broadcast %and3A_536 : i32 to vector<16xi32>
      %and3A_538 = arith.andi %get3A_535, %and3A_537 : vector<16xi32>
      %swap3A_539 = arith.constant 128 : index
      %swap3A_540 = tpu.vector_load %arg9[%swap3A_539] {strides = array<i32>} : memref<192xi32, #tpu.memory_space<vmem>>, vector<16xi32>,
      %swap3A_541 = vector.shape_cast %swap3A_540 : vector<16xi32> to vector<16xi32>
      %swap3A_542 = vector.shape_cast %and3A_538 : vector<16xi32> to vector<16xi32>
      tpu.vector_store %arg9[%swap3A_539], %swap3A_542 {strides = array<i32>} : memref<192xi32, #tpu.memory_space<vmem>>, vector<16xi32>,
      %shift_right_logical3A_543 = arith.constant 14 : i32
      %shift_right_logical3A_544 = vector.broadcast %shift_right_logical3A_543 : i32 to vector<16xi32>
      %shift_right_logical3A_545 = arith.shrui %get3A_535, %shift_right_logical3A_544 : vector<16xi32>
      %swap3A_546 = arith.constant 128 : index
      %swap3A_547 = tpu.vector_load %arg10[%swap3A_546] {strides = array<i32>} : memref<192xi32, #tpu.memory_space<vmem>>, vector<16xi32>,
      %swap3A_548 = vector.shape_cast %swap3A_547 : vector<16xi32> to vector<16xi32>
      %swap3A_549 = vector.shape_cast %shift_right_logical3A_545 : vector<16xi32> to vector<16xi32>
      tpu.vector_store %arg10[%swap3A_546], %swap3A_549 {strides = array<i32>} : memref<192xi32, #tpu.memory_space<vmem>>, vector<16xi32>,
      %get3A_550 = arith.index_cast %add3A_172 : i32 to index
      %get3A_551 = arith.constant 144 : index
      %get3A_552 = tpu.vector_load %arg6[%get3A_550, %get3A_551] {strides = array<i32>} : memref<106x192xi32, #tpu.memory_space<vmem>>, vector<1x16xi32>,
      %get3A_553 = vector.shape_cast %get3A_552 : vector<1x16xi32> to vector<16xi32>
      %and3A_554 = arith.constant 16383 : i32
      %and3A_555 = vector.broadcast %and3A_554 : i32 to vector<16xi32>
      %and3A_556 = arith.andi %get3A_553, %and3A_555 : vector<16xi32>
      %swap3A_557 = arith.constant 144 : index
      %swap3A_558 = tpu.vector_load %arg9[%swap3A_557] {strides = array<i32>} : memref<192xi32, #tpu.memory_space<vmem>>, vector<16xi32>,
      %swap3A_559 = vector.shape_cast %swap3A_558 : vector<16xi32> to vector<16xi32>
      %swap3A_560 = vector.shape_cast %and3A_556 : vector<16xi32> to vector<16xi32>
      tpu.vector_store %arg9[%swap3A_557], %swap3A_560 {strides = array<i32>} : memref<192xi32, #tpu.memory_space<vmem>>, vector<16xi32>,
      %shift_right_logical3A_561 = arith.constant 14 : i32
      %shift_right_logical3A_562 = vector.broadcast %shift_right_logical3A_561 : i32 to vector<16xi32>
      %shift_right_logical3A_563 = arith.shrui %get3A_553, %shift_right_logical3A_562 : vector<16xi32>
      %swap3A_564 = arith.constant 144 : index
      %swap3A_565 = tpu.vector_load %arg10[%swap3A_564] {strides = array<i32>} : memref<192xi32, #tpu.memory_space<vmem>>, vector<16xi32>,
      %swap3A_566 = vector.shape_cast %swap3A_565 : vector<16xi32> to vector<16xi32>
      %swap3A_567 = vector.shape_cast %shift_right_logical3A_563 : vector<16xi32> to vector<16xi32>
      tpu.vector_store %arg10[%swap3A_564], %swap3A_567 {strides = array<i32>} : memref<192xi32, #tpu.memory_space<vmem>>, vector<16xi32>,
      %get3A_568 = arith.index_cast %add3A_172 : i32 to index
      %get3A_569 = arith.constant 160 : index
      %get3A_570 = tpu.vector_load %arg6[%get3A_568, %get3A_569] {strides = array<i32>} : memref<106x192xi32, #tpu.memory_space<vmem>>, vector<1x16xi32>,
      %get3A_571 = vector.shape_cast %get3A_570 : vector<1x16xi32> to vector<16xi32>
      %and3A_572 = arith.constant 16383 : i32
      %and3A_573 = vector.broadcast %and3A_572 : i32 to vector<16xi32>
      %and3A_574 = arith.andi %get3A_571, %and3A_573 : vector<16xi32>
      %swap3A_575 = arith.constant 160 : index
      %swap3A_576 = tpu.vector_load %arg9[%swap3A_575] {strides = array<i32>} : memref<192xi32, #tpu.memory_space<vmem>>, vector<16xi32>,
      %swap3A_577 = vector.shape_cast %swap3A_576 : vector<16xi32> to vector<16xi32>
      %swap3A_578 = vector.shape_cast %and3A_574 : vector<16xi32> to vector<16xi32>
      tpu.vector_store %arg9[%swap3A_575], %swap3A_578 {strides = array<i32>} : memref<192xi32, #tpu.memory_space<vmem>>, vector<16xi32>,
      %shift_right_logical3A_579 = arith.constant 14 : i32
      %shift_right_logical3A_580 = vector.broadcast %shift_right_logical3A_579 : i32 to vector<16xi32>
      %shift_right_logical3A_581 = arith.shrui %get3A_571, %shift_right_logical3A_580 : vector<16xi32>
      %swap3A_582 = arith.constant 160 : index
      %swap3A_583 = tpu.vector_load %arg10[%swap3A_582] {strides = array<i32>} : memref<192xi32, #tpu.memory_space<vmem>>, vector<16xi32>,
      %swap3A_584 = vector.shape_cast %swap3A_583 : vector<16xi32> to vector<16xi32>
      %swap3A_585 = vector.shape_cast %shift_right_logical3A_581 : vector<16xi32> to vector<16xi32>
      tpu.vector_store %arg10[%swap3A_582], %swap3A_585 {strides = array<i32>} : memref<192xi32, #tpu.memory_space<vmem>>, vector<16xi32>,
      %get3A_586 = arith.index_cast %add3A_172 : i32 to index
      %get3A_587 = arith.constant 176 : index
      %get3A_588 = tpu.vector_load %arg6[%get3A_586, %get3A_587] {strides = array<i32>} : memref<106x192xi32, #tpu.memory_space<vmem>>, vector<1x16xi32>,
      %get3A_589 = vector.shape_cast %get3A_588 : vector<1x16xi32> to vector<16xi32>
      %and3A_590 = arith.constant 16383 : i32
      %and3A_591 = vector.broadcast %and3A_590 : i32 to vector<16xi32>
      %and3A_592 = arith.andi %get3A_589, %and3A_591 : vector<16xi32>
      %swap3A_593 = arith.constant 176 : index
      %swap3A_594 = tpu.vector_load %arg9[%swap3A_593] {strides = array<i32>} : memref<192xi32, #tpu.memory_space<vmem>>, vector<16xi32>,
      %swap3A_595 = vector.shape_cast %swap3A_594 : vector<16xi32> to vector<16xi32>
      %swap3A_596 = vector.shape_cast %and3A_592 : vector<16xi32> to vector<16xi32>
      tpu.vector_store %arg9[%swap3A_593], %swap3A_596 {strides = array<i32>} : memref<192xi32, #tpu.memory_space<vmem>>, vector<16xi32>,
      %shift_right_logical3A_597 = arith.constant 14 : i32
      %shift_right_logical3A_598 = vector.broadcast %shift_right_logical3A_597 : i32 to vector<16xi32>
      %shift_right_logical3A_599 = arith.shrui %get3A_589, %shift_right_logical3A_598 : vector<16xi32>
      %swap3A_600 = arith.constant 176 : index
      %swap3A_601 = tpu.vector_load %arg10[%swap3A_600] {strides = array<i32>} : memref<192xi32, #tpu.memory_space<vmem>>, vector<16xi32>,
      %swap3A_602 = vector.shape_cast %swap3A_601 : vector<16xi32> to vector<16xi32>
      %swap3A_603 = vector.shape_cast %shift_right_logical3A_599 : vector<16xi32> to vector<16xi32>
      tpu.vector_store %arg10[%swap3A_600], %swap3A_603 {strides = array<i32>} : memref<192xi32, #tpu.memory_space<vmem>>, vector<16xi32>,
      %dma_start3A_604 = arith.constant 0 : i32
      %dma_start3A_605 = arith.constant 0 : i32
      %dma_start3A_606 = tpu.memref_slice %arg14[%dma_start3A_604, %dma_start3A_605] : memref<10240x64xf32, #tpu.memory_space<vmem_shared>> -> memref<10240x64xf32, #tpu.memory_space<vmem_shared>>
      tpu.enqueue_indirect_dma source(%dma_start3A_606 : memref<10240x64xf32, #tpu.memory_space<vmem_shared>>) target(%arg12 : memref<192x64xf32, #tpu.memory_space<vmem>>) offsets(%arg9 : memref<192xi32, #tpu.memory_space<vmem>>) semaphore(%arg16 : memref<!tpu.dma_semaphore, #tpu.memory_space<semaphore_mem>>)
      %dma_wait3A_607 = arith.constant 0 : i32
      %dma_wait3A_608 = arith.constant 0 : i32
      %dma_wait3A_609 = tpu.memref_slice %arg14[%dma_wait3A_607, %dma_wait3A_608] : memref<10240x64xf32, #tpu.memory_space<vmem_shared>> -> memref<10240x64xf32, #tpu.memory_space<vmem_shared>>
      tpu.wait_indirect_dma semaphore(%arg15 : memref<!tpu.dma_semaphore, #tpu.memory_space<semaphore_mem>>) src(%dma_wait3A_609 : memref<10240x64xf32, #tpu.memory_space<vmem_shared>>) dst(%arg11 : memref<192x64xf32, #tpu.memory_space<vmem>>)
      %dma_start3A_610 = arith.constant 0 : i32
      %dma_start3A_611 = arith.constant 0 : i32
      %dma_start3A_612 = tpu.memref_slice %arg13[%dma_start3A_610, %dma_start3A_611] : memref<10240x64xf32, #tpu.memory_space<vmem_shared>> -> memref<10240x64xf32, #tpu.memory_space<vmem_shared>>
      tpu.enqueue_indirect_dma source(%arg11 : memref<192x64xf32, #tpu.memory_space<vmem>>) target(%dma_start3A_612 : memref<10240x64xf32, #tpu.memory_space<vmem_shared>>) offsets(%arg8 : memref<192xi32, #tpu.memory_space<vmem>>) semaphore(%arg18 : memref<!tpu.dma_semaphore, #tpu.memory_space<semaphore_mem>>) {add = true}
      %dma_wait3A_613 = arith.constant 0 : i32
      %dma_wait3A_614 = arith.constant 0 : i32
      %dma_wait3A_615 = tpu.memref_slice %arg14[%dma_wait3A_613, %dma_wait3A_614] : memref<10240x64xf32, #tpu.memory_space<vmem_shared>> -> memref<10240x64xf32, #tpu.memory_space<vmem_shared>>
      tpu.wait_indirect_dma semaphore(%arg16 : memref<!tpu.dma_semaphore, #tpu.memory_space<semaphore_mem>>) src(%dma_wait3A_615 : memref<10240x64xf32, #tpu.memory_space<vmem_shared>>) dst(%arg12 : memref<192x64xf32, #tpu.memory_space<vmem>>)
      "tpu.region"() ({
        %run_scoped3A_620 = tpu.sem_alloc : memref<!tpu.dma_semaphore, #tpu.memory_space<semaphore_mem>>
        %dma_start3A_621 = arith.constant 0 : i32
        %dma_start3A_622 = arith.constant 0 : i32
        %dma_start3A_623 = tpu.memref_slice %arg13[%dma_start3A_621, %dma_start3A_622] : memref<10240x64xf32, #tpu.memory_space<vmem_shared>> -> memref<10240x64xf32, #tpu.memory_space<vmem_shared>>
        tpu.enqueue_indirect_dma source(%arg12 : memref<192x64xf32, #tpu.memory_space<vmem>>) target(%dma_start3A_623 : memref<10240x64xf32, #tpu.memory_space<vmem_shared>>) offsets(%arg10 : memref<192xi32, #tpu.memory_space<vmem>>) semaphore(%run_scoped3A_620 : memref<!tpu.dma_semaphore, #tpu.memory_space<semaphore_mem>>) {add = true}
        %dma_wait3A_624 = arith.constant 0 : i32
        %dma_wait3A_625 = arith.constant 0 : i32
        %dma_wait3A_626 = tpu.memref_slice %arg13[%dma_wait3A_624, %dma_wait3A_625] : memref<10240x64xf32, #tpu.memory_space<vmem_shared>> -> memref<10240x64xf32, #tpu.memory_space<vmem_shared>>
        tpu.wait_indirect_dma semaphore(%run_scoped3A_620 : memref<!tpu.dma_semaphore, #tpu.memory_space<semaphore_mem>>) src(%arg12 : memref<192x64xf32, #tpu.memory_space<vmem>>) dst(%dma_wait3A_626 : memref<10240x64xf32, #tpu.memory_space<vmem_shared>>)
        tpu.yield
      }) : () -> ()
      %dma_wait3A_616 = arith.constant 0 : i32
      %dma_wait3A_617 = arith.constant 0 : i32
      %dma_wait3A_618 = tpu.memref_slice %arg13[%dma_wait3A_616, %dma_wait3A_617] : memref<10240x64xf32, #tpu.memory_space<vmem_shared>> -> memref<10240x64xf32, #tpu.memory_space<vmem_shared>>
      tpu.wait_indirect_dma semaphore(%arg18 : memref<!tpu.dma_semaphore, #tpu.memory_space<semaphore_mem>>) src(%arg11 : memref<192x64xf32, #tpu.memory_space<vmem>>) dst(%dma_wait3A_618 : memref<10240x64xf32, #tpu.memory_space<vmem_shared>>)
      %scan3A_619 = arith.constant 0 : i32
      scf.yield %scan3A_619 : i32
    }
    %scan3A_130 = arith.constant 53 : i32
    %barrier3A_131 = arith.constant 0 : index
    tpu.barrier barrier_id(%barrier3A_131)
    %dma_wait3A_132 = arith.constant 4 : i32
    %dma_wait3A_133 = arith.constant 0 : i32
    %dma_wait3A_134 = arith.constant 0 : i32
    %dma_wait3A_135 = tpu.memref_slice %arg5[%dma_wait3A_132, %arg0, %dma_wait3A_133, %dma_wait3A_134] : memref<7x2x10240x64xf32, #tpu.memory_space<hbm>> -> memref<1x1x10240x64xf32, #tpu.memory_space<hbm>>
    %dma_wait3A_136 = tpu.memref_squeeze %dma_wait3A_135 : memref<1x1x10240x64xf32, #tpu.memory_space<hbm>> -> memref<10240x64xf32, #tpu.memory_space<hbm>>
    %dma_wait3A_137 = arith.constant 0 : i32
    %dma_wait3A_138 = tpu.memref_slice %dma_wait3A_136[%mul3A_0, %dma_wait3A_137] : memref<10240x64xf32, #tpu.memory_space<hbm>> -> memref<640x64xf32, #tpu.memory_space<hbm>>
    %dma_wait3A_139 = arith.constant 0 : i32
    %dma_wait3A_140 = tpu.memref_slice %arg14[%mul3A_0, %dma_wait3A_139] : memref<10240x64xf32, #tpu.memory_space<vmem_shared>> -> memref<640x64xf32, #tpu.memory_space<vmem_shared>>
    tpu.wait_dma2 semaphore(%arg17 : memref<!tpu.dma_semaphore, #tpu.memory_space<semaphore_mem>>) src(%dma_wait3A_140 : memref<640x64xf32, #tpu.memory_space<vmem_shared>>) dst(%dma_wait3A_138 : memref<640x64xf32, #tpu.memory_space<hbm>>)
    "tpu.region"() ({
      %run_scoped3A_168 = tpu.sem_alloc : memref<!tpu.dma_semaphore, #tpu.memory_space<semaphore_mem>>
      %dma_start3A_169 = arith.constant 0 : i32
      %dma_start3A_170 = tpu.memref_slice %arg14[%mul3A_0, %dma_start3A_169] : memref<10240x64xf32, #tpu.memory_space<vmem_shared>> -> memref<640x64xf32, #tpu.memory_space<vmem_shared>>
      tpu.enqueue_dma source(%arg4 : memref<640x64xf32, #tpu.memory_space<hbm>>) target(%dma_start3A_170 : memref<640x64xf32, #tpu.memory_space<vmem_shared>>) target_semaphore(%run_scoped3A_168 : memref<!tpu.dma_semaphore, #tpu.memory_space<semaphore_mem>>)
      %dma_wait3A_171 = arith.constant 0 : i32
      %dma_wait3A_172 = tpu.memref_slice %arg14[%mul3A_0, %dma_wait3A_171] : memref<10240x64xf32, #tpu.memory_space<vmem_shared>> -> memref<640x64xf32, #tpu.memory_space<vmem_shared>>
      tpu.wait_dma2 semaphore(%run_scoped3A_168 : memref<!tpu.dma_semaphore, #tpu.memory_space<semaphore_mem>>) src(%arg4 : memref<640x64xf32, #tpu.memory_space<hbm>>) dst(%dma_wait3A_172 : memref<640x64xf32, #tpu.memory_space<vmem_shared>>)
      tpu.yield
    }) : () -> ()
    %dma_start3A_141 = arith.constant 5 : i32
    %dma_start3A_142 = arith.constant 0 : i32
    %dma_start3A_143 = arith.constant 0 : i32
    %dma_start3A_144 = tpu.memref_slice %arg5[%dma_start3A_141, %arg0, %dma_start3A_142, %dma_start3A_143] : memref<7x2x10240x64xf32, #tpu.memory_space<hbm>> -> memref<1x1x10240x64xf32, #tpu.memory_space<hbm>>
    %dma_start3A_145 = tpu.memref_squeeze %dma_start3A_144 : memref<1x1x10240x64xf32, #tpu.memory_space<hbm>> -> memref<10240x64xf32, #tpu.memory_space<hbm>>
    %dma_start3A_146 = arith.constant 0 : i32
    %dma_start3A_147 = tpu.memref_slice %dma_start3A_145[%mul3A_0, %dma_start3A_146] : memref<10240x64xf32, #tpu.memory_space<hbm>> -> memref<640x64xf32, #tpu.memory_space<hbm>>
    %dma_start3A_148 = arith.constant 0 : i32
    %dma_start3A_149 = tpu.memref_slice %arg13[%mul3A_0, %dma_start3A_148] : memref<10240x64xf32, #tpu.memory_space<vmem_shared>> -> memref<640x64xf32, #tpu.memory_space<vmem_shared>>
    tpu.enqueue_dma source(%dma_start3A_149 : memref<640x64xf32, #tpu.memory_space<vmem_shared>>) target(%dma_start3A_147 : memref<640x64xf32, #tpu.memory_space<hbm>>) target_semaphore(%arg17 : memref<!tpu.dma_semaphore, #tpu.memory_space<semaphore_mem>>)
    %barrier3A_150 = arith.constant 0 : index
    tpu.barrier barrier_id(%barrier3A_150)
    %scan3A_151 = arith.constant 0 : i32
    %scan3A_152 = arith.constant 0 : i32
    %scan3A_153 = arith.constant 53 : i32
    %scan3A_154 = arith.addi %scan3A_152, %scan3A_153 : i32
    %scan3A_155 = arith.constant 1 : i32
    %scan3A_156 = scf.for %scan3A_168 = %scan3A_152 to %scan3A_154 step %scan3A_155 iter_args(%scan3A_169 = %scan3A_151) -> (i32)  : i32 {
      %mul3A_170 = arith.constant 2 : i32
      %mul3A_171 = arith.muli %scan3A_168, %mul3A_170 : i32
      %add3A = arith.constant 1 : i32
      %add3A_172 = arith.addi %mul3A_171, %add3A : i32
      %get3A = arith.index_cast %mul3A_171 : i32 to index
      %get3A_173 = arith.constant 0 : index
      %get3A_174 = tpu.vector_load %arg6[%get3A, %get3A_173] {strides = array<i32>} : memref<106x192xi32, #tpu.memory_space<vmem>>, vector<1x16xi32>,
      %get3A_175 = vector.shape_cast %get3A_174 : vector<1x16xi32> to vector<16xi32>
      %and3A = arith.constant 16383 : i32
      %and3A_176 = vector.broadcast %and3A : i32 to vector<16xi32>
      %and3A_177 = arith.andi %get3A_175, %and3A_176 : vector<16xi32>
      %swap3A = arith.constant 0 : index
      %swap3A_178 = tpu.vector_load %arg7[%swap3A] {strides = array<i32>} : memref<192xi32, #tpu.memory_space<vmem>>, vector<16xi32>,
      %swap3A_179 = vector.shape_cast %swap3A_178 : vector<16xi32> to vector<16xi32>
      %swap3A_180 = vector.shape_cast %and3A_177 : vector<16xi32> to vector<16xi32>
      tpu.vector_store %arg7[%swap3A], %swap3A_180 {strides = array<i32>} : memref<192xi32, #tpu.memory_space<vmem>>, vector<16xi32>,
      %shift_right_logical3A = arith.constant 14 : i32
      %shift_right_logical3A_181 = vector.broadcast %shift_right_logical3A : i32 to vector<16xi32>
      %shift_right_logical3A_182 = arith.shrui %get3A_175, %shift_right_logical3A_181 : vector<16xi32>
      %swap3A_183 = arith.constant 0 : index
      %swap3A_184 = tpu.vector_load %arg8[%swap3A_183] {strides = array<i32>} : memref<192xi32, #tpu.memory_space<vmem>>, vector<16xi32>,
      %swap3A_185 = vector.shape_cast %swap3A_184 : vector<16xi32> to vector<16xi32>
      %swap3A_186 = vector.shape_cast %shift_right_logical3A_182 : vector<16xi32> to vector<16xi32>
      tpu.vector_store %arg8[%swap3A_183], %swap3A_186 {strides = array<i32>} : memref<192xi32, #tpu.memory_space<vmem>>, vector<16xi32>,
      %get3A_187 = arith.index_cast %mul3A_171 : i32 to index
      %get3A_188 = arith.constant 16 : index
      %get3A_189 = tpu.vector_load %arg6[%get3A_187, %get3A_188] {strides = array<i32>} : memref<106x192xi32, #tpu.memory_space<vmem>>, vector<1x16xi32>,
      %get3A_190 = vector.shape_cast %get3A_189 : vector<1x16xi32> to vector<16xi32>
      %and3A_191 = arith.constant 16383 : i32
      %and3A_192 = vector.broadcast %and3A_191 : i32 to vector<16xi32>
      %and3A_193 = arith.andi %get3A_190, %and3A_192 : vector<16xi32>
      %swap3A_194 = arith.constant 16 : index
      %swap3A_195 = tpu.vector_load %arg7[%swap3A_194] {strides = array<i32>} : memref<192xi32, #tpu.memory_space<vmem>>, vector<16xi32>,
      %swap3A_196 = vector.shape_cast %swap3A_195 : vector<16xi32> to vector<16xi32>
      %swap3A_197 = vector.shape_cast %and3A_193 : vector<16xi32> to vector<16xi32>
      tpu.vector_store %arg7[%swap3A_194], %swap3A_197 {strides = array<i32>} : memref<192xi32, #tpu.memory_space<vmem>>, vector<16xi32>,
      %shift_right_logical3A_198 = arith.constant 14 : i32
      %shift_right_logical3A_199 = vector.broadcast %shift_right_logical3A_198 : i32 to vector<16xi32>
      %shift_right_logical3A_200 = arith.shrui %get3A_190, %shift_right_logical3A_199 : vector<16xi32>
      %swap3A_201 = arith.constant 16 : index
      %swap3A_202 = tpu.vector_load %arg8[%swap3A_201] {strides = array<i32>} : memref<192xi32, #tpu.memory_space<vmem>>, vector<16xi32>,
      %swap3A_203 = vector.shape_cast %swap3A_202 : vector<16xi32> to vector<16xi32>
      %swap3A_204 = vector.shape_cast %shift_right_logical3A_200 : vector<16xi32> to vector<16xi32>
      tpu.vector_store %arg8[%swap3A_201], %swap3A_204 {strides = array<i32>} : memref<192xi32, #tpu.memory_space<vmem>>, vector<16xi32>,
      %get3A_205 = arith.index_cast %mul3A_171 : i32 to index
      %get3A_206 = arith.constant 32 : index
      %get3A_207 = tpu.vector_load %arg6[%get3A_205, %get3A_206] {strides = array<i32>} : memref<106x192xi32, #tpu.memory_space<vmem>>, vector<1x16xi32>,
      %get3A_208 = vector.shape_cast %get3A_207 : vector<1x16xi32> to vector<16xi32>
      %and3A_209 = arith.constant 16383 : i32
      %and3A_210 = vector.broadcast %and3A_209 : i32 to vector<16xi32>
      %and3A_211 = arith.andi %get3A_208, %and3A_210 : vector<16xi32>
      %swap3A_212 = arith.constant 32 : index
      %swap3A_213 = tpu.vector_load %arg7[%swap3A_212] {strides = array<i32>} : memref<192xi32, #tpu.memory_space<vmem>>, vector<16xi32>,
      %swap3A_214 = vector.shape_cast %swap3A_213 : vector<16xi32> to vector<16xi32>
      %swap3A_215 = vector.shape_cast %and3A_211 : vector<16xi32> to vector<16xi32>
      tpu.vector_store %arg7[%swap3A_212], %swap3A_215 {strides = array<i32>} : memref<192xi32, #tpu.memory_space<vmem>>, vector<16xi32>,
      %shift_right_logical3A_216 = arith.constant 14 : i32
      %shift_right_logical3A_217 = vector.broadcast %shift_right_logical3A_216 : i32 to vector<16xi32>
      %shift_right_logical3A_218 = arith.shrui %get3A_208, %shift_right_logical3A_217 : vector<16xi32>
      %swap3A_219 = arith.constant 32 : index
      %swap3A_220 = tpu.vector_load %arg8[%swap3A_219] {strides = array<i32>} : memref<192xi32, #tpu.memory_space<vmem>>, vector<16xi32>,
      %swap3A_221 = vector.shape_cast %swap3A_220 : vector<16xi32> to vector<16xi32>
      %swap3A_222 = vector.shape_cast %shift_right_logical3A_218 : vector<16xi32> to vector<16xi32>
      tpu.vector_store %arg8[%swap3A_219], %swap3A_222 {strides = array<i32>} : memref<192xi32, #tpu.memory_space<vmem>>, vector<16xi32>,
      %get3A_223 = arith.index_cast %mul3A_171 : i32 to index
      %get3A_224 = arith.constant 48 : index
      %get3A_225 = tpu.vector_load %arg6[%get3A_223, %get3A_224] {strides = array<i32>} : memref<106x192xi32, #tpu.memory_space<vmem>>, vector<1x16xi32>,
      %get3A_226 = vector.shape_cast %get3A_225 : vector<1x16xi32> to vector<16xi32>
      %and3A_227 = arith.constant 16383 : i32
      %and3A_228 = vector.broadcast %and3A_227 : i32 to vector<16xi32>
      %and3A_229 = arith.andi %get3A_226, %and3A_228 : vector<16xi32>
      %swap3A_230 = arith.constant 48 : index
      %swap3A_231 = tpu.vector_load %arg7[%swap3A_230] {strides = array<i32>} : memref<192xi32, #tpu.memory_space<vmem>>, vector<16xi32>,
      %swap3A_232 = vector.shape_cast %swap3A_231 : vector<16xi32> to vector<16xi32>
      %swap3A_233 = vector.shape_cast %and3A_229 : vector<16xi32> to vector<16xi32>
      tpu.vector_store %arg7[%swap3A_230], %swap3A_233 {strides = array<i32>} : memref<192xi32, #tpu.memory_space<vmem>>, vector<16xi32>,
      %shift_right_logical3A_234 = arith.constant 14 : i32
      %shift_right_logical3A_235 = vector.broadcast %shift_right_logical3A_234 : i32 to vector<16xi32>
      %shift_right_logical3A_236 = arith.shrui %get3A_226, %shift_right_logical3A_235 : vector<16xi32>
      %swap3A_237 = arith.constant 48 : index
      %swap3A_238 = tpu.vector_load %arg8[%swap3A_237] {strides = array<i32>} : memref<192xi32, #tpu.memory_space<vmem>>, vector<16xi32>,
      %swap3A_239 = vector.shape_cast %swap3A_238 : vector<16xi32> to vector<16xi32>
      %swap3A_240 = vector.shape_cast %shift_right_logical3A_236 : vector<16xi32> to vector<16xi32>
      tpu.vector_store %arg8[%swap3A_237], %swap3A_240 {strides = array<i32>} : memref<192xi32, #tpu.memory_space<vmem>>, vector<16xi32>,
      %get3A_241 = arith.index_cast %mul3A_171 : i32 to index
      %get3A_242 = arith.constant 64 : index
      %get3A_243 = tpu.vector_load %arg6[%get3A_241, %get3A_242] {strides = array<i32>} : memref<106x192xi32, #tpu.memory_space<vmem>>, vector<1x16xi32>,
      %get3A_244 = vector.shape_cast %get3A_243 : vector<1x16xi32> to vector<16xi32>
      %and3A_245 = arith.constant 16383 : i32
      %and3A_246 = vector.broadcast %and3A_245 : i32 to vector<16xi32>
      %and3A_247 = arith.andi %get3A_244, %and3A_246 : vector<16xi32>
      %swap3A_248 = arith.constant 64 : index
      %swap3A_249 = tpu.vector_load %arg7[%swap3A_248] {strides = array<i32>} : memref<192xi32, #tpu.memory_space<vmem>>, vector<16xi32>,
      %swap3A_250 = vector.shape_cast %swap3A_249 : vector<16xi32> to vector<16xi32>
      %swap3A_251 = vector.shape_cast %and3A_247 : vector<16xi32> to vector<16xi32>
      tpu.vector_store %arg7[%swap3A_248], %swap3A_251 {strides = array<i32>} : memref<192xi32, #tpu.memory_space<vmem>>, vector<16xi32>,
      %shift_right_logical3A_252 = arith.constant 14 : i32
      %shift_right_logical3A_253 = vector.broadcast %shift_right_logical3A_252 : i32 to vector<16xi32>
      %shift_right_logical3A_254 = arith.shrui %get3A_244, %shift_right_logical3A_253 : vector<16xi32>
      %swap3A_255 = arith.constant 64 : index
      %swap3A_256 = tpu.vector_load %arg8[%swap3A_255] {strides = array<i32>} : memref<192xi32, #tpu.memory_space<vmem>>, vector<16xi32>,
      %swap3A_257 = vector.shape_cast %swap3A_256 : vector<16xi32> to vector<16xi32>
      %swap3A_258 = vector.shape_cast %shift_right_logical3A_254 : vector<16xi32> to vector<16xi32>
      tpu.vector_store %arg8[%swap3A_255], %swap3A_258 {strides = array<i32>} : memref<192xi32, #tpu.memory_space<vmem>>, vector<16xi32>,
      %get3A_259 = arith.index_cast %mul3A_171 : i32 to index
      %get3A_260 = arith.constant 80 : index
      %get3A_261 = tpu.vector_load %arg6[%get3A_259, %get3A_260] {strides = array<i32>} : memref<106x192xi32, #tpu.memory_space<vmem>>, vector<1x16xi32>,
      %get3A_262 = vector.shape_cast %get3A_261 : vector<1x16xi32> to vector<16xi32>
      %and3A_263 = arith.constant 16383 : i32
      %and3A_264 = vector.broadcast %and3A_263 : i32 to vector<16xi32>
      %and3A_265 = arith.andi %get3A_262, %and3A_264 : vector<16xi32>
      %swap3A_266 = arith.constant 80 : index
      %swap3A_267 = tpu.vector_load %arg7[%swap3A_266] {strides = array<i32>} : memref<192xi32, #tpu.memory_space<vmem>>, vector<16xi32>,
      %swap3A_268 = vector.shape_cast %swap3A_267 : vector<16xi32> to vector<16xi32>
      %swap3A_269 = vector.shape_cast %and3A_265 : vector<16xi32> to vector<16xi32>
      tpu.vector_store %arg7[%swap3A_266], %swap3A_269 {strides = array<i32>} : memref<192xi32, #tpu.memory_space<vmem>>, vector<16xi32>,
      %shift_right_logical3A_270 = arith.constant 14 : i32
      %shift_right_logical3A_271 = vector.broadcast %shift_right_logical3A_270 : i32 to vector<16xi32>
      %shift_right_logical3A_272 = arith.shrui %get3A_262, %shift_right_logical3A_271 : vector<16xi32>
      %swap3A_273 = arith.constant 80 : index
      %swap3A_274 = tpu.vector_load %arg8[%swap3A_273] {strides = array<i32>} : memref<192xi32, #tpu.memory_space<vmem>>, vector<16xi32>,
      %swap3A_275 = vector.shape_cast %swap3A_274 : vector<16xi32> to vector<16xi32>
      %swap3A_276 = vector.shape_cast %shift_right_logical3A_272 : vector<16xi32> to vector<16xi32>
      tpu.vector_store %arg8[%swap3A_273], %swap3A_276 {strides = array<i32>} : memref<192xi32, #tpu.memory_space<vmem>>, vector<16xi32>,
      %get3A_277 = arith.index_cast %mul3A_171 : i32 to index
      %get3A_278 = arith.constant 96 : index
      %get3A_279 = tpu.vector_load %arg6[%get3A_277, %get3A_278] {strides = array<i32>} : memref<106x192xi32, #tpu.memory_space<vmem>>, vector<1x16xi32>,
      %get3A_280 = vector.shape_cast %get3A_279 : vector<1x16xi32> to vector<16xi32>
      %and3A_281 = arith.constant 16383 : i32
      %and3A_282 = vector.broadcast %and3A_281 : i32 to vector<16xi32>
      %and3A_283 = arith.andi %get3A_280, %and3A_282 : vector<16xi32>
      %swap3A_284 = arith.constant 96 : index
      %swap3A_285 = tpu.vector_load %arg7[%swap3A_284] {strides = array<i32>} : memref<192xi32, #tpu.memory_space<vmem>>, vector<16xi32>,
      %swap3A_286 = vector.shape_cast %swap3A_285 : vector<16xi32> to vector<16xi32>
      %swap3A_287 = vector.shape_cast %and3A_283 : vector<16xi32> to vector<16xi32>
      tpu.vector_store %arg7[%swap3A_284], %swap3A_287 {strides = array<i32>} : memref<192xi32, #tpu.memory_space<vmem>>, vector<16xi32>,
      %shift_right_logical3A_288 = arith.constant 14 : i32
      %shift_right_logical3A_289 = vector.broadcast %shift_right_logical3A_288 : i32 to vector<16xi32>
      %shift_right_logical3A_290 = arith.shrui %get3A_280, %shift_right_logical3A_289 : vector<16xi32>
      %swap3A_291 = arith.constant 96 : index
      %swap3A_292 = tpu.vector_load %arg8[%swap3A_291] {strides = array<i32>} : memref<192xi32, #tpu.memory_space<vmem>>, vector<16xi32>,
      %swap3A_293 = vector.shape_cast %swap3A_292 : vector<16xi32> to vector<16xi32>
      %swap3A_294 = vector.shape_cast %shift_right_logical3A_290 : vector<16xi32> to vector<16xi32>
      tpu.vector_store %arg8[%swap3A_291], %swap3A_294 {strides = array<i32>} : memref<192xi32, #tpu.memory_space<vmem>>, vector<16xi32>,
      %get3A_295 = arith.index_cast %mul3A_171 : i32 to index
      %get3A_296 = arith.constant 112 : index
      %get3A_297 = tpu.vector_load %arg6[%get3A_295, %get3A_296] {strides = array<i32>} : memref<106x192xi32, #tpu.memory_space<vmem>>, vector<1x16xi32>,
      %get3A_298 = vector.shape_cast %get3A_297 : vector<1x16xi32> to vector<16xi32>
      %and3A_299 = arith.constant 16383 : i32
      %and3A_300 = vector.broadcast %and3A_299 : i32 to vector<16xi32>
      %and3A_301 = arith.andi %get3A_298, %and3A_300 : vector<16xi32>
      %swap3A_302 = arith.constant 112 : index
      %swap3A_303 = tpu.vector_load %arg7[%swap3A_302] {strides = array<i32>} : memref<192xi32, #tpu.memory_space<vmem>>, vector<16xi32>,
      %swap3A_304 = vector.shape_cast %swap3A_303 : vector<16xi32> to vector<16xi32>
      %swap3A_305 = vector.shape_cast %and3A_301 : vector<16xi32> to vector<16xi32>
      tpu.vector_store %arg7[%swap3A_302], %swap3A_305 {strides = array<i32>} : memref<192xi32, #tpu.memory_space<vmem>>, vector<16xi32>,
      %shift_right_logical3A_306 = arith.constant 14 : i32
      %shift_right_logical3A_307 = vector.broadcast %shift_right_logical3A_306 : i32 to vector<16xi32>
      %shift_right_logical3A_308 = arith.shrui %get3A_298, %shift_right_logical3A_307 : vector<16xi32>
      %swap3A_309 = arith.constant 112 : index
      %swap3A_310 = tpu.vector_load %arg8[%swap3A_309] {strides = array<i32>} : memref<192xi32, #tpu.memory_space<vmem>>, vector<16xi32>,
      %swap3A_311 = vector.shape_cast %swap3A_310 : vector<16xi32> to vector<16xi32>
      %swap3A_312 = vector.shape_cast %shift_right_logical3A_308 : vector<16xi32> to vector<16xi32>
      tpu.vector_store %arg8[%swap3A_309], %swap3A_312 {strides = array<i32>} : memref<192xi32, #tpu.memory_space<vmem>>, vector<16xi32>,
      %get3A_313 = arith.index_cast %mul3A_171 : i32 to index
      %get3A_314 = arith.constant 128 : index
      %get3A_315 = tpu.vector_load %arg6[%get3A_313, %get3A_314] {strides = array<i32>} : memref<106x192xi32, #tpu.memory_space<vmem>>, vector<1x16xi32>,
      %get3A_316 = vector.shape_cast %get3A_315 : vector<1x16xi32> to vector<16xi32>
      %and3A_317 = arith.constant 16383 : i32
      %and3A_318 = vector.broadcast %and3A_317 : i32 to vector<16xi32>
      %and3A_319 = arith.andi %get3A_316, %and3A_318 : vector<16xi32>
      %swap3A_320 = arith.constant 128 : index
      %swap3A_321 = tpu.vector_load %arg7[%swap3A_320] {strides = array<i32>} : memref<192xi32, #tpu.memory_space<vmem>>, vector<16xi32>,
      %swap3A_322 = vector.shape_cast %swap3A_321 : vector<16xi32> to vector<16xi32>
      %swap3A_323 = vector.shape_cast %and3A_319 : vector<16xi32> to vector<16xi32>
      tpu.vector_store %arg7[%swap3A_320], %swap3A_323 {strides = array<i32>} : memref<192xi32, #tpu.memory_space<vmem>>, vector<16xi32>,
      %shift_right_logical3A_324 = arith.constant 14 : i32
      %shift_right_logical3A_325 = vector.broadcast %shift_right_logical3A_324 : i32 to vector<16xi32>
      %shift_right_logical3A_326 = arith.shrui %get3A_316, %shift_right_logical3A_325 : vector<16xi32>
      %swap3A_327 = arith.constant 128 : index
      %swap3A_328 = tpu.vector_load %arg8[%swap3A_327] {strides = array<i32>} : memref<192xi32, #tpu.memory_space<vmem>>, vector<16xi32>,
      %swap3A_329 = vector.shape_cast %swap3A_328 : vector<16xi32> to vector<16xi32>
      %swap3A_330 = vector.shape_cast %shift_right_logical3A_326 : vector<16xi32> to vector<16xi32>
      tpu.vector_store %arg8[%swap3A_327], %swap3A_330 {strides = array<i32>} : memref<192xi32, #tpu.memory_space<vmem>>, vector<16xi32>,
      %get3A_331 = arith.index_cast %mul3A_171 : i32 to index
      %get3A_332 = arith.constant 144 : index
      %get3A_333 = tpu.vector_load %arg6[%get3A_331, %get3A_332] {strides = array<i32>} : memref<106x192xi32, #tpu.memory_space<vmem>>, vector<1x16xi32>,
      %get3A_334 = vector.shape_cast %get3A_333 : vector<1x16xi32> to vector<16xi32>
      %and3A_335 = arith.constant 16383 : i32
      %and3A_336 = vector.broadcast %and3A_335 : i32 to vector<16xi32>
      %and3A_337 = arith.andi %get3A_334, %and3A_336 : vector<16xi32>
      %swap3A_338 = arith.constant 144 : index
      %swap3A_339 = tpu.vector_load %arg7[%swap3A_338] {strides = array<i32>} : memref<192xi32, #tpu.memory_space<vmem>>, vector<16xi32>,
      %swap3A_340 = vector.shape_cast %swap3A_339 : vector<16xi32> to vector<16xi32>
      %swap3A_341 = vector.shape_cast %and3A_337 : vector<16xi32> to vector<16xi32>
      tpu.vector_store %arg7[%swap3A_338], %swap3A_341 {strides = array<i32>} : memref<192xi32, #tpu.memory_space<vmem>>, vector<16xi32>,
      %shift_right_logical3A_342 = arith.constant 14 : i32
      %shift_right_logical3A_343 = vector.broadcast %shift_right_logical3A_342 : i32 to vector<16xi32>
      %shift_right_logical3A_344 = arith.shrui %get3A_334, %shift_right_logical3A_343 : vector<16xi32>
      %swap3A_345 = arith.constant 144 : index
      %swap3A_346 = tpu.vector_load %arg8[%swap3A_345] {strides = array<i32>} : memref<192xi32, #tpu.memory_space<vmem>>, vector<16xi32>,
      %swap3A_347 = vector.shape_cast %swap3A_346 : vector<16xi32> to vector<16xi32>
      %swap3A_348 = vector.shape_cast %shift_right_logical3A_344 : vector<16xi32> to vector<16xi32>
      tpu.vector_store %arg8[%swap3A_345], %swap3A_348 {strides = array<i32>} : memref<192xi32, #tpu.memory_space<vmem>>, vector<16xi32>,
      %get3A_349 = arith.index_cast %mul3A_171 : i32 to index
      %get3A_350 = arith.constant 160 : index
      %get3A_351 = tpu.vector_load %arg6[%get3A_349, %get3A_350] {strides = array<i32>} : memref<106x192xi32, #tpu.memory_space<vmem>>, vector<1x16xi32>,
      %get3A_352 = vector.shape_cast %get3A_351 : vector<1x16xi32> to vector<16xi32>
      %and3A_353 = arith.constant 16383 : i32
      %and3A_354 = vector.broadcast %and3A_353 : i32 to vector<16xi32>
      %and3A_355 = arith.andi %get3A_352, %and3A_354 : vector<16xi32>
      %swap3A_356 = arith.constant 160 : index
      %swap3A_357 = tpu.vector_load %arg7[%swap3A_356] {strides = array<i32>} : memref<192xi32, #tpu.memory_space<vmem>>, vector<16xi32>,
      %swap3A_358 = vector.shape_cast %swap3A_357 : vector<16xi32> to vector<16xi32>
      %swap3A_359 = vector.shape_cast %and3A_355 : vector<16xi32> to vector<16xi32>
      tpu.vector_store %arg7[%swap3A_356], %swap3A_359 {strides = array<i32>} : memref<192xi32, #tpu.memory_space<vmem>>, vector<16xi32>,
      %shift_right_logical3A_360 = arith.constant 14 : i32
      %shift_right_logical3A_361 = vector.broadcast %shift_right_logical3A_360 : i32 to vector<16xi32>
      %shift_right_logical3A_362 = arith.shrui %get3A_352, %shift_right_logical3A_361 : vector<16xi32>
      %swap3A_363 = arith.constant 160 : index
      %swap3A_364 = tpu.vector_load %arg8[%swap3A_363] {strides = array<i32>} : memref<192xi32, #tpu.memory_space<vmem>>, vector<16xi32>,
      %swap3A_365 = vector.shape_cast %swap3A_364 : vector<16xi32> to vector<16xi32>
      %swap3A_366 = vector.shape_cast %shift_right_logical3A_362 : vector<16xi32> to vector<16xi32>
      tpu.vector_store %arg8[%swap3A_363], %swap3A_366 {strides = array<i32>} : memref<192xi32, #tpu.memory_space<vmem>>, vector<16xi32>,
      %get3A_367 = arith.index_cast %mul3A_171 : i32 to index
      %get3A_368 = arith.constant 176 : index
      %get3A_369 = tpu.vector_load %arg6[%get3A_367, %get3A_368] {strides = array<i32>} : memref<106x192xi32, #tpu.memory_space<vmem>>, vector<1x16xi32>,
      %get3A_370 = vector.shape_cast %get3A_369 : vector<1x16xi32> to vector<16xi32>
      %and3A_371 = arith.constant 16383 : i32
      %and3A_372 = vector.broadcast %and3A_371 : i32 to vector<16xi32>
      %and3A_373 = arith.andi %get3A_370, %and3A_372 : vector<16xi32>
      %swap3A_374 = arith.constant 176 : index
      %swap3A_375 = tpu.vector_load %arg7[%swap3A_374] {strides = array<i32>} : memref<192xi32, #tpu.memory_space<vmem>>, vector<16xi32>,
      %swap3A_376 = vector.shape_cast %swap3A_375 : vector<16xi32> to vector<16xi32>
      %swap3A_377 = vector.shape_cast %and3A_373 : vector<16xi32> to vector<16xi32>
      tpu.vector_store %arg7[%swap3A_374], %swap3A_377 {strides = array<i32>} : memref<192xi32, #tpu.memory_space<vmem>>, vector<16xi32>,
      %shift_right_logical3A_378 = arith.constant 14 : i32
      %shift_right_logical3A_379 = vector.broadcast %shift_right_logical3A_378 : i32 to vector<16xi32>
      %shift_right_logical3A_380 = arith.shrui %get3A_370, %shift_right_logical3A_379 : vector<16xi32>
      %swap3A_381 = arith.constant 176 : index
      %swap3A_382 = tpu.vector_load %arg8[%swap3A_381] {strides = array<i32>} : memref<192xi32, #tpu.memory_space<vmem>>, vector<16xi32>,
      %swap3A_383 = vector.shape_cast %swap3A_382 : vector<16xi32> to vector<16xi32>
      %swap3A_384 = vector.shape_cast %shift_right_logical3A_380 : vector<16xi32> to vector<16xi32>
      tpu.vector_store %arg8[%swap3A_381], %swap3A_384 {strides = array<i32>} : memref<192xi32, #tpu.memory_space<vmem>>, vector<16xi32>,
      %dma_start3A_385 = arith.constant 0 : i32
      %dma_start3A_386 = arith.constant 0 : i32
      %dma_start3A_387 = tpu.memref_slice %arg13[%dma_start3A_385, %dma_start3A_386] : memref<10240x64xf32, #tpu.memory_space<vmem_shared>> -> memref<10240x64xf32, #tpu.memory_space<vmem_shared>>
      tpu.enqueue_indirect_dma source(%dma_start3A_387 : memref<10240x64xf32, #tpu.memory_space<vmem_shared>>) target(%arg11 : memref<192x64xf32, #tpu.memory_space<vmem>>) offsets(%arg7 : memref<192xi32, #tpu.memory_space<vmem>>) semaphore(%arg15 : memref<!tpu.dma_semaphore, #tpu.memory_space<semaphore_mem>>)
      %get3A_388 = arith.index_cast %add3A_172 : i32 to index
      %get3A_389 = arith.constant 0 : index
      %get3A_390 = tpu.vector_load %arg6[%get3A_388, %get3A_389] {strides = array<i32>} : memref<106x192xi32, #tpu.memory_space<vmem>>, vector<1x16xi32>,
      %get3A_391 = vector.shape_cast %get3A_390 : vector<1x16xi32> to vector<16xi32>
      %and3A_392 = arith.constant 16383 : i32
      %and3A_393 = vector.broadcast %and3A_392 : i32 to vector<16xi32>
      %and3A_394 = arith.andi %get3A_391, %and3A_393 : vector<16xi32>
      %swap3A_395 = arith.constant 0 : index
      %swap3A_396 = tpu.vector_load %arg9[%swap3A_395] {strides = array<i32>} : memref<192xi32, #tpu.memory_space<vmem>>, vector<16xi32>,
      %swap3A_397 = vector.shape_cast %swap3A_396 : vector<16xi32> to vector<16xi32>
      %swap3A_398 = vector.shape_cast %and3A_394 : vector<16xi32> to vector<16xi32>
      tpu.vector_store %arg9[%swap3A_395], %swap3A_398 {strides = array<i32>} : memref<192xi32, #tpu.memory_space<vmem>>, vector<16xi32>,
      %shift_right_logical3A_399 = arith.constant 14 : i32
      %shift_right_logical3A_400 = vector.broadcast %shift_right_logical3A_399 : i32 to vector<16xi32>
      %shift_right_logical3A_401 = arith.shrui %get3A_391, %shift_right_logical3A_400 : vector<16xi32>
      %swap3A_402 = arith.constant 0 : index
      %swap3A_403 = tpu.vector_load %arg10[%swap3A_402] {strides = array<i32>} : memref<192xi32, #tpu.memory_space<vmem>>, vector<16xi32>,
      %swap3A_404 = vector.shape_cast %swap3A_403 : vector<16xi32> to vector<16xi32>
      %swap3A_405 = vector.shape_cast %shift_right_logical3A_401 : vector<16xi32> to vector<16xi32>
      tpu.vector_store %arg10[%swap3A_402], %swap3A_405 {strides = array<i32>} : memref<192xi32, #tpu.memory_space<vmem>>, vector<16xi32>,
      %get3A_406 = arith.index_cast %add3A_172 : i32 to index
      %get3A_407 = arith.constant 16 : index
      %get3A_408 = tpu.vector_load %arg6[%get3A_406, %get3A_407] {strides = array<i32>} : memref<106x192xi32, #tpu.memory_space<vmem>>, vector<1x16xi32>,
      %get3A_409 = vector.shape_cast %get3A_408 : vector<1x16xi32> to vector<16xi32>
      %and3A_410 = arith.constant 16383 : i32
      %and3A_411 = vector.broadcast %and3A_410 : i32 to vector<16xi32>
      %and3A_412 = arith.andi %get3A_409, %and3A_411 : vector<16xi32>
      %swap3A_413 = arith.constant 16 : index
      %swap3A_414 = tpu.vector_load %arg9[%swap3A_413] {strides = array<i32>} : memref<192xi32, #tpu.memory_space<vmem>>, vector<16xi32>,
      %swap3A_415 = vector.shape_cast %swap3A_414 : vector<16xi32> to vector<16xi32>
      %swap3A_416 = vector.shape_cast %and3A_412 : vector<16xi32> to vector<16xi32>
      tpu.vector_store %arg9[%swap3A_413], %swap3A_416 {strides = array<i32>} : memref<192xi32, #tpu.memory_space<vmem>>, vector<16xi32>,
      %shift_right_logical3A_417 = arith.constant 14 : i32
      %shift_right_logical3A_418 = vector.broadcast %shift_right_logical3A_417 : i32 to vector<16xi32>
      %shift_right_logical3A_419 = arith.shrui %get3A_409, %shift_right_logical3A_418 : vector<16xi32>
      %swap3A_420 = arith.constant 16 : index
      %swap3A_421 = tpu.vector_load %arg10[%swap3A_420] {strides = array<i32>} : memref<192xi32, #tpu.memory_space<vmem>>, vector<16xi32>,
      %swap3A_422 = vector.shape_cast %swap3A_421 : vector<16xi32> to vector<16xi32>
      %swap3A_423 = vector.shape_cast %shift_right_logical3A_419 : vector<16xi32> to vector<16xi32>
      tpu.vector_store %arg10[%swap3A_420], %swap3A_423 {strides = array<i32>} : memref<192xi32, #tpu.memory_space<vmem>>, vector<16xi32>,
      %get3A_424 = arith.index_cast %add3A_172 : i32 to index
      %get3A_425 = arith.constant 32 : index
      %get3A_426 = tpu.vector_load %arg6[%get3A_424, %get3A_425] {strides = array<i32>} : memref<106x192xi32, #tpu.memory_space<vmem>>, vector<1x16xi32>,
      %get3A_427 = vector.shape_cast %get3A_426 : vector<1x16xi32> to vector<16xi32>
      %and3A_428 = arith.constant 16383 : i32
      %and3A_429 = vector.broadcast %and3A_428 : i32 to vector<16xi32>
      %and3A_430 = arith.andi %get3A_427, %and3A_429 : vector<16xi32>
      %swap3A_431 = arith.constant 32 : index
      %swap3A_432 = tpu.vector_load %arg9[%swap3A_431] {strides = array<i32>} : memref<192xi32, #tpu.memory_space<vmem>>, vector<16xi32>,
      %swap3A_433 = vector.shape_cast %swap3A_432 : vector<16xi32> to vector<16xi32>
      %swap3A_434 = vector.shape_cast %and3A_430 : vector<16xi32> to vector<16xi32>
      tpu.vector_store %arg9[%swap3A_431], %swap3A_434 {strides = array<i32>} : memref<192xi32, #tpu.memory_space<vmem>>, vector<16xi32>,
      %shift_right_logical3A_435 = arith.constant 14 : i32
      %shift_right_logical3A_436 = vector.broadcast %shift_right_logical3A_435 : i32 to vector<16xi32>
      %shift_right_logical3A_437 = arith.shrui %get3A_427, %shift_right_logical3A_436 : vector<16xi32>
      %swap3A_438 = arith.constant 32 : index
      %swap3A_439 = tpu.vector_load %arg10[%swap3A_438] {strides = array<i32>} : memref<192xi32, #tpu.memory_space<vmem>>, vector<16xi32>,
      %swap3A_440 = vector.shape_cast %swap3A_439 : vector<16xi32> to vector<16xi32>
      %swap3A_441 = vector.shape_cast %shift_right_logical3A_437 : vector<16xi32> to vector<16xi32>
      tpu.vector_store %arg10[%swap3A_438], %swap3A_441 {strides = array<i32>} : memref<192xi32, #tpu.memory_space<vmem>>, vector<16xi32>,
      %get3A_442 = arith.index_cast %add3A_172 : i32 to index
      %get3A_443 = arith.constant 48 : index
      %get3A_444 = tpu.vector_load %arg6[%get3A_442, %get3A_443] {strides = array<i32>} : memref<106x192xi32, #tpu.memory_space<vmem>>, vector<1x16xi32>,
      %get3A_445 = vector.shape_cast %get3A_444 : vector<1x16xi32> to vector<16xi32>
      %and3A_446 = arith.constant 16383 : i32
      %and3A_447 = vector.broadcast %and3A_446 : i32 to vector<16xi32>
      %and3A_448 = arith.andi %get3A_445, %and3A_447 : vector<16xi32>
      %swap3A_449 = arith.constant 48 : index
      %swap3A_450 = tpu.vector_load %arg9[%swap3A_449] {strides = array<i32>} : memref<192xi32, #tpu.memory_space<vmem>>, vector<16xi32>,
      %swap3A_451 = vector.shape_cast %swap3A_450 : vector<16xi32> to vector<16xi32>
      %swap3A_452 = vector.shape_cast %and3A_448 : vector<16xi32> to vector<16xi32>
      tpu.vector_store %arg9[%swap3A_449], %swap3A_452 {strides = array<i32>} : memref<192xi32, #tpu.memory_space<vmem>>, vector<16xi32>,
      %shift_right_logical3A_453 = arith.constant 14 : i32
      %shift_right_logical3A_454 = vector.broadcast %shift_right_logical3A_453 : i32 to vector<16xi32>
      %shift_right_logical3A_455 = arith.shrui %get3A_445, %shift_right_logical3A_454 : vector<16xi32>
      %swap3A_456 = arith.constant 48 : index
      %swap3A_457 = tpu.vector_load %arg10[%swap3A_456] {strides = array<i32>} : memref<192xi32, #tpu.memory_space<vmem>>, vector<16xi32>,
      %swap3A_458 = vector.shape_cast %swap3A_457 : vector<16xi32> to vector<16xi32>
      %swap3A_459 = vector.shape_cast %shift_right_logical3A_455 : vector<16xi32> to vector<16xi32>
      tpu.vector_store %arg10[%swap3A_456], %swap3A_459 {strides = array<i32>} : memref<192xi32, #tpu.memory_space<vmem>>, vector<16xi32>,
      %get3A_460 = arith.index_cast %add3A_172 : i32 to index
      %get3A_461 = arith.constant 64 : index
      %get3A_462 = tpu.vector_load %arg6[%get3A_460, %get3A_461] {strides = array<i32>} : memref<106x192xi32, #tpu.memory_space<vmem>>, vector<1x16xi32>,
      %get3A_463 = vector.shape_cast %get3A_462 : vector<1x16xi32> to vector<16xi32>
      %and3A_464 = arith.constant 16383 : i32
      %and3A_465 = vector.broadcast %and3A_464 : i32 to vector<16xi32>
      %and3A_466 = arith.andi %get3A_463, %and3A_465 : vector<16xi32>
      %swap3A_467 = arith.constant 64 : index
      %swap3A_468 = tpu.vector_load %arg9[%swap3A_467] {strides = array<i32>} : memref<192xi32, #tpu.memory_space<vmem>>, vector<16xi32>,
      %swap3A_469 = vector.shape_cast %swap3A_468 : vector<16xi32> to vector<16xi32>
      %swap3A_470 = vector.shape_cast %and3A_466 : vector<16xi32> to vector<16xi32>
      tpu.vector_store %arg9[%swap3A_467], %swap3A_470 {strides = array<i32>} : memref<192xi32, #tpu.memory_space<vmem>>, vector<16xi32>,
      %shift_right_logical3A_471 = arith.constant 14 : i32
      %shift_right_logical3A_472 = vector.broadcast %shift_right_logical3A_471 : i32 to vector<16xi32>
      %shift_right_logical3A_473 = arith.shrui %get3A_463, %shift_right_logical3A_472 : vector<16xi32>
      %swap3A_474 = arith.constant 64 : index
      %swap3A_475 = tpu.vector_load %arg10[%swap3A_474] {strides = array<i32>} : memref<192xi32, #tpu.memory_space<vmem>>, vector<16xi32>,
      %swap3A_476 = vector.shape_cast %swap3A_475 : vector<16xi32> to vector<16xi32>
      %swap3A_477 = vector.shape_cast %shift_right_logical3A_473 : vector<16xi32> to vector<16xi32>
      tpu.vector_store %arg10[%swap3A_474], %swap3A_477 {strides = array<i32>} : memref<192xi32, #tpu.memory_space<vmem>>, vector<16xi32>,
      %get3A_478 = arith.index_cast %add3A_172 : i32 to index
      %get3A_479 = arith.constant 80 : index
      %get3A_480 = tpu.vector_load %arg6[%get3A_478, %get3A_479] {strides = array<i32>} : memref<106x192xi32, #tpu.memory_space<vmem>>, vector<1x16xi32>,
      %get3A_481 = vector.shape_cast %get3A_480 : vector<1x16xi32> to vector<16xi32>
      %and3A_482 = arith.constant 16383 : i32
      %and3A_483 = vector.broadcast %and3A_482 : i32 to vector<16xi32>
      %and3A_484 = arith.andi %get3A_481, %and3A_483 : vector<16xi32>
      %swap3A_485 = arith.constant 80 : index
      %swap3A_486 = tpu.vector_load %arg9[%swap3A_485] {strides = array<i32>} : memref<192xi32, #tpu.memory_space<vmem>>, vector<16xi32>,
      %swap3A_487 = vector.shape_cast %swap3A_486 : vector<16xi32> to vector<16xi32>
      %swap3A_488 = vector.shape_cast %and3A_484 : vector<16xi32> to vector<16xi32>
      tpu.vector_store %arg9[%swap3A_485], %swap3A_488 {strides = array<i32>} : memref<192xi32, #tpu.memory_space<vmem>>, vector<16xi32>,
      %shift_right_logical3A_489 = arith.constant 14 : i32
      %shift_right_logical3A_490 = vector.broadcast %shift_right_logical3A_489 : i32 to vector<16xi32>
      %shift_right_logical3A_491 = arith.shrui %get3A_481, %shift_right_logical3A_490 : vector<16xi32>
      %swap3A_492 = arith.constant 80 : index
      %swap3A_493 = tpu.vector_load %arg10[%swap3A_492] {strides = array<i32>} : memref<192xi32, #tpu.memory_space<vmem>>, vector<16xi32>,
      %swap3A_494 = vector.shape_cast %swap3A_493 : vector<16xi32> to vector<16xi32>
      %swap3A_495 = vector.shape_cast %shift_right_logical3A_491 : vector<16xi32> to vector<16xi32>
      tpu.vector_store %arg10[%swap3A_492], %swap3A_495 {strides = array<i32>} : memref<192xi32, #tpu.memory_space<vmem>>, vector<16xi32>,
      %get3A_496 = arith.index_cast %add3A_172 : i32 to index
      %get3A_497 = arith.constant 96 : index
      %get3A_498 = tpu.vector_load %arg6[%get3A_496, %get3A_497] {strides = array<i32>} : memref<106x192xi32, #tpu.memory_space<vmem>>, vector<1x16xi32>,
      %get3A_499 = vector.shape_cast %get3A_498 : vector<1x16xi32> to vector<16xi32>
      %and3A_500 = arith.constant 16383 : i32
      %and3A_501 = vector.broadcast %and3A_500 : i32 to vector<16xi32>
      %and3A_502 = arith.andi %get3A_499, %and3A_501 : vector<16xi32>
      %swap3A_503 = arith.constant 96 : index
      %swap3A_504 = tpu.vector_load %arg9[%swap3A_503] {strides = array<i32>} : memref<192xi32, #tpu.memory_space<vmem>>, vector<16xi32>,
      %swap3A_505 = vector.shape_cast %swap3A_504 : vector<16xi32> to vector<16xi32>
      %swap3A_506 = vector.shape_cast %and3A_502 : vector<16xi32> to vector<16xi32>
      tpu.vector_store %arg9[%swap3A_503], %swap3A_506 {strides = array<i32>} : memref<192xi32, #tpu.memory_space<vmem>>, vector<16xi32>,
      %shift_right_logical3A_507 = arith.constant 14 : i32
      %shift_right_logical3A_508 = vector.broadcast %shift_right_logical3A_507 : i32 to vector<16xi32>
      %shift_right_logical3A_509 = arith.shrui %get3A_499, %shift_right_logical3A_508 : vector<16xi32>
      %swap3A_510 = arith.constant 96 : index
      %swap3A_511 = tpu.vector_load %arg10[%swap3A_510] {strides = array<i32>} : memref<192xi32, #tpu.memory_space<vmem>>, vector<16xi32>,
      %swap3A_512 = vector.shape_cast %swap3A_511 : vector<16xi32> to vector<16xi32>
      %swap3A_513 = vector.shape_cast %shift_right_logical3A_509 : vector<16xi32> to vector<16xi32>
      tpu.vector_store %arg10[%swap3A_510], %swap3A_513 {strides = array<i32>} : memref<192xi32, #tpu.memory_space<vmem>>, vector<16xi32>,
      %get3A_514 = arith.index_cast %add3A_172 : i32 to index
      %get3A_515 = arith.constant 112 : index
      %get3A_516 = tpu.vector_load %arg6[%get3A_514, %get3A_515] {strides = array<i32>} : memref<106x192xi32, #tpu.memory_space<vmem>>, vector<1x16xi32>,
      %get3A_517 = vector.shape_cast %get3A_516 : vector<1x16xi32> to vector<16xi32>
      %and3A_518 = arith.constant 16383 : i32
      %and3A_519 = vector.broadcast %and3A_518 : i32 to vector<16xi32>
      %and3A_520 = arith.andi %get3A_517, %and3A_519 : vector<16xi32>
      %swap3A_521 = arith.constant 112 : index
      %swap3A_522 = tpu.vector_load %arg9[%swap3A_521] {strides = array<i32>} : memref<192xi32, #tpu.memory_space<vmem>>, vector<16xi32>,
      %swap3A_523 = vector.shape_cast %swap3A_522 : vector<16xi32> to vector<16xi32>
      %swap3A_524 = vector.shape_cast %and3A_520 : vector<16xi32> to vector<16xi32>
      tpu.vector_store %arg9[%swap3A_521], %swap3A_524 {strides = array<i32>} : memref<192xi32, #tpu.memory_space<vmem>>, vector<16xi32>,
      %shift_right_logical3A_525 = arith.constant 14 : i32
      %shift_right_logical3A_526 = vector.broadcast %shift_right_logical3A_525 : i32 to vector<16xi32>
      %shift_right_logical3A_527 = arith.shrui %get3A_517, %shift_right_logical3A_526 : vector<16xi32>
      %swap3A_528 = arith.constant 112 : index
      %swap3A_529 = tpu.vector_load %arg10[%swap3A_528] {strides = array<i32>} : memref<192xi32, #tpu.memory_space<vmem>>, vector<16xi32>,
      %swap3A_530 = vector.shape_cast %swap3A_529 : vector<16xi32> to vector<16xi32>
      %swap3A_531 = vector.shape_cast %shift_right_logical3A_527 : vector<16xi32> to vector<16xi32>
      tpu.vector_store %arg10[%swap3A_528], %swap3A_531 {strides = array<i32>} : memref<192xi32, #tpu.memory_space<vmem>>, vector<16xi32>,
      %get3A_532 = arith.index_cast %add3A_172 : i32 to index
      %get3A_533 = arith.constant 128 : index
      %get3A_534 = tpu.vector_load %arg6[%get3A_532, %get3A_533] {strides = array<i32>} : memref<106x192xi32, #tpu.memory_space<vmem>>, vector<1x16xi32>,
      %get3A_535 = vector.shape_cast %get3A_534 : vector<1x16xi32> to vector<16xi32>
      %and3A_536 = arith.constant 16383 : i32
      %and3A_537 = vector.broadcast %and3A_536 : i32 to vector<16xi32>
      %and3A_538 = arith.andi %get3A_535, %and3A_537 : vector<16xi32>
      %swap3A_539 = arith.constant 128 : index
      %swap3A_540 = tpu.vector_load %arg9[%swap3A_539] {strides = array<i32>} : memref<192xi32, #tpu.memory_space<vmem>>, vector<16xi32>,
      %swap3A_541 = vector.shape_cast %swap3A_540 : vector<16xi32> to vector<16xi32>
      %swap3A_542 = vector.shape_cast %and3A_538 : vector<16xi32> to vector<16xi32>
      tpu.vector_store %arg9[%swap3A_539], %swap3A_542 {strides = array<i32>} : memref<192xi32, #tpu.memory_space<vmem>>, vector<16xi32>,
      %shift_right_logical3A_543 = arith.constant 14 : i32
      %shift_right_logical3A_544 = vector.broadcast %shift_right_logical3A_543 : i32 to vector<16xi32>
      %shift_right_logical3A_545 = arith.shrui %get3A_535, %shift_right_logical3A_544 : vector<16xi32>
      %swap3A_546 = arith.constant 128 : index
      %swap3A_547 = tpu.vector_load %arg10[%swap3A_546] {strides = array<i32>} : memref<192xi32, #tpu.memory_space<vmem>>, vector<16xi32>,
      %swap3A_548 = vector.shape_cast %swap3A_547 : vector<16xi32> to vector<16xi32>
      %swap3A_549 = vector.shape_cast %shift_right_logical3A_545 : vector<16xi32> to vector<16xi32>
      tpu.vector_store %arg10[%swap3A_546], %swap3A_549 {strides = array<i32>} : memref<192xi32, #tpu.memory_space<vmem>>, vector<16xi32>,
      %get3A_550 = arith.index_cast %add3A_172 : i32 to index
      %get3A_551 = arith.constant 144 : index
      %get3A_552 = tpu.vector_load %arg6[%get3A_550, %get3A_551] {strides = array<i32>} : memref<106x192xi32, #tpu.memory_space<vmem>>, vector<1x16xi32>,
      %get3A_553 = vector.shape_cast %get3A_552 : vector<1x16xi32> to vector<16xi32>
      %and3A_554 = arith.constant 16383 : i32
      %and3A_555 = vector.broadcast %and3A_554 : i32 to vector<16xi32>
      %and3A_556 = arith.andi %get3A_553, %and3A_555 : vector<16xi32>
      %swap3A_557 = arith.constant 144 : index
      %swap3A_558 = tpu.vector_load %arg9[%swap3A_557] {strides = array<i32>} : memref<192xi32, #tpu.memory_space<vmem>>, vector<16xi32>,
      %swap3A_559 = vector.shape_cast %swap3A_558 : vector<16xi32> to vector<16xi32>
      %swap3A_560 = vector.shape_cast %and3A_556 : vector<16xi32> to vector<16xi32>
      tpu.vector_store %arg9[%swap3A_557], %swap3A_560 {strides = array<i32>} : memref<192xi32, #tpu.memory_space<vmem>>, vector<16xi32>,
      %shift_right_logical3A_561 = arith.constant 14 : i32
      %shift_right_logical3A_562 = vector.broadcast %shift_right_logical3A_561 : i32 to vector<16xi32>
      %shift_right_logical3A_563 = arith.shrui %get3A_553, %shift_right_logical3A_562 : vector<16xi32>
      %swap3A_564 = arith.constant 144 : index
      %swap3A_565 = tpu.vector_load %arg10[%swap3A_564] {strides = array<i32>} : memref<192xi32, #tpu.memory_space<vmem>>, vector<16xi32>,
      %swap3A_566 = vector.shape_cast %swap3A_565 : vector<16xi32> to vector<16xi32>
      %swap3A_567 = vector.shape_cast %shift_right_logical3A_563 : vector<16xi32> to vector<16xi32>
      tpu.vector_store %arg10[%swap3A_564], %swap3A_567 {strides = array<i32>} : memref<192xi32, #tpu.memory_space<vmem>>, vector<16xi32>,
      %get3A_568 = arith.index_cast %add3A_172 : i32 to index
      %get3A_569 = arith.constant 160 : index
      %get3A_570 = tpu.vector_load %arg6[%get3A_568, %get3A_569] {strides = array<i32>} : memref<106x192xi32, #tpu.memory_space<vmem>>, vector<1x16xi32>,
      %get3A_571 = vector.shape_cast %get3A_570 : vector<1x16xi32> to vector<16xi32>
      %and3A_572 = arith.constant 16383 : i32
      %and3A_573 = vector.broadcast %and3A_572 : i32 to vector<16xi32>
      %and3A_574 = arith.andi %get3A_571, %and3A_573 : vector<16xi32>
      %swap3A_575 = arith.constant 160 : index
      %swap3A_576 = tpu.vector_load %arg9[%swap3A_575] {strides = array<i32>} : memref<192xi32, #tpu.memory_space<vmem>>, vector<16xi32>,
      %swap3A_577 = vector.shape_cast %swap3A_576 : vector<16xi32> to vector<16xi32>
      %swap3A_578 = vector.shape_cast %and3A_574 : vector<16xi32> to vector<16xi32>
      tpu.vector_store %arg9[%swap3A_575], %swap3A_578 {strides = array<i32>} : memref<192xi32, #tpu.memory_space<vmem>>, vector<16xi32>,
      %shift_right_logical3A_579 = arith.constant 14 : i32
      %shift_right_logical3A_580 = vector.broadcast %shift_right_logical3A_579 : i32 to vector<16xi32>
      %shift_right_logical3A_581 = arith.shrui %get3A_571, %shift_right_logical3A_580 : vector<16xi32>
      %swap3A_582 = arith.constant 160 : index
      %swap3A_583 = tpu.vector_load %arg10[%swap3A_582] {strides = array<i32>} : memref<192xi32, #tpu.memory_space<vmem>>, vector<16xi32>,
      %swap3A_584 = vector.shape_cast %swap3A_583 : vector<16xi32> to vector<16xi32>
      %swap3A_585 = vector.shape_cast %shift_right_logical3A_581 : vector<16xi32> to vector<16xi32>
      tpu.vector_store %arg10[%swap3A_582], %swap3A_585 {strides = array<i32>} : memref<192xi32, #tpu.memory_space<vmem>>, vector<16xi32>,
      %get3A_586 = arith.index_cast %add3A_172 : i32 to index
      %get3A_587 = arith.constant 176 : index
      %get3A_588 = tpu.vector_load %arg6[%get3A_586, %get3A_587] {strides = array<i32>} : memref<106x192xi32, #tpu.memory_space<vmem>>, vector<1x16xi32>,
      %get3A_589 = vector.shape_cast %get3A_588 : vector<1x16xi32> to vector<16xi32>
      %and3A_590 = arith.constant 16383 : i32
      %and3A_591 = vector.broadcast %and3A_590 : i32 to vector<16xi32>
      %and3A_592 = arith.andi %get3A_589, %and3A_591 : vector<16xi32>
      %swap3A_593 = arith.constant 176 : index
      %swap3A_594 = tpu.vector_load %arg9[%swap3A_593] {strides = array<i32>} : memref<192xi32, #tpu.memory_space<vmem>>, vector<16xi32>,
      %swap3A_595 = vector.shape_cast %swap3A_594 : vector<16xi32> to vector<16xi32>
      %swap3A_596 = vector.shape_cast %and3A_592 : vector<16xi32> to vector<16xi32>
      tpu.vector_store %arg9[%swap3A_593], %swap3A_596 {strides = array<i32>} : memref<192xi32, #tpu.memory_space<vmem>>, vector<16xi32>,
      %shift_right_logical3A_597 = arith.constant 14 : i32
      %shift_right_logical3A_598 = vector.broadcast %shift_right_logical3A_597 : i32 to vector<16xi32>
      %shift_right_logical3A_599 = arith.shrui %get3A_589, %shift_right_logical3A_598 : vector<16xi32>
      %swap3A_600 = arith.constant 176 : index
      %swap3A_601 = tpu.vector_load %arg10[%swap3A_600] {strides = array<i32>} : memref<192xi32, #tpu.memory_space<vmem>>, vector<16xi32>,
      %swap3A_602 = vector.shape_cast %swap3A_601 : vector<16xi32> to vector<16xi32>
      %swap3A_603 = vector.shape_cast %shift_right_logical3A_599 : vector<16xi32> to vector<16xi32>
      tpu.vector_store %arg10[%swap3A_600], %swap3A_603 {strides = array<i32>} : memref<192xi32, #tpu.memory_space<vmem>>, vector<16xi32>,
      %dma_start3A_604 = arith.constant 0 : i32
      %dma_start3A_605 = arith.constant 0 : i32
      %dma_start3A_606 = tpu.memref_slice %arg13[%dma_start3A_604, %dma_start3A_605] : memref<10240x64xf32, #tpu.memory_space<vmem_shared>> -> memref<10240x64xf32, #tpu.memory_space<vmem_shared>>
      tpu.enqueue_indirect_dma source(%dma_start3A_606 : memref<10240x64xf32, #tpu.memory_space<vmem_shared>>) target(%arg12 : memref<192x64xf32, #tpu.memory_space<vmem>>) offsets(%arg9 : memref<192xi32, #tpu.memory_space<vmem>>) semaphore(%arg16 : memref<!tpu.dma_semaphore, #tpu.memory_space<semaphore_mem>>)
      %dma_wait3A_607 = arith.constant 0 : i32
      %dma_wait3A_608 = arith.constant 0 : i32
      %dma_wait3A_609 = tpu.memref_slice %arg13[%dma_wait3A_607, %dma_wait3A_608] : memref<10240x64xf32, #tpu.memory_space<vmem_shared>> -> memref<10240x64xf32, #tpu.memory_space<vmem_shared>>
      tpu.wait_indirect_dma semaphore(%arg15 : memref<!tpu.dma_semaphore, #tpu.memory_space<semaphore_mem>>) src(%dma_wait3A_609 : memref<10240x64xf32, #tpu.memory_space<vmem_shared>>) dst(%arg11 : memref<192x64xf32, #tpu.memory_space<vmem>>)
      %dma_start3A_610 = arith.constant 0 : i32
      %dma_start3A_611 = arith.constant 0 : i32
      %dma_start3A_612 = tpu.memref_slice %arg14[%dma_start3A_610, %dma_start3A_611] : memref<10240x64xf32, #tpu.memory_space<vmem_shared>> -> memref<10240x64xf32, #tpu.memory_space<vmem_shared>>
      tpu.enqueue_indirect_dma source(%arg11 : memref<192x64xf32, #tpu.memory_space<vmem>>) target(%dma_start3A_612 : memref<10240x64xf32, #tpu.memory_space<vmem_shared>>) offsets(%arg8 : memref<192xi32, #tpu.memory_space<vmem>>) semaphore(%arg18 : memref<!tpu.dma_semaphore, #tpu.memory_space<semaphore_mem>>) {add = true}
      %dma_wait3A_613 = arith.constant 0 : i32
      %dma_wait3A_614 = arith.constant 0 : i32
      %dma_wait3A_615 = tpu.memref_slice %arg13[%dma_wait3A_613, %dma_wait3A_614] : memref<10240x64xf32, #tpu.memory_space<vmem_shared>> -> memref<10240x64xf32, #tpu.memory_space<vmem_shared>>
      tpu.wait_indirect_dma semaphore(%arg16 : memref<!tpu.dma_semaphore, #tpu.memory_space<semaphore_mem>>) src(%dma_wait3A_615 : memref<10240x64xf32, #tpu.memory_space<vmem_shared>>) dst(%arg12 : memref<192x64xf32, #tpu.memory_space<vmem>>)
      "tpu.region"() ({
        %run_scoped3A_620 = tpu.sem_alloc : memref<!tpu.dma_semaphore, #tpu.memory_space<semaphore_mem>>
        %dma_start3A_621 = arith.constant 0 : i32
        %dma_start3A_622 = arith.constant 0 : i32
        %dma_start3A_623 = tpu.memref_slice %arg14[%dma_start3A_621, %dma_start3A_622] : memref<10240x64xf32, #tpu.memory_space<vmem_shared>> -> memref<10240x64xf32, #tpu.memory_space<vmem_shared>>
        tpu.enqueue_indirect_dma source(%arg12 : memref<192x64xf32, #tpu.memory_space<vmem>>) target(%dma_start3A_623 : memref<10240x64xf32, #tpu.memory_space<vmem_shared>>) offsets(%arg10 : memref<192xi32, #tpu.memory_space<vmem>>) semaphore(%run_scoped3A_620 : memref<!tpu.dma_semaphore, #tpu.memory_space<semaphore_mem>>) {add = true}
        %dma_wait3A_624 = arith.constant 0 : i32
        %dma_wait3A_625 = arith.constant 0 : i32
        %dma_wait3A_626 = tpu.memref_slice %arg14[%dma_wait3A_624, %dma_wait3A_625] : memref<10240x64xf32, #tpu.memory_space<vmem_shared>> -> memref<10240x64xf32, #tpu.memory_space<vmem_shared>>
        tpu.wait_indirect_dma semaphore(%run_scoped3A_620 : memref<!tpu.dma_semaphore, #tpu.memory_space<semaphore_mem>>) src(%arg12 : memref<192x64xf32, #tpu.memory_space<vmem>>) dst(%dma_wait3A_626 : memref<10240x64xf32, #tpu.memory_space<vmem_shared>>)
        tpu.yield
      }) : () -> ()
      %dma_wait3A_616 = arith.constant 0 : i32
      %dma_wait3A_617 = arith.constant 0 : i32
      %dma_wait3A_618 = tpu.memref_slice %arg14[%dma_wait3A_616, %dma_wait3A_617] : memref<10240x64xf32, #tpu.memory_space<vmem_shared>> -> memref<10240x64xf32, #tpu.memory_space<vmem_shared>>
      tpu.wait_indirect_dma semaphore(%arg18 : memref<!tpu.dma_semaphore, #tpu.memory_space<semaphore_mem>>) src(%arg11 : memref<192x64xf32, #tpu.memory_space<vmem>>) dst(%dma_wait3A_618 : memref<10240x64xf32, #tpu.memory_space<vmem_shared>>)
      %scan3A_619 = arith.constant 0 : i32
      scf.yield %scan3A_619 : i32
    }
    %scan3A_157 = arith.constant 53 : i32
    %barrier3A_158 = arith.constant 0 : index
    tpu.barrier barrier_id(%barrier3A_158)
    %dma_wait3A_159 = arith.constant 5 : i32
    %dma_wait3A_160 = arith.constant 0 : i32
    %dma_wait3A_161 = arith.constant 0 : i32
    %dma_wait3A_162 = tpu.memref_slice %arg5[%dma_wait3A_159, %arg0, %dma_wait3A_160, %dma_wait3A_161] : memref<7x2x10240x64xf32, #tpu.memory_space<hbm>> -> memref<1x1x10240x64xf32, #tpu.memory_space<hbm>>
    %dma_wait3A_163 = tpu.memref_squeeze %dma_wait3A_162 : memref<1x1x10240x64xf32, #tpu.memory_space<hbm>> -> memref<10240x64xf32, #tpu.memory_space<hbm>>
    %dma_wait3A_164 = arith.constant 0 : i32
    %dma_wait3A_165 = tpu.memref_slice %dma_wait3A_163[%mul3A_0, %dma_wait3A_164] : memref<10240x64xf32, #tpu.memory_space<hbm>> -> memref<640x64xf32, #tpu.memory_space<hbm>>
    %dma_wait3A_166 = arith.constant 0 : i32
    %dma_wait3A_167 = tpu.memref_slice %arg13[%mul3A_0, %dma_wait3A_166] : memref<10240x64xf32, #tpu.memory_space<vmem_shared>> -> memref<640x64xf32, #tpu.memory_space<vmem_shared>>
    tpu.wait_dma2 semaphore(%arg17 : memref<!tpu.dma_semaphore, #tpu.memory_space<semaphore_mem>>) src(%dma_wait3A_167 : memref<640x64xf32, #tpu.memory_space<vmem_shared>>) dst(%dma_wait3A_165 : memref<640x64xf32, #tpu.memory_space<hbm>>)
    %run_scoped3A = arith.constant 6 : i32
    "tpu.region"() ({
      %run_scoped3A_168 = tpu.sem_alloc : memref<!tpu.dma_semaphore, #tpu.memory_space<semaphore_mem>>
      %dma_start3A_169 = arith.constant 0 : i32
      %dma_start3A_170 = arith.constant 0 : i32
      %dma_start3A_171 = tpu.memref_slice %arg5[%run_scoped3A, %arg0, %dma_start3A_169, %dma_start3A_170] : memref<7x2x10240x64xf32, #tpu.memory_space<hbm>> -> memref<1x1x10240x64xf32, #tpu.memory_space<hbm>>
      %dma_start3A_172 = tpu.memref_squeeze %dma_start3A_171 : memref<1x1x10240x64xf32, #tpu.memory_space<hbm>> -> memref<10240x64xf32, #tpu.memory_space<hbm>>
      %dma_start3A_173 = arith.constant 0 : i32
      %dma_start3A_174 = tpu.memref_slice %dma_start3A_172[%mul3A_0, %dma_start3A_173] : memref<10240x64xf32, #tpu.memory_space<hbm>> -> memref<640x64xf32, #tpu.memory_space<hbm>>
      %dma_start3A_175 = arith.constant 0 : i32
      %dma_start3A_176 = tpu.memref_slice %arg14[%mul3A_0, %dma_start3A_175] : memref<10240x64xf32, #tpu.memory_space<vmem_shared>> -> memref<640x64xf32, #tpu.memory_space<vmem_shared>>
      tpu.enqueue_dma source(%dma_start3A_176 : memref<640x64xf32, #tpu.memory_space<vmem_shared>>) target(%dma_start3A_174 : memref<640x64xf32, #tpu.memory_space<hbm>>) target_semaphore(%run_scoped3A_168 : memref<!tpu.dma_semaphore, #tpu.memory_space<semaphore_mem>>)
      %dma_wait3A_177 = arith.constant 0 : i32
      %dma_wait3A_178 = arith.constant 0 : i32
      %dma_wait3A_179 = tpu.memref_slice %arg5[%run_scoped3A, %arg0, %dma_wait3A_177, %dma_wait3A_178] : memref<7x2x10240x64xf32, #tpu.memory_space<hbm>> -> memref<1x1x10240x64xf32, #tpu.memory_space<hbm>>
      %dma_wait3A_180 = tpu.memref_squeeze %dma_wait3A_179 : memref<1x1x10240x64xf32, #tpu.memory_space<hbm>> -> memref<10240x64xf32, #tpu.memory_space<hbm>>
      %dma_wait3A_181 = arith.constant 0 : i32
      %dma_wait3A_182 = tpu.memref_slice %dma_wait3A_180[%mul3A_0, %dma_wait3A_181] : memref<10240x64xf32, #tpu.memory_space<hbm>> -> memref<640x64xf32, #tpu.memory_space<hbm>>
      %dma_wait3A_183 = arith.constant 0 : i32
      %dma_wait3A_184 = tpu.memref_slice %arg14[%mul3A_0, %dma_wait3A_183] : memref<10240x64xf32, #tpu.memory_space<vmem_shared>> -> memref<640x64xf32, #tpu.memory_space<vmem_shared>>
      tpu.wait_dma2 semaphore(%run_scoped3A_168 : memref<!tpu.dma_semaphore, #tpu.memory_space<semaphore_mem>>) src(%dma_wait3A_184 : memref<640x64xf32, #tpu.memory_space<vmem_shared>>) dst(%dma_wait3A_182 : memref<640x64xf32, #tpu.memory_space<hbm>>)
      tpu.yield
    }) : () -> ()
    return
  }
}

module attributes {stable_mosaic.version = 14 : i64} {
  func.func @_prologue_kernel(%arg0: i32, %arg1: memref<1024x128xf32, #tpu.memory_space<vmem>>, %arg2: memref<128x128xf32, #tpu.memory_space<vmem>>, %arg3: memref<2x1024x64xf32, #tpu.memory_space<vmem>>) attributes {dimension_semantics = [#tpu.dimension_semantics<arbitrary>], iteration_bounds = array<i64: 10>, scalar_prefetch = 0 : i64, scratch_operands = 0 : i64, tpu.core_type = #tpu.core_type<tc>, window_params = [{transform_indices = @transform_0, window_bounds = array<i64: 1024, 128>}, {pipeline_mode = #tpu.pipeline_mode<synchronous>, transform_indices = @transform_1, window_bounds = array<i64: 128, 128>}, {transform_indices = @transform_2, window_bounds = array<i64: 2, 1024, 64>}]} {
    %get3A = arith.constant 0 : index
    %get3A_0 = arith.constant 0 : index
    %get3A_1 = vector.load %arg1[%get3A, %get3A_0] : memref<1024x128xf32, #tpu.memory_space<vmem>>, vector<1024x128xf32>
    %get3A_2 = arith.constant 0 : index
    %get3A_3 = arith.constant 0 : index
    %get3A_4 = vector.load %arg2[%get3A_2, %get3A_3] : memref<128x128xf32, #tpu.memory_space<vmem>>, vector<128x128xf32>
    %dot_general3A = arith.constant dense<0.000000e+00> : vector<1024x128xf32>
    %dot_general3A_5 = tpu.matmul %get3A_1, %get3A_4, %dot_general3A {dimension_numbers = #tpu.dot_dimension_numbers<[1], [0], [0], [1], [0, 0, 1, 1], [], []>, transpose_lhs_hint = false} : vector<1024x128xf32>, vector<128x128xf32>, vector<1024x128xf32> -> vector<1024x128xf32>
    %slice3A = vector.extract_strided_slice %dot_general3A_5 {offsets = [0, 0], sizes = [1024, 64], strides = [1, 1]} : vector<1024x128xf32> to vector<1024x64xf32>
    %swap3A = arith.constant 0 : index
    %swap3A_6 = arith.constant 0 : index
    %swap3A_7 = arith.constant 0 : index
    %swap3A_8 = vector.load %arg3[%swap3A, %swap3A_6, %swap3A_7] : memref<2x1024x64xf32, #tpu.memory_space<vmem>>, vector<1x1024x64xf32>
    %swap3A_9 = vector.shape_cast %swap3A_8 : vector<1x1024x64xf32> to vector<1024x64xf32>
    %swap3A_10 = vector.shape_cast %slice3A : vector<1024x64xf32> to vector<1x1024x64xf32>
    tpu.vector_store %arg3[%swap3A, %swap3A_6, %swap3A_7], %swap3A_10 {strides = array<i32>} : memref<2x1024x64xf32, #tpu.memory_space<vmem>>, vector<1x1024x64xf32>,
    %slice3A_11 = vector.extract_strided_slice %dot_general3A_5 {offsets = [0, 64], sizes = [1024, 64], strides = [1, 1]} : vector<1024x128xf32> to vector<1024x64xf32>
    %swap3A_12 = arith.constant 1 : index
    %swap3A_13 = arith.constant 0 : index
    %swap3A_14 = arith.constant 0 : index
    %swap3A_15 = vector.load %arg3[%swap3A_12, %swap3A_13, %swap3A_14] : memref<2x1024x64xf32, #tpu.memory_space<vmem>>, vector<1x1024x64xf32>
    %swap3A_16 = vector.shape_cast %swap3A_15 : vector<1x1024x64xf32> to vector<1024x64xf32>
    %swap3A_17 = vector.shape_cast %slice3A_11 : vector<1024x64xf32> to vector<1x1024x64xf32>
    tpu.vector_store %arg3[%swap3A_12, %swap3A_13, %swap3A_14], %swap3A_17 {strides = array<i32>} : memref<2x1024x64xf32, #tpu.memory_space<vmem>>, vector<1x1024x64xf32>,
    return
  }
  func.func @transform_0(%arg0: i32) -> (i32, i32) {
    %c0_i32 = arith.constant 0 : i32
    %c0_i32_0 = arith.constant 0 : i32
    return %arg0, %c0_i32 : i32, i32
  }
  func.func @transform_1(%arg0: i32) -> (i32, i32) {
    %c0_i32 = arith.constant 0 : i32
    %c0_i32_0 = arith.constant 0 : i32
    %c0_i32_1 = arith.constant 0 : i32
    return %c0_i32, %c0_i32_0 : i32, i32
  }
  func.func @transform_2(%arg0: i32) -> (i32, i32, i32) {
    %c0_i32 = arith.constant 0 : i32
    %c0_i32_0 = arith.constant 0 : i32
    %c0_i32_1 = arith.constant 0 : i32
    return %c0_i32, %arg0, %c0_i32_0 : i32, i32, i32
  }
}

module attributes {stable_mosaic.version = 14 : i64} {
  func.func @_epilogue_kernel(%arg0: i32, %arg1: memref<2x1024x64xf32, #tpu.memory_space<vmem>>, %arg2: memref<7x2x1024x64xf32, #tpu.memory_space<vmem>>, %arg3: memref<8xf32, #tpu.memory_space<smem>>, %arg4: memref<1x128xf32, #tpu.memory_space<vmem>>, %arg5: memref<128x16xf32, #tpu.memory_space<vmem>>, %arg6: memref<1x16xf32, #tpu.memory_space<vmem>>, %arg7: memref<1024x128xf32, #tpu.memory_space<vmem>>) attributes {dimension_semantics = [#tpu.dimension_semantics<arbitrary>], iteration_bounds = array<i64: 10>, scalar_prefetch = 0 : i64, scratch_operands = 0 : i64, tpu.core_type = #tpu.core_type<tc>, window_params = [{transform_indices = @transform_0, window_bounds = array<i64: 2, 1024, 64>}, {transform_indices = @transform_1, window_bounds = array<i64: 7, 2, 1024, 64>}, {transform_indices = @transform_2, window_bounds = array<i64: 8>}, {pipeline_mode = #tpu.pipeline_mode<synchronous>, transform_indices = @transform_3, window_bounds = array<i64: 1, 128>}, {pipeline_mode = #tpu.pipeline_mode<synchronous>, transform_indices = @transform_4, window_bounds = array<i64: 128, 16>}, {pipeline_mode = #tpu.pipeline_mode<synchronous>, transform_indices = @transform_5, window_bounds = array<i64: 1, 16>}, {transform_indices = @transform_6, window_bounds = array<i64: 1024, 128>}]} {
    %get3A = arith.constant 0 : index
    %get3A_0 = arith.constant 0 : index
    %get3A_1 = arith.constant 0 : index
    %get3A_2 = vector.load %arg1[%get3A, %get3A_0, %get3A_1] : memref<2x1024x64xf32, #tpu.memory_space<vmem>>, vector<1x1024x64xf32>
    %get3A_3 = vector.shape_cast %get3A_2 : vector<1x1024x64xf32> to vector<1024x64xf32>
    %get3A_4 = arith.constant 1 : index
    %get3A_5 = arith.constant 0 : index
    %get3A_6 = arith.constant 0 : index
    %get3A_7 = vector.load %arg1[%get3A_4, %get3A_5, %get3A_6] : memref<2x1024x64xf32, #tpu.memory_space<vmem>>, vector<1x1024x64xf32>
    %get3A_8 = vector.shape_cast %get3A_7 : vector<1x1024x64xf32> to vector<1024x64xf32>
    %concatenate3A = tpu.concatenate %get3A_3, %get3A_8 in 1 : vector<1024x64xf32>, vector<1024x64xf32> -> vector<1024x128xf32>
    %get3A_9 = arith.constant 0 : index
    %get3A_10 = arith.constant 0 : index
    %get3A_11 = vector.load %arg4[%get3A_9, %get3A_10] : memref<1x128xf32, #tpu.memory_space<vmem>>, vector<1x128xf32>
    %get3A_12 = arith.constant 0 : index
    %get3A_13 = arith.constant 0 : index
    %get3A_14 = vector.load %arg5[%get3A_12, %get3A_13] : memref<128x16xf32, #tpu.memory_space<vmem>>, vector<128x16xf32>
    %get3A_15 = arith.constant 0 : index
    %get3A_16 = arith.constant 0 : index
    %get3A_17 = vector.load %arg6[%get3A_15, %get3A_16] : memref<1x16xf32, #tpu.memory_space<vmem>>, vector<1x16xf32>
    %get3A_18 = arith.constant 0 : index
    %get3A_19 = memref.load %arg3[%get3A_18] : memref<8xf32, #tpu.memory_space<smem>>
    %mul3A = vector.broadcast %get3A_19 : f32 to vector<1024x128xf32>
    %mul3A_20 = arith.mulf %mul3A, %concatenate3A : vector<1024x128xf32>
    %add3A = vector.broadcast %get3A_11 : vector<1x128xf32> to vector<1024x128xf32>
    %add3A_21 = arith.addf %mul3A_20, %add3A : vector<1024x128xf32>
    %max3A = arith.constant 0.000000e+00 : f32
    %max3A_22 = vector.broadcast %max3A : f32 to vector<1024x128xf32>
    %max3A_23 = arith.maximumf %add3A_21, %max3A_22 : vector<1024x128xf32>
    %dot_general3A = arith.constant dense<0.000000e+00> : vector<1024x16xf32>
    %dot_general3A_24 = tpu.matmul %max3A_23, %get3A_14, %dot_general3A {dimension_numbers = #tpu.dot_dimension_numbers<[1], [0], [0], [1], [0, 0, 1, 1], [], []>, transpose_lhs_hint = false} : vector<1024x128xf32>, vector<128x16xf32>, vector<1024x16xf32> -> vector<1024x16xf32>
    %add3A_25 = vector.broadcast %get3A_17 : vector<1x16xf32> to vector<1024x16xf32>
    %add3A_26 = arith.addf %dot_general3A_24, %add3A_25 : vector<1024x16xf32>
    %get3A_27 = arith.constant 1 : index
    %get3A_28 = memref.load %arg3[%get3A_27] : memref<8xf32, #tpu.memory_space<smem>>
    %get3A_29 = arith.constant 0 : index
    %get3A_30 = arith.constant 0 : index
    %get3A_31 = arith.constant 0 : index
    %get3A_32 = arith.constant 0 : index
    %get3A_33 = vector.load %arg2[%get3A_29, %get3A_30, %get3A_31, %get3A_32] : memref<7x2x1024x64xf32, #tpu.memory_space<vmem>>, vector<1x1x1024x64xf32>
    %get3A_34 = vector.shape_cast %get3A_33 : vector<1x1x1024x64xf32> to vector<1024x64xf32>
    %get3A_35 = arith.constant 0 : index
    %get3A_36 = arith.constant 1 : index
    %get3A_37 = arith.constant 0 : index
    %get3A_38 = arith.constant 0 : index
    %get3A_39 = vector.load %arg2[%get3A_35, %get3A_36, %get3A_37, %get3A_38] : memref<7x2x1024x64xf32, #tpu.memory_space<vmem>>, vector<1x1x1024x64xf32>
    %get3A_40 = vector.shape_cast %get3A_39 : vector<1x1x1024x64xf32> to vector<1024x64xf32>
    %concatenate3A_41 = tpu.concatenate %get3A_34, %get3A_40 in 1 : vector<1024x64xf32>, vector<1024x64xf32> -> vector<1024x128xf32>
    %mul3A_42 = vector.broadcast %get3A_28 : f32 to vector<1024x128xf32>
    %mul3A_43 = arith.mulf %mul3A_42, %concatenate3A_41 : vector<1024x128xf32>
    %mul3A_44 = arith.constant 3.000000e-01 : f32
    %mul3A_45 = arith.mulf %mul3A_44, %get3A_28 : f32
    %mul3A_46 = vector.broadcast %mul3A_45 : f32 to vector<1024x128xf32>
    %mul3A_47 = arith.mulf %mul3A_46, %concatenate3A : vector<1024x128xf32>
    %add3A_48 = arith.addf %mul3A_43, %mul3A_47 : vector<1024x128xf32>
    %add3A_49 = vector.broadcast %get3A_11 : vector<1x128xf32> to vector<1024x128xf32>
    %add3A_50 = arith.addf %add3A_48, %add3A_49 : vector<1024x128xf32>
    %max3A_51 = arith.constant 0.000000e+00 : f32
    %max3A_52 = vector.broadcast %max3A_51 : f32 to vector<1024x128xf32>
    %max3A_53 = arith.maximumf %add3A_50, %max3A_52 : vector<1024x128xf32>
    %dot_general3A_54 = arith.constant dense<0.000000e+00> : vector<1024x16xf32>
    %dot_general3A_55 = tpu.matmul %max3A_53, %get3A_14, %dot_general3A_54 {dimension_numbers = #tpu.dot_dimension_numbers<[1], [0], [0], [1], [0, 0, 1, 1], [], []>, transpose_lhs_hint = false} : vector<1024x128xf32>, vector<128x16xf32>, vector<1024x16xf32> -> vector<1024x16xf32>
    %add3A_56 = vector.broadcast %get3A_17 : vector<1x16xf32> to vector<1024x16xf32>
    %add3A_57 = arith.addf %dot_general3A_55, %add3A_56 : vector<1024x16xf32>
    %get3A_58 = arith.constant 2 : index
    %get3A_59 = memref.load %arg3[%get3A_58] : memref<8xf32, #tpu.memory_space<smem>>
    %get3A_60 = arith.constant 1 : index
    %get3A_61 = arith.constant 0 : index
    %get3A_62 = arith.constant 0 : index
    %get3A_63 = arith.constant 0 : index
    %get3A_64 = vector.load %arg2[%get3A_60, %get3A_61, %get3A_62, %get3A_63] : memref<7x2x1024x64xf32, #tpu.memory_space<vmem>>, vector<1x1x1024x64xf32>
    %get3A_65 = vector.shape_cast %get3A_64 : vector<1x1x1024x64xf32> to vector<1024x64xf32>
    %get3A_66 = arith.constant 1 : index
    %get3A_67 = arith.constant 1 : index
    %get3A_68 = arith.constant 0 : index
    %get3A_69 = arith.constant 0 : index
    %get3A_70 = vector.load %arg2[%get3A_66, %get3A_67, %get3A_68, %get3A_69] : memref<7x2x1024x64xf32, #tpu.memory_space<vmem>>, vector<1x1x1024x64xf32>
    %get3A_71 = vector.shape_cast %get3A_70 : vector<1x1x1024x64xf32> to vector<1024x64xf32>
    %concatenate3A_72 = tpu.concatenate %get3A_65, %get3A_71 in 1 : vector<1024x64xf32>, vector<1024x64xf32> -> vector<1024x128xf32>
    %mul3A_73 = vector.broadcast %get3A_59 : f32 to vector<1024x128xf32>
    %mul3A_74 = arith.mulf %mul3A_73, %concatenate3A_72 : vector<1024x128xf32>
    %mul3A_75 = arith.constant 3.000000e-01 : f32
    %mul3A_76 = arith.mulf %mul3A_75, %get3A_59 : f32
    %mul3A_77 = vector.broadcast %mul3A_76 : f32 to vector<1024x128xf32>
    %mul3A_78 = arith.mulf %mul3A_77, %concatenate3A : vector<1024x128xf32>
    %add3A_79 = arith.addf %mul3A_74, %mul3A_78 : vector<1024x128xf32>
    %add3A_80 = vector.broadcast %get3A_11 : vector<1x128xf32> to vector<1024x128xf32>
    %add3A_81 = arith.addf %add3A_79, %add3A_80 : vector<1024x128xf32>
    %max3A_82 = arith.constant 0.000000e+00 : f32
    %max3A_83 = vector.broadcast %max3A_82 : f32 to vector<1024x128xf32>
    %max3A_84 = arith.maximumf %add3A_81, %max3A_83 : vector<1024x128xf32>
    %dot_general3A_85 = arith.constant dense<0.000000e+00> : vector<1024x16xf32>
    %dot_general3A_86 = tpu.matmul %max3A_84, %get3A_14, %dot_general3A_85 {dimension_numbers = #tpu.dot_dimension_numbers<[1], [0], [0], [1], [0, 0, 1, 1], [], []>, transpose_lhs_hint = false} : vector<1024x128xf32>, vector<128x16xf32>, vector<1024x16xf32> -> vector<1024x16xf32>
    %add3A_87 = vector.broadcast %get3A_17 : vector<1x16xf32> to vector<1024x16xf32>
    %add3A_88 = arith.addf %dot_general3A_86, %add3A_87 : vector<1024x16xf32>
    %get3A_89 = arith.constant 3 : index
    %get3A_90 = memref.load %arg3[%get3A_89] : memref<8xf32, #tpu.memory_space<smem>>
    %get3A_91 = arith.constant 2 : index
    %get3A_92 = arith.constant 0 : index
    %get3A_93 = arith.constant 0 : index
    %get3A_94 = arith.constant 0 : index
    %get3A_95 = vector.load %arg2[%get3A_91, %get3A_92, %get3A_93, %get3A_94] : memref<7x2x1024x64xf32, #tpu.memory_space<vmem>>, vector<1x1x1024x64xf32>
    %get3A_96 = vector.shape_cast %get3A_95 : vector<1x1x1024x64xf32> to vector<1024x64xf32>
    %get3A_97 = arith.constant 2 : index
    %get3A_98 = arith.constant 1 : index
    %get3A_99 = arith.constant 0 : index
    %get3A_100 = arith.constant 0 : index
    %get3A_101 = vector.load %arg2[%get3A_97, %get3A_98, %get3A_99, %get3A_100] : memref<7x2x1024x64xf32, #tpu.memory_space<vmem>>, vector<1x1x1024x64xf32>
    %get3A_102 = vector.shape_cast %get3A_101 : vector<1x1x1024x64xf32> to vector<1024x64xf32>
    %concatenate3A_103 = tpu.concatenate %get3A_96, %get3A_102 in 1 : vector<1024x64xf32>, vector<1024x64xf32> -> vector<1024x128xf32>
    %mul3A_104 = vector.broadcast %get3A_90 : f32 to vector<1024x128xf32>
    %mul3A_105 = arith.mulf %mul3A_104, %concatenate3A_103 : vector<1024x128xf32>
    %mul3A_106 = arith.constant 3.000000e-01 : f32
    %mul3A_107 = arith.mulf %mul3A_106, %get3A_90 : f32
    %mul3A_108 = vector.broadcast %mul3A_107 : f32 to vector<1024x128xf32>
    %mul3A_109 = arith.mulf %mul3A_108, %concatenate3A : vector<1024x128xf32>
    %add3A_110 = arith.addf %mul3A_105, %mul3A_109 : vector<1024x128xf32>
    %add3A_111 = vector.broadcast %get3A_11 : vector<1x128xf32> to vector<1024x128xf32>
    %add3A_112 = arith.addf %add3A_110, %add3A_111 : vector<1024x128xf32>
    %max3A_113 = arith.constant 0.000000e+00 : f32
    %max3A_114 = vector.broadcast %max3A_113 : f32 to vector<1024x128xf32>
    %max3A_115 = arith.maximumf %add3A_112, %max3A_114 : vector<1024x128xf32>
    %dot_general3A_116 = arith.constant dense<0.000000e+00> : vector<1024x16xf32>
    %dot_general3A_117 = tpu.matmul %max3A_115, %get3A_14, %dot_general3A_116 {dimension_numbers = #tpu.dot_dimension_numbers<[1], [0], [0], [1], [0, 0, 1, 1], [], []>, transpose_lhs_hint = false} : vector<1024x128xf32>, vector<128x16xf32>, vector<1024x16xf32> -> vector<1024x16xf32>
    %add3A_118 = vector.broadcast %get3A_17 : vector<1x16xf32> to vector<1024x16xf32>
    %add3A_119 = arith.addf %dot_general3A_117, %add3A_118 : vector<1024x16xf32>
    %get3A_120 = arith.constant 4 : index
    %get3A_121 = memref.load %arg3[%get3A_120] : memref<8xf32, #tpu.memory_space<smem>>
    %get3A_122 = arith.constant 3 : index
    %get3A_123 = arith.constant 0 : index
    %get3A_124 = arith.constant 0 : index
    %get3A_125 = arith.constant 0 : index
    %get3A_126 = vector.load %arg2[%get3A_122, %get3A_123, %get3A_124, %get3A_125] : memref<7x2x1024x64xf32, #tpu.memory_space<vmem>>, vector<1x1x1024x64xf32>
    %get3A_127 = vector.shape_cast %get3A_126 : vector<1x1x1024x64xf32> to vector<1024x64xf32>
    %get3A_128 = arith.constant 3 : index
    %get3A_129 = arith.constant 1 : index
    %get3A_130 = arith.constant 0 : index
    %get3A_131 = arith.constant 0 : index
    %get3A_132 = vector.load %arg2[%get3A_128, %get3A_129, %get3A_130, %get3A_131] : memref<7x2x1024x64xf32, #tpu.memory_space<vmem>>, vector<1x1x1024x64xf32>
    %get3A_133 = vector.shape_cast %get3A_132 : vector<1x1x1024x64xf32> to vector<1024x64xf32>
    %concatenate3A_134 = tpu.concatenate %get3A_127, %get3A_133 in 1 : vector<1024x64xf32>, vector<1024x64xf32> -> vector<1024x128xf32>
    %mul3A_135 = vector.broadcast %get3A_121 : f32 to vector<1024x128xf32>
    %mul3A_136 = arith.mulf %mul3A_135, %concatenate3A_134 : vector<1024x128xf32>
    %mul3A_137 = arith.constant 3.000000e-01 : f32
    %mul3A_138 = arith.mulf %mul3A_137, %get3A_121 : f32
    %mul3A_139 = vector.broadcast %mul3A_138 : f32 to vector<1024x128xf32>
    %mul3A_140 = arith.mulf %mul3A_139, %concatenate3A : vector<1024x128xf32>
    %add3A_141 = arith.addf %mul3A_136, %mul3A_140 : vector<1024x128xf32>
    %add3A_142 = vector.broadcast %get3A_11 : vector<1x128xf32> to vector<1024x128xf32>
    %add3A_143 = arith.addf %add3A_141, %add3A_142 : vector<1024x128xf32>
    %max3A_144 = arith.constant 0.000000e+00 : f32
    %max3A_145 = vector.broadcast %max3A_144 : f32 to vector<1024x128xf32>
    %max3A_146 = arith.maximumf %add3A_143, %max3A_145 : vector<1024x128xf32>
    %dot_general3A_147 = arith.constant dense<0.000000e+00> : vector<1024x16xf32>
    %dot_general3A_148 = tpu.matmul %max3A_146, %get3A_14, %dot_general3A_147 {dimension_numbers = #tpu.dot_dimension_numbers<[1], [0], [0], [1], [0, 0, 1, 1], [], []>, transpose_lhs_hint = false} : vector<1024x128xf32>, vector<128x16xf32>, vector<1024x16xf32> -> vector<1024x16xf32>
    %add3A_149 = vector.broadcast %get3A_17 : vector<1x16xf32> to vector<1024x16xf32>
    %add3A_150 = arith.addf %dot_general3A_148, %add3A_149 : vector<1024x16xf32>
    %get3A_151 = arith.constant 5 : index
    %get3A_152 = memref.load %arg3[%get3A_151] : memref<8xf32, #tpu.memory_space<smem>>
    %get3A_153 = arith.constant 4 : index
    %get3A_154 = arith.constant 0 : index
    %get3A_155 = arith.constant 0 : index
    %get3A_156 = arith.constant 0 : index
    %get3A_157 = vector.load %arg2[%get3A_153, %get3A_154, %get3A_155, %get3A_156] : memref<7x2x1024x64xf32, #tpu.memory_space<vmem>>, vector<1x1x1024x64xf32>
    %get3A_158 = vector.shape_cast %get3A_157 : vector<1x1x1024x64xf32> to vector<1024x64xf32>
    %get3A_159 = arith.constant 4 : index
    %get3A_160 = arith.constant 1 : index
    %get3A_161 = arith.constant 0 : index
    %get3A_162 = arith.constant 0 : index
    %get3A_163 = vector.load %arg2[%get3A_159, %get3A_160, %get3A_161, %get3A_162] : memref<7x2x1024x64xf32, #tpu.memory_space<vmem>>, vector<1x1x1024x64xf32>
    %get3A_164 = vector.shape_cast %get3A_163 : vector<1x1x1024x64xf32> to vector<1024x64xf32>
    %concatenate3A_165 = tpu.concatenate %get3A_158, %get3A_164 in 1 : vector<1024x64xf32>, vector<1024x64xf32> -> vector<1024x128xf32>
    %mul3A_166 = vector.broadcast %get3A_152 : f32 to vector<1024x128xf32>
    %mul3A_167 = arith.mulf %mul3A_166, %concatenate3A_165 : vector<1024x128xf32>
    %mul3A_168 = arith.constant 3.000000e-01 : f32
    %mul3A_169 = arith.mulf %mul3A_168, %get3A_152 : f32
    %mul3A_170 = vector.broadcast %mul3A_169 : f32 to vector<1024x128xf32>
    %mul3A_171 = arith.mulf %mul3A_170, %concatenate3A : vector<1024x128xf32>
    %add3A_172 = arith.addf %mul3A_167, %mul3A_171 : vector<1024x128xf32>
    %add3A_173 = vector.broadcast %get3A_11 : vector<1x128xf32> to vector<1024x128xf32>
    %add3A_174 = arith.addf %add3A_172, %add3A_173 : vector<1024x128xf32>
    %max3A_175 = arith.constant 0.000000e+00 : f32
    %max3A_176 = vector.broadcast %max3A_175 : f32 to vector<1024x128xf32>
    %max3A_177 = arith.maximumf %add3A_174, %max3A_176 : vector<1024x128xf32>
    %dot_general3A_178 = arith.constant dense<0.000000e+00> : vector<1024x16xf32>
    %dot_general3A_179 = tpu.matmul %max3A_177, %get3A_14, %dot_general3A_178 {dimension_numbers = #tpu.dot_dimension_numbers<[1], [0], [0], [1], [0, 0, 1, 1], [], []>, transpose_lhs_hint = false} : vector<1024x128xf32>, vector<128x16xf32>, vector<1024x16xf32> -> vector<1024x16xf32>
    %add3A_180 = vector.broadcast %get3A_17 : vector<1x16xf32> to vector<1024x16xf32>
    %add3A_181 = arith.addf %dot_general3A_179, %add3A_180 : vector<1024x16xf32>
    %get3A_182 = arith.constant 6 : index
    %get3A_183 = memref.load %arg3[%get3A_182] : memref<8xf32, #tpu.memory_space<smem>>
    %get3A_184 = arith.constant 5 : index
    %get3A_185 = arith.constant 0 : index
    %get3A_186 = arith.constant 0 : index
    %get3A_187 = arith.constant 0 : index
    %get3A_188 = vector.load %arg2[%get3A_184, %get3A_185, %get3A_186, %get3A_187] : memref<7x2x1024x64xf32, #tpu.memory_space<vmem>>, vector<1x1x1024x64xf32>
    %get3A_189 = vector.shape_cast %get3A_188 : vector<1x1x1024x64xf32> to vector<1024x64xf32>
    %get3A_190 = arith.constant 5 : index
    %get3A_191 = arith.constant 1 : index
    %get3A_192 = arith.constant 0 : index
    %get3A_193 = arith.constant 0 : index
    %get3A_194 = vector.load %arg2[%get3A_190, %get3A_191, %get3A_192, %get3A_193] : memref<7x2x1024x64xf32, #tpu.memory_space<vmem>>, vector<1x1x1024x64xf32>
    %get3A_195 = vector.shape_cast %get3A_194 : vector<1x1x1024x64xf32> to vector<1024x64xf32>
    %concatenate3A_196 = tpu.concatenate %get3A_189, %get3A_195 in 1 : vector<1024x64xf32>, vector<1024x64xf32> -> vector<1024x128xf32>
    %mul3A_197 = vector.broadcast %get3A_183 : f32 to vector<1024x128xf32>
    %mul3A_198 = arith.mulf %mul3A_197, %concatenate3A_196 : vector<1024x128xf32>
    %mul3A_199 = arith.constant 3.000000e-01 : f32
    %mul3A_200 = arith.mulf %mul3A_199, %get3A_183 : f32
    %mul3A_201 = vector.broadcast %mul3A_200 : f32 to vector<1024x128xf32>
    %mul3A_202 = arith.mulf %mul3A_201, %concatenate3A : vector<1024x128xf32>
    %add3A_203 = arith.addf %mul3A_198, %mul3A_202 : vector<1024x128xf32>
    %add3A_204 = vector.broadcast %get3A_11 : vector<1x128xf32> to vector<1024x128xf32>
    %add3A_205 = arith.addf %add3A_203, %add3A_204 : vector<1024x128xf32>
    %max3A_206 = arith.constant 0.000000e+00 : f32
    %max3A_207 = vector.broadcast %max3A_206 : f32 to vector<1024x128xf32>
    %max3A_208 = arith.maximumf %add3A_205, %max3A_207 : vector<1024x128xf32>
    %dot_general3A_209 = arith.constant dense<0.000000e+00> : vector<1024x16xf32>
    %dot_general3A_210 = tpu.matmul %max3A_208, %get3A_14, %dot_general3A_209 {dimension_numbers = #tpu.dot_dimension_numbers<[1], [0], [0], [1], [0, 0, 1, 1], [], []>, transpose_lhs_hint = false} : vector<1024x128xf32>, vector<128x16xf32>, vector<1024x16xf32> -> vector<1024x16xf32>
    %add3A_211 = vector.broadcast %get3A_17 : vector<1x16xf32> to vector<1024x16xf32>
    %add3A_212 = arith.addf %dot_general3A_210, %add3A_211 : vector<1024x16xf32>
    %get3A_213 = arith.constant 7 : index
    %get3A_214 = memref.load %arg3[%get3A_213] : memref<8xf32, #tpu.memory_space<smem>>
    %get3A_215 = arith.constant 6 : index
    %get3A_216 = arith.constant 0 : index
    %get3A_217 = arith.constant 0 : index
    %get3A_218 = arith.constant 0 : index
    %get3A_219 = vector.load %arg2[%get3A_215, %get3A_216, %get3A_217, %get3A_218] : memref<7x2x1024x64xf32, #tpu.memory_space<vmem>>, vector<1x1x1024x64xf32>
    %get3A_220 = vector.shape_cast %get3A_219 : vector<1x1x1024x64xf32> to vector<1024x64xf32>
    %get3A_221 = arith.constant 6 : index
    %get3A_222 = arith.constant 1 : index
    %get3A_223 = arith.constant 0 : index
    %get3A_224 = arith.constant 0 : index
    %get3A_225 = vector.load %arg2[%get3A_221, %get3A_222, %get3A_223, %get3A_224] : memref<7x2x1024x64xf32, #tpu.memory_space<vmem>>, vector<1x1x1024x64xf32>
    %get3A_226 = vector.shape_cast %get3A_225 : vector<1x1x1024x64xf32> to vector<1024x64xf32>
    %concatenate3A_227 = tpu.concatenate %get3A_220, %get3A_226 in 1 : vector<1024x64xf32>, vector<1024x64xf32> -> vector<1024x128xf32>
    %mul3A_228 = vector.broadcast %get3A_214 : f32 to vector<1024x128xf32>
    %mul3A_229 = arith.mulf %mul3A_228, %concatenate3A_227 : vector<1024x128xf32>
    %mul3A_230 = arith.constant 3.000000e-01 : f32
    %mul3A_231 = arith.mulf %mul3A_230, %get3A_214 : f32
    %mul3A_232 = vector.broadcast %mul3A_231 : f32 to vector<1024x128xf32>
    %mul3A_233 = arith.mulf %mul3A_232, %concatenate3A : vector<1024x128xf32>
    %add3A_234 = arith.addf %mul3A_229, %mul3A_233 : vector<1024x128xf32>
    %add3A_235 = vector.broadcast %get3A_11 : vector<1x128xf32> to vector<1024x128xf32>
    %add3A_236 = arith.addf %add3A_234, %add3A_235 : vector<1024x128xf32>
    %max3A_237 = arith.constant 0.000000e+00 : f32
    %max3A_238 = vector.broadcast %max3A_237 : f32 to vector<1024x128xf32>
    %max3A_239 = arith.maximumf %add3A_236, %max3A_238 : vector<1024x128xf32>
    %dot_general3A_240 = arith.constant dense<0.000000e+00> : vector<1024x16xf32>
    %dot_general3A_241 = tpu.matmul %max3A_239, %get3A_14, %dot_general3A_240 {dimension_numbers = #tpu.dot_dimension_numbers<[1], [0], [0], [1], [0, 0, 1, 1], [], []>, transpose_lhs_hint = false} : vector<1024x128xf32>, vector<128x16xf32>, vector<1024x16xf32> -> vector<1024x16xf32>
    %add3A_242 = vector.broadcast %get3A_17 : vector<1x16xf32> to vector<1024x16xf32>
    %add3A_243 = arith.addf %dot_general3A_241, %add3A_242 : vector<1024x16xf32>
    %concatenate3A_244 = tpu.concatenate %add3A_26, %add3A_57, %add3A_88, %add3A_119, %add3A_150, %add3A_181, %add3A_212, %add3A_243 in 1 : vector<1024x16xf32>, vector<1024x16xf32>, vector<1024x16xf32>, vector<1024x16xf32>, vector<1024x16xf32>, vector<1024x16xf32>, vector<1024x16xf32>, vector<1024x16xf32> -> vector<1024x128xf32>
    %swap3A = arith.constant 0 : index
    %swap3A_245 = arith.constant 0 : index
    %swap3A_246 = vector.load %arg7[%swap3A, %swap3A_245] : memref<1024x128xf32, #tpu.memory_space<vmem>>, vector<1024x128xf32>
    tpu.vector_store %arg7[%swap3A, %swap3A_245], %concatenate3A_244 {strides = array<i32>} : memref<1024x128xf32, #tpu.memory_space<vmem>>, vector<1024x128xf32>,
    return
  }
  func.func @transform_0(%arg0: i32) -> (i32, i32, i32) {
    %c0_i32 = arith.constant 0 : i32
    %c0_i32_0 = arith.constant 0 : i32
    %c0_i32_1 = arith.constant 0 : i32
    return %c0_i32, %arg0, %c0_i32_0 : i32, i32, i32
  }
  func.func @transform_1(%arg0: i32) -> (i32, i32, i32, i32) {
    %c0_i32 = arith.constant 0 : i32
    %c0_i32_0 = arith.constant 0 : i32
    %c0_i32_1 = arith.constant 0 : i32
    %c0_i32_2 = arith.constant 0 : i32
    return %c0_i32, %c0_i32_0, %arg0, %c0_i32_1 : i32, i32, i32, i32
  }
  func.func @transform_2(%arg0: i32) -> i32 {
    %c0_i32 = arith.constant 0 : i32
    %c0_i32_0 = arith.constant 0 : i32
    return %c0_i32 : i32
  }
  func.func @transform_3(%arg0: i32) -> (i32, i32) {
    %c0_i32 = arith.constant 0 : i32
    %c0_i32_0 = arith.constant 0 : i32
    %c0_i32_1 = arith.constant 0 : i32
    return %c0_i32, %c0_i32_0 : i32, i32
  }
  func.func @transform_4(%arg0: i32) -> (i32, i32) {
    %c0_i32 = arith.constant 0 : i32
    %c0_i32_0 = arith.constant 0 : i32
    %c0_i32_1 = arith.constant 0 : i32
    return %c0_i32, %c0_i32_0 : i32, i32
  }
  func.func @transform_5(%arg0: i32) -> (i32, i32) {
    %c0_i32 = arith.constant 0 : i32
    %c0_i32_0 = arith.constant 0 : i32
    %c0_i32_1 = arith.constant 0 : i32
    return %c0_i32, %c0_i32_0 : i32, i32
  }
  func.func @transform_6(%arg0: i32) -> (i32, i32) {
    %c0_i32 = arith.constant 0 : i32
    %c0_i32_0 = arith.constant 0 : i32
    return %arg0, %c0_i32 : i32, i32
  }
}

</mosaic_0001>

<sc_bundles>
// kernel: kernel.5.cloned.1.call-start
scs
__scs_entry_jumppad:
0x0: {  	(pc) =	sbr.rel $0x88, $3  }
0x1: {  	(tag) =	ssettag $0x0;
	lr =	simm.s32 $0x1  }
0x2: {  	[smem:$0x3F9A] =	sst lr;
	_ =	strace $0xD0000000  }
0x3: {  	_ = 	snop  }
0x4: {  	_ = 	snop  }
0x5: {  	_ = 	snop  }
0x6: {  	_ = 	snop  }
0x7: {  	_ = 	snop  }
__scs_overlays_trampoline_lowered:
0x8: {  	[smem:$0x3FA9] =	sst s0  }
0x9: {  	[smem:$0x3FAA] =	sst s1  }
0xa: {  	[smem:$0x3FAB] =	sst s2  }
0xb: {  	[smem:$0x3FAC] =	sst s3  }
0xc: {  	[smem:$0x3FAD] =	sst s4  }
0xd: {  	[smem:$0x3FAE] =	sst s5  }
0xe: {  	[smem:$0x3FAF] =	sst s6  }
0xf: {  	[smem:$0x3FB0] =	sst s7  }
0x10: {  	[smem:$0x3FB1] =	sst s8  }
0x11: {  	[smem:$0x3FB2] =	sst s9;
	s0 =	simm.s32 @!p0 $0x0  }
0x12: {  	s1 =	sld [smem:$0x3F98];
	s0 =	simm.s32 @p0 $0x1  }
0x13: {  	[smem:$0x3FB3] =	sst s0;
	s0 =	simm.s32 @!p1 $0x0  }
0x14: {  	s2 =	sld [smem:$0x3F97];
	s0 =	simm.s32 @p1 $0x1  }
0x15: {  	[smem:$0x3FB4] =	sst s0;
	s0 =	simm.s32 @!p2 $0x0  }
0x16: {  	s3 =	sld [smem:$0x3FDB];
	s0 =	simm.s32 @p2 $0x1  }
0x17: {  	s4 =	simm.s32 $0x1BF5;
	[smem:$0x3FB6] =	sst s0  }
0x18: {  	s0 =	sld [smem:$0x3F99];
	_ =	swait.ge [sflag:s4], $0x0  }
0x19: {  	s7 =	sld [smem:$0x3F9A]  }
0x1a: {  	s8 =	sadd.s32 $0xFFFFE003, lr  }
0x1b: {  	s9 =	sadd.s32 $0xFFFFFEF7, lr;
	s5 =	simm.s32 $0xFFFFFFFF;
	p2 =	slt.u32 s8, $0xFFFFF086  }
0x1c: {  	p1 =	slt.u32 s9, $0xF7A;
	s5 =	simm.s32 @!p2 $0x0  }
0x1d: {  	s5 =	simm.s32 @p1 $0x1;
	p0 =	seq.s32 s7, s2  }
0x1e: {  	s7 =	smul.u32 @!p0 $0xF7A, s2;
	p2 =	seq.s32 @!p0 s5, $0x0  }
0x1f: {  	s9 =	smul.u32 $0xF7A, s1;
	s8 =	simm.s32 @!p0 $0x1BF5;
	p2 =	por !p2, p0  }
0x20: {  	[sflag:s8] =	ssyncset.s32 @!p0 $0xFFFFF086;
	s6 =	sadd.s32 @!p0 s3, s7;
	s7 =	simm.s32 @!p0 $0x108  }
0x21: {  	s3 =	sadd.s32 s3, s9;
	s6 =	sadd.s32 @!p0 $0x88, s6;
	s7 =	simm.s32 @p2 $0x1082  }
0x22: {  	[simem:s7], [sflag:s8] =	dma.local @!p0 [hbm:s6], $0xF7A  }
0x23: {  	s9 =	sor.u32 $0xD0000000, s2;
	s6 =	simm.s32 $0x108;
	_ =	swait.ge @!p0 [sflag:s8], $0x0  }
0x24: {  	s3 =	sadd.s32 $0x88, s3;
	s6 =	simm.s32 @!p1 $0x1082;
	[sflag:s4] =	ssyncset.s32 $0xFFFFF086  }
0x25: {  	[simem:s6], [sflag:s4] =	dma.local [hbm:s3], $0xF7A  }
0x26: {  	[smem:$0x3F9A] =	sst s1;
	(tag) =	ssettag s2;
	_ =	strace s9  }
0x27: {  	s1 =	sld [smem:$0x3FAA]  }
0x28: {  	s2 =	sld [smem:$0x3FAB]  }
0x29: {  	s4 =	sld [smem:$0x3FAD]  }
0x2a: {  	p0 =	seq.s32 s5, $0x0;
	s5 =	sld [smem:$0x3FAE]  }
0x2b: {  	s6 =	sld [smem:$0x3FAF]  }
0x2c: {  	s7 =	sld [smem:$0x3FB0]  }
0x2d: {  	s3 =	simm.s32 $0x108;
	s8 =	sld [smem:$0x3FB1]  }
0x2e: {  	s3 =	simm.s32 @!p0 $0x1082;
	s9 =	sld [smem:$0x3FB2]  }
0x2f: {  	lr =	sadd.s32 s0, s3;
	s0 =	sld [smem:$0x3FA9]  }
0x30: {  	s3 =	sld [smem:$0x3FAC]  }
0x31: {  	[smem:$0x3FB5] =	sst s10  }
0x32: {  	s10 =	sld [smem:$0x3FB3];
	_ =	sdelay $0x3  }
0x33: {  	p0 =	seq.s32 s10, $0x1;
	s10 =	sld [smem:$0x3FB5];
	_ =	sdelay $0x3  }
0x34: {  	[smem:$0x3FB5] =	sst s10  }
0x35: {  	s10 =	sld [smem:$0x3FB4];
	_ =	sdelay $0x3  }
0x36: {  	p1 =	seq.s32 s10, $0x1;
	s10 =	sld [smem:$0x3FB5];
	_ =	sdelay $0x3  }
0x37: {  	[smem:$0x3FB5] =	sst s10  }
0x38: {  	s10 =	sld [smem:$0x3FB6]  }
0x39: {  	_ = 	snop;
	(pc) =	sbr.ind lr, $3  }
0x3a: {  	_ = 	snop  }
0x3b: {  	_ = 	snop  }
0x3c: {  	p2 =	seq.s32 s10, $0x1;
	s10 =	sld [smem:$0x3FB5]  }
0x3d: {  	_ =	shalt  }
0x3e: {  	_ =	shalt  }
0x3f: {  	_ =	shalt  }
0x40: {  	_ =	shalt  }
0x41: {  	_ =	shalt  }
0x42: {  	_ =	shalt  }
0x43: {  	_ =	shalt  }
0x44: {  	_ =	shalt  }
0x45: {  	_ =	shalt  }
0x46: {  	_ =	shalt  }
0x47: {  	_ =	shalt  }
0x48: {  	_ =	shalt  }
0x49: {  	_ =	shalt  }
0x4a: {  	_ =	shalt  }
0x4b: {  	_ =	shalt  }
0x4c: {  	_ =	shalt  }
0x4d: {  	_ =	shalt  }
0x4e: {  	_ =	shalt  }
0x4f: {  	_ =	shalt  }
0x50: {  	_ =	shalt  }
0x51: {  	_ =	shalt  }
0x52: {  	_ =	shalt  }
0x53: {  	_ =	shalt  }
0x54: {  	_ =	shalt  }
0x55: {  	_ =	shalt  }
0x56: {  	_ =	shalt  }
0x57: {  	_ =	shalt  }
0x58: {  	_ =	shalt  }
0x59: {  	_ =	shalt  }
0x5a: {  	_ =	shalt  }
0x5b: {  	_ =	shalt  }
0x5c: {  	_ =	shalt  }
0x5d: {  	_ =	shalt  }
0x5e: {  	_ =	shalt  }
0x5f: {  	_ =	shalt  }
0x60: {  	_ =	shalt  }
0x61: {  	_ =	shalt  }
0x62: {  	_ =	shalt  }
0x63: {  	_ =	shalt  }
0x64: {  	_ =	shalt  }
0x65: {  	_ =	shalt  }
0x66: {  	_ =	shalt  }
0x67: {  	_ =	shalt  }
0x68: {  	_ =	shalt  }
0x69: {  	_ =	shalt  }
0x6a: {  	_ =	shalt  }
0x6b: {  	_ =	shalt  }
0x6c: {  	_ =	shalt  }
0x6d: {  	_ =	shalt  }
0x6e: {  	_ =	shalt  }
0x6f: {  	_ =	shalt  }
0x70: {  	_ =	shalt  }
0x71: {  	_ =	shalt  }
0x72: {  	_ =	shalt  }
0x73: {  	_ =	shalt  }
0x74: {  	_ =	shalt  }
0x75: {  	_ =	shalt  }
0x76: {  	_ =	shalt  }
0x77: {  	_ =	shalt  }
0x78: {  	_ =	shalt  }
0x79: {  	_ =	shalt  }
0x7a: {  	_ =	shalt  }
0x7b: {  	_ =	shalt  }
0x7c: {  	_ =	shalt  }
0x7d: {  	_ =	shalt  }
0x7e: {  	_ =	shalt  }
0x7f: {  	_ =	shalt  }
0x80: {  	_ =	shalt  }
0x81: {  	_ =	shalt  }
0x82: {  	_ =	shalt  }
0x83: {  	_ =	shalt  }
0x84: {  	_ =	shalt  }
0x85: {  	_ =	shalt  }
0x86: {  	_ =	shalt  }
0x87: {  	_ =	shalt  }
.Lfunc_end0:
.L_simem_size_0:
called_computation_lowered:
.L_overlay_start_0:
0x88: {  	s2 =	sld [smem:$0x3FD9]  }
0x89: {  	s3 =	sld [smem:$0x3FFE];
	_ =	sdelay $0x1  }
0x8a: {  	s1 =	srdreg.scid  }
0x8b: {  	s0 =	sand.u32 $0x1, s1  }
0x8c: {  	s17 =	sshll.u32 s0, $0xA;
	s2 =	sadd.s32 s3, s2  }
0x8d: {  	s2 =	sadd.s32 s2, s17  }
0x8e: {  	[smem:$0x3FC1] =	sst s2  }
0x8f: {  	_ = 	snop  }
0x90: {  	s2 =	sld [smem:$0x3FD0];
	(tm) =	ssettm $0x1  }
0x91: {  	s18 =	sld [smem:$0x3FFB];
	_ =	sdelay $0x3  }
0x92: {  	_ =	strace s18  }
0x93: {  	s3 =	sld [smem:$0x3FFC];
	_ =	sdelay $0x3  }
0x94: {  	_ =	strace s3  }
0x95: {  	s3 =	sld [smem:$0x3FFD];
	_ =	sdelay $0x3  }
0x96: {  	_ =	strace s3  }
0x97: {  	_ =	strace $0x8FFFFFFF  }
0x98: {  	s19 =	sld [smem:$0x3FDB];
	_ =	sdelay $0x1  }
0x99: {  	s4 =	simm.s32 $_scs_section_size  }
0x9a: {  	s5 =	simm.s32 $_size__tile_overlayer_lowered;
	s6 =	simm.s32 $_tile_overlayer_lowered  }
0x9b: {  	s22 =	simm.s32 $0x1BFF;
	s21 =	sshll.u32 s6, $0x1;
	s3 =	sadd.s32 s4, s19  }
0x9c: {  	s7 =	simm.s32 $0x0;
	s20 =	sshll.u32 s5, $0x1;
	s5 =	sadd.s32 s21, s3  }
0x9d: {  	[timem:s7], [sflag:s22] =	dma.local [hbm:s5], s20  }
0x9e: {  	_ =	swait.ge [sflag:s22], s20  }
0x9f: {  	s4 =	ssub.s32 $0x0, s20;
	[sflag:s22] =	ssyncset.done $0x0  }
0xa0: {  	[sflag:s22] =	ssyncadd.s32 s4;
	_ =	sdelay $0x1  }
0xa1: {  	s23 =	simm.s32 $0x1B8B  }
0xa2: {  	_ =	swait.ge [sflag:s23], $0x1  }
0xa3: {  	[sflag:s23] =	ssyncset.done $0x0  }
0xa4: {  	s25 =	simm.s32 $0x1B8E;
	s24 =	sld [smem:$0x3FFE];
	[sflag:s23] =	ssyncadd.s32 $0xFFFFFFFF  }
0xa5: {  	s26 =	simm.s32 $execute0_lowered;
	[smem:$0x3FD2] =	sst s25  }
0xa6: {  	s5 =	sshll.u32 s26, $0x1;
	_ =	strace $0x80000046;
	[dreg:$0x1] =	wrdreg $0xFFFFFFFF  }
0xa7: {  	s28 =	simm.s32 $_size_execute0_lowered;
	s3 =	sadd.s32 s3, s5;
	[dreg:$0x0] =	wrdreg $0x0  }
0xa8: {  	s5 =	sshll.u32 s28, $0x1;
	[dreg:$0x2] =	wrdreg s3  }
0xa9: {  	[dreg:$0x3] =	wrdreg s5  }
0xaa: {  	[dreg:$0x4] =	wrdreg $0xC0  }
0xab: {  	_ =	task [dreg:s7], $0x5FFFF  }
0xac: {  	[dreg:$0x1] =	wrdreg $0xFFFFFFFF  }
0xad: {  	[dreg:$0x0] =	wrdreg $0x60  }
0xae: {  	[dreg:$0x2] =	wrdreg s24  }
0xaf: {  	[dreg:$0x3] =	wrdreg s2  }
0xb0: {  	[dreg:$0x4] =	wrdreg $0xB2800  }
0xb1: {  	[dreg:$0x5] =	wrdreg $0x152800  }
0xb2: {  	[dreg:$0x6] =	wrdreg $0x9  }
0xb3: {  	_ =	task.clear_ibuf [dreg:s7], $0x7FFFF;
	_ =	strace $0x90000046  }
0xb4: {  	s29 =	simm.s32 $0x9;
	_ =	strace $0x80000048  }
0xb5: {  	_ =	swait.ge [sflag:s29], $0x1  }
0xb6: {  	[sflag:s29] =	ssyncadd.s32 $0xFFFFFFFF  }
0xb7: {  	_ =	strace $0x90000048  }
0xb8: {  	_ =	sfence  }
0xb9: {  	s30 =	sld [smem:$0x0];
	_ =	sdelay $0x2  }
0xba: {  	s31 =	sshll.u32 s1, $0xD;
	s1 =	sshrl.u32 s1, $0x2  }
0xbb: {  	s3 =	sand.u32 $0x4000, s31;
	s1 =	sadd.s32 s1, s30  }
0xbc: {  	s0 =	sor.u32 s3, s0;
	s1 =	sshll.u32 s1, $0x11  }
0xbd: {  	s0 =	sor.u32 s1, s0  }
0xbe: {  	s0 =	sadd.s32 $0x8F2B, s0  }
0xbf: {  	[sflag:s0] =	ssyncadd.remote.s32 $0x1  }
0xc0: {  	_ =	sfence.sel $0xFFFF  }
0xc1: {  	[dreg:$0x0] =	wrdreg $0xFFFFFFFF;
	(pc) =	sbr.abs _section_cstart, $3  }
0xc2: {  	[dreg:$0x1] =	wrdreg $0xFFFFFFFF  }
0xc3: {  	_ =	task.clear_ibuf [dreg:s7], $0x2FFFF;
	_ =	strace $0x9FFFFFFF  }
0xc4: {  	(tm) =	ssettm $0x7FFFFFFF  }
0xc5: {  	_ =	shalt  }
tec
execute0_lowered:
.L_overlay_start_1:
0x0: {  	(tag) =	ssettag $0x1  }
0x1: {  	s0 =	rddreg [dreg:$0x0]  }
0x2: {  	s3 =	rddreg [dreg:$0x1]  }
0x3: {  	s1 =	rddreg [dreg:$0x2]  }
0x4: {  	s2 =	rddreg [dreg:$0x3];
	s5 =	simm.s32 $0x0;
	s4 =	srdreg.scid  }
0x5: {  	s9 =	stileid.u32;
	s14 =	simm.s32 $0xC0;
	s28 =	simm.s32 $0x5040  }
0x6: {  	s29 =	simm.s32 $0x2;
	s30 =	simm.s32 $0x51C0;
	s6 =	smul.u32 $0x9F0, s9  }
0x7: {  	s31 =	simm.s32 $0x4;
	s4 =	sand.u32 $0x1, s4;
	s8 =	smul.u32 $0xA000, s9  }
0x8: {  	[smem:$0x7FF] =	sst s5;
	s15 =	smul.u32 $0xA0000, s4;
	s4 =	ssub.s32 $0x2, s4  }
0x9: {  	s5 =	sadd.s32 $0x28800, s0;
	_ =	strace $0x80000047;
	s16 =	sshrl.u32 s4, $0x1  }
0xa: {  	s3 =	sadd.s32 s3, s6;
	s17 =	sadd.s32 s8, s1;
	s25 =	sshrl.u32 s8, $0x3  }
0xb: {  	s13 =	sadd.s32 s8, s2;
	s8 =	sshll.u32 s9, $0x6;
	s9 =	simm.s32 $0x5  }
0xc: {  	s7 =	sshrl.u32 s15, $0x3;
	s4 =	ssub.s32 s4, s16;
	[dreg:$0x5] =	wrdreg s3  }
0xd: {  	s11 =	sor.u32 $0x1C05, s8;
	s12 =	sshrl.u32 s17, $0x3;
	s13 =	sshrl.u32 s13, $0x3  }
0xe: {  	s15 =	simm.s32 $0x4F80;
	s16 =	simm.s32 $0x5280;
	s0 =	sadd.s32 s7, s0  }
0xf: {  	s17 =	simm.s32 $0x5100;
	s4 =	smax.u32 s4, $0x1;
	s24 =	sadd.s32 $0x800, s0  }
0x10: {  	s18 =	sadd.s32 $0x29C00, s0;
	s19 =	sadd.s32 $0x51C00, s0;
	s20 =	sadd.s32 $0x79C00, s0  }
0x11: {  	s21 =	sadd.s32 $0xA1C00, s0;
	s22 =	sadd.s32 $0xC9C00, s0;
	s23 =	sadd.s32 $0xF1C00, s0  }
0x12: {  	s0 =	sadd.s32 $0x119C00, s0;
	[dreg:$0x6] =	wrdreg s4;
	s4 =	simm.s32 $0x0  }
0x13: {  	s26 =	sadd.s32 s25, s24;
	s18 =	sadd.s32 s25, s18;
	s19 =	sadd.s32 s25, s19  }
0x14: {  	s20 =	sadd.s32 s25, s20;
	s21 =	sadd.s32 s25, s21;
	s22 =	sadd.s32 s25, s22  }
0x15: {  	s23 =	sadd.s32 s25, s23;
	s24 =	sadd.s32 s25, s0;
	s25 =	simm.s32 $0x8280  }
0x16: {  	s0 =	simm.s32 $0x3;
	[dreg:$0x7] =	wrdreg s26;
	s26 =	simm.s32 $0x1  }
.LBB2_1:
0x17: {  	s3 =	simm.s32 $0x0;
	s6 =	rddreg [dreg:$0x5]  }
0x18: {  	[tilespmem:s3], [sflag:$0x5] =	stream.linear.gather [hbm4b:s6+s3], $0x4F80, $0x38;
	[tilespmem:$0x1F280] =	vst v63  }
0x19: {  	_ =	swait.ge [sflag:s9], $0x4F80  }
0x1a: {  	[sflag:s9] =	ssyncset.done $0x0  }
0x1b: {  	s10 =	rddreg [dreg:$0x7];
	[sflag:s9] =	ssyncadd.s32 $0xFFFFB080  }
0x1c: {  	[spmem:s12], [sflag:s11] =	dma.local [hbm:s10], $0x1400  }
0x1d: {  	_ =	swait.ge [sflag:s9], $0x1400  }
0x1e: {  	[sflag:s9] =	ssyncset.done $0x0  }
0x1f: {  	[sflag:s9] =	ssyncadd.s32 $0xFFFFEC00  }
0x20: {  	[spmem:s13], [sflag:s11] =	dma.local [hbm:s5], $0x1400  }
0x21: {  	_ =	swait.ge [sflag:s9], $0x1400  }
0x22: {  	[sflag:s9] =	ssyncset.done $0x0  }
0x23: {  	[sflag:s9] =	ssyncadd.s32 $0xFFFFEC00  }
0x24: {  	s3 =	simm.s32 $0x0;
	[bflag:$0x0] =	sbarrier.arrive $0xFFFF  }
0x25: {  	v0 =	vld [tilespmem:s3+$0x0];
	_ =	sdelay $0x4  }
0x26: {  	v1 =	vand.u32 $0x3FFF, v0  }
0x27: {  	v0 =	vshrl.u32 v0, $0xE;
	[tilespmem:$0x4F80] =	vst v1  }
0x28: {  	[tilespmem:$0x5040] =	vst v0  }
0x29: {  	v0 =	vld [tilespmem:s3+$0x10];
	_ =	sdelay $0x4  }
0x2a: {  	v1 =	vand.u32 $0x3FFF, v0  }
0x2b: {  	v0 =	vshrl.u32 v0, $0xE;
	[tilespmem:$0x4F90] =	vst v1  }
0x2c: {  	[tilespmem:$0x5050] =	vst v0  }
0x2d: {  	v0 =	vld [tilespmem:s3+$0x20];
	_ =	sdelay $0x4  }
0x2e: {  	v1 =	vand.u32 $0x3FFF, v0  }
0x2f: {  	v0 =	vshrl.u32 v0, $0xE;
	[tilespmem:$0x4FA0] =	vst v1  }
0x30: {  	[tilespmem:$0x5060] =	vst v0  }
0x31: {  	v0 =	vld [tilespmem:s3+$0x30];
	_ =	sdelay $0x4  }
0x32: {  	v1 =	vand.u32 $0x3FFF, v0  }
0x33: {  	v0 =	vshrl.u32 v0, $0xE;
	[tilespmem:$0x4FB0] =	vst v1  }
0x34: {  	[tilespmem:$0x5070] =	vst v0  }
0x35: {  	v0 =	vld [tilespmem:s3+$0x40];
	_ =	sdelay $0x4  }
0x36: {  	v1 =	vand.u32 $0x3FFF, v0  }
0x37: {  	v0 =	vshrl.u32 v0, $0xE;
	[tilespmem:$0x4FC0] =	vst v1  }
0x38: {  	[tilespmem:$0x5080] =	vst v0  }
0x39: {  	v0 =	vld [tilespmem:s3+$0x50];
	_ =	sdelay $0x4  }
0x3a: {  	v1 =	vand.u32 $0x3FFF, v0  }
0x3b: {  	v0 =	vshrl.u32 v0, $0xE;
	[tilespmem:$0x4FD0] =	vst v1  }
0x3c: {  	[tilespmem:$0x5090] =	vst v0  }
0x3d: {  	v0 =	vld [tilespmem:s3+$0x60];
	_ =	sdelay $0x4  }
0x3e: {  	v1 =	vand.u32 $0x3FFF, v0  }
0x3f: {  	v0 =	vshrl.u32 v0, $0xE;
	[tilespmem:$0x4FE0] =	vst v1  }
0x40: {  	[tilespmem:$0x50A0] =	vst v0  }
0x41: {  	v0 =	vld [tilespmem:s3+$0x70];
	_ =	sdelay $0x4  }
0x42: {  	v1 =	vand.u32 $0x3FFF, v0  }
0x43: {  	v0 =	vshrl.u32 v0, $0xE;
	[tilespmem:$0x4FF0] =	vst v1  }
0x44: {  	[tilespmem:$0x50B0] =	vst v0  }
0x45: {  	v0 =	vld [tilespmem:s3+$0x80];
	_ =	sdelay $0x4  }
0x46: {  	v1 =	vand.u32 $0x3FFF, v0  }
0x47: {  	v0 =	vshrl.u32 v0, $0xE;
	[tilespmem:$0x5000] =	vst v1  }
0x48: {  	[tilespmem:$0x50C0] =	vst v0  }
0x49: {  	v0 =	vld [tilespmem:s3+$0x90];
	_ =	sdelay $0x4  }
0x4a: {  	v1 =	vand.u32 $0x3FFF, v0  }
0x4b: {  	v0 =	vshrl.u32 v0, $0xE;
	[tilespmem:$0x5010] =	vst v1  }
0x4c: {  	[tilespmem:$0x50D0] =	vst v0  }
0x4d: {  	v0 =	vld [tilespmem:s3+$0xA0];
	_ =	sdelay $0x4  }
0x4e: {  	v1 =	vand.u32 $0x3FFF, v0  }
0x4f: {  	v0 =	vshrl.u32 v0, $0xE;
	[tilespmem:$0x5020] =	vst v1  }
0x50: {  	[tilespmem:$0x50E0] =	vst v0  }
0x51: {  	v0 =	vld [tilespmem:s3+$0xB0];
	_ =	sdelay $0x4  }
0x52: {  	v1 =	vand.u32 $0x3FFF, v0  }
0x53: {  	v0 =	vshrl.u32 v0, $0xE;
	[tilespmem:$0x5030] =	vst v1  }
0x54: {  	[tilespmem:$0x50F0] =	vst v0  }
0x55: {  	[tilespmem:s16], [sflag:$0x1] =	stream.indirect.gather [spmem:s1], $0x40, s15, s14, $0xb8;
	[tilespmem:$0x1F280] =	vst v63  }
0x56: {  	v0 =	vld [tilespmem:s3+$0xC0];
	_ =	sdelay $0x4  }
0x57: {  	v1 =	vand.u32 $0x3FFF, v0  }
0x58: {  	v0 =	vshrl.u32 v0, $0xE;
	[tilespmem:$0x5100] =	vst v1  }
0x59: {  	[tilespmem:$0x51C0] =	vst v0  }
0x5a: {  	v0 =	vld [tilespmem:s3+$0xD0];
	_ =	sdelay $0x4  }
0x5b: {  	v1 =	vand.u32 $0x3FFF, v0  }
0x5c: {  	v0 =	vshrl.u32 v0, $0xE;
	[tilespmem:$0x5110] =	vst v1  }
0x5d: {  	[tilespmem:$0x51D0] =	vst v0  }
0x5e: {  	v0 =	vld [tilespmem:s3+$0xE0];
	_ =	sdelay $0x4  }
0x5f: {  	v1 =	vand.u32 $0x3FFF, v0  }
0x60: {  	v0 =	vshrl.u32 v0, $0xE;
	[tilespmem:$0x5120] =	vst v1  }
0x61: {  	[tilespmem:$0x51E0] =	vst v0  }
0x62: {  	v0 =	vld [tilespmem:s3+$0xF0];
	_ =	sdelay $0x4  }
0x63: {  	v1 =	vand.u32 $0x3FFF, v0  }
0x64: {  	v0 =	vshrl.u32 v0, $0xE;
	[tilespmem:$0x5130] =	vst v1  }
0x65: {  	[tilespmem:$0x51F0] =	vst v0  }
0x66: {  	v0 =	vld [tilespmem:s3+$0x100];
	_ =	sdelay $0x4  }
0x67: {  	v1 =	vand.u32 $0x3FFF, v0  }
0x68: {  	v0 =	vshrl.u32 v0, $0xE;
	[tilespmem:$0x5140] =	vst v1  }
0x69: {  	[tilespmem:$0x5200] =	vst v0  }
0x6a: {  	v0 =	vld [tilespmem:s3+$0x110];
	_ =	sdelay $0x4  }
0x6b: {  	v1 =	vand.u32 $0x3FFF, v0  }
0x6c: {  	v0 =	vshrl.u32 v0, $0xE;
	[tilespmem:$0x5150] =	vst v1  }
0x6d: {  	[tilespmem:$0x5210] =	vst v0  }
0x6e: {  	v0 =	vld [tilespmem:s3+$0x120];
	_ =	sdelay $0x4  }
0x6f: {  	v1 =	vand.u32 $0x3FFF, v0  }
0x70: {  	v0 =	vshrl.u32 v0, $0xE;
	[tilespmem:$0x5160] =	vst v1  }
0x71: {  	[tilespmem:$0x5220] =	vst v0  }
0x72: {  	v0 =	vld [tilespmem:s3+$0x130];
	_ =	sdelay $0x4  }
0x73: {  	v1 =	vand.u32 $0x3FFF, v0  }
0x74: {  	v0 =	vshrl.u32 v0, $0xE;
	[tilespmem:$0x5170] =	vst v1  }
0x75: {  	[tilespmem:$0x5230] =	vst v0  }
0x76: {  	v0 =	vld [tilespmem:s3+$0x140];
	_ =	sdelay $0x4  }
0x77: {  	v1 =	vand.u32 $0x3FFF, v0  }
0x78: {  	v0 =	vshrl.u32 v0, $0xE;
	[tilespmem:$0x5180] =	vst v1  }
0x79: {  	[tilespmem:$0x5240] =	vst v0  }
0x7a: {  	v0 =	vld [tilespmem:s3+$0x150];
	_ =	sdelay $0x4  }
0x7b: {  	v1 =	vand.u32 $0x3FFF, v0  }
0x7c: {  	v0 =	vshrl.u32 v0, $0xE;
	[tilespmem:$0x5190] =	vst v1  }
0x7d: {  	[tilespmem:$0x5250] =	vst v0  }
0x7e: {  	v0 =	vld [tilespmem:s3+$0x160];
	_ =	sdelay $0x4  }
0x7f: {  	s6 =	simm.s32 $0x600;
	v1 =	vand.u32 $0x3FFF, v0;
	v0 =	vshrl.u32 v0, $0xE  }
.LBB2_2:
0x80: {  	p0 =	sne.s32 s6, $0x13800;
	[tilespmem:$0x51A0] =	vst v1;
	s7 =	smov.u32 s6;
	s6 =	sadd.s32 $0x600, s6  }
0x81: {  	[tilespmem:$0x5260] =	vst v0  }
0x82: {  	v0 =	vld [tilespmem:s3+$0x170];
	_ =	sdelay $0x4  }
0x83: {  	v1 =	vand.u32 $0x3FFF, v0;
	v0 =	vshrl.u32 v0, $0xE  }
0x84: {  	[tilespmem:$0x51B0] =	vst v1  }
0x85: {  	[tilespmem:$0x5270] =	vst v0  }
0x86: {  	[tilespmem:s25], [sflag:$0x2] =	stream.indirect.gather [spmem:s1], $0x40, s17, s14, $0xb8;
	[tilespmem:$0x1F280] =	vst v63  }
0x87: {  	_ =	swait.ge [sflag:s26], $0x3000  }
0x88: {  	[sflag:s26] =	ssyncset.done $0x0  }
0x89: {  	[sflag:s26] =	ssyncadd.s32 $0xFFFFD000  }
0x8a: {  	[spmem:s2] =	stream.indirect.scatter.add.f32 [tilespmem:s16], [sflag:$0x4], $0x40, s28, s14, $0xb8;
	[tilespmem:$0x1F280] =	vst v63  }
0x8b: {  	_ =	swait.ge [sflag:s29], $0x3000  }
0x8c: {  	[sflag:s29] =	ssyncset.done $0x0  }
0x8d: {  	[sflag:s29] =	ssyncadd.s32 $0xFFFFD000  }
0x8e: {  	[spmem:s2] =	stream.indirect.scatter.add.f32 [tilespmem:s25], [sflag:$0x5], $0x40, s30, s14, $0xb8;
	[tilespmem:$0x1F280] =	vst v63  }
0x8f: {  	_ =	swait.ge [sflag:s9], $0x3000  }
0x90: {  	[sflag:s9] =	ssyncset.done $0x0  }
0x91: {  	[sflag:s9] =	ssyncadd.s32 $0xFFFFD000  }
0x92: {  	_ =	swait.ge [sflag:s31], $0x3000  }
0x93: {  	[sflag:s31] =	ssyncset.done $0x0  }
0x94: {  	s3 =	sshra.s32 s7, $0x2;
	[sflag:s31] =	ssyncadd.s32 $0xFFFFD000  }
0x95: {  	v0 =	vld [tilespmem:s3+$0x0];
	_ =	sdelay $0x4  }
0x96: {  	v1 =	vand.u32 $0x3FFF, v0;
	v0 =	vshrl.u32 v0, $0xE  }
0x97: {  	[tilespmem:$0x4F80] =	vst v1  }
0x98: {  	[tilespmem:$0x5040] =	vst v0  }
0x99: {  	v0 =	vld [tilespmem:s3+$0x10];
	_ =	sdelay $0x4  }
0x9a: {  	v1 =	vand.u32 $0x3FFF, v0;
	v0 =	vshrl.u32 v0, $0xE  }
0x9b: {  	[tilespmem:$0x4F90] =	vst v1  }
0x9c: {  	[tilespmem:$0x5050] =	vst v0  }
0x9d: {  	v0 =	vld [tilespmem:s3+$0x20];
	_ =	sdelay $0x4  }
0x9e: {  	v1 =	vand.u32 $0x3FFF, v0;
	v0 =	vshrl.u32 v0, $0xE  }
0x9f: {  	[tilespmem:$0x4FA0] =	vst v1  }
0xa0: {  	[tilespmem:$0x5060] =	vst v0  }
0xa1: {  	v0 =	vld [tilespmem:s3+$0x30];
	_ =	sdelay $0x4  }
0xa2: {  	v1 =	vand.u32 $0x3FFF, v0;
	v0 =	vshrl.u32 v0, $0xE  }
0xa3: {  	[tilespmem:$0x4FB0] =	vst v1  }
0xa4: {  	[tilespmem:$0x5070] =	vst v0  }
0xa5: {  	v0 =	vld [tilespmem:s3+$0x40];
	_ =	sdelay $0x4  }
0xa6: {  	v1 =	vand.u32 $0x3FFF, v0;
	v0 =	vshrl.u32 v0, $0xE  }
0xa7: {  	[tilespmem:$0x4FC0] =	vst v1  }
0xa8: {  	[tilespmem:$0x5080] =	vst v0  }
0xa9: {  	v0 =	vld [tilespmem:s3+$0x50];
	_ =	sdelay $0x4  }
0xaa: {  	v1 =	vand.u32 $0x3FFF, v0;
	v0 =	vshrl.u32 v0, $0xE  }
0xab: {  	[tilespmem:$0x4FD0] =	vst v1  }
0xac: {  	[tilespmem:$0x5090] =	vst v0  }
0xad: {  	v0 =	vld [tilespmem:s3+$0x60];
	_ =	sdelay $0x4  }
0xae: {  	v1 =	vand.u32 $0x3FFF, v0;
	v0 =	vshrl.u32 v0, $0xE  }
0xaf: {  	[tilespmem:$0x4FE0] =	vst v1  }
0xb0: {  	[tilespmem:$0x50A0] =	vst v0  }
0xb1: {  	v0 =	vld [tilespmem:s3+$0x70];
	_ =	sdelay $0x4  }
0xb2: {  	v1 =	vand.u32 $0x3FFF, v0;
	v0 =	vshrl.u32 v0, $0xE  }
0xb3: {  	[tilespmem:$0x4FF0] =	vst v1  }
0xb4: {  	[tilespmem:$0x50B0] =	vst v0  }
0xb5: {  	v0 =	vld [tilespmem:s3+$0x80];
	_ =	sdelay $0x4  }
0xb6: {  	v1 =	vand.u32 $0x3FFF, v0;
	v0 =	vshrl.u32 v0, $0xE  }
0xb7: {  	[tilespmem:$0x5000] =	vst v1  }
0xb8: {  	[tilespmem:$0x50C0] =	vst v0  }
0xb9: {  	v0 =	vld [tilespmem:s3+$0x90];
	_ =	sdelay $0x4  }
0xba: {  	v1 =	vand.u32 $0x3FFF, v0;
	v0 =	vshrl.u32 v0, $0xE  }
0xbb: {  	[tilespmem:$0x5010] =	vst v1  }
0xbc: {  	[tilespmem:$0x50D0] =	vst v0  }
0xbd: {  	v0 =	vld [tilespmem:s3+$0xA0];
	_ =	sdelay $0x4  }
0xbe: {  	v1 =	vand.u32 $0x3FFF, v0;
	v0 =	vshrl.u32 v0, $0xE  }
0xbf: {  	[tilespmem:$0x5020] =	vst v1  }
0xc0: {  	[tilespmem:$0x50E0] =	vst v0  }
0xc1: {  	v0 =	vld [tilespmem:s3+$0xB0];
	_ =	sdelay $0x4  }
0xc2: {  	v1 =	vand.u32 $0x3FFF, v0;
	v0 =	vshrl.u32 v0, $0xE  }
0xc3: {  	[tilespmem:$0x5030] =	vst v1  }
0xc4: {  	[tilespmem:$0x50F0] =	vst v0  }
0xc5: {  	[tilespmem:s16], [sflag:$0x1] =	stream.indirect.gather [spmem:s1], $0x40, s15, s14, $0xb8;
	[tilespmem:$0x1F280] =	vst v63  }
0xc6: {  	v0 =	vld [tilespmem:s3+$0xC0];
	_ =	sdelay $0x4  }
0xc7: {  	v1 =	vand.u32 $0x3FFF, v0;
	v0 =	vshrl.u32 v0, $0xE  }
0xc8: {  	[tilespmem:$0x5100] =	vst v1  }
0xc9: {  	[tilespmem:$0x51C0] =	vst v0  }
0xca: {  	v0 =	vld [tilespmem:s3+$0xD0];
	_ =	sdelay $0x4  }
0xcb: {  	v1 =	vand.u32 $0x3FFF, v0;
	v0 =	vshrl.u32 v0, $0xE  }
0xcc: {  	[tilespmem:$0x5110] =	vst v1  }
0xcd: {  	[tilespmem:$0x51D0] =	vst v0  }
0xce: {  	v0 =	vld [tilespmem:s3+$0xE0];
	_ =	sdelay $0x4  }
0xcf: {  	v1 =	vand.u32 $0x3FFF, v0;
	v0 =	vshrl.u32 v0, $0xE  }
0xd0: {  	[tilespmem:$0x5120] =	vst v1  }
0xd1: {  	[tilespmem:$0x51E0] =	vst v0  }
0xd2: {  	v0 =	vld [tilespmem:s3+$0xF0];
	_ =	sdelay $0x4  }
0xd3: {  	v1 =	vand.u32 $0x3FFF, v0;
	v0 =	vshrl.u32 v0, $0xE  }
0xd4: {  	[tilespmem:$0x5130] =	vst v1  }
0xd5: {  	[tilespmem:$0x51F0] =	vst v0  }
0xd6: {  	v0 =	vld [tilespmem:s3+$0x100];
	_ =	sdelay $0x4  }
0xd7: {  	v1 =	vand.u32 $0x3FFF, v0;
	v0 =	vshrl.u32 v0, $0xE  }
0xd8: {  	[tilespmem:$0x5140] =	vst v1  }
0xd9: {  	[tilespmem:$0x5200] =	vst v0  }
0xda: {  	v0 =	vld [tilespmem:s3+$0x110];
	_ =	sdelay $0x4  }
0xdb: {  	v1 =	vand.u32 $0x3FFF, v0;
	v0 =	vshrl.u32 v0, $0xE  }
0xdc: {  	[tilespmem:$0x5150] =	vst v1  }
0xdd: {  	[tilespmem:$0x5210] =	vst v0  }
0xde: {  	v0 =	vld [tilespmem:s3+$0x120];
	_ =	sdelay $0x4  }
0xdf: {  	v1 =	vand.u32 $0x3FFF, v0;
	v0 =	vshrl.u32 v0, $0xE  }
0xe0: {  	[tilespmem:$0x5160] =	vst v1  }
0xe1: {  	[tilespmem:$0x5220] =	vst v0  }
0xe2: {  	v0 =	vld [tilespmem:s3+$0x130];
	_ =	sdelay $0x4  }
0xe3: {  	v1 =	vand.u32 $0x3FFF, v0;
	v0 =	vshrl.u32 v0, $0xE  }
0xe4: {  	[tilespmem:$0x5170] =	vst v1  }
0xe5: {  	[tilespmem:$0x5230] =	vst v0  }
0xe6: {  	v0 =	vld [tilespmem:s3+$0x140];
	_ =	sdelay $0x4  }
0xe7: {  	v1 =	vand.u32 $0x3FFF, v0;
	v0 =	vshrl.u32 v0, $0xE  }
0xe8: {  	[tilespmem:$0x5180] =	vst v1  }
0xe9: {  	[tilespmem:$0x5240] =	vst v0  }
0xea: {  	v0 =	vld [tilespmem:s3+$0x150];
	_ =	sdelay $0x4  }
0xeb: {  	v1 =	vand.u32 $0x3FFF, v0;
	v0 =	vshrl.u32 v0, $0xE  }
0xec: {  	[tilespmem:$0x5190] =	vst v1  }
0xed: {  	[tilespmem:$0x5250] =	vst v0  }
0xee: {  	v0 =	vld [tilespmem:s3+$0x160]  }
.Ltmp0:
0xef: {  	(pc) =	sbr.rel @p0 .LBB2_2-.Ltmp0, $2  }
0xf0: {  	_ =	sdelay $0x2  }
0xf1: {  	v1 =	vand.u32 $0x3FFF, v0;
	v0 =	vshrl.u32 v0, $0xE  }
0xf2: {  	[tilespmem:$0x51A0] =	vst v1  }
0xf3: {  	[tilespmem:$0x5260] =	vst v0  }
0xf4: {  	v0 =	vld [tilespmem:s3+$0x170];
	_ =	sdelay $0x4  }
0xf5: {  	v1 =	vand.u32 $0x3FFF, v0  }
0xf6: {  	v0 =	vshrl.u32 v0, $0xE;
	[tilespmem:$0x51B0] =	vst v1  }
0xf7: {  	[tilespmem:$0x5270] =	vst v0  }
0xf8: {  	[tilespmem:s25], [sflag:$0x2] =	stream.indirect.gather [spmem:s1], $0x40, s17, s14, $0xb8;
	[tilespmem:$0x1F280] =	vst v63  }
0xf9: {  	_ =	swait.ge [sflag:s26], $0x3000  }
0xfa: {  	[sflag:s26] =	ssyncset.done $0x0  }
0xfb: {  	[sflag:s26] =	ssyncadd.s32 $0xFFFFD000  }
0xfc: {  	[spmem:s2] =	stream.indirect.scatter.add.f32 [tilespmem:s16], [sflag:$0x4], $0x40, s28, s14, $0xb8;
	[tilespmem:$0x1F280] =	vst v63  }
0xfd: {  	_ =	swait.ge [sflag:s29], $0x3000  }
0xfe: {  	[sflag:s29] =	ssyncset.done $0x0  }
0xff: {  	[sflag:s29] =	ssyncadd.s32 $0xFFFFD000  }
0x100: {  	[spmem:s2] =	stream.indirect.scatter.add.f32 [tilespmem:s25], [sflag:$0x5], $0x40, s30, s14, $0xb8;
	[tilespmem:$0x1F280] =	vst v63  }
0x101: {  	_ =	swait.ge [sflag:s9], $0x3000  }
0x102: {  	[sflag:s9] =	ssyncset.done $0x0  }
0x103: {  	[sflag:s9] =	ssyncadd.s32 $0xFFFFD000  }
0x104: {  	_ =	swait.ge [sflag:s31], $0x3000  }
0x105: {  	[sflag:s31] =	ssyncset.done $0x0  }
0x106: {  	[sflag:s31] =	ssyncadd.s32 $0xFFFFD000  }
0x107: {  	[bflag:$0x0] =	sbarrier.arrive $0xFFFF  }
0x108: {  	[spmem:s12], [sflag:s11] =	dma.local [hbm:s5], $0x1400  }
0x109: {  	_ =	swait.ge [sflag:s9], $0x1400  }
0x10a: {  	[sflag:s9] =	ssyncset.done $0x0  }
0x10b: {  	s3 =	sor.u32 $0x1C03, s8;
	[sflag:s9] =	ssyncadd.s32 $0xFFFFEC00  }
0x10c: {  	[hbm:s18], [sflag:s3] =	dma.local [spmem:s13], $0x1400  }
0x10d: {  	s6 =	simm.s32 $0x0;
	[bflag:$0x0] =	sbarrier.arrive $0xFFFF  }
0x10e: {  	v0 =	vld [tilespmem:s6+$0x0];
	_ =	sdelay $0x4  }
0x10f: {  	v1 =	vand.u32 $0x3FFF, v0  }
0x110: {  	v0 =	vshrl.u32 v0, $0xE;
	[tilespmem:$0x4F80] =	vst v1  }
0x111: {  	[tilespmem:$0x5040] =	vst v0  }
0x112: {  	v0 =	vld [tilespmem:s6+$0x10];
	_ =	sdelay $0x4  }
0x113: {  	v1 =	vand.u32 $0x3FFF, v0  }
0x114: {  	v0 =	vshrl.u32 v0, $0xE;
	[tilespmem:$0x4F90] =	vst v1  }
0x115: {  	[tilespmem:$0x5050] =	vst v0  }
0x116: {  	v0 =	vld [tilespmem:s6+$0x20];
	_ =	sdelay $0x4  }
0x117: {  	v1 =	vand.u32 $0x3FFF, v0  }
0x118: {  	v0 =	vshrl.u32 v0, $0xE;
	[tilespmem:$0x4FA0] =	vst v1  }
0x119: {  	[tilespmem:$0x5060] =	vst v0  }
0x11a: {  	v0 =	vld [tilespmem:s6+$0x30];
	_ =	sdelay $0x4  }
0x11b: {  	v1 =	vand.u32 $0x3FFF, v0  }
0x11c: {  	v0 =	vshrl.u32 v0, $0xE;
	[tilespmem:$0x4FB0] =	vst v1  }
0x11d: {  	[tilespmem:$0x5070] =	vst v0  }
0x11e: {  	v0 =	vld [tilespmem:s6+$0x40];
	_ =	sdelay $0x4  }
0x11f: {  	v1 =	vand.u32 $0x3FFF, v0  }
0x120: {  	v0 =	vshrl.u32 v0, $0xE;
	[tilespmem:$0x4FC0] =	vst v1  }
0x121: {  	[tilespmem:$0x5080] =	vst v0  }
0x122: {  	v0 =	vld [tilespmem:s6+$0x50];
	_ =	sdelay $0x4  }
0x123: {  	v1 =	vand.u32 $0x3FFF, v0  }
0x124: {  	v0 =	vshrl.u32 v0, $0xE;
	[tilespmem:$0x4FD0] =	vst v1  }
0x125: {  	[tilespmem:$0x5090] =	vst v0  }
0x126: {  	v0 =	vld [tilespmem:s6+$0x60];
	_ =	sdelay $0x4  }
0x127: {  	v1 =	vand.u32 $0x3FFF, v0  }
0x128: {  	v0 =	vshrl.u32 v0, $0xE;
	[tilespmem:$0x4FE0] =	vst v1  }
0x129: {  	[tilespmem:$0x50A0] =	vst v0  }
0x12a: {  	v0 =	vld [tilespmem:s6+$0x70];
	_ =	sdelay $0x4  }
0x12b: {  	v1 =	vand.u32 $0x3FFF, v0  }
0x12c: {  	v0 =	vshrl.u32 v0, $0xE;
	[tilespmem:$0x4FF0] =	vst v1  }
0x12d: {  	[tilespmem:$0x50B0] =	vst v0  }
0x12e: {  	v0 =	vld [tilespmem:s6+$0x80];
	_ =	sdelay $0x4  }
0x12f: {  	v1 =	vand.u32 $0x3FFF, v0  }
0x130: {  	v0 =	vshrl.u32 v0, $0xE;
	[tilespmem:$0x5000] =	vst v1  }
0x131: {  	[tilespmem:$0x50C0] =	vst v0  }
0x132: {  	v0 =	vld [tilespmem:s6+$0x90];
	_ =	sdelay $0x4  }
0x133: {  	v1 =	vand.u32 $0x3FFF, v0  }
0x134: {  	v0 =	vshrl.u32 v0, $0xE;
	[tilespmem:$0x5010] =	vst v1  }
0x135: {  	[tilespmem:$0x50D0] =	vst v0  }
0x136: {  	v0 =	vld [tilespmem:s6+$0xA0];
	_ =	sdelay $0x4  }
0x137: {  	v1 =	vand.u32 $0x3FFF, v0  }
0x138: {  	v0 =	vshrl.u32 v0, $0xE;
	[tilespmem:$0x5020] =	vst v1  }
0x139: {  	[tilespmem:$0x50E0] =	vst v0  }
0x13a: {  	v0 =	vld [tilespmem:s6+$0xB0];
	_ =	sdelay $0x4  }
0x13b: {  	v1 =	vand.u32 $0x3FFF, v0  }
0x13c: {  	v0 =	vshrl.u32 v0, $0xE;
	[tilespmem:$0x5030] =	vst v1  }
0x13d: {  	[tilespmem:$0x50F0] =	vst v0  }
0x13e: {  	[tilespmem:s16], [sflag:$0x1] =	stream.indirect.gather [spmem:s2], $0x40, s15, s14, $0xb8;
	[tilespmem:$0x1F280] =	vst v63  }
0x13f: {  	v0 =	vld [tilespmem:s6+$0xC0];
	_ =	sdelay $0x4  }
0x140: {  	v1 =	vand.u32 $0x3FFF, v0  }
0x141: {  	v0 =	vshrl.u32 v0, $0xE;
	[tilespmem:$0x5100] =	vst v1  }
0x142: {  	[tilespmem:$0x51C0] =	vst v0  }
0x143: {  	v0 =	vld [tilespmem:s6+$0xD0];
	_ =	sdelay $0x4  }
0x144: {  	v1 =	vand.u32 $0x3FFF, v0  }
0x145: {  	v0 =	vshrl.u32 v0, $0xE;
	[tilespmem:$0x5110] =	vst v1  }
0x146: {  	[tilespmem:$0x51D0] =	vst v0  }
0x147: {  	v0 =	vld [tilespmem:s6+$0xE0];
	_ =	sdelay $0x4  }
0x148: {  	v1 =	vand.u32 $0x3FFF, v0  }
0x149: {  	v0 =	vshrl.u32 v0, $0xE;
	[tilespmem:$0x5120] =	vst v1  }
0x14a: {  	[tilespmem:$0x51E0] =	vst v0  }
0x14b: {  	v0 =	vld [tilespmem:s6+$0xF0];
	_ =	sdelay $0x4  }
0x14c: {  	v1 =	vand.u32 $0x3FFF, v0  }
0x14d: {  	v0 =	vshrl.u32 v0, $0xE;
	[tilespmem:$0x5130] =	vst v1  }
0x14e: {  	[tilespmem:$0x51F0] =	vst v0  }
0x14f: {  	v0 =	vld [tilespmem:s6+$0x100];
	_ =	sdelay $0x4  }
0x150: {  	v1 =	vand.u32 $0x3FFF, v0  }
0x151: {  	v0 =	vshrl.u32 v0, $0xE;
	[tilespmem:$0x5140] =	vst v1  }
0x152: {  	[tilespmem:$0x5200] =	vst v0  }
0x153: {  	v0 =	vld [tilespmem:s6+$0x110];
	_ =	sdelay $0x4  }
0x154: {  	v1 =	vand.u32 $0x3FFF, v0  }
0x155: {  	v0 =	vshrl.u32 v0, $0xE;
	[tilespmem:$0x5150] =	vst v1  }
0x156: {  	[tilespmem:$0x5210] =	vst v0  }
0x157: {  	v0 =	vld [tilespmem:s6+$0x120];
	_ =	sdelay $0x4  }
0x158: {  	v1 =	vand.u32 $0x3FFF, v0  }
0x159: {  	v0 =	vshrl.u32 v0, $0xE;
	[tilespmem:$0x5160] =	vst v1  }
0x15a: {  	[tilespmem:$0x5220] =	vst v0  }
0x15b: {  	v0 =	vld [tilespmem:s6+$0x130];
	_ =	sdelay $0x4  }
0x15c: {  	v1 =	vand.u32 $0x3FFF, v0  }
0x15d: {  	v0 =	vshrl.u32 v0, $0xE;
	[tilespmem:$0x5170] =	vst v1  }
0x15e: {  	[tilespmem:$0x5230] =	vst v0  }
0x15f: {  	v0 =	vld [tilespmem:s6+$0x140];
	_ =	sdelay $0x4  }
0x160: {  	v1 =	vand.u32 $0x3FFF, v0  }
0x161: {  	v0 =	vshrl.u32 v0, $0xE;
	[tilespmem:$0x5180] =	vst v1  }
0x162: {  	[tilespmem:$0x5240] =	vst v0  }
0x163: {  	v0 =	vld [tilespmem:s6+$0x150];
	_ =	sdelay $0x4  }
0x164: {  	v1 =	vand.u32 $0x3FFF, v0  }
0x165: {  	v0 =	vshrl.u32 v0, $0xE;
	[tilespmem:$0x5190] =	vst v1  }
0x166: {  	[tilespmem:$0x5250] =	vst v0  }
0x167: {  	v0 =	vld [tilespmem:s6+$0x160];
	_ =	sdelay $0x4  }
0x168: {  	s7 =	simm.s32 $0x600;
	v1 =	vand.u32 $0x3FFF, v0;
	v0 =	vshrl.u32 v0, $0xE  }
.LBB2_4:
0x169: {  	p0 =	sne.s32 s7, $0x13800;
	[tilespmem:$0x51A0] =	vst v1;
	s10 =	smov.u32 s7;
	s7 =	sadd.s32 $0x600, s7  }
0x16a: {  	[tilespmem:$0x5260] =	vst v0  }
0x16b: {  	v0 =	vld [tilespmem:s6+$0x170];
	_ =	sdelay $0x4  }
0x16c: {  	v1 =	vand.u32 $0x3FFF, v0;
	v0 =	vshrl.u32 v0, $0xE  }
0x16d: {  	[tilespmem:$0x51B0] =	vst v1  }
0x16e: {  	[tilespmem:$0x5270] =	vst v0  }
0x16f: {  	[tilespmem:s25], [sflag:$0x2] =	stream.indirect.gather [spmem:s2], $0x40, s17, s14, $0xb8;
	[tilespmem:$0x1F280] =	vst v63  }
0x170: {  	_ =	swait.ge [sflag:s26], $0x3000  }
0x171: {  	[sflag:s26] =	ssyncset.done $0x0  }
0x172: {  	[sflag:s26] =	ssyncadd.s32 $0xFFFFD000  }
0x173: {  	[spmem:s1] =	stream.indirect.scatter.add.f32 [tilespmem:s16], [sflag:$0x4], $0x40, s28, s14, $0xb8;
	[tilespmem:$0x1F280] =	vst v63  }
0x174: {  	_ =	swait.ge [sflag:s29], $0x3000  }
0x175: {  	[sflag:s29] =	ssyncset.done $0x0  }
0x176: {  	[sflag:s29] =	ssyncadd.s32 $0xFFFFD000  }
0x177: {  	[spmem:s1] =	stream.indirect.scatter.add.f32 [tilespmem:s25], [sflag:$0x5], $0x40, s30, s14, $0xb8;
	[tilespmem:$0x1F280] =	vst v63  }
0x178: {  	_ =	swait.ge [sflag:s9], $0x3000  }
0x179: {  	[sflag:s9] =	ssyncset.done $0x0  }
0x17a: {  	[sflag:s9] =	ssyncadd.s32 $0xFFFFD000  }
0x17b: {  	_ =	swait.ge [sflag:s31], $0x3000  }
0x17c: {  	[sflag:s31] =	ssyncset.done $0x0  }
0x17d: {  	s6 =	sshra.s32 s10, $0x2;
	[sflag:s31] =	ssyncadd.s32 $0xFFFFD000  }
0x17e: {  	v0 =	vld [tilespmem:s6+$0x0];
	_ =	sdelay $0x4  }
0x17f: {  	v1 =	vand.u32 $0x3FFF, v0;
	v0 =	vshrl.u32 v0, $0xE  }
0x180: {  	[tilespmem:$0x4F80] =	vst v1  }
0x181: {  	[tilespmem:$0x5040] =	vst v0  }
0x182: {  	v0 =	vld [tilespmem:s6+$0x10];
	_ =	sdelay $0x4  }
0x183: {  	v1 =	vand.u32 $0x3FFF, v0;
	v0 =	vshrl.u32 v0, $0xE  }
0x184: {  	[tilespmem:$0x4F90] =	vst v1  }
0x185: {  	[tilespmem:$0x5050] =	vst v0  }
0x186: {  	v0 =	vld [tilespmem:s6+$0x20];
	_ =	sdelay $0x4  }
0x187: {  	v1 =	vand.u32 $0x3FFF, v0;
	v0 =	vshrl.u32 v0, $0xE  }
0x188: {  	[tilespmem:$0x4FA0] =	vst v1  }
0x189: {  	[tilespmem:$0x5060] =	vst v0  }
0x18a: {  	v0 =	vld [tilespmem:s6+$0x30];
	_ =	sdelay $0x4  }
0x18b: {  	v1 =	vand.u32 $0x3FFF, v0;
	v0 =	vshrl.u32 v0, $0xE  }
0x18c: {  	[tilespmem:$0x4FB0] =	vst v1  }
0x18d: {  	[tilespmem:$0x5070] =	vst v0  }
0x18e: {  	v0 =	vld [tilespmem:s6+$0x40];
	_ =	sdelay $0x4  }
0x18f: {  	v1 =	vand.u32 $0x3FFF, v0;
	v0 =	vshrl.u32 v0, $0xE  }
0x190: {  	[tilespmem:$0x4FC0] =	vst v1  }
0x191: {  	[tilespmem:$0x5080] =	vst v0  }
0x192: {  	v0 =	vld [tilespmem:s6+$0x50];
	_ =	sdelay $0x4  }
0x193: {  	v1 =	vand.u32 $0x3FFF, v0;
	v0 =	vshrl.u32 v0, $0xE  }
0x194: {  	[tilespmem:$0x4FD0] =	vst v1  }
0x195: {  	[tilespmem:$0x5090] =	vst v0  }
0x196: {  	v0 =	vld [tilespmem:s6+$0x60];
	_ =	sdelay $0x4  }
0x197: {  	v1 =	vand.u32 $0x3FFF, v0;
	v0 =	vshrl.u32 v0, $0xE  }
0x198: {  	[tilespmem:$0x4FE0] =	vst v1  }
0x199: {  	[tilespmem:$0x50A0] =	vst v0  }
0x19a: {  	v0 =	vld [tilespmem:s6+$0x70];
	_ =	sdelay $0x4  }
0x19b: {  	v1 =	vand.u32 $0x3FFF, v0;
	v0 =	vshrl.u32 v0, $0xE  }
0x19c: {  	[tilespmem:$0x4FF0] =	vst v1  }
0x19d: {  	[tilespmem:$0x50B0] =	vst v0  }
0x19e: {  	v0 =	vld [tilespmem:s6+$0x80];
	_ =	sdelay $0x4  }
0x19f: {  	v1 =	vand.u32 $0x3FFF, v0;
	v0 =	vshrl.u32 v0, $0xE  }
0x1a0: {  	[tilespmem:$0x5000] =	vst v1  }
0x1a1: {  	[tilespmem:$0x50C0] =	vst v0  }
0x1a2: {  	v0 =	vld [tilespmem:s6+$0x90];
	_ =	sdelay $0x4  }
0x1a3: {  	v1 =	vand.u32 $0x3FFF, v0;
	v0 =	vshrl.u32 v0, $0xE  }
0x1a4: {  	[tilespmem:$0x5010] =	vst v1  }
0x1a5: {  	[tilespmem:$0x50D0] =	vst v0  }
0x1a6: {  	v0 =	vld [tilespmem:s6+$0xA0];
	_ =	sdelay $0x4  }
0x1a7: {  	v1 =	vand.u32 $0x3FFF, v0;
	v0 =	vshrl.u32 v0, $0xE  }
0x1a8: {  	[tilespmem:$0x5020] =	vst v1  }
0x1a9: {  	[tilespmem:$0x50E0] =	vst v0  }
0x1aa: {  	v0 =	vld [tilespmem:s6+$0xB0];
	_ =	sdelay $0x4  }
0x1ab: {  	v1 =	vand.u32 $0x3FFF, v0;
	v0 =	vshrl.u32 v0, $0xE  }
0x1ac: {  	[tilespmem:$0x5030] =	vst v1  }
0x1ad: {  	[tilespmem:$0x50F0] =	vst v0  }
0x1ae: {  	[tilespmem:s16], [sflag:$0x1] =	stream.indirect.gather [spmem:s2], $0x40, s15, s14, $0xb8;
	[tilespmem:$0x1F280] =	vst v63  }
0x1af: {  	v0 =	vld [tilespmem:s6+$0xC0];
	_ =	sdelay $0x4  }
0x1b0: {  	v1 =	vand.u32 $0x3FFF, v0;
	v0 =	vshrl.u32 v0, $0xE  }
0x1b1: {  	[tilespmem:$0x5100] =	vst v1  }
0x1b2: {  	[tilespmem:$0x51C0] =	vst v0  }
0x1b3: {  	v0 =	vld [tilespmem:s6+$0xD0];
	_ =	sdelay $0x4  }
0x1b4: {  	v1 =	vand.u32 $0x3FFF, v0;
	v0 =	vshrl.u32 v0, $0xE  }
0x1b5: {  	[tilespmem:$0x5110] =	vst v1  }
0x1b6: {  	[tilespmem:$0x51D0] =	vst v0  }
0x1b7: {  	v0 =	vld [tilespmem:s6+$0xE0];
	_ =	sdelay $0x4  }
0x1b8: {  	v1 =	vand.u32 $0x3FFF, v0;
	v0 =	vshrl.u32 v0, $0xE  }
0x1b9: {  	[tilespmem:$0x5120] =	vst v1  }
0x1ba: {  	[tilespmem:$0x51E0] =	vst v0  }
0x1bb: {  	v0 =	vld [tilespmem:s6+$0xF0];
	_ =	sdelay $0x4  }
0x1bc: {  	v1 =	vand.u32 $0x3FFF, v0;
	v0 =	vshrl.u32 v0, $0xE  }
0x1bd: {  	[tilespmem:$0x5130] =	vst v1  }
0x1be: {  	[tilespmem:$0x51F0] =	vst v0  }
0x1bf: {  	v0 =	vld [tilespmem:s6+$0x100];
	_ =	sdelay $0x4  }
0x1c0: {  	v1 =	vand.u32 $0x3FFF, v0;
	v0 =	vshrl.u32 v0, $0xE  }
0x1c1: {  	[tilespmem:$0x5140] =	vst v1  }
0x1c2: {  	[tilespmem:$0x5200] =	vst v0  }
0x1c3: {  	v0 =	vld [tilespmem:s6+$0x110];
	_ =	sdelay $0x4  }
0x1c4: {  	v1 =	vand.u32 $0x3FFF, v0;
	v0 =	vshrl.u32 v0, $0xE  }
0x1c5: {  	[tilespmem:$0x5150] =	vst v1  }
0x1c6: {  	[tilespmem:$0x5210] =	vst v0  }
0x1c7: {  	v0 =	vld [tilespmem:s6+$0x120];
	_ =	sdelay $0x4  }
0x1c8: {  	v1 =	vand.u32 $0x3FFF, v0;
	v0 =	vshrl.u32 v0, $0xE  }
0x1c9: {  	[tilespmem:$0x5160] =	vst v1  }
0x1ca: {  	[tilespmem:$0x5220] =	vst v0  }
0x1cb: {  	v0 =	vld [tilespmem:s6+$0x130];
	_ =	sdelay $0x4  }
0x1cc: {  	v1 =	vand.u32 $0x3FFF, v0;
	v0 =	vshrl.u32 v0, $0xE  }
0x1cd: {  	[tilespmem:$0x5170] =	vst v1  }
0x1ce: {  	[tilespmem:$0x5230] =	vst v0  }
0x1cf: {  	v0 =	vld [tilespmem:s6+$0x140];
	_ =	sdelay $0x4  }
0x1d0: {  	v1 =	vand.u32 $0x3FFF, v0;
	v0 =	vshrl.u32 v0, $0xE  }
0x1d1: {  	[tilespmem:$0x5180] =	vst v1  }
0x1d2: {  	[tilespmem:$0x5240] =	vst v0  }
0x1d3: {  	v0 =	vld [tilespmem:s6+$0x150];
	_ =	sdelay $0x4  }
0x1d4: {  	v1 =	vand.u32 $0x3FFF, v0;
	v0 =	vshrl.u32 v0, $0xE  }
0x1d5: {  	[tilespmem:$0x5190] =	vst v1  }
0x1d6: {  	[tilespmem:$0x5250] =	vst v0  }
0x1d7: {  	v0 =	vld [tilespmem:s6+$0x160]  }
.Ltmp1:
0x1d8: {  	(pc) =	sbr.rel @p0 .LBB2_4-.Ltmp1, $2  }
0x1d9: {  	_ =	sdelay $0x2  }
0x1da: {  	v1 =	vand.u32 $0x3FFF, v0;
	v0 =	vshrl.u32 v0, $0xE  }
0x1db: {  	[tilespmem:$0x51A0] =	vst v1  }
0x1dc: {  	[tilespmem:$0x5260] =	vst v0  }
0x1dd: {  	v0 =	vld [tilespmem:s6+$0x170];
	_ =	sdelay $0x4  }
0x1de: {  	v1 =	vand.u32 $0x3FFF, v0  }
0x1df: {  	v0 =	vshrl.u32 v0, $0xE;
	[tilespmem:$0x51B0] =	vst v1  }
0x1e0: {  	[tilespmem:$0x5270] =	vst v0  }
0x1e1: {  	[tilespmem:s25], [sflag:$0x2] =	stream.indirect.gather [spmem:s2], $0x40, s17, s14, $0xb8;
	[tilespmem:$0x1F280] =	vst v63  }
0x1e2: {  	_ =	swait.ge [sflag:s26], $0x3000  }
0x1e3: {  	[sflag:s26] =	ssyncset.done $0x0  }
0x1e4: {  	[sflag:s26] =	ssyncadd.s32 $0xFFFFD000  }
0x1e5: {  	[spmem:s1] =	stream.indirect.scatter.add.f32 [tilespmem:s16], [sflag:$0x4], $0x40, s28, s14, $0xb8;
	[tilespmem:$0x1F280] =	vst v63  }
0x1e6: {  	_ =	swait.ge [sflag:s29], $0x3000  }
0x1e7: {  	[sflag:s29] =	ssyncset.done $0x0  }
0x1e8: {  	[sflag:s29] =	ssyncadd.s32 $0xFFFFD000  }
0x1e9: {  	[spmem:s1] =	stream.indirect.scatter.add.f32 [tilespmem:s25], [sflag:$0x5], $0x40, s30, s14, $0xb8;
	[tilespmem:$0x1F280] =	vst v63  }
0x1ea: {  	_ =	swait.ge [sflag:s9], $0x3000  }
0x1eb: {  	[sflag:s9] =	ssyncset.done $0x0  }
0x1ec: {  	[sflag:s9] =	ssyncadd.s32 $0xFFFFD000  }
0x1ed: {  	_ =	swait.ge [sflag:s31], $0x3000  }
0x1ee: {  	[sflag:s31] =	ssyncset.done $0x0  }
0x1ef: {  	[sflag:s31] =	ssyncadd.s32 $0xFFFFD000  }
0x1f0: {  	[bflag:$0x0] =	sbarrier.arrive $0xFFFF  }
0x1f1: {  	_ =	swait.ge [sflag:s0], $0x1400  }
0x1f2: {  	[sflag:s0] =	ssyncset.done $0x0  }
0x1f3: {  	[sflag:s0] =	ssyncadd.s32 $0xFFFFEC00  }
0x1f4: {  	[spmem:s13], [sflag:s11] =	dma.local [hbm:s5], $0x1400  }
0x1f5: {  	_ =	swait.ge [sflag:s9], $0x1400  }
0x1f6: {  	[sflag:s9] =	ssyncset.done $0x0  }
0x1f7: {  	[sflag:s9] =	ssyncadd.s32 $0xFFFFEC00  }
0x1f8: {  	[hbm:s19], [sflag:s3] =	dma.local [spmem:s12], $0x1400  }
0x1f9: {  	s6 =	simm.s32 $0x0;
	[bflag:$0x0] =	sbarrier.arrive $0xFFFF  }
0x1fa: {  	v0 =	vld [tilespmem:s6+$0x0];
	_ =	sdelay $0x4  }
0x1fb: {  	v1 =	vand.u32 $0x3FFF, v0  }
0x1fc: {  	v0 =	vshrl.u32 v0, $0xE;
	[tilespmem:$0x4F80] =	vst v1  }
0x1fd: {  	[tilespmem:$0x5040] =	vst v0  }
0x1fe: {  	v0 =	vld [tilespmem:s6+$0x10];
	_ =	sdelay $0x4  }
0x1ff: {  	v1 =	vand.u32 $0x3FFF, v0  }
0x200: {  	v0 =	vshrl.u32 v0, $0xE;
	[tilespmem:$0x4F90] =	vst v1  }
0x201: {  	[tilespmem:$0x5050] =	vst v0  }
0x202: {  	v0 =	vld [tilespmem:s6+$0x20];
	_ =	sdelay $0x4  }
0x203: {  	v1 =	vand.u32 $0x3FFF, v0  }
0x204: {  	v0 =	vshrl.u32 v0, $0xE;
	[tilespmem:$0x4FA0] =	vst v1  }
0x205: {  	[tilespmem:$0x5060] =	vst v0  }
0x206: {  	v0 =	vld [tilespmem:s6+$0x30];
	_ =	sdelay $0x4  }
0x207: {  	v1 =	vand.u32 $0x3FFF, v0  }
0x208: {  	v0 =	vshrl.u32 v0, $0xE;
	[tilespmem:$0x4FB0] =	vst v1  }
0x209: {  	[tilespmem:$0x5070] =	vst v0  }
0x20a: {  	v0 =	vld [tilespmem:s6+$0x40];
	_ =	sdelay $0x4  }
0x20b: {  	v1 =	vand.u32 $0x3FFF, v0  }
0x20c: {  	v0 =	vshrl.u32 v0, $0xE;
	[tilespmem:$0x4FC0] =	vst v1  }
0x20d: {  	[tilespmem:$0x5080] =	vst v0  }
0x20e: {  	v0 =	vld [tilespmem:s6+$0x50];
	_ =	sdelay $0x4  }
0x20f: {  	v1 =	vand.u32 $0x3FFF, v0  }
0x210: {  	v0 =	vshrl.u32 v0, $0xE;
	[tilespmem:$0x4FD0] =	vst v1  }
0x211: {  	[tilespmem:$0x5090] =	vst v0  }
0x212: {  	v0 =	vld [tilespmem:s6+$0x60];
	_ =	sdelay $0x4  }
0x213: {  	v1 =	vand.u32 $0x3FFF, v0  }
0x214: {  	v0 =	vshrl.u32 v0, $0xE;
	[tilespmem:$0x4FE0] =	vst v1  }
0x215: {  	[tilespmem:$0x50A0] =	vst v0  }
0x216: {  	v0 =	vld [tilespmem:s6+$0x70];
	_ =	sdelay $0x4  }
0x217: {  	v1 =	vand.u32 $0x3FFF, v0  }
0x218: {  	v0 =	vshrl.u32 v0, $0xE;
	[tilespmem:$0x4FF0] =	vst v1  }
0x219: {  	[tilespmem:$0x50B0] =	vst v0  }
0x21a: {  	v0 =	vld [tilespmem:s6+$0x80];
	_ =	sdelay $0x4  }
0x21b: {  	v1 =	vand.u32 $0x3FFF, v0  }
0x21c: {  	v0 =	vshrl.u32 v0, $0xE;
	[tilespmem:$0x5000] =	vst v1  }
0x21d: {  	[tilespmem:$0x50C0] =	vst v0  }
0x21e: {  	v0 =	vld [tilespmem:s6+$0x90];
	_ =	sdelay $0x4  }
0x21f: {  	v1 =	vand.u32 $0x3FFF, v0  }
0x220: {  	v0 =	vshrl.u32 v0, $0xE;
	[tilespmem:$0x5010] =	vst v1  }
0x221: {  	[tilespmem:$0x50D0] =	vst v0  }
0x222: {  	v0 =	vld [tilespmem:s6+$0xA0];
	_ =	sdelay $0x4  }
0x223: {  	v1 =	vand.u32 $0x3FFF, v0  }
0x224: {  	v0 =	vshrl.u32 v0, $0xE;
	[tilespmem:$0x5020] =	vst v1  }
0x225: {  	[tilespmem:$0x50E0] =	vst v0  }
0x226: {  	v0 =	vld [tilespmem:s6+$0xB0];
	_ =	sdelay $0x4  }
0x227: {  	v1 =	vand.u32 $0x3FFF, v0  }
0x228: {  	v0 =	vshrl.u32 v0, $0xE;
	[tilespmem:$0x5030] =	vst v1  }
0x229: {  	[tilespmem:$0x50F0] =	vst v0  }
0x22a: {  	[tilespmem:s16], [sflag:$0x1] =	stream.indirect.gather [spmem:s1], $0x40, s15, s14, $0xb8;
	[tilespmem:$0x1F280] =	vst v63  }
0x22b: {  	v0 =	vld [tilespmem:s6+$0xC0];
	_ =	sdelay $0x4  }
0x22c: {  	v1 =	vand.u32 $0x3FFF, v0  }
0x22d: {  	v0 =	vshrl.u32 v0, $0xE;
	[tilespmem:$0x5100] =	vst v1  }
0x22e: {  	[tilespmem:$0x51C0] =	vst v0  }
0x22f: {  	v0 =	vld [tilespmem:s6+$0xD0];
	_ =	sdelay $0x4  }
0x230: {  	v1 =	vand.u32 $0x3FFF, v0  }
0x231: {  	v0 =	vshrl.u32 v0, $0xE;
	[tilespmem:$0x5110] =	vst v1  }
0x232: {  	[tilespmem:$0x51D0] =	vst v0  }
0x233: {  	v0 =	vld [tilespmem:s6+$0xE0];
	_ =	sdelay $0x4  }
0x234: {  	v1 =	vand.u32 $0x3FFF, v0  }
0x235: {  	v0 =	vshrl.u32 v0, $0xE;
	[tilespmem:$0x5120] =	vst v1  }
0x236: {  	[tilespmem:$0x51E0] =	vst v0  }
0x237: {  	v0 =	vld [tilespmem:s6+$0xF0];
	_ =	sdelay $0x4  }
0x238: {  	v1 =	vand.u32 $0x3FFF, v0  }
0x239: {  	v0 =	vshrl.u32 v0, $0xE;
	[tilespmem:$0x5130] =	vst v1  }
0x23a: {  	[tilespmem:$0x51F0] =	vst v0  }
0x23b: {  	v0 =	vld [tilespmem:s6+$0x100];
	_ =	sdelay $0x4  }
0x23c: {  	v1 =	vand.u32 $0x3FFF, v0  }
0x23d: {  	v0 =	vshrl.u32 v0, $0xE;
	[tilespmem:$0x5140] =	vst v1  }
0x23e: {  	[tilespmem:$0x5200] =	vst v0  }
0x23f: {  	v0 =	vld [tilespmem:s6+$0x110];
	_ =	sdelay $0x4  }
0x240: {  	v1 =	vand.u32 $0x3FFF, v0  }
0x241: {  	v0 =	vshrl.u32 v0, $0xE;
	[tilespmem:$0x5150] =	vst v1  }
0x242: {  	[tilespmem:$0x5210] =	vst v0  }
0x243: {  	v0 =	vld [tilespmem:s6+$0x120];
	_ =	sdelay $0x4  }
0x244: {  	v1 =	vand.u32 $0x3FFF, v0  }
0x245: {  	v0 =	vshrl.u32 v0, $0xE;
	[tilespmem:$0x5160] =	vst v1  }
0x246: {  	[tilespmem:$0x5220] =	vst v0  }
0x247: {  	v0 =	vld [tilespmem:s6+$0x130];
	_ =	sdelay $0x4  }
0x248: {  	v1 =	vand.u32 $0x3FFF, v0  }
0x249: {  	v0 =	vshrl.u32 v0, $0xE;
	[tilespmem:$0x5170] =	vst v1  }
0x24a: {  	[tilespmem:$0x5230] =	vst v0  }
0x24b: {  	v0 =	vld [tilespmem:s6+$0x140];
	_ =	sdelay $0x4  }
0x24c: {  	v1 =	vand.u32 $0x3FFF, v0  }
0x24d: {  	v0 =	vshrl.u32 v0, $0xE;
	[tilespmem:$0x5180] =	vst v1  }
0x24e: {  	[tilespmem:$0x5240] =	vst v0  }
0x24f: {  	v0 =	vld [tilespmem:s6+$0x150];
	_ =	sdelay $0x4  }
0x250: {  	v1 =	vand.u32 $0x3FFF, v0  }
0x251: {  	v0 =	vshrl.u32 v0, $0xE;
	[tilespmem:$0x5190] =	vst v1  }
0x252: {  	[tilespmem:$0x5250] =	vst v0  }
0x253: {  	v0 =	vld [tilespmem:s6+$0x160];
	_ =	sdelay $0x4  }
0x254: {  	s7 =	simm.s32 $0x600;
	v1 =	vand.u32 $0x3FFF, v0;
	v0 =	vshrl.u32 v0, $0xE  }
.LBB2_6:
0x255: {  	p0 =	sne.s32 s7, $0x13800;
	[tilespmem:$0x51A0] =	vst v1;
	s10 =	smov.u32 s7;
	s7 =	sadd.s32 $0x600, s7  }
0x256: {  	[tilespmem:$0x5260] =	vst v0  }
0x257: {  	v0 =	vld [tilespmem:s6+$0x170];
	_ =	sdelay $0x4  }
0x258: {  	v1 =	vand.u32 $0x3FFF, v0;
	v0 =	vshrl.u32 v0, $0xE  }
0x259: {  	[tilespmem:$0x51B0] =	vst v1  }
0x25a: {  	[tilespmem:$0x5270] =	vst v0  }
0x25b: {  	[tilespmem:s25], [sflag:$0x2] =	stream.indirect.gather [spmem:s1], $0x40, s17, s14, $0xb8;
	[tilespmem:$0x1F280] =	vst v63  }
0x25c: {  	_ =	swait.ge [sflag:s26], $0x3000  }
0x25d: {  	[sflag:s26] =	ssyncset.done $0x0  }
0x25e: {  	[sflag:s26] =	ssyncadd.s32 $0xFFFFD000  }
0x25f: {  	[spmem:s2] =	stream.indirect.scatter.add.f32 [tilespmem:s16], [sflag:$0x4], $0x40, s28, s14, $0xb8;
	[tilespmem:$0x1F280] =	vst v63  }
0x260: {  	_ =	swait.ge [sflag:s29], $0x3000  }
0x261: {  	[sflag:s29] =	ssyncset.done $0x0  }
0x262: {  	[sflag:s29] =	ssyncadd.s32 $0xFFFFD000  }
0x263: {  	[spmem:s2] =	stream.indirect.scatter.add.f32 [tilespmem:s25], [sflag:$0x5], $0x40, s30, s14, $0xb8;
	[tilespmem:$0x1F280] =	vst v63  }
0x264: {  	_ =	swait.ge [sflag:s9], $0x3000  }
0x265: {  	[sflag:s9] =	ssyncset.done $0x0  }
0x266: {  	[sflag:s9] =	ssyncadd.s32 $0xFFFFD000  }
0x267: {  	_ =	swait.ge [sflag:s31], $0x3000  }
0x268: {  	[sflag:s31] =	ssyncset.done $0x0  }
0x269: {  	s6 =	sshra.s32 s10, $0x2;
	[sflag:s31] =	ssyncadd.s32 $0xFFFFD000  }
0x26a: {  	v0 =	vld [tilespmem:s6+$0x0];
	_ =	sdelay $0x4  }
0x26b: {  	v1 =	vand.u32 $0x3FFF, v0;
	v0 =	vshrl.u32 v0, $0xE  }
0x26c: {  	[tilespmem:$0x4F80] =	vst v1  }
0x26d: {  	[tilespmem:$0x5040] =	vst v0  }
0x26e: {  	v0 =	vld [tilespmem:s6+$0x10];
	_ =	sdelay $0x4  }
0x26f: {  	v1 =	vand.u32 $0x3FFF, v0;
	v0 =	vshrl.u32 v0, $0xE  }
0x270: {  	[tilespmem:$0x4F90] =	vst v1  }
0x271: {  	[tilespmem:$0x5050] =	vst v0  }
0x272: {  	v0 =	vld [tilespmem:s6+$0x20];
	_ =	sdelay $0x4  }
0x273: {  	v1 =	vand.u32 $0x3FFF, v0;
	v0 =	vshrl.u32 v0, $0xE  }
0x274: {  	[tilespmem:$0x4FA0] =	vst v1  }
0x275: {  	[tilespmem:$0x5060] =	vst v0  }
0x276: {  	v0 =	vld [tilespmem:s6+$0x30];
	_ =	sdelay $0x4  }
0x277: {  	v1 =	vand.u32 $0x3FFF, v0;
	v0 =	vshrl.u32 v0, $0xE  }
0x278: {  	[tilespmem:$0x4FB0] =	vst v1  }
0x279: {  	[tilespmem:$0x5070] =	vst v0  }
0x27a: {  	v0 =	vld [tilespmem:s6+$0x40];
	_ =	sdelay $0x4  }
0x27b: {  	v1 =	vand.u32 $0x3FFF, v0;
	v0 =	vshrl.u32 v0, $0xE  }
0x27c: {  	[tilespmem:$0x4FC0] =	vst v1  }
0x27d: {  	[tilespmem:$0x5080] =	vst v0  }
0x27e: {  	v0 =	vld [tilespmem:s6+$0x50];
	_ =	sdelay $0x4  }
0x27f: {  	v1 =	vand.u32 $0x3FFF, v0;
	v0 =	vshrl.u32 v0, $0xE  }
0x280: {  	[tilespmem:$0x4FD0] =	vst v1  }
0x281: {  	[tilespmem:$0x5090] =	vst v0  }
0x282: {  	v0 =	vld [tilespmem:s6+$0x60];
	_ =	sdelay $0x4  }
0x283: {  	v1 =	vand.u32 $0x3FFF, v0;
	v0 =	vshrl.u32 v0, $0xE  }
0x284: {  	[tilespmem:$0x4FE0] =	vst v1  }
0x285: {  	[tilespmem:$0x50A0] =	vst v0  }
0x286: {  	v0 =	vld [tilespmem:s6+$0x70];
	_ =	sdelay $0x4  }
0x287: {  	v1 =	vand.u32 $0x3FFF, v0;
	v0 =	vshrl.u32 v0, $0xE  }
0x288: {  	[tilespmem:$0x4FF0] =	vst v1  }
0x289: {  	[tilespmem:$0x50B0] =	vst v0  }
0x28a: {  	v0 =	vld [tilespmem:s6+$0x80];
	_ =	sdelay $0x4  }
0x28b: {  	v1 =	vand.u32 $0x3FFF, v0;
	v0 =	vshrl.u32 v0, $0xE  }
0x28c: {  	[tilespmem:$0x5000] =	vst v1  }
0x28d: {  	[tilespmem:$0x50C0] =	vst v0  }
0x28e: {  	v0 =	vld [tilespmem:s6+$0x90];
	_ =	sdelay $0x4  }
0x28f: {  	v1 =	vand.u32 $0x3FFF, v0;
	v0 =	vshrl.u32 v0, $0xE  }
0x290: {  	[tilespmem:$0x5010] =	vst v1  }
0x291: {  	[tilespmem:$0x50D0] =	vst v0  }
0x292: {  	v0 =	vld [tilespmem:s6+$0xA0];
	_ =	sdelay $0x4  }
0x293: {  	v1 =	vand.u32 $0x3FFF, v0;
	v0 =	vshrl.u32 v0, $0xE  }
0x294: {  	[tilespmem:$0x5020] =	vst v1  }
0x295: {  	[tilespmem:$0x50E0] =	vst v0  }
0x296: {  	v0 =	vld [tilespmem:s6+$0xB0];
	_ =	sdelay $0x4  }
0x297: {  	v1 =	vand.u32 $0x3FFF, v0;
	v0 =	vshrl.u32 v0, $0xE  }
0x298: {  	[tilespmem:$0x5030] =	vst v1  }
0x299: {  	[tilespmem:$0x50F0] =	vst v0  }
0x29a: {  	[tilespmem:s16], [sflag:$0x1] =	stream.indirect.gather [spmem:s1], $0x40, s15, s14, $0xb8;
	[tilespmem:$0x1F280] =	vst v63  }
0x29b: {  	v0 =	vld [tilespmem:s6+$0xC0];
	_ =	sdelay $0x4  }
0x29c: {  	v1 =	vand.u32 $0x3FFF, v0;
	v0 =	vshrl.u32 v0, $0xE  }
0x29d: {  	[tilespmem:$0x5100] =	vst v1  }
0x29e: {  	[tilespmem:$0x51C0] =	vst v0  }
0x29f: {  	v0 =	vld [tilespmem:s6+$0xD0];
	_ =	sdelay $0x4  }
0x2a0: {  	v1 =	vand.u32 $0x3FFF, v0;
	v0 =	vshrl.u32 v0, $0xE  }
0x2a1: {  	[tilespmem:$0x5110] =	vst v1  }
0x2a2: {  	[tilespmem:$0x51D0] =	vst v0  }
0x2a3: {  	v0 =	vld [tilespmem:s6+$0xE0];
	_ =	sdelay $0x4  }
0x2a4: {  	v1 =	vand.u32 $0x3FFF, v0;
	v0 =	vshrl.u32 v0, $0xE  }
0x2a5: {  	[tilespmem:$0x5120] =	vst v1  }
0x2a6: {  	[tilespmem:$0x51E0] =	vst v0  }
0x2a7: {  	v0 =	vld [tilespmem:s6+$0xF0];
	_ =	sdelay $0x4  }
0x2a8: {  	v1 =	vand.u32 $0x3FFF, v0;
	v0 =	vshrl.u32 v0, $0xE  }
0x2a9: {  	[tilespmem:$0x5130] =	vst v1  }
0x2aa: {  	[tilespmem:$0x51F0] =	vst v0  }
0x2ab: {  	v0 =	vld [tilespmem:s6+$0x100];
	_ =	sdelay $0x4  }
0x2ac: {  	v1 =	vand.u32 $0x3FFF, v0;
	v0 =	vshrl.u32 v0, $0xE  }
0x2ad: {  	[tilespmem:$0x5140] =	vst v1  }
0x2ae: {  	[tilespmem:$0x5200] =	vst v0  }
0x2af: {  	v0 =	vld [tilespmem:s6+$0x110];
	_ =	sdelay $0x4  }
0x2b0: {  	v1 =	vand.u32 $0x3FFF, v0;
	v0 =	vshrl.u32 v0, $0xE  }
0x2b1: {  	[tilespmem:$0x5150] =	vst v1  }
0x2b2: {  	[tilespmem:$0x5210] =	vst v0  }
0x2b3: {  	v0 =	vld [tilespmem:s6+$0x120];
	_ =	sdelay $0x4  }
0x2b4: {  	v1 =	vand.u32 $0x3FFF, v0;
	v0 =	vshrl.u32 v0, $0xE  }
0x2b5: {  	[tilespmem:$0x5160] =	vst v1  }
0x2b6: {  	[tilespmem:$0x5220] =	vst v0  }
0x2b7: {  	v0 =	vld [tilespmem:s6+$0x130];
	_ =	sdelay $0x4  }
0x2b8: {  	v1 =	vand.u32 $0x3FFF, v0;
	v0 =	vshrl.u32 v0, $0xE  }
0x2b9: {  	[tilespmem:$0x5170] =	vst v1  }
0x2ba: {  	[tilespmem:$0x5230] =	vst v0  }
0x2bb: {  	v0 =	vld [tilespmem:s6+$0x140];
	_ =	sdelay $0x4  }
0x2bc: {  	v1 =	vand.u32 $0x3FFF, v0;
	v0 =	vshrl.u32 v0, $0xE  }
0x2bd: {  	[tilespmem:$0x5180] =	vst v1  }
0x2be: {  	[tilespmem:$0x5240] =	vst v0  }
0x2bf: {  	v0 =	vld [tilespmem:s6+$0x150];
	_ =	sdelay $0x4  }
0x2c0: {  	v1 =	vand.u32 $0x3FFF, v0;
	v0 =	vshrl.u32 v0, $0xE  }
0x2c1: {  	[tilespmem:$0x5190] =	vst v1  }
0x2c2: {  	[tilespmem:$0x5250] =	vst v0  }
0x2c3: {  	v0 =	vld [tilespmem:s6+$0x160]  }
.Ltmp2:
0x2c4: {  	(pc) =	sbr.rel @p0 .LBB2_6-.Ltmp2, $2  }
0x2c5: {  	_ =	sdelay $0x2  }
0x2c6: {  	v1 =	vand.u32 $0x3FFF, v0;
	v0 =	vshrl.u32 v0, $0xE  }
0x2c7: {  	[tilespmem:$0x51A0] =	vst v1  }
0x2c8: {  	[tilespmem:$0x5260] =	vst v0  }
0x2c9: {  	v0 =	vld [tilespmem:s6+$0x170];
	_ =	sdelay $0x4  }
0x2ca: {  	v1 =	vand.u32 $0x3FFF, v0  }
0x2cb: {  	v0 =	vshrl.u32 v0, $0xE;
	[tilespmem:$0x51B0] =	vst v1  }
0x2cc: {  	[tilespmem:$0x5270] =	vst v0  }
0x2cd: {  	[tilespmem:s25], [sflag:$0x2] =	stream.indirect.gather [spmem:s1], $0x40, s17, s14, $0xb8;
	[tilespmem:$0x1F280] =	vst v63  }
0x2ce: {  	_ =	swait.ge [sflag:s26], $0x3000  }
0x2cf: {  	[sflag:s26] =	ssyncset.done $0x0  }
0x2d0: {  	[sflag:s26] =	ssyncadd.s32 $0xFFFFD000  }
0x2d1: {  	[spmem:s2] =	stream.indirect.scatter.add.f32 [tilespmem:s16], [sflag:$0x4], $0x40, s28, s14, $0xb8;
	[tilespmem:$0x1F280] =	vst v63  }
0x2d2: {  	_ =	swait.ge [sflag:s29], $0x3000  }
0x2d3: {  	[sflag:s29] =	ssyncset.done $0x0  }
0x2d4: {  	[sflag:s29] =	ssyncadd.s32 $0xFFFFD000  }
0x2d5: {  	[spmem:s2] =	stream.indirect.scatter.add.f32 [tilespmem:s25], [sflag:$0x5], $0x40, s30, s14, $0xb8;
	[tilespmem:$0x1F280] =	vst v63  }
0x2d6: {  	_ =	swait.ge [sflag:s9], $0x3000  }
0x2d7: {  	[sflag:s9] =	ssyncset.done $0x0  }
0x2d8: {  	[sflag:s9] =	ssyncadd.s32 $0xFFFFD000  }
0x2d9: {  	_ =	swait.ge [sflag:s31], $0x3000  }
0x2da: {  	[sflag:s31] =	ssyncset.done $0x0  }
0x2db: {  	[sflag:s31] =	ssyncadd.s32 $0xFFFFD000  }
0x2dc: {  	[bflag:$0x0] =	sbarrier.arrive $0xFFFF  }
0x2dd: {  	_ =	swait.ge [sflag:s0], $0x1400  }
0x2de: {  	[sflag:s0] =	ssyncset.done $0x0  }
0x2df: {  	[sflag:s0] =	ssyncadd.s32 $0xFFFFEC00  }
0x2e0: {  	[spmem:s12], [sflag:s11] =	dma.local [hbm:s5], $0x1400  }
0x2e1: {  	_ =	swait.ge [sflag:s9], $0x1400  }
0x2e2: {  	[sflag:s9] =	ssyncset.done $0x0  }
0x2e3: {  	[sflag:s9] =	ssyncadd.s32 $0xFFFFEC00  }
0x2e4: {  	[hbm:s20], [sflag:s3] =	dma.local [spmem:s13], $0x1400  }
0x2e5: {  	s6 =	simm.s32 $0x0;
	[bflag:$0x0] =	sbarrier.arrive $0xFFFF  }
0x2e6: {  	v0 =	vld [tilespmem:s6+$0x0];
	_ =	sdelay $0x4  }
0x2e7: {  	v1 =	vand.u32 $0x3FFF, v0  }
0x2e8: {  	v0 =	vshrl.u32 v0, $0xE;
	[tilespmem:$0x4F80] =	vst v1  }
0x2e9: {  	[tilespmem:$0x5040] =	vst v0  }
0x2ea: {  	v0 =	vld [tilespmem:s6+$0x10];
	_ =	sdelay $0x4  }
0x2eb: {  	v1 =	vand.u32 $0x3FFF, v0  }
0x2ec: {  	v0 =	vshrl.u32 v0, $0xE;
	[tilespmem:$0x4F90] =	vst v1  }
0x2ed: {  	[tilespmem:$0x5050] =	vst v0  }
0x2ee: {  	v0 =	vld [tilespmem:s6+$0x20];
	_ =	sdelay $0x4  }
0x2ef: {  	v1 =	vand.u32 $0x3FFF, v0  }
0x2f0: {  	v0 =	vshrl.u32 v0, $0xE;
	[tilespmem:$0x4FA0] =	vst v1  }
0x2f1: {  	[tilespmem:$0x5060] =	vst v0  }
0x2f2: {  	v0 =	vld [tilespmem:s6+$0x30];
	_ =	sdelay $0x4  }
0x2f3: {  	v1 =	vand.u32 $0x3FFF, v0  }
0x2f4: {  	v0 =	vshrl.u32 v0, $0xE;
	[tilespmem:$0x4FB0] =	vst v1  }
0x2f5: {  	[tilespmem:$0x5070] =	vst v0  }
0x2f6: {  	v0 =	vld [tilespmem:s6+$0x40];
	_ =	sdelay $0x4  }
0x2f7: {  	v1 =	vand.u32 $0x3FFF, v0  }
0x2f8: {  	v0 =	vshrl.u32 v0, $0xE;
	[tilespmem:$0x4FC0] =	vst v1  }
0x2f9: {  	[tilespmem:$0x5080] =	vst v0  }
0x2fa: {  	v0 =	vld [tilespmem:s6+$0x50];
	_ =	sdelay $0x4  }
0x2fb: {  	v1 =	vand.u32 $0x3FFF, v0  }
0x2fc: {  	v0 =	vshrl.u32 v0, $0xE;
	[tilespmem:$0x4FD0] =	vst v1  }
0x2fd: {  	[tilespmem:$0x5090] =	vst v0  }
0x2fe: {  	v0 =	vld [tilespmem:s6+$0x60];
	_ =	sdelay $0x4  }
0x2ff: {  	v1 =	vand.u32 $0x3FFF, v0  }
0x300: {  	v0 =	vshrl.u32 v0, $0xE;
	[tilespmem:$0x4FE0] =	vst v1  }
0x301: {  	[tilespmem:$0x50A0] =	vst v0  }
0x302: {  	v0 =	vld [tilespmem:s6+$0x70];
	_ =	sdelay $0x4  }
0x303: {  	v1 =	vand.u32 $0x3FFF, v0  }
0x304: {  	v0 =	vshrl.u32 v0, $0xE;
	[tilespmem:$0x4FF0] =	vst v1  }
0x305: {  	[tilespmem:$0x50B0] =	vst v0  }
0x306: {  	v0 =	vld [tilespmem:s6+$0x80];
	_ =	sdelay $0x4  }
0x307: {  	v1 =	vand.u32 $0x3FFF, v0  }
0x308: {  	v0 =	vshrl.u32 v0, $0xE;
	[tilespmem:$0x5000] =	vst v1  }
0x309: {  	[tilespmem:$0x50C0] =	vst v0  }
0x30a: {  	v0 =	vld [tilespmem:s6+$0x90];
	_ =	sdelay $0x4  }
0x30b: {  	v1 =	vand.u32 $0x3FFF, v0  }
0x30c: {  	v0 =	vshrl.u32 v0, $0xE;
	[tilespmem:$0x5010] =	vst v1  }
0x30d: {  	[tilespmem:$0x50D0] =	vst v0  }
0x30e: {  	v0 =	vld [tilespmem:s6+$0xA0];
	_ =	sdelay $0x4  }
0x30f: {  	v1 =	vand.u32 $0x3FFF, v0  }
0x310: {  	v0 =	vshrl.u32 v0, $0xE;
	[tilespmem:$0x5020] =	vst v1  }
0x311: {  	[tilespmem:$0x50E0] =	vst v0  }
0x312: {  	v0 =	vld [tilespmem:s6+$0xB0];
	_ =	sdelay $0x4  }
0x313: {  	v1 =	vand.u32 $0x3FFF, v0  }
0x314: {  	v0 =	vshrl.u32 v0, $0xE;
	[tilespmem:$0x5030] =	vst v1  }
0x315: {  	[tilespmem:$0x50F0] =	vst v0  }
0x316: {  	[tilespmem:s16], [sflag:$0x1] =	stream.indirect.gather [spmem:s2], $0x40, s15, s14, $0xb8;
	[tilespmem:$0x1F280] =	vst v63  }
0x317: {  	v0 =	vld [tilespmem:s6+$0xC0];
	_ =	sdelay $0x4  }
0x318: {  	v1 =	vand.u32 $0x3FFF, v0  }
0x319: {  	v0 =	vshrl.u32 v0, $0xE;
	[tilespmem:$0x5100] =	vst v1  }
0x31a: {  	[tilespmem:$0x51C0] =	vst v0  }
0x31b: {  	v0 =	vld [tilespmem:s6+$0xD0];
	_ =	sdelay $0x4  }
0x31c: {  	v1 =	vand.u32 $0x3FFF, v0  }
0x31d: {  	v0 =	vshrl.u32 v0, $0xE;
	[tilespmem:$0x5110] =	vst v1  }
0x31e: {  	[tilespmem:$0x51D0] =	vst v0  }
0x31f: {  	v0 =	vld [tilespmem:s6+$0xE0];
	_ =	sdelay $0x4  }
0x320: {  	v1 =	vand.u32 $0x3FFF, v0  }
0x321: {  	v0 =	vshrl.u32 v0, $0xE;
	[tilespmem:$0x5120] =	vst v1  }
0x322: {  	[tilespmem:$0x51E0] =	vst v0  }
0x323: {  	v0 =	vld [tilespmem:s6+$0xF0];
	_ =	sdelay $0x4  }
0x324: {  	v1 =	vand.u32 $0x3FFF, v0  }
0x325: {  	v0 =	vshrl.u32 v0, $0xE;
	[tilespmem:$0x5130] =	vst v1  }
0x326: {  	[tilespmem:$0x51F0] =	vst v0  }
0x327: {  	v0 =	vld [tilespmem:s6+$0x100];
	_ =	sdelay $0x4  }
0x328: {  	v1 =	vand.u32 $0x3FFF, v0  }
0x329: {  	v0 =	vshrl.u32 v0, $0xE;
	[tilespmem:$0x5140] =	vst v1  }
0x32a: {  	[tilespmem:$0x5200] =	vst v0  }
0x32b: {  	v0 =	vld [tilespmem:s6+$0x110];
	_ =	sdelay $0x4  }
0x32c: {  	v1 =	vand.u32 $0x3FFF, v0  }
0x32d: {  	v0 =	vshrl.u32 v0, $0xE;
	[tilespmem:$0x5150] =	vst v1  }
0x32e: {  	[tilespmem:$0x5210] =	vst v0  }
0x32f: {  	v0 =	vld [tilespmem:s6+$0x120];
	_ =	sdelay $0x4  }
0x330: {  	v1 =	vand.u32 $0x3FFF, v0  }
0x331: {  	v0 =	vshrl.u32 v0, $0xE;
	[tilespmem:$0x5160] =	vst v1  }
0x332: {  	[tilespmem:$0x5220] =	vst v0  }
0x333: {  	v0 =	vld [tilespmem:s6+$0x130];
	_ =	sdelay $0x4  }
0x334: {  	v1 =	vand.u32 $0x3FFF, v0  }
0x335: {  	v0 =	vshrl.u32 v0, $0xE;
	[tilespmem:$0x5170] =	vst v1  }
0x336: {  	[tilespmem:$0x5230] =	vst v0  }
0x337: {  	v0 =	vld [tilespmem:s6+$0x140];
	_ =	sdelay $0x4  }
0x338: {  	v1 =	vand.u32 $0x3FFF, v0  }
0x339: {  	v0 =	vshrl.u32 v0, $0xE;
	[tilespmem:$0x5180] =	vst v1  }
0x33a: {  	[tilespmem:$0x5240] =	vst v0  }
0x33b: {  	v0 =	vld [tilespmem:s6+$0x150];
	_ =	sdelay $0x4  }
0x33c: {  	v1 =	vand.u32 $0x3FFF, v0  }
0x33d: {  	v0 =	vshrl.u32 v0, $0xE;
	[tilespmem:$0x5190] =	vst v1  }
0x33e: {  	[tilespmem:$0x5250] =	vst v0  }
0x33f: {  	v0 =	vld [tilespmem:s6+$0x160];
	_ =	sdelay $0x4  }
0x340: {  	s7 =	simm.s32 $0x600;
	v1 =	vand.u32 $0x3FFF, v0;
	v0 =	vshrl.u32 v0, $0xE  }
.LBB2_8:
0x341: {  	p0 =	sne.s32 s7, $0x13800;
	[tilespmem:$0x51A0] =	vst v1;
	s10 =	smov.u32 s7;
	s7 =	sadd.s32 $0x600, s7  }
0x342: {  	[tilespmem:$0x5260] =	vst v0  }
0x343: {  	v0 =	vld [tilespmem:s6+$0x170];
	_ =	sdelay $0x4  }
0x344: {  	v1 =	vand.u32 $0x3FFF, v0;
	v0 =	vshrl.u32 v0, $0xE  }
0x345: {  	[tilespmem:$0x51B0] =	vst v1  }
0x346: {  	[tilespmem:$0x5270] =	vst v0  }
0x347: {  	[tilespmem:s25], [sflag:$0x2] =	stream.indirect.gather [spmem:s2], $0x40, s17, s14, $0xb8;
	[tilespmem:$0x1F280] =	vst v63  }
0x348: {  	_ =	swait.ge [sflag:s26], $0x3000  }
0x349: {  	[sflag:s26] =	ssyncset.done $0x0  }
0x34a: {  	[sflag:s26] =	ssyncadd.s32 $0xFFFFD000  }
0x34b: {  	[spmem:s1] =	stream.indirect.scatter.add.f32 [tilespmem:s16], [sflag:$0x4], $0x40, s28, s14, $0xb8;
	[tilespmem:$0x1F280] =	vst v63  }
0x34c: {  	_ =	swait.ge [sflag:s29], $0x3000  }
0x34d: {  	[sflag:s29] =	ssyncset.done $0x0  }
0x34e: {  	[sflag:s29] =	ssyncadd.s32 $0xFFFFD000  }
0x34f: {  	[spmem:s1] =	stream.indirect.scatter.add.f32 [tilespmem:s25], [sflag:$0x5], $0x40, s30, s14, $0xb8;
	[tilespmem:$0x1F280] =	vst v63  }
0x350: {  	_ =	swait.ge [sflag:s9], $0x3000  }
0x351: {  	[sflag:s9] =	ssyncset.done $0x0  }
0x352: {  	[sflag:s9] =	ssyncadd.s32 $0xFFFFD000  }
0x353: {  	_ =	swait.ge [sflag:s31], $0x3000  }
0x354: {  	[sflag:s31] =	ssyncset.done $0x0  }
0x355: {  	s6 =	sshra.s32 s10, $0x2;
	[sflag:s31] =	ssyncadd.s32 $0xFFFFD000  }
0x356: {  	v0 =	vld [tilespmem:s6+$0x0];
	_ =	sdelay $0x4  }
0x357: {  	v1 =	vand.u32 $0x3FFF, v0;
	v0 =	vshrl.u32 v0, $0xE  }
0x358: {  	[tilespmem:$0x4F80] =	vst v1  }
0x359: {  	[tilespmem:$0x5040] =	vst v0  }
0x35a: {  	v0 =	vld [tilespmem:s6+$0x10];
	_ =	sdelay $0x4  }
0x35b: {  	v1 =	vand.u32 $0x3FFF, v0;
	v0 =	vshrl.u32 v0, $0xE  }
0x35c: {  	[tilespmem:$0x4F90] =	vst v1  }
0x35d: {  	[tilespmem:$0x5050] =	vst v0  }
0x35e: {  	v0 =	vld [tilespmem:s6+$0x20];
	_ =	sdelay $0x4  }
0x35f: {  	v1 =	vand.u32 $0x3FFF, v0;
	v0 =	vshrl.u32 v0, $0xE  }
0x360: {  	[tilespmem:$0x4FA0] =	vst v1  }
0x361: {  	[tilespmem:$0x5060] =	vst v0  }
0x362: {  	v0 =	vld [tilespmem:s6+$0x30];
	_ =	sdelay $0x4  }
0x363: {  	v1 =	vand.u32 $0x3FFF, v0;
	v0 =	vshrl.u32 v0, $0xE  }
0x364: {  	[tilespmem:$0x4FB0] =	vst v1  }
0x365: {  	[tilespmem:$0x5070] =	vst v0  }
0x366: {  	v0 =	vld [tilespmem:s6+$0x40];
	_ =	sdelay $0x4  }
0x367: {  	v1 =	vand.u32 $0x3FFF, v0;
	v0 =	vshrl.u32 v0, $0xE  }
0x368: {  	[tilespmem:$0x4FC0] =	vst v1  }
0x369: {  	[tilespmem:$0x5080] =	vst v0  }
0x36a: {  	v0 =	vld [tilespmem:s6+$0x50];
	_ =	sdelay $0x4  }
0x36b: {  	v1 =	vand.u32 $0x3FFF, v0;
	v0 =	vshrl.u32 v0, $0xE  }
0x36c: {  	[tilespmem:$0x4FD0] =	vst v1  }
0x36d: {  	[tilespmem:$0x5090] =	vst v0  }
0x36e: {  	v0 =	vld [tilespmem:s6+$0x60];
	_ =	sdelay $0x4  }
0x36f: {  	v1 =	vand.u32 $0x3FFF, v0;
	v0 =	vshrl.u32 v0, $0xE  }
0x370: {  	[tilespmem:$0x4FE0] =	vst v1  }
0x371: {  	[tilespmem:$0x50A0] =	vst v0  }
0x372: {  	v0 =	vld [tilespmem:s6+$0x70];
	_ =	sdelay $0x4  }
0x373: {  	v1 =	vand.u32 $0x3FFF, v0;
	v0 =	vshrl.u32 v0, $0xE  }
0x374: {  	[tilespmem:$0x4FF0] =	vst v1  }
0x375: {  	[tilespmem:$0x50B0] =	vst v0  }
0x376: {  	v0 =	vld [tilespmem:s6+$0x80];
	_ =	sdelay $0x4  }
0x377: {  	v1 =	vand.u32 $0x3FFF, v0;
	v0 =	vshrl.u32 v0, $0xE  }
0x378: {  	[tilespmem:$0x5000] =	vst v1  }
0x379: {  	[tilespmem:$0x50C0] =	vst v0  }
0x37a: {  	v0 =	vld [tilespmem:s6+$0x90];
	_ =	sdelay $0x4  }
0x37b: {  	v1 =	vand.u32 $0x3FFF, v0;
	v0 =	vshrl.u32 v0, $0xE  }
0x37c: {  	[tilespmem:$0x5010] =	vst v1  }
0x37d: {  	[tilespmem:$0x50D0] =	vst v0  }
0x37e: {  	v0 =	vld [tilespmem:s6+$0xA0];
	_ =	sdelay $0x4  }
0x37f: {  	v1 =	vand.u32 $0x3FFF, v0;
	v0 =	vshrl.u32 v0, $0xE  }
0x380: {  	[tilespmem:$0x5020] =	vst v1  }
0x381: {  	[tilespmem:$0x50E0] =	vst v0  }
0x382: {  	v0 =	vld [tilespmem:s6+$0xB0];
	_ =	sdelay $0x4  }
0x383: {  	v1 =	vand.u32 $0x3FFF, v0;
	v0 =	vshrl.u32 v0, $0xE  }
0x384: {  	[tilespmem:$0x5030] =	vst v1  }
0x385: {  	[tilespmem:$0x50F0] =	vst v0  }
0x386: {  	[tilespmem:s16], [sflag:$0x1] =	stream.indirect.gather [spmem:s2], $0x40, s15, s14, $0xb8;
	[tilespmem:$0x1F280] =	vst v63  }
0x387: {  	v0 =	vld [tilespmem:s6+$0xC0];
	_ =	sdelay $0x4  }
0x388: {  	v1 =	vand.u32 $0x3FFF, v0;
	v0 =	vshrl.u32 v0, $0xE  }
0x389: {  	[tilespmem:$0x5100] =	vst v1  }
0x38a: {  	[tilespmem:$0x51C0] =	vst v0  }
0x38b: {  	v0 =	vld [tilespmem:s6+$0xD0];
	_ =	sdelay $0x4  }
0x38c: {  	v1 =	vand.u32 $0x3FFF, v0;
	v0 =	vshrl.u32 v0, $0xE  }
0x38d: {  	[tilespmem:$0x5110] =	vst v1  }
0x38e: {  	[tilespmem:$0x51D0] =	vst v0  }
0x38f: {  	v0 =	vld [tilespmem:s6+$0xE0];
	_ =	sdelay $0x4  }
0x390: {  	v1 =	vand.u32 $0x3FFF, v0;
	v0 =	vshrl.u32 v0, $0xE  }
0x391: {  	[tilespmem:$0x5120] =	vst v1  }
0x392: {  	[tilespmem:$0x51E0] =	vst v0  }
0x393: {  	v0 =	vld [tilespmem:s6+$0xF0];
	_ =	sdelay $0x4  }
0x394: {  	v1 =	vand.u32 $0x3FFF, v0;
	v0 =	vshrl.u32 v0, $0xE  }
0x395: {  	[tilespmem:$0x5130] =	vst v1  }
0x396: {  	[tilespmem:$0x51F0] =	vst v0  }
0x397: {  	v0 =	vld [tilespmem:s6+$0x100];
	_ =	sdelay $0x4  }
0x398: {  	v1 =	vand.u32 $0x3FFF, v0;
	v0 =	vshrl.u32 v0, $0xE  }
0x399: {  	[tilespmem:$0x5140] =	vst v1  }
0x39a: {  	[tilespmem:$0x5200] =	vst v0  }
0x39b: {  	v0 =	vld [tilespmem:s6+$0x110];
	_ =	sdelay $0x4  }
0x39c: {  	v1 =	vand.u32 $0x3FFF, v0;
	v0 =	vshrl.u32 v0, $0xE  }
0x39d: {  	[tilespmem:$0x5150] =	vst v1  }
0x39e: {  	[tilespmem:$0x5210] =	vst v0  }
0x39f: {  	v0 =	vld [tilespmem:s6+$0x120];
	_ =	sdelay $0x4  }
0x3a0: {  	v1 =	vand.u32 $0x3FFF, v0;
	v0 =	vshrl.u32 v0, $0xE  }
0x3a1: {  	[tilespmem:$0x5160] =	vst v1  }
0x3a2: {  	[tilespmem:$0x5220] =	vst v0  }
0x3a3: {  	v0 =	vld [tilespmem:s6+$0x130];
	_ =	sdelay $0x4  }
0x3a4: {  	v1 =	vand.u32 $0x3FFF, v0;
	v0 =	vshrl.u32 v0, $0xE  }
0x3a5: {  	[tilespmem:$0x5170] =	vst v1  }
0x3a6: {  	[tilespmem:$0x5230] =	vst v0  }
0x3a7: {  	v0 =	vld [tilespmem:s6+$0x140];
	_ =	sdelay $0x4  }
0x3a8: {  	v1 =	vand.u32 $0x3FFF, v0;
	v0 =	vshrl.u32 v0, $0xE  }
0x3a9: {  	[tilespmem:$0x5180] =	vst v1  }
0x3aa: {  	[tilespmem:$0x5240] =	vst v0  }
0x3ab: {  	v0 =	vld [tilespmem:s6+$0x150];
	_ =	sdelay $0x4  }
0x3ac: {  	v1 =	vand.u32 $0x3FFF, v0;
	v0 =	vshrl.u32 v0, $0xE  }
0x3ad: {  	[tilespmem:$0x5190] =	vst v1  }
0x3ae: {  	[tilespmem:$0x5250] =	vst v0  }
0x3af: {  	v0 =	vld [tilespmem:s6+$0x160]  }
.Ltmp3:
0x3b0: {  	(pc) =	sbr.rel @p0 .LBB2_8-.Ltmp3, $2  }
0x3b1: {  	_ =	sdelay $0x2  }
0x3b2: {  	v1 =	vand.u32 $0x3FFF, v0;
	v0 =	vshrl.u32 v0, $0xE  }
0x3b3: {  	[tilespmem:$0x51A0] =	vst v1  }
0x3b4: {  	[tilespmem:$0x5260] =	vst v0  }
0x3b5: {  	v0 =	vld [tilespmem:s6+$0x170];
	_ =	sdelay $0x4  }
0x3b6: {  	v1 =	vand.u32 $0x3FFF, v0  }
0x3b7: {  	v0 =	vshrl.u32 v0, $0xE;
	[tilespmem:$0x51B0] =	vst v1  }
0x3b8: {  	[tilespmem:$0x5270] =	vst v0  }
0x3b9: {  	[tilespmem:s25], [sflag:$0x2] =	stream.indirect.gather [spmem:s2], $0x40, s17, s14, $0xb8;
	[tilespmem:$0x1F280] =	vst v63  }
0x3ba: {  	_ =	swait.ge [sflag:s26], $0x3000  }
0x3bb: {  	[sflag:s26] =	ssyncset.done $0x0  }
0x3bc: {  	[sflag:s26] =	ssyncadd.s32 $0xFFFFD000  }
0x3bd: {  	[spmem:s1] =	stream.indirect.scatter.add.f32 [tilespmem:s16], [sflag:$0x4], $0x40, s28, s14, $0xb8;
	[tilespmem:$0x1F280] =	vst v63  }
0x3be: {  	_ =	swait.ge [sflag:s29], $0x3000  }
0x3bf: {  	[sflag:s29] =	ssyncset.done $0x0  }
0x3c0: {  	[sflag:s29] =	ssyncadd.s32 $0xFFFFD000  }
0x3c1: {  	[spmem:s1] =	stream.indirect.scatter.add.f32 [tilespmem:s25], [sflag:$0x5], $0x40, s30, s14, $0xb8;
	[tilespmem:$0x1F280] =	vst v63  }
0x3c2: {  	_ =	swait.ge [sflag:s9], $0x3000  }
0x3c3: {  	[sflag:s9] =	ssyncset.done $0x0  }
0x3c4: {  	[sflag:s9] =	ssyncadd.s32 $0xFFFFD000  }
0x3c5: {  	_ =	swait.ge [sflag:s31], $0x3000  }
0x3c6: {  	[sflag:s31] =	ssyncset.done $0x0  }
0x3c7: {  	[sflag:s31] =	ssyncadd.s32 $0xFFFFD000  }
0x3c8: {  	[bflag:$0x0] =	sbarrier.arrive $0xFFFF  }
0x3c9: {  	_ =	swait.ge [sflag:s0], $0x1400  }
0x3ca: {  	[sflag:s0] =	ssyncset.done $0x0  }
0x3cb: {  	[sflag:s0] =	ssyncadd.s32 $0xFFFFEC00  }
0x3cc: {  	[spmem:s13], [sflag:s11] =	dma.local [hbm:s5], $0x1400  }
0x3cd: {  	_ =	swait.ge [sflag:s9], $0x1400  }
0x3ce: {  	[sflag:s9] =	ssyncset.done $0x0  }
0x3cf: {  	[sflag:s9] =	ssyncadd.s32 $0xFFFFEC00  }
0x3d0: {  	[hbm:s21], [sflag:s3] =	dma.local [spmem:s12], $0x1400  }
0x3d1: {  	s6 =	simm.s32 $0x0;
	[bflag:$0x0] =	sbarrier.arrive $0xFFFF  }
0x3d2: {  	v0 =	vld [tilespmem:s6+$0x0];
	_ =	sdelay $0x4  }
0x3d3: {  	v1 =	vand.u32 $0x3FFF, v0  }
0x3d4: {  	v0 =	vshrl.u32 v0, $0xE;
	[tilespmem:$0x4F80] =	vst v1  }
0x3d5: {  	[tilespmem:$0x5040] =	vst v0  }
0x3d6: {  	v0 =	vld [tilespmem:s6+$0x10];
	_ =	sdelay $0x4  }
0x3d7: {  	v1 =	vand.u32 $0x3FFF, v0  }
0x3d8: {  	v0 =	vshrl.u32 v0, $0xE;
	[tilespmem:$0x4F90] =	vst v1  }
0x3d9: {  	[tilespmem:$0x5050] =	vst v0  }
0x3da: {  	v0 =	vld [tilespmem:s6+$0x20];
	_ =	sdelay $0x4  }
0x3db: {  	v1 =	vand.u32 $0x3FFF, v0  }
0x3dc: {  	v0 =	vshrl.u32 v0, $0xE;
	[tilespmem:$0x4FA0] =	vst v1  }
0x3dd: {  	[tilespmem:$0x5060] =	vst v0  }
0x3de: {  	v0 =	vld [tilespmem:s6+$0x30];
	_ =	sdelay $0x4  }
0x3df: {  	v1 =	vand.u32 $0x3FFF, v0  }
0x3e0: {  	v0 =	vshrl.u32 v0, $0xE;
	[tilespmem:$0x4FB0] =	vst v1  }
0x3e1: {  	[tilespmem:$0x5070] =	vst v0  }
0x3e2: {  	v0 =	vld [tilespmem:s6+$0x40];
	_ =	sdelay $0x4  }
0x3e3: {  	v1 =	vand.u32 $0x3FFF, v0  }
0x3e4: {  	v0 =	vshrl.u32 v0, $0xE;
	[tilespmem:$0x4FC0] =	vst v1  }
0x3e5: {  	[tilespmem:$0x5080] =	vst v0  }
0x3e6: {  	v0 =	vld [tilespmem:s6+$0x50];
	_ =	sdelay $0x4  }
0x3e7: {  	v1 =	vand.u32 $0x3FFF, v0  }
0x3e8: {  	v0 =	vshrl.u32 v0, $0xE;
	[tilespmem:$0x4FD0] =	vst v1  }
0x3e9: {  	[tilespmem:$0x5090] =	vst v0  }
0x3ea: {  	v0 =	vld [tilespmem:s6+$0x60];
	_ =	sdelay $0x4  }
0x3eb: {  	v1 =	vand.u32 $0x3FFF, v0  }
0x3ec: {  	v0 =	vshrl.u32 v0, $0xE;
	[tilespmem:$0x4FE0] =	vst v1  }
0x3ed: {  	[tilespmem:$0x50A0] =	vst v0  }
0x3ee: {  	v0 =	vld [tilespmem:s6+$0x70];
	_ =	sdelay $0x4  }
0x3ef: {  	v1 =	vand.u32 $0x3FFF, v0  }
0x3f0: {  	v0 =	vshrl.u32 v0, $0xE;
	[tilespmem:$0x4FF0] =	vst v1  }
0x3f1: {  	[tilespmem:$0x50B0] =	vst v0  }
0x3f2: {  	v0 =	vld [tilespmem:s6+$0x80];
	_ =	sdelay $0x4  }
0x3f3: {  	v1 =	vand.u32 $0x3FFF, v0  }
0x3f4: {  	v0 =	vshrl.u32 v0, $0xE;
	[tilespmem:$0x5000] =	vst v1  }
0x3f5: {  	[tilespmem:$0x50C0] =	vst v0  }
0x3f6: {  	v0 =	vld [tilespmem:s6+$0x90];
	_ =	sdelay $0x4  }
0x3f7: {  	v1 =	vand.u32 $0x3FFF, v0  }
0x3f8: {  	v0 =	vshrl.u32 v0, $0xE;
	[tilespmem:$0x5010] =	vst v1  }
0x3f9: {  	[tilespmem:$0x50D0] =	vst v0  }
0x3fa: {  	v0 =	vld [tilespmem:s6+$0xA0];
	_ =	sdelay $0x4  }
0x3fb: {  	v1 =	vand.u32 $0x3FFF, v0  }
0x3fc: {  	v0 =	vshrl.u32 v0, $0xE;
	[tilespmem:$0x5020] =	vst v1  }
0x3fd: {  	[tilespmem:$0x50E0] =	vst v0  }
0x3fe: {  	v0 =	vld [tilespmem:s6+$0xB0];
	_ =	sdelay $0x4  }
0x3ff: {  	v1 =	vand.u32 $0x3FFF, v0  }
0x400: {  	v0 =	vshrl.u32 v0, $0xE;
	[tilespmem:$0x5030] =	vst v1  }
0x401: {  	[tilespmem:$0x50F0] =	vst v0  }
0x402: {  	[tilespmem:s16], [sflag:$0x1] =	stream.indirect.gather [spmem:s1], $0x40, s15, s14, $0xb8;
	[tilespmem:$0x1F280] =	vst v63  }
0x403: {  	v0 =	vld [tilespmem:s6+$0xC0];
	_ =	sdelay $0x4  }
0x404: {  	v1 =	vand.u32 $0x3FFF, v0  }
0x405: {  	v0 =	vshrl.u32 v0, $0xE;
	[tilespmem:$0x5100] =	vst v1  }
0x406: {  	[tilespmem:$0x51C0] =	vst v0  }
0x407: {  	v0 =	vld [tilespmem:s6+$0xD0];
	_ =	sdelay $0x4  }
0x408: {  	v1 =	vand.u32 $0x3FFF, v0  }
0x409: {  	v0 =	vshrl.u32 v0, $0xE;
	[tilespmem:$0x5110] =	vst v1  }
0x40a: {  	[tilespmem:$0x51D0] =	vst v0  }
0x40b: {  	v0 =	vld [tilespmem:s6+$0xE0];
	_ =	sdelay $0x4  }
0x40c: {  	v1 =	vand.u32 $0x3FFF, v0  }
0x40d: {  	v0 =	vshrl.u32 v0, $0xE;
	[tilespmem:$0x5120] =	vst v1  }
0x40e: {  	[tilespmem:$0x51E0] =	vst v0  }
0x40f: {  	v0 =	vld [tilespmem:s6+$0xF0];
	_ =	sdelay $0x4  }
0x410: {  	v1 =	vand.u32 $0x3FFF, v0  }
0x411: {  	v0 =	vshrl.u32 v0, $0xE;
	[tilespmem:$0x5130] =	vst v1  }
0x412: {  	[tilespmem:$0x51F0] =	vst v0  }
0x413: {  	v0 =	vld [tilespmem:s6+$0x100];
	_ =	sdelay $0x4  }
0x414: {  	v1 =	vand.u32 $0x3FFF, v0  }
0x415: {  	v0 =	vshrl.u32 v0, $0xE;
	[tilespmem:$0x5140] =	vst v1  }
0x416: {  	[tilespmem:$0x5200] =	vst v0  }
0x417: {  	v0 =	vld [tilespmem:s6+$0x110];
	_ =	sdelay $0x4  }
0x418: {  	v1 =	vand.u32 $0x3FFF, v0  }
0x419: {  	v0 =	vshrl.u32 v0, $0xE;
	[tilespmem:$0x5150] =	vst v1  }
0x41a: {  	[tilespmem:$0x5210] =	vst v0  }
0x41b: {  	v0 =	vld [tilespmem:s6+$0x120];
	_ =	sdelay $0x4  }
0x41c: {  	v1 =	vand.u32 $0x3FFF, v0  }
0x41d: {  	v0 =	vshrl.u32 v0, $0xE;
	[tilespmem:$0x5160] =	vst v1  }
0x41e: {  	[tilespmem:$0x5220] =	vst v0  }
0x41f: {  	v0 =	vld [tilespmem:s6+$0x130];
	_ =	sdelay $0x4  }
0x420: {  	v1 =	vand.u32 $0x3FFF, v0  }
0x421: {  	v0 =	vshrl.u32 v0, $0xE;
	[tilespmem:$0x5170] =	vst v1  }
0x422: {  	[tilespmem:$0x5230] =	vst v0  }
0x423: {  	v0 =	vld [tilespmem:s6+$0x140];
	_ =	sdelay $0x4  }
0x424: {  	v1 =	vand.u32 $0x3FFF, v0  }
0x425: {  	v0 =	vshrl.u32 v0, $0xE;
	[tilespmem:$0x5180] =	vst v1  }
0x426: {  	[tilespmem:$0x5240] =	vst v0  }
0x427: {  	v0 =	vld [tilespmem:s6+$0x150];
	_ =	sdelay $0x4  }
0x428: {  	v1 =	vand.u32 $0x3FFF, v0  }
0x429: {  	v0 =	vshrl.u32 v0, $0xE;
	[tilespmem:$0x5190] =	vst v1  }
0x42a: {  	[tilespmem:$0x5250] =	vst v0  }
0x42b: {  	v0 =	vld [tilespmem:s6+$0x160];
	_ =	sdelay $0x4  }
0x42c: {  	s7 =	simm.s32 $0x600;
	v1 =	vand.u32 $0x3FFF, v0;
	v0 =	vshrl.u32 v0, $0xE  }
.LBB2_10:
0x42d: {  	p0 =	sne.s32 s7, $0x13800;
	[tilespmem:$0x51A0] =	vst v1;
	s10 =	smov.u32 s7;
	s7 =	sadd.s32 $0x600, s7  }
0x42e: {  	[tilespmem:$0x5260] =	vst v0  }
0x42f: {  	v0 =	vld [tilespmem:s6+$0x170];
	_ =	sdelay $0x4  }
0x430: {  	v1 =	vand.u32 $0x3FFF, v0;
	v0 =	vshrl.u32 v0, $0xE  }
0x431: {  	[tilespmem:$0x51B0] =	vst v1  }
0x432: {  	[tilespmem:$0x5270] =	vst v0  }
0x433: {  	[tilespmem:s25], [sflag:$0x2] =	stream.indirect.gather [spmem:s1], $0x40, s17, s14, $0xb8;
	[tilespmem:$0x1F280] =	vst v63  }
0x434: {  	_ =	swait.ge [sflag:s26], $0x3000  }
0x435: {  	[sflag:s26] =	ssyncset.done $0x0  }
0x436: {  	[sflag:s26] =	ssyncadd.s32 $0xFFFFD000  }
0x437: {  	[spmem:s2] =	stream.indirect.scatter.add.f32 [tilespmem:s16], [sflag:$0x4], $0x40, s28, s14, $0xb8;
	[tilespmem:$0x1F280] =	vst v63  }
0x438: {  	_ =	swait.ge [sflag:s29], $0x3000  }
0x439: {  	[sflag:s29] =	ssyncset.done $0x0  }
0x43a: {  	[sflag:s29] =	ssyncadd.s32 $0xFFFFD000  }
0x43b: {  	[spmem:s2] =	stream.indirect.scatter.add.f32 [tilespmem:s25], [sflag:$0x5], $0x40, s30, s14, $0xb8;
	[tilespmem:$0x1F280] =	vst v63  }
0x43c: {  	_ =	swait.ge [sflag:s9], $0x3000  }
0x43d: {  	[sflag:s9] =	ssyncset.done $0x0  }
0x43e: {  	[sflag:s9] =	ssyncadd.s32 $0xFFFFD000  }
0x43f: {  	_ =	swait.ge [sflag:s31], $0x3000  }
0x440: {  	[sflag:s31] =	ssyncset.done $0x0  }
0x441: {  	s6 =	sshra.s32 s10, $0x2;
	[sflag:s31] =	ssyncadd.s32 $0xFFFFD000  }
0x442: {  	v0 =	vld [tilespmem:s6+$0x0];
	_ =	sdelay $0x4  }
0x443: {  	v1 =	vand.u32 $0x3FFF, v0;
	v0 =	vshrl.u32 v0, $0xE  }
0x444: {  	[tilespmem:$0x4F80] =	vst v1  }
0x445: {  	[tilespmem:$0x5040] =	vst v0  }
0x446: {  	v0 =	vld [tilespmem:s6+$0x10];
	_ =	sdelay $0x4  }
0x447: {  	v1 =	vand.u32 $0x3FFF, v0;
	v0 =	vshrl.u32 v0, $0xE  }
0x448: {  	[tilespmem:$0x4F90] =	vst v1  }
0x449: {  	[tilespmem:$0x5050] =	vst v0  }
0x44a: {  	v0 =	vld [tilespmem:s6+$0x20];
	_ =	sdelay $0x4  }
0x44b: {  	v1 =	vand.u32 $0x3FFF, v0;
	v0 =	vshrl.u32 v0, $0xE  }
0x44c: {  	[tilespmem:$0x4FA0] =	vst v1  }
0x44d: {  	[tilespmem:$0x5060] =	vst v0  }
0x44e: {  	v0 =	vld [tilespmem:s6+$0x30];
	_ =	sdelay $0x4  }
0x44f: {  	v1 =	vand.u32 $0x3FFF, v0;
	v0 =	vshrl.u32 v0, $0xE  }
0x450: {  	[tilespmem:$0x4FB0] =	vst v1  }
0x451: {  	[tilespmem:$0x5070] =	vst v0  }
0x452: {  	v0 =	vld [tilespmem:s6+$0x40];
	_ =	sdelay $0x4  }
0x453: {  	v1 =	vand.u32 $0x3FFF, v0;
	v0 =	vshrl.u32 v0, $0xE  }
0x454: {  	[tilespmem:$0x4FC0] =	vst v1  }
0x455: {  	[tilespmem:$0x5080] =	vst v0  }
0x456: {  	v0 =	vld [tilespmem:s6+$0x50];
	_ =	sdelay $0x4  }
0x457: {  	v1 =	vand.u32 $0x3FFF, v0;
	v0 =	vshrl.u32 v0, $0xE  }
0x458: {  	[tilespmem:$0x4FD0] =	vst v1  }
0x459: {  	[tilespmem:$0x5090] =	vst v0  }
0x45a: {  	v0 =	vld [tilespmem:s6+$0x60];
	_ =	sdelay $0x4  }
0x45b: {  	v1 =	vand.u32 $0x3FFF, v0;
	v0 =	vshrl.u32 v0, $0xE  }
0x45c: {  	[tilespmem:$0x4FE0] =	vst v1  }
0x45d: {  	[tilespmem:$0x50A0] =	vst v0  }
0x45e: {  	v0 =	vld [tilespmem:s6+$0x70];
	_ =	sdelay $0x4  }
0x45f: {  	v1 =	vand.u32 $0x3FFF, v0;
	v0 =	vshrl.u32 v0, $0xE  }
0x460: {  	[tilespmem:$0x4FF0] =	vst v1  }
0x461: {  	[tilespmem:$0x50B0] =	vst v0  }
0x462: {  	v0 =	vld [tilespmem:s6+$0x80];
	_ =	sdelay $0x4  }
0x463: {  	v1 =	vand.u32 $0x3FFF, v0;
	v0 =	vshrl.u32 v0, $0xE  }
0x464: {  	[tilespmem:$0x5000] =	vst v1  }
0x465: {  	[tilespmem:$0x50C0] =	vst v0  }
0x466: {  	v0 =	vld [tilespmem:s6+$0x90];
	_ =	sdelay $0x4  }
0x467: {  	v1 =	vand.u32 $0x3FFF, v0;
	v0 =	vshrl.u32 v0, $0xE  }
0x468: {  	[tilespmem:$0x5010] =	vst v1  }
0x469: {  	[tilespmem:$0x50D0] =	vst v0  }
0x46a: {  	v0 =	vld [tilespmem:s6+$0xA0];
	_ =	sdelay $0x4  }
0x46b: {  	v1 =	vand.u32 $0x3FFF, v0;
	v0 =	vshrl.u32 v0, $0xE  }
0x46c: {  	[tilespmem:$0x5020] =	vst v1  }
0x46d: {  	[tilespmem:$0x50E0] =	vst v0  }
0x46e: {  	v0 =	vld [tilespmem:s6+$0xB0];
	_ =	sdelay $0x4  }
0x46f: {  	v1 =	vand.u32 $0x3FFF, v0;
	v0 =	vshrl.u32 v0, $0xE  }
0x470: {  	[tilespmem:$0x5030] =	vst v1  }
0x471: {  	[tilespmem:$0x50F0] =	vst v0  }
0x472: {  	[tilespmem:s16], [sflag:$0x1] =	stream.indirect.gather [spmem:s1], $0x40, s15, s14, $0xb8;
	[tilespmem:$0x1F280] =	vst v63  }
0x473: {  	v0 =	vld [tilespmem:s6+$0xC0];
	_ =	sdelay $0x4  }
0x474: {  	v1 =	vand.u32 $0x3FFF, v0;
	v0 =	vshrl.u32 v0, $0xE  }
0x475: {  	[tilespmem:$0x5100] =	vst v1  }
0x476: {  	[tilespmem:$0x51C0] =	vst v0  }
0x477: {  	v0 =	vld [tilespmem:s6+$0xD0];
	_ =	sdelay $0x4  }
0x478: {  	v1 =	vand.u32 $0x3FFF, v0;
	v0 =	vshrl.u32 v0, $0xE  }
0x479: {  	[tilespmem:$0x5110] =	vst v1  }
0x47a: {  	[tilespmem:$0x51D0] =	vst v0  }
0x47b: {  	v0 =	vld [tilespmem:s6+$0xE0];
	_ =	sdelay $0x4  }
0x47c: {  	v1 =	vand.u32 $0x3FFF, v0;
	v0 =	vshrl.u32 v0, $0xE  }
0x47d: {  	[tilespmem:$0x5120] =	vst v1  }
0x47e: {  	[tilespmem:$0x51E0] =	vst v0  }
0x47f: {  	v0 =	vld [tilespmem:s6+$0xF0];
	_ =	sdelay $0x4  }
0x480: {  	v1 =	vand.u32 $0x3FFF, v0;
	v0 =	vshrl.u32 v0, $0xE  }
0x481: {  	[tilespmem:$0x5130] =	vst v1  }
0x482: {  	[tilespmem:$0x51F0] =	vst v0  }
0x483: {  	v0 =	vld [tilespmem:s6+$0x100];
	_ =	sdelay $0x4  }
0x484: {  	v1 =	vand.u32 $0x3FFF, v0;
	v0 =	vshrl.u32 v0, $0xE  }
0x485: {  	[tilespmem:$0x5140] =	vst v1  }
0x486: {  	[tilespmem:$0x5200] =	vst v0  }
0x487: {  	v0 =	vld [tilespmem:s6+$0x110];
	_ =	sdelay $0x4  }
0x488: {  	v1 =	vand.u32 $0x3FFF, v0;
	v0 =	vshrl.u32 v0, $0xE  }
0x489: {  	[tilespmem:$0x5150] =	vst v1  }
0x48a: {  	[tilespmem:$0x5210] =	vst v0  }
0x48b: {  	v0 =	vld [tilespmem:s6+$0x120];
	_ =	sdelay $0x4  }
0x48c: {  	v1 =	vand.u32 $0x3FFF, v0;
	v0 =	vshrl.u32 v0, $0xE  }
0x48d: {  	[tilespmem:$0x5160] =	vst v1  }
0x48e: {  	[tilespmem:$0x5220] =	vst v0  }
0x48f: {  	v0 =	vld [tilespmem:s6+$0x130];
	_ =	sdelay $0x4  }
0x490: {  	v1 =	vand.u32 $0x3FFF, v0;
	v0 =	vshrl.u32 v0, $0xE  }
0x491: {  	[tilespmem:$0x5170] =	vst v1  }
0x492: {  	[tilespmem:$0x5230] =	vst v0  }
0x493: {  	v0 =	vld [tilespmem:s6+$0x140];
	_ =	sdelay $0x4  }
0x494: {  	v1 =	vand.u32 $0x3FFF, v0;
	v0 =	vshrl.u32 v0, $0xE  }
0x495: {  	[tilespmem:$0x5180] =	vst v1  }
0x496: {  	[tilespmem:$0x5240] =	vst v0  }
0x497: {  	v0 =	vld [tilespmem:s6+$0x150];
	_ =	sdelay $0x4  }
0x498: {  	v1 =	vand.u32 $0x3FFF, v0;
	v0 =	vshrl.u32 v0, $0xE  }
0x499: {  	[tilespmem:$0x5190] =	vst v1  }
0x49a: {  	[tilespmem:$0x5250] =	vst v0  }
0x49b: {  	v0 =	vld [tilespmem:s6+$0x160]  }
.Ltmp4:
0x49c: {  	(pc) =	sbr.rel @p0 .LBB2_10-.Ltmp4, $2  }
0x49d: {  	_ =	sdelay $0x2  }
0x49e: {  	v1 =	vand.u32 $0x3FFF, v0;
	v0 =	vshrl.u32 v0, $0xE  }
0x49f: {  	[tilespmem:$0x51A0] =	vst v1  }
0x4a0: {  	[tilespmem:$0x5260] =	vst v0  }
0x4a1: {  	v0 =	vld [tilespmem:s6+$0x170];
	_ =	sdelay $0x4  }
0x4a2: {  	v1 =	vand.u32 $0x3FFF, v0  }
0x4a3: {  	v0 =	vshrl.u32 v0, $0xE;
	[tilespmem:$0x51B0] =	vst v1  }
0x4a4: {  	[tilespmem:$0x5270] =	vst v0  }
0x4a5: {  	[tilespmem:s25], [sflag:$0x2] =	stream.indirect.gather [spmem:s1], $0x40, s17, s14, $0xb8;
	[tilespmem:$0x1F280] =	vst v63  }
0x4a6: {  	_ =	swait.ge [sflag:s26], $0x3000  }
0x4a7: {  	[sflag:s26] =	ssyncset.done $0x0  }
0x4a8: {  	[sflag:s26] =	ssyncadd.s32 $0xFFFFD000  }
0x4a9: {  	[spmem:s2] =	stream.indirect.scatter.add.f32 [tilespmem:s16], [sflag:$0x4], $0x40, s28, s14, $0xb8;
	[tilespmem:$0x1F280] =	vst v63  }
0x4aa: {  	_ =	swait.ge [sflag:s29], $0x3000  }
0x4ab: {  	[sflag:s29] =	ssyncset.done $0x0  }
0x4ac: {  	[sflag:s29] =	ssyncadd.s32 $0xFFFFD000  }
0x4ad: {  	[spmem:s2] =	stream.indirect.scatter.add.f32 [tilespmem:s25], [sflag:$0x5], $0x40, s30, s14, $0xb8;
	[tilespmem:$0x1F280] =	vst v63  }
0x4ae: {  	_ =	swait.ge [sflag:s9], $0x3000  }
0x4af: {  	[sflag:s9] =	ssyncset.done $0x0  }
0x4b0: {  	[sflag:s9] =	ssyncadd.s32 $0xFFFFD000  }
0x4b1: {  	_ =	swait.ge [sflag:s31], $0x3000  }
0x4b2: {  	[sflag:s31] =	ssyncset.done $0x0  }
0x4b3: {  	[sflag:s31] =	ssyncadd.s32 $0xFFFFD000  }
0x4b4: {  	[bflag:$0x0] =	sbarrier.arrive $0xFFFF  }
0x4b5: {  	_ =	swait.ge [sflag:s0], $0x1400  }
0x4b6: {  	[sflag:s0] =	ssyncset.done $0x0  }
0x4b7: {  	[sflag:s0] =	ssyncadd.s32 $0xFFFFEC00  }
0x4b8: {  	[spmem:s12], [sflag:s11] =	dma.local [hbm:s5], $0x1400  }
0x4b9: {  	_ =	swait.ge [sflag:s9], $0x1400  }
0x4ba: {  	[sflag:s9] =	ssyncset.done $0x0  }
0x4bb: {  	[sflag:s9] =	ssyncadd.s32 $0xFFFFEC00  }
0x4bc: {  	[hbm:s22], [sflag:s3] =	dma.local [spmem:s13], $0x1400  }
0x4bd: {  	s6 =	simm.s32 $0x0;
	[bflag:$0x0] =	sbarrier.arrive $0xFFFF  }
0x4be: {  	v0 =	vld [tilespmem:s6+$0x0];
	_ =	sdelay $0x4  }
0x4bf: {  	v1 =	vand.u32 $0x3FFF, v0  }
0x4c0: {  	v0 =	vshrl.u32 v0, $0xE;
	[tilespmem:$0x4F80] =	vst v1  }
0x4c1: {  	[tilespmem:$0x5040] =	vst v0  }
0x4c2: {  	v0 =	vld [tilespmem:s6+$0x10];
	_ =	sdelay $0x4  }
0x4c3: {  	v1 =	vand.u32 $0x3FFF, v0  }
0x4c4: {  	v0 =	vshrl.u32 v0, $0xE;
	[tilespmem:$0x4F90] =	vst v1  }
0x4c5: {  	[tilespmem:$0x5050] =	vst v0  }
0x4c6: {  	v0 =	vld [tilespmem:s6+$0x20];
	_ =	sdelay $0x4  }
0x4c7: {  	v1 =	vand.u32 $0x3FFF, v0  }
0x4c8: {  	v0 =	vshrl.u32 v0, $0xE;
	[tilespmem:$0x4FA0] =	vst v1  }
0x4c9: {  	[tilespmem:$0x5060] =	vst v0  }
0x4ca: {  	v0 =	vld [tilespmem:s6+$0x30];
	_ =	sdelay $0x4  }
0x4cb: {  	v1 =	vand.u32 $0x3FFF, v0  }
0x4cc: {  	v0 =	vshrl.u32 v0, $0xE;
	[tilespmem:$0x4FB0] =	vst v1  }
0x4cd: {  	[tilespmem:$0x5070] =	vst v0  }
0x4ce: {  	v0 =	vld [tilespmem:s6+$0x40];
	_ =	sdelay $0x4  }
0x4cf: {  	v1 =	vand.u32 $0x3FFF, v0  }
0x4d0: {  	v0 =	vshrl.u32 v0, $0xE;
	[tilespmem:$0x4FC0] =	vst v1  }
0x4d1: {  	[tilespmem:$0x5080] =	vst v0  }
0x4d2: {  	v0 =	vld [tilespmem:s6+$0x50];
	_ =	sdelay $0x4  }
0x4d3: {  	v1 =	vand.u32 $0x3FFF, v0  }
0x4d4: {  	v0 =	vshrl.u32 v0, $0xE;
	[tilespmem:$0x4FD0] =	vst v1  }
0x4d5: {  	[tilespmem:$0x5090] =	vst v0  }
0x4d6: {  	v0 =	vld [tilespmem:s6+$0x60];
	_ =	sdelay $0x4  }
0x4d7: {  	v1 =	vand.u32 $0x3FFF, v0  }
0x4d8: {  	v0 =	vshrl.u32 v0, $0xE;
	[tilespmem:$0x4FE0] =	vst v1  }
0x4d9: {  	[tilespmem:$0x50A0] =	vst v0  }
0x4da: {  	v0 =	vld [tilespmem:s6+$0x70];
	_ =	sdelay $0x4  }
0x4db: {  	v1 =	vand.u32 $0x3FFF, v0  }
0x4dc: {  	v0 =	vshrl.u32 v0, $0xE;
	[tilespmem:$0x4FF0] =	vst v1  }
0x4dd: {  	[tilespmem:$0x50B0] =	vst v0  }
0x4de: {  	v0 =	vld [tilespmem:s6+$0x80];
	_ =	sdelay $0x4  }
0x4df: {  	v1 =	vand.u32 $0x3FFF, v0  }
0x4e0: {  	v0 =	vshrl.u32 v0, $0xE;
	[tilespmem:$0x5000] =	vst v1  }
0x4e1: {  	[tilespmem:$0x50C0] =	vst v0  }
0x4e2: {  	v0 =	vld [tilespmem:s6+$0x90];
	_ =	sdelay $0x4  }
0x4e3: {  	v1 =	vand.u32 $0x3FFF, v0  }
0x4e4: {  	v0 =	vshrl.u32 v0, $0xE;
	[tilespmem:$0x5010] =	vst v1  }
0x4e5: {  	[tilespmem:$0x50D0] =	vst v0  }
0x4e6: {  	v0 =	vld [tilespmem:s6+$0xA0];
	_ =	sdelay $0x4  }
0x4e7: {  	v1 =	vand.u32 $0x3FFF, v0  }
0x4e8: {  	v0 =	vshrl.u32 v0, $0xE;
	[tilespmem:$0x5020] =	vst v1  }
0x4e9: {  	[tilespmem:$0x50E0] =	vst v0  }
0x4ea: {  	v0 =	vld [tilespmem:s6+$0xB0];
	_ =	sdelay $0x4  }
0x4eb: {  	v1 =	vand.u32 $0x3FFF, v0  }
0x4ec: {  	v0 =	vshrl.u32 v0, $0xE;
	[tilespmem:$0x5030] =	vst v1  }
0x4ed: {  	[tilespmem:$0x50F0] =	vst v0  }
0x4ee: {  	[tilespmem:s16], [sflag:$0x1] =	stream.indirect.gather [spmem:s2], $0x40, s15, s14, $0xb8;
	[tilespmem:$0x1F280] =	vst v63  }
0x4ef: {  	v0 =	vld [tilespmem:s6+$0xC0];
	_ =	sdelay $0x4  }
0x4f0: {  	v1 =	vand.u32 $0x3FFF, v0  }
0x4f1: {  	v0 =	vshrl.u32 v0, $0xE;
	[tilespmem:$0x5100] =	vst v1  }
0x4f2: {  	[tilespmem:$0x51C0] =	vst v0  }
0x4f3: {  	v0 =	vld [tilespmem:s6+$0xD0];
	_ =	sdelay $0x4  }
0x4f4: {  	v1 =	vand.u32 $0x3FFF, v0  }
0x4f5: {  	v0 =	vshrl.u32 v0, $0xE;
	[tilespmem:$0x5110] =	vst v1  }
0x4f6: {  	[tilespmem:$0x51D0] =	vst v0  }
0x4f7: {  	v0 =	vld [tilespmem:s6+$0xE0];
	_ =	sdelay $0x4  }
0x4f8: {  	v1 =	vand.u32 $0x3FFF, v0  }
0x4f9: {  	v0 =	vshrl.u32 v0, $0xE;
	[tilespmem:$0x5120] =	vst v1  }
0x4fa: {  	[tilespmem:$0x51E0] =	vst v0  }
0x4fb: {  	v0 =	vld [tilespmem:s6+$0xF0];
	_ =	sdelay $0x4  }
0x4fc: {  	v1 =	vand.u32 $0x3FFF, v0  }
0x4fd: {  	v0 =	vshrl.u32 v0, $0xE;
	[tilespmem:$0x5130] =	vst v1  }
0x4fe: {  	[tilespmem:$0x51F0] =	vst v0  }
0x4ff: {  	v0 =	vld [tilespmem:s6+$0x100];
	_ =	sdelay $0x4  }
0x500: {  	v1 =	vand.u32 $0x3FFF, v0  }
0x501: {  	v0 =	vshrl.u32 v0, $0xE;
	[tilespmem:$0x5140] =	vst v1  }
0x502: {  	[tilespmem:$0x5200] =	vst v0  }
0x503: {  	v0 =	vld [tilespmem:s6+$0x110];
	_ =	sdelay $0x4  }
0x504: {  	v1 =	vand.u32 $0x3FFF, v0  }
0x505: {  	v0 =	vshrl.u32 v0, $0xE;
	[tilespmem:$0x5150] =	vst v1  }
0x506: {  	[tilespmem:$0x5210] =	vst v0  }
0x507: {  	v0 =	vld [tilespmem:s6+$0x120];
	_ =	sdelay $0x4  }
0x508: {  	v1 =	vand.u32 $0x3FFF, v0  }
0x509: {  	v0 =	vshrl.u32 v0, $0xE;
	[tilespmem:$0x5160] =	vst v1  }
0x50a: {  	[tilespmem:$0x5220] =	vst v0  }
0x50b: {  	v0 =	vld [tilespmem:s6+$0x130];
	_ =	sdelay $0x4  }
0x50c: {  	v1 =	vand.u32 $0x3FFF, v0  }
0x50d: {  	v0 =	vshrl.u32 v0, $0xE;
	[tilespmem:$0x5170] =	vst v1  }
0x50e: {  	[tilespmem:$0x5230] =	vst v0  }
0x50f: {  	v0 =	vld [tilespmem:s6+$0x140];
	_ =	sdelay $0x4  }
0x510: {  	v1 =	vand.u32 $0x3FFF, v0  }
0x511: {  	v0 =	vshrl.u32 v0, $0xE;
	[tilespmem:$0x5180] =	vst v1  }
0x512: {  	[tilespmem:$0x5240] =	vst v0  }
0x513: {  	v0 =	vld [tilespmem:s6+$0x150];
	_ =	sdelay $0x4  }
0x514: {  	v1 =	vand.u32 $0x3FFF, v0  }
0x515: {  	v0 =	vshrl.u32 v0, $0xE;
	[tilespmem:$0x5190] =	vst v1  }
0x516: {  	[tilespmem:$0x5250] =	vst v0  }
0x517: {  	v0 =	vld [tilespmem:s6+$0x160];
	_ =	sdelay $0x4  }
0x518: {  	s7 =	simm.s32 $0x600;
	v1 =	vand.u32 $0x3FFF, v0;
	v0 =	vshrl.u32 v0, $0xE  }
.LBB2_12:
0x519: {  	p0 =	sne.s32 s7, $0x13800;
	[tilespmem:$0x51A0] =	vst v1;
	s10 =	smov.u32 s7;
	s7 =	sadd.s32 $0x600, s7  }
0x51a: {  	[tilespmem:$0x5260] =	vst v0  }
0x51b: {  	v0 =	vld [tilespmem:s6+$0x170];
	_ =	sdelay $0x4  }
0x51c: {  	v1 =	vand.u32 $0x3FFF, v0;
	v0 =	vshrl.u32 v0, $0xE  }
0x51d: {  	[tilespmem:$0x51B0] =	vst v1  }
0x51e: {  	[tilespmem:$0x5270] =	vst v0  }
0x51f: {  	[tilespmem:s25], [sflag:$0x2] =	stream.indirect.gather [spmem:s2], $0x40, s17, s14, $0xb8;
	[tilespmem:$0x1F280] =	vst v63  }
0x520: {  	_ =	swait.ge [sflag:s26], $0x3000  }
0x521: {  	[sflag:s26] =	ssyncset.done $0x0  }
0x522: {  	[sflag:s26] =	ssyncadd.s32 $0xFFFFD000  }
0x523: {  	[spmem:s1] =	stream.indirect.scatter.add.f32 [tilespmem:s16], [sflag:$0x4], $0x40, s28, s14, $0xb8;
	[tilespmem:$0x1F280] =	vst v63  }
0x524: {  	_ =	swait.ge [sflag:s29], $0x3000  }
0x525: {  	[sflag:s29] =	ssyncset.done $0x0  }
0x526: {  	[sflag:s29] =	ssyncadd.s32 $0xFFFFD000  }
0x527: {  	[spmem:s1] =	stream.indirect.scatter.add.f32 [tilespmem:s25], [sflag:$0x5], $0x40, s30, s14, $0xb8;
	[tilespmem:$0x1F280] =	vst v63  }
0x528: {  	_ =	swait.ge [sflag:s9], $0x3000  }
0x529: {  	[sflag:s9] =	ssyncset.done $0x0  }
0x52a: {  	[sflag:s9] =	ssyncadd.s32 $0xFFFFD000  }
0x52b: {  	_ =	swait.ge [sflag:s31], $0x3000  }
0x52c: {  	[sflag:s31] =	ssyncset.done $0x0  }
0x52d: {  	s6 =	sshra.s32 s10, $0x2;
	[sflag:s31] =	ssyncadd.s32 $0xFFFFD000  }
0x52e: {  	v0 =	vld [tilespmem:s6+$0x0];
	_ =	sdelay $0x4  }
0x52f: {  	v1 =	vand.u32 $0x3FFF, v0;
	v0 =	vshrl.u32 v0, $0xE  }
0x530: {  	[tilespmem:$0x4F80] =	vst v1  }
0x531: {  	[tilespmem:$0x5040] =	vst v0  }
0x532: {  	v0 =	vld [tilespmem:s6+$0x10];
	_ =	sdelay $0x4  }
0x533: {  	v1 =	vand.u32 $0x3FFF, v0;
	v0 =	vshrl.u32 v0, $0xE  }
0x534: {  	[tilespmem:$0x4F90] =	vst v1  }
0x535: {  	[tilespmem:$0x5050] =	vst v0  }
0x536: {  	v0 =	vld [tilespmem:s6+$0x20];
	_ =	sdelay $0x4  }
0x537: {  	v1 =	vand.u32 $0x3FFF, v0;
	v0 =	vshrl.u32 v0, $0xE  }
0x538: {  	[tilespmem:$0x4FA0] =	vst v1  }
0x539: {  	[tilespmem:$0x5060] =	vst v0  }
0x53a: {  	v0 =	vld [tilespmem:s6+$0x30];
	_ =	sdelay $0x4  }
0x53b: {  	v1 =	vand.u32 $0x3FFF, v0;
	v0 =	vshrl.u32 v0, $0xE  }
0x53c: {  	[tilespmem:$0x4FB0] =	vst v1  }
0x53d: {  	[tilespmem:$0x5070] =	vst v0  }
0x53e: {  	v0 =	vld [tilespmem:s6+$0x40];
	_ =	sdelay $0x4  }
0x53f: {  	v1 =	vand.u32 $0x3FFF, v0;
	v0 =	vshrl.u32 v0, $0xE  }
0x540: {  	[tilespmem:$0x4FC0] =	vst v1  }
0x541: {  	[tilespmem:$0x5080] =	vst v0  }
0x542: {  	v0 =	vld [tilespmem:s6+$0x50];
	_ =	sdelay $0x4  }
0x543: {  	v1 =	vand.u32 $0x3FFF, v0;
	v0 =	vshrl.u32 v0, $0xE  }
0x544: {  	[tilespmem:$0x4FD0] =	vst v1  }
0x545: {  	[tilespmem:$0x5090] =	vst v0  }
0x546: {  	v0 =	vld [tilespmem:s6+$0x60];
	_ =	sdelay $0x4  }
0x547: {  	v1 =	vand.u32 $0x3FFF, v0;
	v0 =	vshrl.u32 v0, $0xE  }
0x548: {  	[tilespmem:$0x4FE0] =	vst v1  }
0x549: {  	[tilespmem:$0x50A0] =	vst v0  }
0x54a: {  	v0 =	vld [tilespmem:s6+$0x70];
	_ =	sdelay $0x4  }
0x54b: {  	v1 =	vand.u32 $0x3FFF, v0;
	v0 =	vshrl.u32 v0, $0xE  }
0x54c: {  	[tilespmem:$0x4FF0] =	vst v1  }
0x54d: {  	[tilespmem:$0x50B0] =	vst v0  }
0x54e: {  	v0 =	vld [tilespmem:s6+$0x80];
	_ =	sdelay $0x4  }
0x54f: {  	v1 =	vand.u32 $0x3FFF, v0;
	v0 =	vshrl.u32 v0, $0xE  }
0x550: {  	[tilespmem:$0x5000] =	vst v1  }
0x551: {  	[tilespmem:$0x50C0] =	vst v0  }
0x552: {  	v0 =	vld [tilespmem:s6+$0x90];
	_ =	sdelay $0x4  }
0x553: {  	v1 =	vand.u32 $0x3FFF, v0;
	v0 =	vshrl.u32 v0, $0xE  }
0x554: {  	[tilespmem:$0x5010] =	vst v1  }
0x555: {  	[tilespmem:$0x50D0] =	vst v0  }
0x556: {  	v0 =	vld [tilespmem:s6+$0xA0];
	_ =	sdelay $0x4  }
0x557: {  	v1 =	vand.u32 $0x3FFF, v0;
	v0 =	vshrl.u32 v0, $0xE  }
0x558: {  	[tilespmem:$0x5020] =	vst v1  }
0x559: {  	[tilespmem:$0x50E0] =	vst v0  }
0x55a: {  	v0 =	vld [tilespmem:s6+$0xB0];
	_ =	sdelay $0x4  }
0x55b: {  	v1 =	vand.u32 $0x3FFF, v0;
	v0 =	vshrl.u32 v0, $0xE  }
0x55c: {  	[tilespmem:$0x5030] =	vst v1  }
0x55d: {  	[tilespmem:$0x50F0] =	vst v0  }
0x55e: {  	[tilespmem:s16], [sflag:$0x1] =	stream.indirect.gather [spmem:s2], $0x40, s15, s14, $0xb8;
	[tilespmem:$0x1F280] =	vst v63  }
0x55f: {  	v0 =	vld [tilespmem:s6+$0xC0];
	_ =	sdelay $0x4  }
0x560: {  	v1 =	vand.u32 $0x3FFF, v0;
	v0 =	vshrl.u32 v0, $0xE  }
0x561: {  	[tilespmem:$0x5100] =	vst v1  }
0x562: {  	[tilespmem:$0x51C0] =	vst v0  }
0x563: {  	v0 =	vld [tilespmem:s6+$0xD0];
	_ =	sdelay $0x4  }
0x564: {  	v1 =	vand.u32 $0x3FFF, v0;
	v0 =	vshrl.u32 v0, $0xE  }
0x565: {  	[tilespmem:$0x5110] =	vst v1  }
0x566: {  	[tilespmem:$0x51D0] =	vst v0  }
0x567: {  	v0 =	vld [tilespmem:s6+$0xE0];
	_ =	sdelay $0x4  }
0x568: {  	v1 =	vand.u32 $0x3FFF, v0;
	v0 =	vshrl.u32 v0, $0xE  }
0x569: {  	[tilespmem:$0x5120] =	vst v1  }
0x56a: {  	[tilespmem:$0x51E0] =	vst v0  }
0x56b: {  	v0 =	vld [tilespmem:s6+$0xF0];
	_ =	sdelay $0x4  }
0x56c: {  	v1 =	vand.u32 $0x3FFF, v0;
	v0 =	vshrl.u32 v0, $0xE  }
0x56d: {  	[tilespmem:$0x5130] =	vst v1  }
0x56e: {  	[tilespmem:$0x51F0] =	vst v0  }
0x56f: {  	v0 =	vld [tilespmem:s6+$0x100];
	_ =	sdelay $0x4  }
0x570: {  	v1 =	vand.u32 $0x3FFF, v0;
	v0 =	vshrl.u32 v0, $0xE  }
0x571: {  	[tilespmem:$0x5140] =	vst v1  }
0x572: {  	[tilespmem:$0x5200] =	vst v0  }
0x573: {  	v0 =	vld [tilespmem:s6+$0x110];
	_ =	sdelay $0x4  }
0x574: {  	v1 =	vand.u32 $0x3FFF, v0;
	v0 =	vshrl.u32 v0, $0xE  }
0x575: {  	[tilespmem:$0x5150] =	vst v1  }
0x576: {  	[tilespmem:$0x5210] =	vst v0  }
0x577: {  	v0 =	vld [tilespmem:s6+$0x120];
	_ =	sdelay $0x4  }
0x578: {  	v1 =	vand.u32 $0x3FFF, v0;
	v0 =	vshrl.u32 v0, $0xE  }
0x579: {  	[tilespmem:$0x5160] =	vst v1  }
0x57a: {  	[tilespmem:$0x5220] =	vst v0  }
0x57b: {  	v0 =	vld [tilespmem:s6+$0x130];
	_ =	sdelay $0x4  }
0x57c: {  	v1 =	vand.u32 $0x3FFF, v0;
	v0 =	vshrl.u32 v0, $0xE  }
0x57d: {  	[tilespmem:$0x5170] =	vst v1  }
0x57e: {  	[tilespmem:$0x5230] =	vst v0  }
0x57f: {  	v0 =	vld [tilespmem:s6+$0x140];
	_ =	sdelay $0x4  }
0x580: {  	v1 =	vand.u32 $0x3FFF, v0;
	v0 =	vshrl.u32 v0, $0xE  }
0x581: {  	[tilespmem:$0x5180] =	vst v1  }
0x582: {  	[tilespmem:$0x5240] =	vst v0  }
0x583: {  	v0 =	vld [tilespmem:s6+$0x150];
	_ =	sdelay $0x4  }
0x584: {  	v1 =	vand.u32 $0x3FFF, v0;
	v0 =	vshrl.u32 v0, $0xE  }
0x585: {  	[tilespmem:$0x5190] =	vst v1  }
0x586: {  	[tilespmem:$0x5250] =	vst v0  }
0x587: {  	v0 =	vld [tilespmem:s6+$0x160]  }
.Ltmp5:
0x588: {  	(pc) =	sbr.rel @p0 .LBB2_12-.Ltmp5, $2  }
0x589: {  	_ =	sdelay $0x2  }
0x58a: {  	v1 =	vand.u32 $0x3FFF, v0;
	v0 =	vshrl.u32 v0, $0xE  }
0x58b: {  	[tilespmem:$0x51A0] =	vst v1  }
0x58c: {  	[tilespmem:$0x5260] =	vst v0  }
0x58d: {  	v0 =	vld [tilespmem:s6+$0x170];
	_ =	sdelay $0x4  }
0x58e: {  	v1 =	vand.u32 $0x3FFF, v0  }
0x58f: {  	v0 =	vshrl.u32 v0, $0xE;
	[tilespmem:$0x51B0] =	vst v1  }
0x590: {  	[tilespmem:$0x5270] =	vst v0  }
0x591: {  	[tilespmem:s25], [sflag:$0x2] =	stream.indirect.gather [spmem:s2], $0x40, s17, s14, $0xb8;
	[tilespmem:$0x1F280] =	vst v63  }
0x592: {  	_ =	swait.ge [sflag:s26], $0x3000  }
0x593: {  	[sflag:s26] =	ssyncset.done $0x0  }
0x594: {  	[sflag:s26] =	ssyncadd.s32 $0xFFFFD000  }
0x595: {  	[spmem:s1] =	stream.indirect.scatter.add.f32 [tilespmem:s16], [sflag:$0x4], $0x40, s28, s14, $0xb8;
	[tilespmem:$0x1F280] =	vst v63  }
0x596: {  	_ =	swait.ge [sflag:s29], $0x3000  }
0x597: {  	[sflag:s29] =	ssyncset.done $0x0  }
0x598: {  	[sflag:s29] =	ssyncadd.s32 $0xFFFFD000  }
0x599: {  	[spmem:s1] =	stream.indirect.scatter.add.f32 [tilespmem:s25], [sflag:$0x5], $0x40, s30, s14, $0xb8;
	[tilespmem:$0x1F280] =	vst v63  }
0x59a: {  	_ =	swait.ge [sflag:s9], $0x3000  }
0x59b: {  	[sflag:s9] =	ssyncset.done $0x0  }
0x59c: {  	[sflag:s9] =	ssyncadd.s32 $0xFFFFD000  }
0x59d: {  	_ =	swait.ge [sflag:s31], $0x3000  }
0x59e: {  	[sflag:s31] =	ssyncset.done $0x0  }
0x59f: {  	[sflag:s31] =	ssyncadd.s32 $0xFFFFD000  }
0x5a0: {  	[bflag:$0x0] =	sbarrier.arrive $0xFFFF  }
0x5a1: {  	_ =	swait.ge [sflag:s0], $0x1400  }
0x5a2: {  	[sflag:s0] =	ssyncset.done $0x0  }
0x5a3: {  	[sflag:s0] =	ssyncadd.s32 $0xFFFFEC00  }
0x5a4: {  	[spmem:s13], [sflag:s11] =	dma.local [hbm:s5], $0x1400  }
0x5a5: {  	_ =	swait.ge [sflag:s9], $0x1400  }
0x5a6: {  	[sflag:s9] =	ssyncset.done $0x0  }
0x5a7: {  	[sflag:s9] =	ssyncadd.s32 $0xFFFFEC00  }
0x5a8: {  	[hbm:s23], [sflag:s3] =	dma.local [spmem:s12], $0x1400  }
0x5a9: {  	s3 =	simm.s32 $0x0;
	[bflag:$0x0] =	sbarrier.arrive $0xFFFF  }
0x5aa: {  	v0 =	vld [tilespmem:s3+$0x0];
	_ =	sdelay $0x4  }
0x5ab: {  	v1 =	vand.u32 $0x3FFF, v0  }
0x5ac: {  	v0 =	vshrl.u32 v0, $0xE;
	[tilespmem:$0x4F80] =	vst v1  }
0x5ad: {  	[tilespmem:$0x5040] =	vst v0  }
0x5ae: {  	v0 =	vld [tilespmem:s3+$0x10];
	_ =	sdelay $0x4  }
0x5af: {  	v1 =	vand.u32 $0x3FFF, v0  }
0x5b0: {  	v0 =	vshrl.u32 v0, $0xE;
	[tilespmem:$0x4F90] =	vst v1  }
0x5b1: {  	[tilespmem:$0x5050] =	vst v0  }
0x5b2: {  	v0 =	vld [tilespmem:s3+$0x20];
	_ =	sdelay $0x4  }
0x5b3: {  	v1 =	vand.u32 $0x3FFF, v0  }
0x5b4: {  	v0 =	vshrl.u32 v0, $0xE;
	[tilespmem:$0x4FA0] =	vst v1  }
0x5b5: {  	[tilespmem:$0x5060] =	vst v0  }
0x5b6: {  	v0 =	vld [tilespmem:s3+$0x30];
	_ =	sdelay $0x4  }
0x5b7: {  	v1 =	vand.u32 $0x3FFF, v0  }
0x5b8: {  	v0 =	vshrl.u32 v0, $0xE;
	[tilespmem:$0x4FB0] =	vst v1  }
0x5b9: {  	[tilespmem:$0x5070] =	vst v0  }
0x5ba: {  	v0 =	vld [tilespmem:s3+$0x40];
	_ =	sdelay $0x4  }
0x5bb: {  	v1 =	vand.u32 $0x3FFF, v0  }
0x5bc: {  	v0 =	vshrl.u32 v0, $0xE;
	[tilespmem:$0x4FC0] =	vst v1  }
0x5bd: {  	[tilespmem:$0x5080] =	vst v0  }
0x5be: {  	v0 =	vld [tilespmem:s3+$0x50];
	_ =	sdelay $0x4  }
0x5bf: {  	v1 =	vand.u32 $0x3FFF, v0  }
0x5c0: {  	v0 =	vshrl.u32 v0, $0xE;
	[tilespmem:$0x4FD0] =	vst v1  }
0x5c1: {  	[tilespmem:$0x5090] =	vst v0  }
0x5c2: {  	v0 =	vld [tilespmem:s3+$0x60];
	_ =	sdelay $0x4  }
0x5c3: {  	v1 =	vand.u32 $0x3FFF, v0  }
0x5c4: {  	v0 =	vshrl.u32 v0, $0xE;
	[tilespmem:$0x4FE0] =	vst v1  }
0x5c5: {  	[tilespmem:$0x50A0] =	vst v0  }
0x5c6: {  	v0 =	vld [tilespmem:s3+$0x70];
	_ =	sdelay $0x4  }
0x5c7: {  	v1 =	vand.u32 $0x3FFF, v0  }
0x5c8: {  	v0 =	vshrl.u32 v0, $0xE;
	[tilespmem:$0x4FF0] =	vst v1  }
0x5c9: {  	[tilespmem:$0x50B0] =	vst v0  }
0x5ca: {  	v0 =	vld [tilespmem:s3+$0x80];
	_ =	sdelay $0x4  }
0x5cb: {  	v1 =	vand.u32 $0x3FFF, v0  }
0x5cc: {  	v0 =	vshrl.u32 v0, $0xE;
	[tilespmem:$0x5000] =	vst v1  }
0x5cd: {  	[tilespmem:$0x50C0] =	vst v0  }
0x5ce: {  	v0 =	vld [tilespmem:s3+$0x90];
	_ =	sdelay $0x4  }
0x5cf: {  	v1 =	vand.u32 $0x3FFF, v0  }
0x5d0: {  	v0 =	vshrl.u32 v0, $0xE;
	[tilespmem:$0x5010] =	vst v1  }
0x5d1: {  	[tilespmem:$0x50D0] =	vst v0  }
0x5d2: {  	v0 =	vld [tilespmem:s3+$0xA0];
	_ =	sdelay $0x4  }
0x5d3: {  	v1 =	vand.u32 $0x3FFF, v0  }
0x5d4: {  	v0 =	vshrl.u32 v0, $0xE;
	[tilespmem:$0x5020] =	vst v1  }
0x5d5: {  	[tilespmem:$0x50E0] =	vst v0  }
0x5d6: {  	v0 =	vld [tilespmem:s3+$0xB0];
	_ =	sdelay $0x4  }
0x5d7: {  	v1 =	vand.u32 $0x3FFF, v0  }
0x5d8: {  	v0 =	vshrl.u32 v0, $0xE;
	[tilespmem:$0x5030] =	vst v1  }
0x5d9: {  	[tilespmem:$0x50F0] =	vst v0  }
0x5da: {  	[tilespmem:s16], [sflag:$0x1] =	stream.indirect.gather [spmem:s1], $0x40, s15, s14, $0xb8;
	[tilespmem:$0x1F280] =	vst v63  }
0x5db: {  	v0 =	vld [tilespmem:s3+$0xC0];
	_ =	sdelay $0x4  }
0x5dc: {  	v1 =	vand.u32 $0x3FFF, v0  }
0x5dd: {  	v0 =	vshrl.u32 v0, $0xE;
	[tilespmem:$0x5100] =	vst v1  }
0x5de: {  	[tilespmem:$0x51C0] =	vst v0  }
0x5df: {  	v0 =	vld [tilespmem:s3+$0xD0];
	_ =	sdelay $0x4  }
0x5e0: {  	v1 =	vand.u32 $0x3FFF, v0  }
0x5e1: {  	v0 =	vshrl.u32 v0, $0xE;
	[tilespmem:$0x5110] =	vst v1  }
0x5e2: {  	[tilespmem:$0x51D0] =	vst v0  }
0x5e3: {  	v0 =	vld [tilespmem:s3+$0xE0];
	_ =	sdelay $0x4  }
0x5e4: {  	v1 =	vand.u32 $0x3FFF, v0  }
0x5e5: {  	v0 =	vshrl.u32 v0, $0xE;
	[tilespmem:$0x5120] =	vst v1  }
0x5e6: {  	[tilespmem:$0x51E0] =	vst v0  }
0x5e7: {  	v0 =	vld [tilespmem:s3+$0xF0];
	_ =	sdelay $0x4  }
0x5e8: {  	v1 =	vand.u32 $0x3FFF, v0  }
0x5e9: {  	v0 =	vshrl.u32 v0, $0xE;
	[tilespmem:$0x5130] =	vst v1  }
0x5ea: {  	[tilespmem:$0x51F0] =	vst v0  }
0x5eb: {  	v0 =	vld [tilespmem:s3+$0x100];
	_ =	sdelay $0x4  }
0x5ec: {  	v1 =	vand.u32 $0x3FFF, v0  }
0x5ed: {  	v0 =	vshrl.u32 v0, $0xE;
	[tilespmem:$0x5140] =	vst v1  }
0x5ee: {  	[tilespmem:$0x5200] =	vst v0  }
0x5ef: {  	v0 =	vld [tilespmem:s3+$0x110];
	_ =	sdelay $0x4  }
0x5f0: {  	v1 =	vand.u32 $0x3FFF, v0  }
0x5f1: {  	v0 =	vshrl.u32 v0, $0xE;
	[tilespmem:$0x5150] =	vst v1  }
0x5f2: {  	[tilespmem:$0x5210] =	vst v0  }
0x5f3: {  	v0 =	vld [tilespmem:s3+$0x120];
	_ =	sdelay $0x4  }
0x5f4: {  	v1 =	vand.u32 $0x3FFF, v0  }
0x5f5: {  	v0 =	vshrl.u32 v0, $0xE;
	[tilespmem:$0x5160] =	vst v1  }
0x5f6: {  	[tilespmem:$0x5220] =	vst v0  }
0x5f7: {  	v0 =	vld [tilespmem:s3+$0x130];
	_ =	sdelay $0x4  }
0x5f8: {  	v1 =	vand.u32 $0x3FFF, v0  }
0x5f9: {  	v0 =	vshrl.u32 v0, $0xE;
	[tilespmem:$0x5170] =	vst v1  }
0x5fa: {  	[tilespmem:$0x5230] =	vst v0  }
0x5fb: {  	v0 =	vld [tilespmem:s3+$0x140];
	_ =	sdelay $0x4  }
0x5fc: {  	v1 =	vand.u32 $0x3FFF, v0  }
0x5fd: {  	v0 =	vshrl.u32 v0, $0xE;
	[tilespmem:$0x5180] =	vst v1  }
0x5fe: {  	[tilespmem:$0x5240] =	vst v0  }
0x5ff: {  	v0 =	vld [tilespmem:s3+$0x150];
	_ =	sdelay $0x4  }
0x600: {  	v1 =	vand.u32 $0x3FFF, v0  }
0x601: {  	v0 =	vshrl.u32 v0, $0xE;
	[tilespmem:$0x5190] =	vst v1  }
0x602: {  	[tilespmem:$0x5250] =	vst v0  }
0x603: {  	v0 =	vld [tilespmem:s3+$0x160];
	_ =	sdelay $0x4  }
0x604: {  	s6 =	simm.s32 $0x600;
	v1 =	vand.u32 $0x3FFF, v0;
	v0 =	vshrl.u32 v0, $0xE  }
.LBB2_14:
0x605: {  	p0 =	sne.s32 s6, $0x13800;
	[tilespmem:$0x51A0] =	vst v1;
	s7 =	smov.u32 s6;
	s6 =	sadd.s32 $0x600, s6  }
0x606: {  	[tilespmem:$0x5260] =	vst v0  }
0x607: {  	v0 =	vld [tilespmem:s3+$0x170];
	_ =	sdelay $0x4  }
0x608: {  	v1 =	vand.u32 $0x3FFF, v0;
	v0 =	vshrl.u32 v0, $0xE  }
0x609: {  	[tilespmem:$0x51B0] =	vst v1  }
0x60a: {  	[tilespmem:$0x5270] =	vst v0  }
0x60b: {  	[tilespmem:s25], [sflag:$0x2] =	stream.indirect.gather [spmem:s1], $0x40, s17, s14, $0xb8;
	[tilespmem:$0x1F280] =	vst v63  }
0x60c: {  	_ =	swait.ge [sflag:s26], $0x3000  }
0x60d: {  	[sflag:s26] =	ssyncset.done $0x0  }
0x60e: {  	[sflag:s26] =	ssyncadd.s32 $0xFFFFD000  }
0x60f: {  	[spmem:s2] =	stream.indirect.scatter.add.f32 [tilespmem:s16], [sflag:$0x4], $0x40, s28, s14, $0xb8;
	[tilespmem:$0x1F280] =	vst v63  }
0x610: {  	_ =	swait.ge [sflag:s29], $0x3000  }
0x611: {  	[sflag:s29] =	ssyncset.done $0x0  }
0x612: {  	[sflag:s29] =	ssyncadd.s32 $0xFFFFD000  }
0x613: {  	[spmem:s2] =	stream.indirect.scatter.add.f32 [tilespmem:s25], [sflag:$0x5], $0x40, s30, s14, $0xb8;
	[tilespmem:$0x1F280] =	vst v63  }
0x614: {  	_ =	swait.ge [sflag:s9], $0x3000  }
0x615: {  	[sflag:s9] =	ssyncset.done $0x0  }
0x616: {  	[sflag:s9] =	ssyncadd.s32 $0xFFFFD000  }
0x617: {  	_ =	swait.ge [sflag:s31], $0x3000  }
0x618: {  	[sflag:s31] =	ssyncset.done $0x0  }
0x619: {  	s3 =	sshra.s32 s7, $0x2;
	[sflag:s31] =	ssyncadd.s32 $0xFFFFD000  }
0x61a: {  	v0 =	vld [tilespmem:s3+$0x0];
	_ =	sdelay $0x4  }
0x61b: {  	v1 =	vand.u32 $0x3FFF, v0;
	v0 =	vshrl.u32 v0, $0xE  }
0x61c: {  	[tilespmem:$0x4F80] =	vst v1  }
0x61d: {  	[tilespmem:$0x5040] =	vst v0  }
0x61e: {  	v0 =	vld [tilespmem:s3+$0x10];
	_ =	sdelay $0x4  }
0x61f: {  	v1 =	vand.u32 $0x3FFF, v0;
	v0 =	vshrl.u32 v0, $0xE  }
0x620: {  	[tilespmem:$0x4F90] =	vst v1  }
0x621: {  	[tilespmem:$0x5050] =	vst v0  }
0x622: {  	v0 =	vld [tilespmem:s3+$0x20];
	_ =	sdelay $0x4  }
0x623: {  	v1 =	vand.u32 $0x3FFF, v0;
	v0 =	vshrl.u32 v0, $0xE  }
0x624: {  	[tilespmem:$0x4FA0] =	vst v1  }
0x625: {  	[tilespmem:$0x5060] =	vst v0  }
0x626: {  	v0 =	vld [tilespmem:s3+$0x30];
	_ =	sdelay $0x4  }
0x627: {  	v1 =	vand.u32 $0x3FFF, v0;
	v0 =	vshrl.u32 v0, $0xE  }
0x628: {  	[tilespmem:$0x4FB0] =	vst v1  }
0x629: {  	[tilespmem:$0x5070] =	vst v0  }
0x62a: {  	v0 =	vld [tilespmem:s3+$0x40];
	_ =	sdelay $0x4  }
0x62b: {  	v1 =	vand.u32 $0x3FFF, v0;
	v0 =	vshrl.u32 v0, $0xE  }
0x62c: {  	[tilespmem:$0x4FC0] =	vst v1  }
0x62d: {  	[tilespmem:$0x5080] =	vst v0  }
0x62e: {  	v0 =	vld [tilespmem:s3+$0x50];
	_ =	sdelay $0x4  }
0x62f: {  	v1 =	vand.u32 $0x3FFF, v0;
	v0 =	vshrl.u32 v0, $0xE  }
0x630: {  	[tilespmem:$0x4FD0] =	vst v1  }
0x631: {  	[tilespmem:$0x5090] =	vst v0  }
0x632: {  	v0 =	vld [tilespmem:s3+$0x60];
	_ =	sdelay $0x4  }
0x633: {  	v1 =	vand.u32 $0x3FFF, v0;
	v0 =	vshrl.u32 v0, $0xE  }
0x634: {  	[tilespmem:$0x4FE0] =	vst v1  }
0x635: {  	[tilespmem:$0x50A0] =	vst v0  }
0x636: {  	v0 =	vld [tilespmem:s3+$0x70];
	_ =	sdelay $0x4  }
0x637: {  	v1 =	vand.u32 $0x3FFF, v0;
	v0 =	vshrl.u32 v0, $0xE  }
0x638: {  	[tilespmem:$0x4FF0] =	vst v1  }
0x639: {  	[tilespmem:$0x50B0] =	vst v0  }
0x63a: {  	v0 =	vld [tilespmem:s3+$0x80];
	_ =	sdelay $0x4  }
0x63b: {  	v1 =	vand.u32 $0x3FFF, v0;
	v0 =	vshrl.u32 v0, $0xE  }
0x63c: {  	[tilespmem:$0x5000] =	vst v1  }
0x63d: {  	[tilespmem:$0x50C0] =	vst v0  }
0x63e: {  	v0 =	vld [tilespmem:s3+$0x90];
	_ =	sdelay $0x4  }
0x63f: {  	v1 =	vand.u32 $0x3FFF, v0;
	v0 =	vshrl.u32 v0, $0xE  }
0x640: {  	[tilespmem:$0x5010] =	vst v1  }
0x641: {  	[tilespmem:$0x50D0] =	vst v0  }
0x642: {  	v0 =	vld [tilespmem:s3+$0xA0];
	_ =	sdelay $0x4  }
0x643: {  	v1 =	vand.u32 $0x3FFF, v0;
	v0 =	vshrl.u32 v0, $0xE  }
0x644: {  	[tilespmem:$0x5020] =	vst v1  }
0x645: {  	[tilespmem:$0x50E0] =	vst v0  }
0x646: {  	v0 =	vld [tilespmem:s3+$0xB0];
	_ =	sdelay $0x4  }
0x647: {  	v1 =	vand.u32 $0x3FFF, v0;
	v0 =	vshrl.u32 v0, $0xE  }
0x648: {  	[tilespmem:$0x5030] =	vst v1  }
0x649: {  	[tilespmem:$0x50F0] =	vst v0  }
0x64a: {  	[tilespmem:s16], [sflag:$0x1] =	stream.indirect.gather [spmem:s1], $0x40, s15, s14, $0xb8;
	[tilespmem:$0x1F280] =	vst v63  }
0x64b: {  	v0 =	vld [tilespmem:s3+$0xC0];
	_ =	sdelay $0x4  }
0x64c: {  	v1 =	vand.u32 $0x3FFF, v0;
	v0 =	vshrl.u32 v0, $0xE  }
0x64d: {  	[tilespmem:$0x5100] =	vst v1  }
0x64e: {  	[tilespmem:$0x51C0] =	vst v0  }
0x64f: {  	v0 =	vld [tilespmem:s3+$0xD0];
	_ =	sdelay $0x4  }
0x650: {  	v1 =	vand.u32 $0x3FFF, v0;
	v0 =	vshrl.u32 v0, $0xE  }
0x651: {  	[tilespmem:$0x5110] =	vst v1  }
0x652: {  	[tilespmem:$0x51D0] =	vst v0  }
0x653: {  	v0 =	vld [tilespmem:s3+$0xE0];
	_ =	sdelay $0x4  }
0x654: {  	v1 =	vand.u32 $0x3FFF, v0;
	v0 =	vshrl.u32 v0, $0xE  }
0x655: {  	[tilespmem:$0x5120] =	vst v1  }
0x656: {  	[tilespmem:$0x51E0] =	vst v0  }
0x657: {  	v0 =	vld [tilespmem:s3+$0xF0];
	_ =	sdelay $0x4  }
0x658: {  	v1 =	vand.u32 $0x3FFF, v0;
	v0 =	vshrl.u32 v0, $0xE  }
0x659: {  	[tilespmem:$0x5130] =	vst v1  }
0x65a: {  	[tilespmem:$0x51F0] =	vst v0  }
0x65b: {  	v0 =	vld [tilespmem:s3+$0x100];
	_ =	sdelay $0x4  }
0x65c: {  	v1 =	vand.u32 $0x3FFF, v0;
	v0 =	vshrl.u32 v0, $0xE  }
0x65d: {  	[tilespmem:$0x5140] =	vst v1  }
0x65e: {  	[tilespmem:$0x5200] =	vst v0  }
0x65f: {  	v0 =	vld [tilespmem:s3+$0x110];
	_ =	sdelay $0x4  }
0x660: {  	v1 =	vand.u32 $0x3FFF, v0;
	v0 =	vshrl.u32 v0, $0xE  }
0x661: {  	[tilespmem:$0x5150] =	vst v1  }
0x662: {  	[tilespmem:$0x5210] =	vst v0  }
0x663: {  	v0 =	vld [tilespmem:s3+$0x120];
	_ =	sdelay $0x4  }
0x664: {  	v1 =	vand.u32 $0x3FFF, v0;
	v0 =	vshrl.u32 v0, $0xE  }
0x665: {  	[tilespmem:$0x5160] =	vst v1  }
0x666: {  	[tilespmem:$0x5220] =	vst v0  }
0x667: {  	v0 =	vld [tilespmem:s3+$0x130];
	_ =	sdelay $0x4  }
0x668: {  	v1 =	vand.u32 $0x3FFF, v0;
	v0 =	vshrl.u32 v0, $0xE  }
0x669: {  	[tilespmem:$0x5170] =	vst v1  }
0x66a: {  	[tilespmem:$0x5230] =	vst v0  }
0x66b: {  	v0 =	vld [tilespmem:s3+$0x140];
	_ =	sdelay $0x4  }
0x66c: {  	v1 =	vand.u32 $0x3FFF, v0;
	v0 =	vshrl.u32 v0, $0xE  }
0x66d: {  	[tilespmem:$0x5180] =	vst v1  }
0x66e: {  	[tilespmem:$0x5240] =	vst v0  }
0x66f: {  	v0 =	vld [tilespmem:s3+$0x150];
	_ =	sdelay $0x4  }
0x670: {  	v1 =	vand.u32 $0x3FFF, v0;
	v0 =	vshrl.u32 v0, $0xE  }
0x671: {  	[tilespmem:$0x5190] =	vst v1  }
0x672: {  	[tilespmem:$0x5250] =	vst v0  }
0x673: {  	v0 =	vld [tilespmem:s3+$0x160]  }
.Ltmp6:
0x674: {  	(pc) =	sbr.rel @p0 .LBB2_14-.Ltmp6, $2  }
0x675: {  	_ =	sdelay $0x2  }
0x676: {  	v1 =	vand.u32 $0x3FFF, v0;
	v0 =	vshrl.u32 v0, $0xE  }
0x677: {  	[tilespmem:$0x51A0] =	vst v1  }
0x678: {  	[tilespmem:$0x5260] =	vst v0  }
0x679: {  	v0 =	vld [tilespmem:s3+$0x170];
	_ =	sdelay $0x4  }
0x67a: {  	v63 =	vand.u32 $0x3FFF, v0  }
0x67b: {  	v0 =	vshrl.u32 v0, $0xE;
	[tilespmem:$0x51B0] =	vst v63  }
0x67c: {  	[tilespmem:$0x5270] =	vst v0  }
0x67d: {  	[tilespmem:s25], [sflag:$0x2] =	stream.indirect.gather [spmem:s1], $0x40, s17, s14, $0xb8;
	[tilespmem:$0x1F280] =	vst v63  }
0x67e: {  	_ =	swait.ge [sflag:s26], $0x3000  }
0x67f: {  	[sflag:s26] =	ssyncset.done $0x0  }
0x680: {  	[sflag:s26] =	ssyncadd.s32 $0xFFFFD000  }
0x681: {  	[spmem:s2] =	stream.indirect.scatter.add.f32 [tilespmem:s16], [sflag:$0x4], $0x40, s28, s14, $0xb8;
	[tilespmem:$0x1F280] =	vst v63  }
0x682: {  	_ =	swait.ge [sflag:s29], $0x3000  }
0x683: {  	[sflag:s29] =	ssyncset.done $0x0  }
0x684: {  	[sflag:s29] =	ssyncadd.s32 $0xFFFFD000  }
0x685: {  	[spmem:s2] =	stream.indirect.scatter.add.f32 [tilespmem:s25], [sflag:$0x5], $0x40, s30, s14, $0xb8;
	[tilespmem:$0x1F280] =	vst v63  }
0x686: {  	_ =	swait.ge [sflag:s9], $0x3000  }
0x687: {  	[sflag:s9] =	ssyncset.done $0x0  }
0x688: {  	[sflag:s9] =	ssyncadd.s32 $0xFFFFD000  }
0x689: {  	_ =	swait.ge [sflag:s31], $0x3000  }
0x68a: {  	[sflag:s31] =	ssyncset.done $0x0  }
0x68b: {  	[sflag:s31] =	ssyncadd.s32 $0xFFFFD000  }
0x68c: {  	[bflag:$0x0] =	sbarrier.arrive $0xFFFF  }
0x68d: {  	_ =	swait.ge [sflag:s0], $0x1400  }
0x68e: {  	[sflag:s0] =	ssyncset.done $0x0  }
0x68f: {  	[sflag:s0] =	ssyncadd.s32 $0xFFFFEC00  }
0x690: {  	[hbm:s24], [sflag:s11] =	dma.local [spmem:s13], $0x1400  }
0x691: {  	_ =	swait.ge [sflag:s9], $0x1400  }
0x692: {  	s4 =	sadd.s32 $0x1, s4;
	s10 =	rddreg [dreg:$0x6]  }
0x693: {  	p0 =	sne.s32 s4, s10  }
.Ltmp7:
0x694: {  	_ = 	snop;
	(pc) =	sbr.rel @p0 .LBB2_1-.Ltmp7, $3  }
0x695: {  	_ =	sdelay $0x1  }
0x696: {  	[sflag:s9] =	ssyncset.done $0x0  }
0x697: {  	[sflag:s9] =	ssyncadd.s32 $0xFFFFEC00  }
0x698: {  	_ =	sfence.sel $0x180000  }
0x699: {  	[bflag:$0x0] =	sbarrier.arrive $0xFFFF  }
0x69a: {  	_ =	strace $0x90000047  }
0x69b: {  	s0 =	stileid.u32;
	[bflag:$0x2] =	sbarrier.arrive $0xFFFF  }
0x69c: {  	p0 =	sne.s32 s0, $0x0;
	s0 =	rddreg [dreg:$0x4]  }
0x69d: {  	s0 =	sadd.s32 @!p0 $0x100000, s0  }
0x69e: {  	[sflag:s0] =	ssyncadd.tile.s32 @!p0 $0x1;
	_ =	shalt  }
.Lfunc_end2:
_tile_overlayer_lowered:
.L_overlay_start_2:
0x69f: {  	(tag) =	ssettag $0x2  }
0x6a0: {  	s0 =	rddreg [dreg:$0x0];
	s2 =	stileid.u32  }
0x6a1: {  	s1 =	rddreg [dreg:$0x1];
	p0 =	sne.s32 s2, $0x0  }
0x6a2: {  	s3 =	rddreg [dreg:$0x2];
	[bflag:$0x3] =	sbarrier.arrive $0xFFFF;
	s2 =	simm.s32 @!p0 $0x1C05  }
0x6a3: {  	[timem:s3], [sflag:s2] =	dma.local @!p0 [hbm:s0], s1  }
0x6a4: {  	s0 =	simm.s32 @!p0 $0x5  }
0x6a5: {  	_ =	swait.ge @!p0 [sflag:s0], s1  }
0x6a6: {  	s1 =	ssub.s32 @!p0 $0x0, s1;
	[sflag:s0] =	ssyncset.done @!p0 $0x0  }
0x6a7: {  	[sflag:s0] =	ssyncadd.s32 @!p0 s1  }
0x6a8: {  	[bflag:$0x3] =	sbarrier.arrive $0xFFFF  }
0x6a9: {  	_ =	shalt  }

</sc_bundles>
